<compile_context>
chip_gen: v7x
topology: tpu7x:2x2x1
jax: 0.10.2.dev20260603
libtpu: 0.0.44.dev20260713+nightly
codegen_flags: <defaults>
</compile_context>

<pallas_src>
import functools

import jax
import jax.numpy as jnp
from jax import lax
from jax.experimental import pallas as pl
from jax.experimental.pallas import tpu as pltpu
from jax.experimental.pallas import tpu_sc as plsc

NC = 2
NS = 16
NW = NC * NS
L = 16
CB = 128
ZB = 2048


def _edge_partition(e):
    tot_ch = e // CB
    units = tot_ch // 8
    rem = tot_ch % 8
    u_lo = units // NW
    u_x = units % NW
    rows_hi, rows_lo = 8 * (u_lo + 1), 8 * u_lo
    nch = max(rows_hi, rows_lo + rem)
    return rows_hi, rows_lo, u_x, rem, nch


def _stage_edges(e, wid, hbm2d_refs, vmem2d_refs, w_hbm, wbuf):
    rows_hi, rows_lo, u_x, rem, _ = _edge_partition(e)
    units8 = (e // CB) - rem

    @pl.when(wid < u_x)
    def _():
        base = pl.multiple_of(rows_hi * wid, 8)
        for h, v in zip(hbm2d_refs, vmem2d_refs):
            pltpu.sync_copy(h.at[pl.ds(base, rows_hi)],
                            v.at[pl.ds(0, rows_hi)])
        pltpu.sync_copy(w_hbm.at[pl.ds(pl.multiple_of(base * CB, 8),
                                       rows_hi * CB)],
                        wbuf.at[pl.ds(0, rows_hi * CB)])

    @pl.when(wid >= u_x)
    def _():
        base = pl.multiple_of(rows_lo * wid + 8 * u_x, 8)
        for h, v in zip(hbm2d_refs, vmem2d_refs):
            pltpu.sync_copy(h.at[pl.ds(base, rows_lo)],
                            v.at[pl.ds(0, rows_lo)])
        pltpu.sync_copy(w_hbm.at[pl.ds(pl.multiple_of(base * CB, 8),
                                       rows_lo * CB)],
                        wbuf.at[pl.ds(0, rows_lo * CB)])

    if rem:
        @pl.when(wid == NW - 1)
        def _():
            for h, v in zip(hbm2d_refs, vmem2d_refs):
                pltpu.sync_copy(h.at[pl.ds(units8, rem)],
                                v.at[pl.ds(rows_lo, rem)])
            pltpu.sync_copy(w_hbm.at[pl.ds(units8 * CB, rem * CB)],
                            wbuf.at[pl.ds(rows_lo * CB, rem * CB)])

    my_n = jnp.where(wid < u_x, rows_hi, rows_lo)
    if rem:
        my_n = my_n + jnp.where(wid == NW - 1, rem, 0)
    return my_n


def _deg_body(n_pad, e, dst_hbm, w_hbm, out_hbm, dstb, wbuf, zbuf, deg_sh):
    cid = lax.axis_index("c")
    sid = lax.axis_index("s")
    wid = sid * NC + cid

    @pl.when(sid == 0)
    def _():
        def zb(i, c):
            zbuf[pl.ds(i * L, L)] = jnp.zeros((L,), jnp.float32)
            return c
        lax.fori_loop(0, ZB // L, zb, 0)
        for k in range(n_pad // ZB):
            pltpu.sync_copy(zbuf, deg_sh.at[pl.ds(k * ZB, ZB)])

    my_n = _stage_edges(e, wid, [dst_hbm], [dstb], w_hbm, wbuf)

    _, _, _, _, nch = _edge_partition(e)

    def clipb(i, c):
        wbuf[pl.ds(i * L, L)] = jnp.clip(wbuf[pl.ds(i * L, L)], -2.0, 5.0)
        return c
    lax.fori_loop(0, nch * CB // L, clipb, 0)

    plsc.subcore_barrier()

    def chunk(j, c):
        pltpu.sync_copy(wbuf.at[pl.ds(j * CB, CB)],
                        deg_sh.at[dstb.at[j]], add=True)
        return c
    lax.fori_loop(0, my_n, chunk, 0)

    plsc.subcore_barrier()

    @pl.when(sid == 0)
    def _():
        for k in range(n_pad // ZB):
            pltpu.sync_copy(deg_sh.at[pl.ds(k * ZB, ZB)], zbuf)
            pltpu.sync_copy(zbuf, out_hbm.at[pl.ds(
                pl.multiple_of(cid * n_pad + k * ZB, 8), ZB)])


@functools.lru_cache(None)
def _deg_sc(n_pad, e):
    nch = _edge_partition(e)[4]
    mesh = plsc.VectorSubcoreMesh(core_axis_name="c", subcore_axis_name="s")
    return pl.kernel(
        functools.partial(_deg_body, n_pad, e),
        out_type=jax.ShapeDtypeStruct((NC * n_pad,), jnp.float32),
        mesh=mesh,
        scratch_types=[
            pltpu.VMEM((nch, CB), jnp.int32),
            pltpu.VMEM((nch * CB,), jnp.float32),
            pltpu.VMEM((ZB,), jnp.float32),
            pltpu.VMEM_SHARED((n_pad,), jnp.float32),
        ],
    )


def _stripe_copy(n, sid, fn):
    full = n // CB
    tail = n - full * CB
    for t in range(full // NS):
        fn(pl.multiple_of((sid + NS * t) * CB, 8), CB)
    last_t = full // NS
    rem_full = full % NS

    @pl.when(sid < rem_full)
    def _():
        fn(pl.multiple_of((sid + NS * last_t) * CB, 8), CB)

    if tail:
        @pl.when(sid == rem_full)
        def _():
            fn(full * CB, tail)


def _agg_body(n, e, d, src_hbm, dst_hbm, w_hbm, y2_hbm, out_hbm,
              srcb, dstb, wbuf, rowbuf, s_sh, sem):
    cid = lax.axis_index("c")
    sid = lax.axis_index("s")
    wid = sid * NC + cid

    my_n = _stage_edges(e, wid, [src_hbm, dst_hbm], [srcb, dstb],
                        w_hbm, wbuf)

    def zrow(j, c):
        for g in range(d // L):
            rowbuf[j, pl.ds(g * L, L)] = jnp.zeros((L,), jnp.float32)
        return c
    lax.fori_loop(0, CB, zrow, 0)

    _stripe_copy(n, sid, lambda r0, sz: pltpu.sync_copy(
        rowbuf.at[pl.ds(0, sz)], s_sh.at[pl.ds(r0, sz)]))
    plsc.subcore_barrier()

    def chunk(j, c):
        pltpu.async_copy(y2_hbm.at[srcb.at[j]], rowbuf, sem).wait()

        def group(gi, c2):
            wgrp = jnp.clip(wbuf[pl.ds(j * CB + gi * L, L)], -2.0, 5.0)
            for lane in range(L):
                wv = wgrp[lane]
                ei = gi * L + lane
                for g in range(d // L):
                    rowbuf[ei, pl.ds(g * L, L)] = (
                        rowbuf[ei, pl.ds(g * L, L)] * wv)
            return c2
        lax.fori_loop(0, CB // L, group, 0)

        pltpu.sync_copy(rowbuf, s_sh.at[dstb.at[j]], add=True)
        return c
    lax.fori_loop(0, my_n, chunk, 0)

    plsc.subcore_barrier()

    _stripe_copy(n, sid, lambda r0, sz: pltpu.sync_copy(
        s_sh.at[pl.ds(r0, sz)], out_hbm.at[cid, pl.ds(r0, sz)]))


@functools.lru_cache(None)
def _agg_sc(n, e, d):
    nch = _edge_partition(e)[4]
    mesh = plsc.VectorSubcoreMesh(core_axis_name="c", subcore_axis_name="s")
    return pl.kernel(
        functools.partial(_agg_body, n, e, d),
        out_type=jax.ShapeDtypeStruct((NC, n, d), jnp.float32),
        mesh=mesh,
        scratch_types=[
            pltpu.VMEM((nch, CB), jnp.int32),
            pltpu.VMEM((nch, CB), jnp.int32),
            pltpu.VMEM((nch * CB,), jnp.float32),
            pltpu.VMEM((CB, d), jnp.float32),
            pltpu.VMEM_SHARED((n, d), jnp.float32),
            pltpu.SemaphoreType.DMA,
        ],
    )


def _linear_tc(x, w):
    n, d_in = x.shape
    d_out = w.shape[0]
    blk = 512

    def body(x_ref, w_ref, o_ref):
        o_ref[...] = lax.dot_general(
            x_ref[...], w_ref[...], (((1,), (1,)), ((), ())),
            preferred_element_type=jnp.float32,
            precision=lax.Precision.HIGHEST)

    return pl.pallas_call(
        body,
        grid=(pl.cdiv(n, blk),),
        in_specs=[pl.BlockSpec((blk, d_in), lambda i: (i, 0)),
                  pl.BlockSpec((d_out, d_in), lambda i: (0, 0))],
        out_specs=pl.BlockSpec((blk, d_out), lambda i: (i, 0)),
        out_shape=jax.ShapeDtypeStruct((n, d_out), jnp.float32),
    )(x, w)


def _prep_tc(pdeg, y):
    nc, n = pdeg.shape
    d = y.shape[1]
    blk = 512

    def body(pd_ref, y_ref, o_ref):
        deg = jnp.sum(pd_ref[...], axis=0) + 1.0
        dis = jnp.where(deg > 0.0, lax.rsqrt(deg), 0.0)
        o_ref[...] = y_ref[...] * dis[:, None]

    return pl.pallas_call(
        body,
        grid=(pl.cdiv(n, blk),),
        in_specs=[pl.BlockSpec((nc, blk), lambda i: (0, i)),
                  pl.BlockSpec((blk, d), lambda i: (i, 0))],
        out_specs=pl.BlockSpec((blk, d), lambda i: (i, 0)),
        out_shape=jax.ShapeDtypeStruct((n, d), jnp.float32),
    )(pdeg, y)


def _finalize_tc(pdeg, y2, s, b2):
    nc, n = pdeg.shape
    d = y2.shape[1]
    blk = 512

    def body(pd_ref, y2_ref, s_ref, b_ref, o_ref):
        deg = jnp.sum(pd_ref[...], axis=0) + 1.0
        dis = jnp.where(deg > 0.0, lax.rsqrt(deg), 0.0)
        acc = s_ref[0] + s_ref[1] + y2_ref[...]
        o_ref[...] = acc * dis[:, None] + b_ref[...]

    return pl.pallas_call(
        body,
        grid=(pl.cdiv(n, blk),),
        in_specs=[pl.BlockSpec((nc, blk), lambda i: (0, i)),
                  pl.BlockSpec((blk, d), lambda i: (i, 0)),
                  pl.BlockSpec((2, blk, d), lambda i: (0, i, 0)),
                  pl.BlockSpec((1, d), lambda i: (0, 0))],
        out_specs=pl.BlockSpec((blk, d), lambda i: (i, 0)),
        out_shape=jax.ShapeDtypeStruct((n, d), jnp.float32),
    )(pdeg, y2, s, b2)


def kernel(x, edge_index, edge_weights, W, b):
    n, d_in = x.shape
    e = edge_weights.shape[0]
    d_out = W.shape[0]
    assert e % CB == 0

    src2 = edge_index[0].reshape(e // CB, CB)
    dst2 = edge_index[1].reshape(e // CB, CB)

    n_pad = -(-n // ZB) * ZB
    pdeg = _deg_sc(n_pad, e)(dst2, edge_weights)
    pdeg = pdeg.reshape(NC, n_pad)[:, :n]
    y = _linear_tc(x, W)
    y2 = _prep_tc(pdeg, y)
    s = _agg_sc(n, e, d_out)(src2, dst2, edge_weights, y2)
    return _finalize_tc(pdeg, y2, s, b.reshape(1, d_out))

# --- scband reference (transcript-rebuilt; emitter-appended) ---
"""Pipeline reference for scband-simple-gcnnet-20074677141980 (READ-ONLY COPY).

The authoritative reference and input builder live on the scoring server;
editing this copy changes nothing except your own understanding.
"""

import jax, jax.numpy as jnp
import numpy as np

N = 10000
E = 320000
D_IN = 128
D_OUT = 128


def setup_inputs(seed: int = 0) -> dict:
    key = jax.random.key(seed)
    k1, k2, k3, k4 = jax.random.split(key, 4)
    x = jax.random.normal(k1, (N, D_IN), dtype=jnp.float32)
    edge_index = jax.random.randint(k2, (2, E), 0, N, dtype=jnp.int32)
    # learned per-edge weights (parameter); uniform(0,1) keeps degrees positive
    edge_weights = jax.random.uniform(k3, (E,), dtype=jnp.float32)
    # SGConv linear layer params: Linear(D_IN -> D_OUT)
    W = jax.random.normal(k4, (D_OUT, D_IN), dtype=jnp.float32) * (1.0 / np.sqrt(D_IN))
    b = jnp.zeros((D_OUT,), dtype=jnp.float32)
    return {"x": x, "edge_index": edge_index, "edge_weights": edge_weights, "W": W, "b": b}


def reference(x, edge_index, edge_weights, W, b):
    n = x.shape[0]
    # clamp edge weights to [-2, 5] (mirrors the in-place .data clamping)
    w = jnp.clip(edge_weights, -2.0, 5.0)
    # gcn_norm with add_self_loops=True (self-loop weight = 1.0)
    loop = jnp.arange(n, dtype=edge_index.dtype)
    src = jnp.concatenate([edge_index[0], loop])
    dst = jnp.concatenate([edge_index[1], loop])
    wf = jnp.concatenate([w, jnp.ones((n,), dtype=w.dtype)])
    deg = jnp.zeros((n,), dtype=w.dtype).at[dst].add(wf)
    deg_inv_sqrt = deg ** -0.5
    deg_inv_sqrt = jnp.where(jnp.isinf(deg_inv_sqrt), 0.0, deg_inv_sqrt)
    norm = deg_inv_sqrt[src] * wf * deg_inv_sqrt[dst]
    # K=1 propagation: out[dst] += norm * x[src]
    agg = jnp.zeros_like(x).at[dst].add(norm[:, None] * x[src])
    # final linear layer
    return agg @ W.T + b

if __name__ == "__main__":
    import jax
    _d = setup_inputs()
    print(jax.jit(kernel)(*tuple(_d.values())))

</pallas_src>

<mosaic_0001>
#map = affine_map<(d0, d1) -> (0, 0)>
#map1 = affine_map<(d0, d1) -> (0)>
#map2 = affine_map<(d0, d1) -> (0, 0, 0)>
module attributes {stable_mosaic.version = 14 : i64} {
  func.func @_agg_body(%arg0: i32, %arg1: i32, %arg2: memref<2500x128xi32, #tpu.memory_space<hbm>>, %arg3: memref<2500x128xi32, #tpu.memory_space<hbm>>, %arg4: memref<320000xf32, #tpu.memory_space<hbm>>, %arg5: memref<10000x128xf32, #tpu.memory_space<hbm>>, %arg6: memref<2x10000x128xf32, #tpu.memory_space<hbm>>, %arg7: memref<80x128xi32, #tpu.memory_space<vmem>>, %arg8: memref<80x128xi32, #tpu.memory_space<vmem>>, %arg9: memref<10240xf32, #tpu.memory_space<vmem>>, %arg10: memref<128x128xf32, #tpu.memory_space<vmem>>, %arg11: memref<10000x128xf32, #tpu.memory_space<vmem_shared>>, %arg12: memref<!tpu.dma_semaphore, #tpu.memory_space<semaphore_mem>>) attributes {dimension_semantics = [#tpu.dimension_semantics<core_parallel>, #tpu.dimension_semantics<subcore_parallel>], iteration_bounds = array<i64: 2, 16>, scalar_prefetch = 0 : i64, scratch_operands = 6 : i64, tpu.core_type = #tpu.core_type<sc_vector_subcore>, window_params = [{transform_indices = #map}, {transform_indices = #map}, {transform_indices = #map1}, {transform_indices = #map}, {transform_indices = #map2}]} {
    %mul3A = arith.constant 2 : i32
    %mul3A_0 = arith.muli %arg1, %mul3A : i32
    %add3A = arith.addi %mul3A_0, %arg0 : i32
    %lt3A = arith.constant 24 : i32
    %lt3A_1 = arith.cmpi slt, %add3A, %lt3A : i32
    %convert_element_type3A = arith.extui %lt3A_1 : i1 to i32
    %cond3A = arith.constant 0 : i32
    %cond3A_2 = arith.cmpi ne, %convert_element_type3A, %cond3A : i32
    scf.if %cond3A_2 {
      %mul3A_94 = arith.constant 80 : i32
      %mul3A_95 = arith.muli %mul3A_94, %add3A : i32
      %multiple_of3A_96 = tpu.assume_multiple %mul3A_95, 8 : i32
      "tpu.region"() ({
        %run_scoped3A = tpu.sem_alloc : memref<!tpu.dma_semaphore, #tpu.memory_space<semaphore_mem>>
        %dma_start3A = arith.constant 0 : i32
        %dma_start3A_100 = arith.constant 0 : i32
        %dma_start3A_101 = tpu.memref_slice %arg7[%dma_start3A, %dma_start3A_100] : memref<80x128xi32, #tpu.memory_space<vmem>> -> memref<80x128xi32, #tpu.memory_space<vmem>>
        %dma_start3A_102 = arith.constant 0 : i32
        %dma_start3A_103 = tpu.memref_slice %arg2[%multiple_of3A_96, %dma_start3A_102] : memref<2500x128xi32, #tpu.memory_space<hbm>> -> memref<80x128xi32, #tpu.memory_space<hbm>>
        %dma_start3A_104 = arith.constant 0 : i32
        %dma_start3A_105 = arith.constant 0 : i32
        %dma_start3A_106 = tpu.memref_slice %arg7[%dma_start3A_104, %dma_start3A_105] : memref<80x128xi32, #tpu.memory_space<vmem>> -> memref<80x128xi32, #tpu.memory_space<vmem>>
        %dma_start3A_107 = arith.constant 0 : i32
        %dma_start3A_108 = tpu.memref_slice %arg2[%multiple_of3A_96, %dma_start3A_107] : memref<2500x128xi32, #tpu.memory_space<hbm>> -> memref<80x128xi32, #tpu.memory_space<hbm>>
        tpu.enqueue_dma source(%dma_start3A_108 : memref<80x128xi32, #tpu.memory_space<hbm>>) target(%dma_start3A_106 : memref<80x128xi32, #tpu.memory_space<vmem>>) target_semaphore(%run_scoped3A : memref<!tpu.dma_semaphore, #tpu.memory_space<semaphore_mem>>)
        %dma_wait3A = arith.constant 0 : i32
        %dma_wait3A_109 = arith.constant 0 : i32
        %dma_wait3A_110 = tpu.memref_slice %arg7[%dma_wait3A, %dma_wait3A_109] : memref<80x128xi32, #tpu.memory_space<vmem>> -> memref<80x128xi32, #tpu.memory_space<vmem>>
        %dma_wait3A_111 = arith.constant 0 : i32
        %dma_wait3A_112 = tpu.memref_slice %arg2[%multiple_of3A_96, %dma_wait3A_111] : memref<2500x128xi32, #tpu.memory_space<hbm>> -> memref<80x128xi32, #tpu.memory_space<hbm>>
        %dma_wait3A_113 = arith.constant 0 : i32
        %dma_wait3A_114 = arith.constant 0 : i32
        %dma_wait3A_115 = tpu.memref_slice %arg7[%dma_wait3A_113, %dma_wait3A_114] : memref<80x128xi32, #tpu.memory_space<vmem>> -> memref<80x128xi32, #tpu.memory_space<vmem>>
        %dma_wait3A_116 = arith.constant 0 : i32
        %dma_wait3A_117 = tpu.memref_slice %arg2[%multiple_of3A_96, %dma_wait3A_116] : memref<2500x128xi32, #tpu.memory_space<hbm>> -> memref<80x128xi32, #tpu.memory_space<hbm>>
        tpu.wait_dma2 semaphore(%run_scoped3A : memref<!tpu.dma_semaphore, #tpu.memory_space<semaphore_mem>>) src(%dma_wait3A_117 : memref<80x128xi32, #tpu.memory_space<hbm>>) dst(%dma_wait3A_115 : memref<80x128xi32, #tpu.memory_space<vmem>>)
        tpu.yield
      }) : () -> ()
      "tpu.region"() ({
        %run_scoped3A = tpu.sem_alloc : memref<!tpu.dma_semaphore, #tpu.memory_space<semaphore_mem>>
        %dma_start3A = arith.constant 0 : i32
        %dma_start3A_100 = arith.constant 0 : i32
        %dma_start3A_101 = tpu.memref_slice %arg8[%dma_start3A, %dma_start3A_100] : memref<80x128xi32, #tpu.memory_space<vmem>> -> memref<80x128xi32, #tpu.memory_space<vmem>>
        %dma_start3A_102 = arith.constant 0 : i32
        %dma_start3A_103 = tpu.memref_slice %arg3[%multiple_of3A_96, %dma_start3A_102] : memref<2500x128xi32, #tpu.memory_space<hbm>> -> memref<80x128xi32, #tpu.memory_space<hbm>>
        %dma_start3A_104 = arith.constant 0 : i32
        %dma_start3A_105 = arith.constant 0 : i32
        %dma_start3A_106 = tpu.memref_slice %arg8[%dma_start3A_104, %dma_start3A_105] : memref<80x128xi32, #tpu.memory_space<vmem>> -> memref<80x128xi32, #tpu.memory_space<vmem>>
        %dma_start3A_107 = arith.constant 0 : i32
        %dma_start3A_108 = tpu.memref_slice %arg3[%multiple_of3A_96, %dma_start3A_107] : memref<2500x128xi32, #tpu.memory_space<hbm>> -> memref<80x128xi32, #tpu.memory_space<hbm>>
        tpu.enqueue_dma source(%dma_start3A_108 : memref<80x128xi32, #tpu.memory_space<hbm>>) target(%dma_start3A_106 : memref<80x128xi32, #tpu.memory_space<vmem>>) target_semaphore(%run_scoped3A : memref<!tpu.dma_semaphore, #tpu.memory_space<semaphore_mem>>)
        %dma_wait3A = arith.constant 0 : i32
        %dma_wait3A_109 = arith.constant 0 : i32
        %dma_wait3A_110 = tpu.memref_slice %arg8[%dma_wait3A, %dma_wait3A_109] : memref<80x128xi32, #tpu.memory_space<vmem>> -> memref<80x128xi32, #tpu.memory_space<vmem>>
        %dma_wait3A_111 = arith.constant 0 : i32
        %dma_wait3A_112 = tpu.memref_slice %arg3[%multiple_of3A_96, %dma_wait3A_111] : memref<2500x128xi32, #tpu.memory_space<hbm>> -> memref<80x128xi32, #tpu.memory_space<hbm>>
        %dma_wait3A_113 = arith.constant 0 : i32
        %dma_wait3A_114 = arith.constant 0 : i32
        %dma_wait3A_115 = tpu.memref_slice %arg8[%dma_wait3A_113, %dma_wait3A_114] : memref<80x128xi32, #tpu.memory_space<vmem>> -> memref<80x128xi32, #tpu.memory_space<vmem>>
        %dma_wait3A_116 = arith.constant 0 : i32
        %dma_wait3A_117 = tpu.memref_slice %arg3[%multiple_of3A_96, %dma_wait3A_116] : memref<2500x128xi32, #tpu.memory_space<hbm>> -> memref<80x128xi32, #tpu.memory_space<hbm>>
        tpu.wait_dma2 semaphore(%run_scoped3A : memref<!tpu.dma_semaphore, #tpu.memory_space<semaphore_mem>>) src(%dma_wait3A_117 : memref<80x128xi32, #tpu.memory_space<hbm>>) dst(%dma_wait3A_115 : memref<80x128xi32, #tpu.memory_space<vmem>>)
        tpu.yield
      }) : () -> ()
      %mul3A_97 = arith.constant 128 : i32
      %mul3A_98 = arith.muli %multiple_of3A_96, %mul3A_97 : i32
      %multiple_of3A_99 = tpu.assume_multiple %mul3A_98, 8 : i32
      "tpu.region"() ({
        %run_scoped3A = tpu.sem_alloc : memref<!tpu.dma_semaphore, #tpu.memory_space<semaphore_mem>>
        %dma_start3A = arith.constant 0 : i32
        %dma_start3A_100 = tpu.memref_slice %arg9[%dma_start3A] : memref<10240xf32, #tpu.memory_space<vmem>> -> memref<10240xf32, #tpu.memory_space<vmem>>
        %dma_start3A_101 = tpu.memref_slice %arg4[%multiple_of3A_99] : memref<320000xf32, #tpu.memory_space<hbm>> -> memref<10240xf32, #tpu.memory_space<hbm>>
        %dma_start3A_102 = arith.constant 0 : i32
        %dma_start3A_103 = tpu.memref_slice %arg9[%dma_start3A_102] : memref<10240xf32, #tpu.memory_space<vmem>> -> memref<10240xf32, #tpu.memory_space<vmem>>
        %dma_start3A_104 = tpu.memref_slice %arg4[%multiple_of3A_99] : memref<320000xf32, #tpu.memory_space<hbm>> -> memref<10240xf32, #tpu.memory_space<hbm>>
        tpu.enqueue_dma source(%dma_start3A_104 : memref<10240xf32, #tpu.memory_space<hbm>>) target(%dma_start3A_103 : memref<10240xf32, #tpu.memory_space<vmem>>) target_semaphore(%run_scoped3A : memref<!tpu.dma_semaphore, #tpu.memory_space<semaphore_mem>>)
        %dma_wait3A = arith.constant 0 : i32
        %dma_wait3A_105 = tpu.memref_slice %arg9[%dma_wait3A] : memref<10240xf32, #tpu.memory_space<vmem>> -> memref<10240xf32, #tpu.memory_space<vmem>>
        %dma_wait3A_106 = tpu.memref_slice %arg4[%multiple_of3A_99] : memref<320000xf32, #tpu.memory_space<hbm>> -> memref<10240xf32, #tpu.memory_space<hbm>>
        %dma_wait3A_107 = arith.constant 0 : i32
        %dma_wait3A_108 = tpu.memref_slice %arg9[%dma_wait3A_107] : memref<10240xf32, #tpu.memory_space<vmem>> -> memref<10240xf32, #tpu.memory_space<vmem>>
        %dma_wait3A_109 = tpu.memref_slice %arg4[%multiple_of3A_99] : memref<320000xf32, #tpu.memory_space<hbm>> -> memref<10240xf32, #tpu.memory_space<hbm>>
        tpu.wait_dma2 semaphore(%run_scoped3A : memref<!tpu.dma_semaphore, #tpu.memory_space<semaphore_mem>>) src(%dma_wait3A_109 : memref<10240xf32, #tpu.memory_space<hbm>>) dst(%dma_wait3A_108 : memref<10240xf32, #tpu.memory_space<vmem>>)
        tpu.yield
      }) : () -> ()
    } else {
    }
    %ge3A = arith.constant 24 : i32
    %ge3A_3 = arith.cmpi sge, %add3A, %ge3A : i32
    %convert_element_type3A_4 = arith.extui %ge3A_3 : i1 to i32
    %cond3A_5 = arith.constant 0 : i32
    %cond3A_6 = arith.cmpi ne, %convert_element_type3A_4, %cond3A_5 : i32
    scf.if %cond3A_6 {
      %mul3A_94 = arith.constant 72 : i32
      %mul3A_95 = arith.muli %mul3A_94, %add3A : i32
      %add3A_96 = arith.constant 192 : i32
      %add3A_97 = arith.addi %mul3A_95, %add3A_96 : i32
      %multiple_of3A_98 = tpu.assume_multiple %add3A_97, 8 : i32
      "tpu.region"() ({
        %run_scoped3A = tpu.sem_alloc : memref<!tpu.dma_semaphore, #tpu.memory_space<semaphore_mem>>
        %dma_start3A = arith.constant 0 : i32
        %dma_start3A_102 = arith.constant 0 : i32
        %dma_start3A_103 = tpu.memref_slice %arg7[%dma_start3A, %dma_start3A_102] : memref<80x128xi32, #tpu.memory_space<vmem>> -> memref<72x128xi32, #tpu.memory_space<vmem>>
        %dma_start3A_104 = arith.constant 0 : i32
        %dma_start3A_105 = tpu.memref_slice %arg2[%multiple_of3A_98, %dma_start3A_104] : memref<2500x128xi32, #tpu.memory_space<hbm>> -> memref<72x128xi32, #tpu.memory_space<hbm>>
        %dma_start3A_106 = arith.constant 0 : i32
        %dma_start3A_107 = arith.constant 0 : i32
        %dma_start3A_108 = tpu.memref_slice %arg7[%dma_start3A_106, %dma_start3A_107] : memref<80x128xi32, #tpu.memory_space<vmem>> -> memref<72x128xi32, #tpu.memory_space<vmem>>
        %dma_start3A_109 = arith.constant 0 : i32
        %dma_start3A_110 = tpu.memref_slice %arg2[%multiple_of3A_98, %dma_start3A_109] : memref<2500x128xi32, #tpu.memory_space<hbm>> -> memref<72x128xi32, #tpu.memory_space<hbm>>
        tpu.enqueue_dma source(%dma_start3A_110 : memref<72x128xi32, #tpu.memory_space<hbm>>) target(%dma_start3A_108 : memref<72x128xi32, #tpu.memory_space<vmem>>) target_semaphore(%run_scoped3A : memref<!tpu.dma_semaphore, #tpu.memory_space<semaphore_mem>>)
        %dma_wait3A = arith.constant 0 : i32
        %dma_wait3A_111 = arith.constant 0 : i32
        %dma_wait3A_112 = tpu.memref_slice %arg7[%dma_wait3A, %dma_wait3A_111] : memref<80x128xi32, #tpu.memory_space<vmem>> -> memref<72x128xi32, #tpu.memory_space<vmem>>
        %dma_wait3A_113 = arith.constant 0 : i32
        %dma_wait3A_114 = tpu.memref_slice %arg2[%multiple_of3A_98, %dma_wait3A_113] : memref<2500x128xi32, #tpu.memory_space<hbm>> -> memref<72x128xi32, #tpu.memory_space<hbm>>
        %dma_wait3A_115 = arith.constant 0 : i32
        %dma_wait3A_116 = arith.constant 0 : i32
        %dma_wait3A_117 = tpu.memref_slice %arg7[%dma_wait3A_115, %dma_wait3A_116] : memref<80x128xi32, #tpu.memory_space<vmem>> -> memref<72x128xi32, #tpu.memory_space<vmem>>
        %dma_wait3A_118 = arith.constant 0 : i32
        %dma_wait3A_119 = tpu.memref_slice %arg2[%multiple_of3A_98, %dma_wait3A_118] : memref<2500x128xi32, #tpu.memory_space<hbm>> -> memref<72x128xi32, #tpu.memory_space<hbm>>
        tpu.wait_dma2 semaphore(%run_scoped3A : memref<!tpu.dma_semaphore, #tpu.memory_space<semaphore_mem>>) src(%dma_wait3A_119 : memref<72x128xi32, #tpu.memory_space<hbm>>) dst(%dma_wait3A_117 : memref<72x128xi32, #tpu.memory_space<vmem>>)
        tpu.yield
      }) : () -> ()
      "tpu.region"() ({
        %run_scoped3A = tpu.sem_alloc : memref<!tpu.dma_semaphore, #tpu.memory_space<semaphore_mem>>
        %dma_start3A = arith.constant 0 : i32
        %dma_start3A_102 = arith.constant 0 : i32
        %dma_start3A_103 = tpu.memref_slice %arg8[%dma_start3A, %dma_start3A_102] : memref<80x128xi32, #tpu.memory_space<vmem>> -> memref<72x128xi32, #tpu.memory_space<vmem>>
        %dma_start3A_104 = arith.constant 0 : i32
        %dma_start3A_105 = tpu.memref_slice %arg3[%multiple_of3A_98, %dma_start3A_104] : memref<2500x128xi32, #tpu.memory_space<hbm>> -> memref<72x128xi32, #tpu.memory_space<hbm>>
        %dma_start3A_106 = arith.constant 0 : i32
        %dma_start3A_107 = arith.constant 0 : i32
        %dma_start3A_108 = tpu.memref_slice %arg8[%dma_start3A_106, %dma_start3A_107] : memref<80x128xi32, #tpu.memory_space<vmem>> -> memref<72x128xi32, #tpu.memory_space<vmem>>
        %dma_start3A_109 = arith.constant 0 : i32
        %dma_start3A_110 = tpu.memref_slice %arg3[%multiple_of3A_98, %dma_start3A_109] : memref<2500x128xi32, #tpu.memory_space<hbm>> -> memref<72x128xi32, #tpu.memory_space<hbm>>
        tpu.enqueue_dma source(%dma_start3A_110 : memref<72x128xi32, #tpu.memory_space<hbm>>) target(%dma_start3A_108 : memref<72x128xi32, #tpu.memory_space<vmem>>) target_semaphore(%run_scoped3A : memref<!tpu.dma_semaphore, #tpu.memory_space<semaphore_mem>>)
        %dma_wait3A = arith.constant 0 : i32
        %dma_wait3A_111 = arith.constant 0 : i32
        %dma_wait3A_112 = tpu.memref_slice %arg8[%dma_wait3A, %dma_wait3A_111] : memref<80x128xi32, #tpu.memory_space<vmem>> -> memref<72x128xi32, #tpu.memory_space<vmem>>
        %dma_wait3A_113 = arith.constant 0 : i32
        %dma_wait3A_114 = tpu.memref_slice %arg3[%multiple_of3A_98, %dma_wait3A_113] : memref<2500x128xi32, #tpu.memory_space<hbm>> -> memref<72x128xi32, #tpu.memory_space<hbm>>
        %dma_wait3A_115 = arith.constant 0 : i32
        %dma_wait3A_116 = arith.constant 0 : i32
        %dma_wait3A_117 = tpu.memref_slice %arg8[%dma_wait3A_115, %dma_wait3A_116] : memref<80x128xi32, #tpu.memory_space<vmem>> -> memref<72x128xi32, #tpu.memory_space<vmem>>
        %dma_wait3A_118 = arith.constant 0 : i32
        %dma_wait3A_119 = tpu.memref_slice %arg3[%multiple_of3A_98, %dma_wait3A_118] : memref<2500x128xi32, #tpu.memory_space<hbm>> -> memref<72x128xi32, #tpu.memory_space<hbm>>
        tpu.wait_dma2 semaphore(%run_scoped3A : memref<!tpu.dma_semaphore, #tpu.memory_space<semaphore_mem>>) src(%dma_wait3A_119 : memref<72x128xi32, #tpu.memory_space<hbm>>) dst(%dma_wait3A_117 : memref<72x128xi32, #tpu.memory_space<vmem>>)
        tpu.yield
      }) : () -> ()
      %mul3A_99 = arith.constant 128 : i32
      %mul3A_100 = arith.muli %multiple_of3A_98, %mul3A_99 : i32
      %multiple_of3A_101 = tpu.assume_multiple %mul3A_100, 8 : i32
      "tpu.region"() ({
        %run_scoped3A = tpu.sem_alloc : memref<!tpu.dma_semaphore, #tpu.memory_space<semaphore_mem>>
        %dma_start3A = arith.constant 0 : i32
        %dma_start3A_102 = tpu.memref_slice %arg9[%dma_start3A] : memref<10240xf32, #tpu.memory_space<vmem>> -> memref<9216xf32, #tpu.memory_space<vmem>>
        %dma_start3A_103 = tpu.memref_slice %arg4[%multiple_of3A_101] : memref<320000xf32, #tpu.memory_space<hbm>> -> memref<9216xf32, #tpu.memory_space<hbm>>
        %dma_start3A_104 = arith.constant 0 : i32
        %dma_start3A_105 = tpu.memref_slice %arg9[%dma_start3A_104] : memref<10240xf32, #tpu.memory_space<vmem>> -> memref<9216xf32, #tpu.memory_space<vmem>>
        %dma_start3A_106 = tpu.memref_slice %arg4[%multiple_of3A_101] : memref<320000xf32, #tpu.memory_space<hbm>> -> memref<9216xf32, #tpu.memory_space<hbm>>
        tpu.enqueue_dma source(%dma_start3A_106 : memref<9216xf32, #tpu.memory_space<hbm>>) target(%dma_start3A_105 : memref<9216xf32, #tpu.memory_space<vmem>>) target_semaphore(%run_scoped3A : memref<!tpu.dma_semaphore, #tpu.memory_space<semaphore_mem>>)
        %dma_wait3A = arith.constant 0 : i32
        %dma_wait3A_107 = tpu.memref_slice %arg9[%dma_wait3A] : memref<10240xf32, #tpu.memory_space<vmem>> -> memref<9216xf32, #tpu.memory_space<vmem>>
        %dma_wait3A_108 = tpu.memref_slice %arg4[%multiple_of3A_101] : memref<320000xf32, #tpu.memory_space<hbm>> -> memref<9216xf32, #tpu.memory_space<hbm>>
        %dma_wait3A_109 = arith.constant 0 : i32
        %dma_wait3A_110 = tpu.memref_slice %arg9[%dma_wait3A_109] : memref<10240xf32, #tpu.memory_space<vmem>> -> memref<9216xf32, #tpu.memory_space<vmem>>
        %dma_wait3A_111 = tpu.memref_slice %arg4[%multiple_of3A_101] : memref<320000xf32, #tpu.memory_space<hbm>> -> memref<9216xf32, #tpu.memory_space<hbm>>
        tpu.wait_dma2 semaphore(%run_scoped3A : memref<!tpu.dma_semaphore, #tpu.memory_space<semaphore_mem>>) src(%dma_wait3A_111 : memref<9216xf32, #tpu.memory_space<hbm>>) dst(%dma_wait3A_110 : memref<9216xf32, #tpu.memory_space<vmem>>)
        tpu.yield
      }) : () -> ()
    } else {
    }
    %eq3A = arith.constant 31 : i32
    %eq3A_7 = arith.cmpi eq, %add3A, %eq3A : i32
    %convert_element_type3A_8 = arith.extui %eq3A_7 : i1 to i32
    %cond3A_9 = arith.constant 0 : i32
    %cond3A_10 = arith.cmpi ne, %convert_element_type3A_8, %cond3A_9 : i32
    scf.if %cond3A_10 {
      "tpu.region"() ({
        %run_scoped3A = tpu.sem_alloc : memref<!tpu.dma_semaphore, #tpu.memory_space<semaphore_mem>>
        %dma_start3A = arith.constant 72 : i32
        %dma_start3A_94 = arith.constant 0 : i32
        %dma_start3A_95 = tpu.memref_slice %arg7[%dma_start3A, %dma_start3A_94] : memref<80x128xi32, #tpu.memory_space<vmem>> -> memref<4x128xi32, #tpu.memory_space<vmem>>
        %dma_start3A_96 = arith.constant 2496 : i32
        %dma_start3A_97 = arith.constant 0 : i32
        %dma_start3A_98 = tpu.memref_slice %arg2[%dma_start3A_96, %dma_start3A_97] : memref<2500x128xi32, #tpu.memory_space<hbm>> -> memref<4x128xi32, #tpu.memory_space<hbm>>
        %dma_start3A_99 = arith.constant 72 : i32
        %dma_start3A_100 = arith.constant 0 : i32
        %dma_start3A_101 = tpu.memref_slice %arg7[%dma_start3A_99, %dma_start3A_100] : memref<80x128xi32, #tpu.memory_space<vmem>> -> memref<4x128xi32, #tpu.memory_space<vmem>>
        %dma_start3A_102 = arith.constant 2496 : i32
        %dma_start3A_103 = arith.constant 0 : i32
        %dma_start3A_104 = tpu.memref_slice %arg2[%dma_start3A_102, %dma_start3A_103] : memref<2500x128xi32, #tpu.memory_space<hbm>> -> memref<4x128xi32, #tpu.memory_space<hbm>>
        tpu.enqueue_dma source(%dma_start3A_104 : memref<4x128xi32, #tpu.memory_space<hbm>>) target(%dma_start3A_101 : memref<4x128xi32, #tpu.memory_space<vmem>>) target_semaphore(%run_scoped3A : memref<!tpu.dma_semaphore, #tpu.memory_space<semaphore_mem>>)
        %dma_wait3A = arith.constant 72 : i32
        %dma_wait3A_105 = arith.constant 0 : i32
        %dma_wait3A_106 = tpu.memref_slice %arg7[%dma_wait3A, %dma_wait3A_105] : memref<80x128xi32, #tpu.memory_space<vmem>> -> memref<4x128xi32, #tpu.memory_space<vmem>>
        %dma_wait3A_107 = arith.constant 2496 : i32
        %dma_wait3A_108 = arith.constant 0 : i32
        %dma_wait3A_109 = tpu.memref_slice %arg2[%dma_wait3A_107, %dma_wait3A_108] : memref<2500x128xi32, #tpu.memory_space<hbm>> -> memref<4x128xi32, #tpu.memory_space<hbm>>
        %dma_wait3A_110 = arith.constant 72 : i32
        %dma_wait3A_111 = arith.constant 0 : i32
        %dma_wait3A_112 = tpu.memref_slice %arg7[%dma_wait3A_110, %dma_wait3A_111] : memref<80x128xi32, #tpu.memory_space<vmem>> -> memref<4x128xi32, #tpu.memory_space<vmem>>
        %dma_wait3A_113 = arith.constant 2496 : i32
        %dma_wait3A_114 = arith.constant 0 : i32
        %dma_wait3A_115 = tpu.memref_slice %arg2[%dma_wait3A_113, %dma_wait3A_114] : memref<2500x128xi32, #tpu.memory_space<hbm>> -> memref<4x128xi32, #tpu.memory_space<hbm>>
        tpu.wait_dma2 semaphore(%run_scoped3A : memref<!tpu.dma_semaphore, #tpu.memory_space<semaphore_mem>>) src(%dma_wait3A_115 : memref<4x128xi32, #tpu.memory_space<hbm>>) dst(%dma_wait3A_112 : memref<4x128xi32, #tpu.memory_space<vmem>>)
        tpu.yield
      }) : () -> ()
      "tpu.region"() ({
        %run_scoped3A = tpu.sem_alloc : memref<!tpu.dma_semaphore, #tpu.memory_space<semaphore_mem>>
        %dma_start3A = arith.constant 72 : i32
        %dma_start3A_94 = arith.constant 0 : i32
        %dma_start3A_95 = tpu.memref_slice %arg8[%dma_start3A, %dma_start3A_94] : memref<80x128xi32, #tpu.memory_space<vmem>> -> memref<4x128xi32, #tpu.memory_space<vmem>>
        %dma_start3A_96 = arith.constant 2496 : i32
        %dma_start3A_97 = arith.constant 0 : i32
        %dma_start3A_98 = tpu.memref_slice %arg3[%dma_start3A_96, %dma_start3A_97] : memref<2500x128xi32, #tpu.memory_space<hbm>> -> memref<4x128xi32, #tpu.memory_space<hbm>>
        %dma_start3A_99 = arith.constant 72 : i32
        %dma_start3A_100 = arith.constant 0 : i32
        %dma_start3A_101 = tpu.memref_slice %arg8[%dma_start3A_99, %dma_start3A_100] : memref<80x128xi32, #tpu.memory_space<vmem>> -> memref<4x128xi32, #tpu.memory_space<vmem>>
        %dma_start3A_102 = arith.constant 2496 : i32
        %dma_start3A_103 = arith.constant 0 : i32
        %dma_start3A_104 = tpu.memref_slice %arg3[%dma_start3A_102, %dma_start3A_103] : memref<2500x128xi32, #tpu.memory_space<hbm>> -> memref<4x128xi32, #tpu.memory_space<hbm>>
        tpu.enqueue_dma source(%dma_start3A_104 : memref<4x128xi32, #tpu.memory_space<hbm>>) target(%dma_start3A_101 : memref<4x128xi32, #tpu.memory_space<vmem>>) target_semaphore(%run_scoped3A : memref<!tpu.dma_semaphore, #tpu.memory_space<semaphore_mem>>)
        %dma_wait3A = arith.constant 72 : i32
        %dma_wait3A_105 = arith.constant 0 : i32
        %dma_wait3A_106 = tpu.memref_slice %arg8[%dma_wait3A, %dma_wait3A_105] : memref<80x128xi32, #tpu.memory_space<vmem>> -> memref<4x128xi32, #tpu.memory_space<vmem>>
        %dma_wait3A_107 = arith.constant 2496 : i32
        %dma_wait3A_108 = arith.constant 0 : i32
        %dma_wait3A_109 = tpu.memref_slice %arg3[%dma_wait3A_107, %dma_wait3A_108] : memref<2500x128xi32, #tpu.memory_space<hbm>> -> memref<4x128xi32, #tpu.memory_space<hbm>>
        %dma_wait3A_110 = arith.constant 72 : i32
        %dma_wait3A_111 = arith.constant 0 : i32
        %dma_wait3A_112 = tpu.memref_slice %arg8[%dma_wait3A_110, %dma_wait3A_111] : memref<80x128xi32, #tpu.memory_space<vmem>> -> memref<4x128xi32, #tpu.memory_space<vmem>>
        %dma_wait3A_113 = arith.constant 2496 : i32
        %dma_wait3A_114 = arith.constant 0 : i32
        %dma_wait3A_115 = tpu.memref_slice %arg3[%dma_wait3A_113, %dma_wait3A_114] : memref<2500x128xi32, #tpu.memory_space<hbm>> -> memref<4x128xi32, #tpu.memory_space<hbm>>
        tpu.wait_dma2 semaphore(%run_scoped3A : memref<!tpu.dma_semaphore, #tpu.memory_space<semaphore_mem>>) src(%dma_wait3A_115 : memref<4x128xi32, #tpu.memory_space<hbm>>) dst(%dma_wait3A_112 : memref<4x128xi32, #tpu.memory_space<vmem>>)
        tpu.yield
      }) : () -> ()
      "tpu.region"() ({
        %run_scoped3A = tpu.sem_alloc : memref<!tpu.dma_semaphore, #tpu.memory_space<semaphore_mem>>
        %dma_start3A = arith.constant 9216 : i32
        %dma_start3A_94 = tpu.memref_slice %arg9[%dma_start3A] : memref<10240xf32, #tpu.memory_space<vmem>> -> memref<512xf32, #tpu.memory_space<vmem>>
        %dma_start3A_95 = arith.constant 319488 : i32
        %dma_start3A_96 = tpu.memref_slice %arg4[%dma_start3A_95] : memref<320000xf32, #tpu.memory_space<hbm>> -> memref<512xf32, #tpu.memory_space<hbm>>
        %dma_start3A_97 = arith.constant 9216 : i32
        %dma_start3A_98 = tpu.memref_slice %arg9[%dma_start3A_97] : memref<10240xf32, #tpu.memory_space<vmem>> -> memref<512xf32, #tpu.memory_space<vmem>>
        %dma_start3A_99 = arith.constant 319488 : i32
        %dma_start3A_100 = tpu.memref_slice %arg4[%dma_start3A_99] : memref<320000xf32, #tpu.memory_space<hbm>> -> memref<512xf32, #tpu.memory_space<hbm>>
        tpu.enqueue_dma source(%dma_start3A_100 : memref<512xf32, #tpu.memory_space<hbm>>) target(%dma_start3A_98 : memref<512xf32, #tpu.memory_space<vmem>>) target_semaphore(%run_scoped3A : memref<!tpu.dma_semaphore, #tpu.memory_space<semaphore_mem>>)
        %dma_wait3A = arith.constant 9216 : i32
        %dma_wait3A_101 = tpu.memref_slice %arg9[%dma_wait3A] : memref<10240xf32, #tpu.memory_space<vmem>> -> memref<512xf32, #tpu.memory_space<vmem>>
        %dma_wait3A_102 = arith.constant 319488 : i32
        %dma_wait3A_103 = tpu.memref_slice %arg4[%dma_wait3A_102] : memref<320000xf32, #tpu.memory_space<hbm>> -> memref<512xf32, #tpu.memory_space<hbm>>
        %dma_wait3A_104 = arith.constant 9216 : i32
        %dma_wait3A_105 = tpu.memref_slice %arg9[%dma_wait3A_104] : memref<10240xf32, #tpu.memory_space<vmem>> -> memref<512xf32, #tpu.memory_space<vmem>>
        %dma_wait3A_106 = arith.constant 319488 : i32
        %dma_wait3A_107 = tpu.memref_slice %arg4[%dma_wait3A_106] : memref<320000xf32, #tpu.memory_space<hbm>> -> memref<512xf32, #tpu.memory_space<hbm>>
        tpu.wait_dma2 semaphore(%run_scoped3A : memref<!tpu.dma_semaphore, #tpu.memory_space<semaphore_mem>>) src(%dma_wait3A_107 : memref<512xf32, #tpu.memory_space<hbm>>) dst(%dma_wait3A_105 : memref<512xf32, #tpu.memory_space<vmem>>)
        tpu.yield
      }) : () -> ()
    } else {
    }
    %lt3A_11 = arith.constant 24 : i32
    %lt3A_12 = arith.cmpi slt, %add3A, %lt3A_11 : i32
    %jit3A = arith.constant 80 : i32
    %jit3A_13 = arith.constant 72 : i32
    %select_n3A = arith.select %lt3A_12, %jit3A, %jit3A_13 : i32
    %eq3A_14 = arith.constant 31 : i32
    %eq3A_15 = arith.cmpi eq, %add3A, %eq3A_14 : i32
    %jit3A_16 = arith.constant 4 : i32
    %jit3A_17 = arith.constant 0 : i32
    %select_n3A_18 = arith.select %eq3A_15, %jit3A_16, %jit3A_17 : i32
    %add3A_19 = arith.addi %select_n3A, %select_n3A_18 : i32
    %scan3A = arith.constant 0 : i32
    %scan3A_20 = arith.constant 0 : i32
    %scan3A_21 = arith.constant 128 : i32
    %scan3A_22 = arith.addi %scan3A_20, %scan3A_21 : i32
    %scan3A_23 = arith.constant 1 : i32
    scf.for %scan3A_94 = %scan3A_20 to %scan3A_22 step %scan3A_23  : i32 {
      %broadcast_in_dim3A = arith.constant 0.000000e+00 : f32
      %broadcast_in_dim3A_95 = vector.broadcast %broadcast_in_dim3A : f32 to vector<16xf32>
      %swap3A = arith.index_cast %scan3A_94 : i32 to index
      %swap3A_96 = arith.constant 0 : index
      %swap3A_97 = tpu.vector_load %arg10[%swap3A, %swap3A_96] {strides = array<i32>} : memref<128x128xf32, #tpu.memory_space<vmem>>, vector<1x16xf32>,
      %swap3A_98 = vector.shape_cast %swap3A_97 : vector<1x16xf32> to vector<16xf32>
      %swap3A_99 = vector.shape_cast %broadcast_in_dim3A_95 : vector<16xf32> to vector<1x16xf32>
      tpu.vector_store %arg10[%swap3A, %swap3A_96], %swap3A_99 {strides = array<i32>} : memref<128x128xf32, #tpu.memory_space<vmem>>, vector<1x16xf32>,
      %broadcast_in_dim3A_100 = arith.constant 0.000000e+00 : f32
      %broadcast_in_dim3A_101 = vector.broadcast %broadcast_in_dim3A_100 : f32 to vector<16xf32>
      %swap3A_102 = arith.index_cast %scan3A_94 : i32 to index
      %swap3A_103 = arith.constant 16 : index
      %swap3A_104 = tpu.vector_load %arg10[%swap3A_102, %swap3A_103] {strides = array<i32>} : memref<128x128xf32, #tpu.memory_space<vmem>>, vector<1x16xf32>,
      %swap3A_105 = vector.shape_cast %swap3A_104 : vector<1x16xf32> to vector<16xf32>
      %swap3A_106 = vector.shape_cast %broadcast_in_dim3A_101 : vector<16xf32> to vector<1x16xf32>
      tpu.vector_store %arg10[%swap3A_102, %swap3A_103], %swap3A_106 {strides = array<i32>} : memref<128x128xf32, #tpu.memory_space<vmem>>, vector<1x16xf32>,
      %broadcast_in_dim3A_107 = arith.constant 0.000000e+00 : f32
      %broadcast_in_dim3A_108 = vector.broadcast %broadcast_in_dim3A_107 : f32 to vector<16xf32>
      %swap3A_109 = arith.index_cast %scan3A_94 : i32 to index
      %swap3A_110 = arith.constant 32 : index
      %swap3A_111 = tpu.vector_load %arg10[%swap3A_109, %swap3A_110] {strides = array<i32>} : memref<128x128xf32, #tpu.memory_space<vmem>>, vector<1x16xf32>,
      %swap3A_112 = vector.shape_cast %swap3A_111 : vector<1x16xf32> to vector<16xf32>
      %swap3A_113 = vector.shape_cast %broadcast_in_dim3A_108 : vector<16xf32> to vector<1x16xf32>
      tpu.vector_store %arg10[%swap3A_109, %swap3A_110], %swap3A_113 {strides = array<i32>} : memref<128x128xf32, #tpu.memory_space<vmem>>, vector<1x16xf32>,
      %broadcast_in_dim3A_114 = arith.constant 0.000000e+00 : f32
      %broadcast_in_dim3A_115 = vector.broadcast %broadcast_in_dim3A_114 : f32 to vector<16xf32>
      %swap3A_116 = arith.index_cast %scan3A_94 : i32 to index
      %swap3A_117 = arith.constant 48 : index
      %swap3A_118 = tpu.vector_load %arg10[%swap3A_116, %swap3A_117] {strides = array<i32>} : memref<128x128xf32, #tpu.memory_space<vmem>>, vector<1x16xf32>,
      %swap3A_119 = vector.shape_cast %swap3A_118 : vector<1x16xf32> to vector<16xf32>
      %swap3A_120 = vector.shape_cast %broadcast_in_dim3A_115 : vector<16xf32> to vector<1x16xf32>
      tpu.vector_store %arg10[%swap3A_116, %swap3A_117], %swap3A_120 {strides = array<i32>} : memref<128x128xf32, #tpu.memory_space<vmem>>, vector<1x16xf32>,
      %broadcast_in_dim3A_121 = arith.constant 0.000000e+00 : f32
      %broadcast_in_dim3A_122 = vector.broadcast %broadcast_in_dim3A_121 : f32 to vector<16xf32>
      %swap3A_123 = arith.index_cast %scan3A_94 : i32 to index
      %swap3A_124 = arith.constant 64 : index
      %swap3A_125 = tpu.vector_load %arg10[%swap3A_123, %swap3A_124] {strides = array<i32>} : memref<128x128xf32, #tpu.memory_space<vmem>>, vector<1x16xf32>,
      %swap3A_126 = vector.shape_cast %swap3A_125 : vector<1x16xf32> to vector<16xf32>
      %swap3A_127 = vector.shape_cast %broadcast_in_dim3A_122 : vector<16xf32> to vector<1x16xf32>
      tpu.vector_store %arg10[%swap3A_123, %swap3A_124], %swap3A_127 {strides = array<i32>} : memref<128x128xf32, #tpu.memory_space<vmem>>, vector<1x16xf32>,
      %broadcast_in_dim3A_128 = arith.constant 0.000000e+00 : f32
      %broadcast_in_dim3A_129 = vector.broadcast %broadcast_in_dim3A_128 : f32 to vector<16xf32>
      %swap3A_130 = arith.index_cast %scan3A_94 : i32 to index
      %swap3A_131 = arith.constant 80 : index
      %swap3A_132 = tpu.vector_load %arg10[%swap3A_130, %swap3A_131] {strides = array<i32>} : memref<128x128xf32, #tpu.memory_space<vmem>>, vector<1x16xf32>,
      %swap3A_133 = vector.shape_cast %swap3A_132 : vector<1x16xf32> to vector<16xf32>
      %swap3A_134 = vector.shape_cast %broadcast_in_dim3A_129 : vector<16xf32> to vector<1x16xf32>
      tpu.vector_store %arg10[%swap3A_130, %swap3A_131], %swap3A_134 {strides = array<i32>} : memref<128x128xf32, #tpu.memory_space<vmem>>, vector<1x16xf32>,
      %broadcast_in_dim3A_135 = arith.constant 0.000000e+00 : f32
      %broadcast_in_dim3A_136 = vector.broadcast %broadcast_in_dim3A_135 : f32 to vector<16xf32>
      %swap3A_137 = arith.index_cast %scan3A_94 : i32 to index
      %swap3A_138 = arith.constant 96 : index
      %swap3A_139 = tpu.vector_load %arg10[%swap3A_137, %swap3A_138] {strides = array<i32>} : memref<128x128xf32, #tpu.memory_space<vmem>>, vector<1x16xf32>,
      %swap3A_140 = vector.shape_cast %swap3A_139 : vector<1x16xf32> to vector<16xf32>
      %swap3A_141 = vector.shape_cast %broadcast_in_dim3A_136 : vector<16xf32> to vector<1x16xf32>
      tpu.vector_store %arg10[%swap3A_137, %swap3A_138], %swap3A_141 {strides = array<i32>} : memref<128x128xf32, #tpu.memory_space<vmem>>, vector<1x16xf32>,
      %broadcast_in_dim3A_142 = arith.constant 0.000000e+00 : f32
      %broadcast_in_dim3A_143 = vector.broadcast %broadcast_in_dim3A_142 : f32 to vector<16xf32>
      %swap3A_144 = arith.index_cast %scan3A_94 : i32 to index
      %swap3A_145 = arith.constant 112 : index
      %swap3A_146 = tpu.vector_load %arg10[%swap3A_144, %swap3A_145] {strides = array<i32>} : memref<128x128xf32, #tpu.memory_space<vmem>>, vector<1x16xf32>,
      %swap3A_147 = vector.shape_cast %swap3A_146 : vector<1x16xf32> to vector<16xf32>
      %swap3A_148 = vector.shape_cast %broadcast_in_dim3A_143 : vector<16xf32> to vector<1x16xf32>
      tpu.vector_store %arg10[%swap3A_144, %swap3A_145], %swap3A_148 {strides = array<i32>} : memref<128x128xf32, #tpu.memory_space<vmem>>, vector<1x16xf32>,
    }
    %scan3A_24 = arith.constant 128 : i32
    %add3A_25 = arith.constant 0 : i32
    %add3A_26 = arith.addi %arg1, %add3A_25 : i32
    %mul3A_27 = arith.constant 128 : i32
    %mul3A_28 = arith.muli %add3A_26, %mul3A_27 : i32
    %multiple_of3A = tpu.assume_multiple %mul3A_28, 8 : i32
    "tpu.region"() ({
      %run_scoped3A = tpu.sem_alloc : memref<!tpu.dma_semaphore, #tpu.memory_space<semaphore_mem>>
      %dma_start3A = arith.constant 0 : i32
      %dma_start3A_94 = arith.constant 0 : i32
      %dma_start3A_95 = tpu.memref_slice %arg10[%dma_start3A, %dma_start3A_94] : memref<128x128xf32, #tpu.memory_space<vmem>> -> memref<128x128xf32, #tpu.memory_space<vmem>>
      %dma_start3A_96 = arith.constant 0 : i32
      %dma_start3A_97 = tpu.memref_slice %arg11[%multiple_of3A, %dma_start3A_96] : memref<10000x128xf32, #tpu.memory_space<vmem_shared>> -> memref<128x128xf32, #tpu.memory_space<vmem_shared>>
      %dma_start3A_98 = arith.constant 0 : i32
      %dma_start3A_99 = tpu.memref_slice %arg11[%multiple_of3A, %dma_start3A_98] : memref<10000x128xf32, #tpu.memory_space<vmem_shared>> -> memref<128x128xf32, #tpu.memory_space<vmem_shared>>
      %dma_start3A_100 = arith.constant 0 : i32
      %dma_start3A_101 = arith.constant 0 : i32
      %dma_start3A_102 = tpu.memref_slice %arg10[%dma_start3A_100, %dma_start3A_101] : memref<128x128xf32, #tpu.memory_space<vmem>> -> memref<128x128xf32, #tpu.memory_space<vmem>>
      tpu.enqueue_dma source(%dma_start3A_102 : memref<128x128xf32, #tpu.memory_space<vmem>>) target(%dma_start3A_99 : memref<128x128xf32, #tpu.memory_space<vmem_shared>>) target_semaphore(%run_scoped3A : memref<!tpu.dma_semaphore, #tpu.memory_space<semaphore_mem>>)
      %dma_wait3A = arith.constant 0 : i32
      %dma_wait3A_103 = arith.constant 0 : i32
      %dma_wait3A_104 = tpu.memref_slice %arg10[%dma_wait3A, %dma_wait3A_103] : memref<128x128xf32, #tpu.memory_space<vmem>> -> memref<128x128xf32, #tpu.memory_space<vmem>>
      %dma_wait3A_105 = arith.constant 0 : i32
      %dma_wait3A_106 = tpu.memref_slice %arg11[%multiple_of3A, %dma_wait3A_105] : memref<10000x128xf32, #tpu.memory_space<vmem_shared>> -> memref<128x128xf32, #tpu.memory_space<vmem_shared>>
      %dma_wait3A_107 = arith.constant 0 : i32
      %dma_wait3A_108 = tpu.memref_slice %arg11[%multiple_of3A, %dma_wait3A_107] : memref<10000x128xf32, #tpu.memory_space<vmem_shared>> -> memref<128x128xf32, #tpu.memory_space<vmem_shared>>
      %dma_wait3A_109 = arith.constant 0 : i32
      %dma_wait3A_110 = arith.constant 0 : i32
      %dma_wait3A_111 = tpu.memref_slice %arg10[%dma_wait3A_109, %dma_wait3A_110] : memref<128x128xf32, #tpu.memory_space<vmem>> -> memref<128x128xf32, #tpu.memory_space<vmem>>
      tpu.wait_dma2 semaphore(%run_scoped3A : memref<!tpu.dma_semaphore, #tpu.memory_space<semaphore_mem>>) src(%dma_wait3A_111 : memref<128x128xf32, #tpu.memory_space<vmem>>) dst(%dma_wait3A_108 : memref<128x128xf32, #tpu.memory_space<vmem_shared>>)
      tpu.yield
    }) : () -> ()
    %add3A_29 = arith.constant 16 : i32
    %add3A_30 = arith.addi %arg1, %add3A_29 : i32
    %mul3A_31 = arith.constant 128 : i32
    %mul3A_32 = arith.muli %add3A_30, %mul3A_31 : i32
    %multiple_of3A_33 = tpu.assume_multiple %mul3A_32, 8 : i32
    "tpu.region"() ({
      %run_scoped3A = tpu.sem_alloc : memref<!tpu.dma_semaphore, #tpu.memory_space<semaphore_mem>>
      %dma_start3A = arith.constant 0 : i32
      %dma_start3A_94 = arith.constant 0 : i32
      %dma_start3A_95 = tpu.memref_slice %arg10[%dma_start3A, %dma_start3A_94] : memref<128x128xf32, #tpu.memory_space<vmem>> -> memref<128x128xf32, #tpu.memory_space<vmem>>
      %dma_start3A_96 = arith.constant 0 : i32
      %dma_start3A_97 = tpu.memref_slice %arg11[%multiple_of3A_33, %dma_start3A_96] : memref<10000x128xf32, #tpu.memory_space<vmem_shared>> -> memref<128x128xf32, #tpu.memory_space<vmem_shared>>
      %dma_start3A_98 = arith.constant 0 : i32
      %dma_start3A_99 = tpu.memref_slice %arg11[%multiple_of3A_33, %dma_start3A_98] : memref<10000x128xf32, #tpu.memory_space<vmem_shared>> -> memref<128x128xf32, #tpu.memory_space<vmem_shared>>
      %dma_start3A_100 = arith.constant 0 : i32
      %dma_start3A_101 = arith.constant 0 : i32
      %dma_start3A_102 = tpu.memref_slice %arg10[%dma_start3A_100, %dma_start3A_101] : memref<128x128xf32, #tpu.memory_space<vmem>> -> memref<128x128xf32, #tpu.memory_space<vmem>>
      tpu.enqueue_dma source(%dma_start3A_102 : memref<128x128xf32, #tpu.memory_space<vmem>>) target(%dma_start3A_99 : memref<128x128xf32, #tpu.memory_space<vmem_shared>>) target_semaphore(%run_scoped3A : memref<!tpu.dma_semaphore, #tpu.memory_space<semaphore_mem>>)
      %dma_wait3A = arith.constant 0 : i32
      %dma_wait3A_103 = arith.constant 0 : i32
      %dma_wait3A_104 = tpu.memref_slice %arg10[%dma_wait3A, %dma_wait3A_103] : memref<128x128xf32, #tpu.memory_space<vmem>> -> memref<128x128xf32, #tpu.memory_space<vmem>>
      %dma_wait3A_105 = arith.constant 0 : i32
      %dma_wait3A_106 = tpu.memref_slice %arg11[%multiple_of3A_33, %dma_wait3A_105] : memref<10000x128xf32, #tpu.memory_space<vmem_shared>> -> memref<128x128xf32, #tpu.memory_space<vmem_shared>>
      %dma_wait3A_107 = arith.constant 0 : i32
      %dma_wait3A_108 = tpu.memref_slice %arg11[%multiple_of3A_33, %dma_wait3A_107] : memref<10000x128xf32, #tpu.memory_space<vmem_shared>> -> memref<128x128xf32, #tpu.memory_space<vmem_shared>>
      %dma_wait3A_109 = arith.constant 0 : i32
      %dma_wait3A_110 = arith.constant 0 : i32
      %dma_wait3A_111 = tpu.memref_slice %arg10[%dma_wait3A_109, %dma_wait3A_110] : memref<128x128xf32, #tpu.memory_space<vmem>> -> memref<128x128xf32, #tpu.memory_space<vmem>>
      tpu.wait_dma2 semaphore(%run_scoped3A : memref<!tpu.dma_semaphore, #tpu.memory_space<semaphore_mem>>) src(%dma_wait3A_111 : memref<128x128xf32, #tpu.memory_space<vmem>>) dst(%dma_wait3A_108 : memref<128x128xf32, #tpu.memory_space<vmem_shared>>)
      tpu.yield
    }) : () -> ()
    %add3A_34 = arith.constant 32 : i32
    %add3A_35 = arith.addi %arg1, %add3A_34 : i32
    %mul3A_36 = arith.constant 128 : i32
    %mul3A_37 = arith.muli %add3A_35, %mul3A_36 : i32
    %multiple_of3A_38 = tpu.assume_multiple %mul3A_37, 8 : i32
    "tpu.region"() ({
      %run_scoped3A = tpu.sem_alloc : memref<!tpu.dma_semaphore, #tpu.memory_space<semaphore_mem>>
      %dma_start3A = arith.constant 0 : i32
      %dma_start3A_94 = arith.constant 0 : i32
      %dma_start3A_95 = tpu.memref_slice %arg10[%dma_start3A, %dma_start3A_94] : memref<128x128xf32, #tpu.memory_space<vmem>> -> memref<128x128xf32, #tpu.memory_space<vmem>>
      %dma_start3A_96 = arith.constant 0 : i32
      %dma_start3A_97 = tpu.memref_slice %arg11[%multiple_of3A_38, %dma_start3A_96] : memref<10000x128xf32, #tpu.memory_space<vmem_shared>> -> memref<128x128xf32, #tpu.memory_space<vmem_shared>>
      %dma_start3A_98 = arith.constant 0 : i32
      %dma_start3A_99 = tpu.memref_slice %arg11[%multiple_of3A_38, %dma_start3A_98] : memref<10000x128xf32, #tpu.memory_space<vmem_shared>> -> memref<128x128xf32, #tpu.memory_space<vmem_shared>>
      %dma_start3A_100 = arith.constant 0 : i32
      %dma_start3A_101 = arith.constant 0 : i32
      %dma_start3A_102 = tpu.memref_slice %arg10[%dma_start3A_100, %dma_start3A_101] : memref<128x128xf32, #tpu.memory_space<vmem>> -> memref<128x128xf32, #tpu.memory_space<vmem>>
      tpu.enqueue_dma source(%dma_start3A_102 : memref<128x128xf32, #tpu.memory_space<vmem>>) target(%dma_start3A_99 : memref<128x128xf32, #tpu.memory_space<vmem_shared>>) target_semaphore(%run_scoped3A : memref<!tpu.dma_semaphore, #tpu.memory_space<semaphore_mem>>)
      %dma_wait3A = arith.constant 0 : i32
      %dma_wait3A_103 = arith.constant 0 : i32
      %dma_wait3A_104 = tpu.memref_slice %arg10[%dma_wait3A, %dma_wait3A_103] : memref<128x128xf32, #tpu.memory_space<vmem>> -> memref<128x128xf32, #tpu.memory_space<vmem>>
      %dma_wait3A_105 = arith.constant 0 : i32
      %dma_wait3A_106 = tpu.memref_slice %arg11[%multiple_of3A_38, %dma_wait3A_105] : memref<10000x128xf32, #tpu.memory_space<vmem_shared>> -> memref<128x128xf32, #tpu.memory_space<vmem_shared>>
      %dma_wait3A_107 = arith.constant 0 : i32
      %dma_wait3A_108 = tpu.memref_slice %arg11[%multiple_of3A_38, %dma_wait3A_107] : memref<10000x128xf32, #tpu.memory_space<vmem_shared>> -> memref<128x128xf32, #tpu.memory_space<vmem_shared>>
      %dma_wait3A_109 = arith.constant 0 : i32
      %dma_wait3A_110 = arith.constant 0 : i32
      %dma_wait3A_111 = tpu.memref_slice %arg10[%dma_wait3A_109, %dma_wait3A_110] : memref<128x128xf32, #tpu.memory_space<vmem>> -> memref<128x128xf32, #tpu.memory_space<vmem>>
      tpu.wait_dma2 semaphore(%run_scoped3A : memref<!tpu.dma_semaphore, #tpu.memory_space<semaphore_mem>>) src(%dma_wait3A_111 : memref<128x128xf32, #tpu.memory_space<vmem>>) dst(%dma_wait3A_108 : memref<128x128xf32, #tpu.memory_space<vmem_shared>>)
      tpu.yield
    }) : () -> ()
    %add3A_39 = arith.constant 48 : i32
    %add3A_40 = arith.addi %arg1, %add3A_39 : i32
    %mul3A_41 = arith.constant 128 : i32
    %mul3A_42 = arith.muli %add3A_40, %mul3A_41 : i32
    %multiple_of3A_43 = tpu.assume_multiple %mul3A_42, 8 : i32
    "tpu.region"() ({
      %run_scoped3A = tpu.sem_alloc : memref<!tpu.dma_semaphore, #tpu.memory_space<semaphore_mem>>
      %dma_start3A = arith.constant 0 : i32
      %dma_start3A_94 = arith.constant 0 : i32
      %dma_start3A_95 = tpu.memref_slice %arg10[%dma_start3A, %dma_start3A_94] : memref<128x128xf32, #tpu.memory_space<vmem>> -> memref<128x128xf32, #tpu.memory_space<vmem>>
      %dma_start3A_96 = arith.constant 0 : i32
      %dma_start3A_97 = tpu.memref_slice %arg11[%multiple_of3A_43, %dma_start3A_96] : memref<10000x128xf32, #tpu.memory_space<vmem_shared>> -> memref<128x128xf32, #tpu.memory_space<vmem_shared>>
      %dma_start3A_98 = arith.constant 0 : i32
      %dma_start3A_99 = tpu.memref_slice %arg11[%multiple_of3A_43, %dma_start3A_98] : memref<10000x128xf32, #tpu.memory_space<vmem_shared>> -> memref<128x128xf32, #tpu.memory_space<vmem_shared>>
      %dma_start3A_100 = arith.constant 0 : i32
      %dma_start3A_101 = arith.constant 0 : i32
      %dma_start3A_102 = tpu.memref_slice %arg10[%dma_start3A_100, %dma_start3A_101] : memref<128x128xf32, #tpu.memory_space<vmem>> -> memref<128x128xf32, #tpu.memory_space<vmem>>
      tpu.enqueue_dma source(%dma_start3A_102 : memref<128x128xf32, #tpu.memory_space<vmem>>) target(%dma_start3A_99 : memref<128x128xf32, #tpu.memory_space<vmem_shared>>) target_semaphore(%run_scoped3A : memref<!tpu.dma_semaphore, #tpu.memory_space<semaphore_mem>>)
      %dma_wait3A = arith.constant 0 : i32
      %dma_wait3A_103 = arith.constant 0 : i32
      %dma_wait3A_104 = tpu.memref_slice %arg10[%dma_wait3A, %dma_wait3A_103] : memref<128x128xf32, #tpu.memory_space<vmem>> -> memref<128x128xf32, #tpu.memory_space<vmem>>
      %dma_wait3A_105 = arith.constant 0 : i32
      %dma_wait3A_106 = tpu.memref_slice %arg11[%multiple_of3A_43, %dma_wait3A_105] : memref<10000x128xf32, #tpu.memory_space<vmem_shared>> -> memref<128x128xf32, #tpu.memory_space<vmem_shared>>
      %dma_wait3A_107 = arith.constant 0 : i32
      %dma_wait3A_108 = tpu.memref_slice %arg11[%multiple_of3A_43, %dma_wait3A_107] : memref<10000x128xf32, #tpu.memory_space<vmem_shared>> -> memref<128x128xf32, #tpu.memory_space<vmem_shared>>
      %dma_wait3A_109 = arith.constant 0 : i32
      %dma_wait3A_110 = arith.constant 0 : i32
      %dma_wait3A_111 = tpu.memref_slice %arg10[%dma_wait3A_109, %dma_wait3A_110] : memref<128x128xf32, #tpu.memory_space<vmem>> -> memref<128x128xf32, #tpu.memory_space<vmem>>
      tpu.wait_dma2 semaphore(%run_scoped3A : memref<!tpu.dma_semaphore, #tpu.memory_space<semaphore_mem>>) src(%dma_wait3A_111 : memref<128x128xf32, #tpu.memory_space<vmem>>) dst(%dma_wait3A_108 : memref<128x128xf32, #tpu.memory_space<vmem_shared>>)
      tpu.yield
    }) : () -> ()
    %lt3A_44 = arith.constant 14 : i32
    %lt3A_45 = arith.cmpi slt, %arg1, %lt3A_44 : i32
    %convert_element_type3A_46 = arith.extui %lt3A_45 : i1 to i32
    %cond3A_47 = arith.constant 0 : i32
    %cond3A_48 = arith.cmpi ne, %convert_element_type3A_46, %cond3A_47 : i32
    scf.if %cond3A_48 {
      %add3A_94 = arith.constant 64 : i32
      %add3A_95 = arith.addi %arg1, %add3A_94 : i32
      %mul3A_96 = arith.constant 128 : i32
      %mul3A_97 = arith.muli %add3A_95, %mul3A_96 : i32
      %multiple_of3A_98 = tpu.assume_multiple %mul3A_97, 8 : i32
      "tpu.region"() ({
        %run_scoped3A = tpu.sem_alloc : memref<!tpu.dma_semaphore, #tpu.memory_space<semaphore_mem>>
        %dma_start3A = arith.constant 0 : i32
        %dma_start3A_99 = arith.constant 0 : i32
        %dma_start3A_100 = tpu.memref_slice %arg10[%dma_start3A, %dma_start3A_99] : memref<128x128xf32, #tpu.memory_space<vmem>> -> memref<128x128xf32, #tpu.memory_space<vmem>>
        %dma_start3A_101 = arith.constant 0 : i32
        %dma_start3A_102 = tpu.memref_slice %arg11[%multiple_of3A_98, %dma_start3A_101] : memref<10000x128xf32, #tpu.memory_space<vmem_shared>> -> memref<128x128xf32, #tpu.memory_space<vmem_shared>>
        %dma_start3A_103 = arith.constant 0 : i32
        %dma_start3A_104 = tpu.memref_slice %arg11[%multiple_of3A_98, %dma_start3A_103] : memref<10000x128xf32, #tpu.memory_space<vmem_shared>> -> memref<128x128xf32, #tpu.memory_space<vmem_shared>>
        %dma_start3A_105 = arith.constant 0 : i32
        %dma_start3A_106 = arith.constant 0 : i32
        %dma_start3A_107 = tpu.memref_slice %arg10[%dma_start3A_105, %dma_start3A_106] : memref<128x128xf32, #tpu.memory_space<vmem>> -> memref<128x128xf32, #tpu.memory_space<vmem>>
        tpu.enqueue_dma source(%dma_start3A_107 : memref<128x128xf32, #tpu.memory_space<vmem>>) target(%dma_start3A_104 : memref<128x128xf32, #tpu.memory_space<vmem_shared>>) target_semaphore(%run_scoped3A : memref<!tpu.dma_semaphore, #tpu.memory_space<semaphore_mem>>)
        %dma_wait3A = arith.constant 0 : i32
        %dma_wait3A_108 = arith.constant 0 : i32
        %dma_wait3A_109 = tpu.memref_slice %arg10[%dma_wait3A, %dma_wait3A_108] : memref<128x128xf32, #tpu.memory_space<vmem>> -> memref<128x128xf32, #tpu.memory_space<vmem>>
        %dma_wait3A_110 = arith.constant 0 : i32
        %dma_wait3A_111 = tpu.memref_slice %arg11[%multiple_of3A_98, %dma_wait3A_110] : memref<10000x128xf32, #tpu.memory_space<vmem_shared>> -> memref<128x128xf32, #tpu.memory_space<vmem_shared>>
        %dma_wait3A_112 = arith.constant 0 : i32
        %dma_wait3A_113 = tpu.memref_slice %arg11[%multiple_of3A_98, %dma_wait3A_112] : memref<10000x128xf32, #tpu.memory_space<vmem_shared>> -> memref<128x128xf32, #tpu.memory_space<vmem_shared>>
        %dma_wait3A_114 = arith.constant 0 : i32
        %dma_wait3A_115 = arith.constant 0 : i32
        %dma_wait3A_116 = tpu.memref_slice %arg10[%dma_wait3A_114, %dma_wait3A_115] : memref<128x128xf32, #tpu.memory_space<vmem>> -> memref<128x128xf32, #tpu.memory_space<vmem>>
        tpu.wait_dma2 semaphore(%run_scoped3A : memref<!tpu.dma_semaphore, #tpu.memory_space<semaphore_mem>>) src(%dma_wait3A_116 : memref<128x128xf32, #tpu.memory_space<vmem>>) dst(%dma_wait3A_113 : memref<128x128xf32, #tpu.memory_space<vmem_shared>>)
        tpu.yield
      }) : () -> ()
    } else {
    }
    %eq3A_49 = arith.constant 14 : i32
    %eq3A_50 = arith.cmpi eq, %arg1, %eq3A_49 : i32
    %convert_element_type3A_51 = arith.extui %eq3A_50 : i1 to i32
    %cond3A_52 = arith.constant 0 : i32
    %cond3A_53 = arith.cmpi ne, %convert_element_type3A_51, %cond3A_52 : i32
    scf.if %cond3A_53 {
      "tpu.region"() ({
        %run_scoped3A = tpu.sem_alloc : memref<!tpu.dma_semaphore, #tpu.memory_space<semaphore_mem>>
        %dma_start3A = arith.constant 0 : i32
        %dma_start3A_94 = arith.constant 0 : i32
        %dma_start3A_95 = tpu.memref_slice %arg10[%dma_start3A, %dma_start3A_94] : memref<128x128xf32, #tpu.memory_space<vmem>> -> memref<16x128xf32, #tpu.memory_space<vmem>>
        %dma_start3A_96 = arith.constant 9984 : i32
        %dma_start3A_97 = arith.constant 0 : i32
        %dma_start3A_98 = tpu.memref_slice %arg11[%dma_start3A_96, %dma_start3A_97] : memref<10000x128xf32, #tpu.memory_space<vmem_shared>> -> memref<16x128xf32, #tpu.memory_space<vmem_shared>>
        %dma_start3A_99 = arith.constant 9984 : i32
        %dma_start3A_100 = arith.constant 0 : i32
        %dma_start3A_101 = tpu.memref_slice %arg11[%dma_start3A_99, %dma_start3A_100] : memref<10000x128xf32, #tpu.memory_space<vmem_shared>> -> memref<16x128xf32, #tpu.memory_space<vmem_shared>>
        %dma_start3A_102 = arith.constant 0 : i32
        %dma_start3A_103 = arith.constant 0 : i32
        %dma_start3A_104 = tpu.memref_slice %arg10[%dma_start3A_102, %dma_start3A_103] : memref<128x128xf32, #tpu.memory_space<vmem>> -> memref<16x128xf32, #tpu.memory_space<vmem>>
        tpu.enqueue_dma source(%dma_start3A_104 : memref<16x128xf32, #tpu.memory_space<vmem>>) target(%dma_start3A_101 : memref<16x128xf32, #tpu.memory_space<vmem_shared>>) target_semaphore(%run_scoped3A : memref<!tpu.dma_semaphore, #tpu.memory_space<semaphore_mem>>)
        %dma_wait3A = arith.constant 0 : i32
        %dma_wait3A_105 = arith.constant 0 : i32
        %dma_wait3A_106 = tpu.memref_slice %arg10[%dma_wait3A, %dma_wait3A_105] : memref<128x128xf32, #tpu.memory_space<vmem>> -> memref<16x128xf32, #tpu.memory_space<vmem>>
        %dma_wait3A_107 = arith.constant 9984 : i32
        %dma_wait3A_108 = arith.constant 0 : i32
        %dma_wait3A_109 = tpu.memref_slice %arg11[%dma_wait3A_107, %dma_wait3A_108] : memref<10000x128xf32, #tpu.memory_space<vmem_shared>> -> memref<16x128xf32, #tpu.memory_space<vmem_shared>>
        %dma_wait3A_110 = arith.constant 9984 : i32
        %dma_wait3A_111 = arith.constant 0 : i32
        %dma_wait3A_112 = tpu.memref_slice %arg11[%dma_wait3A_110, %dma_wait3A_111] : memref<10000x128xf32, #tpu.memory_space<vmem_shared>> -> memref<16x128xf32, #tpu.memory_space<vmem_shared>>
        %dma_wait3A_113 = arith.constant 0 : i32
        %dma_wait3A_114 = arith.constant 0 : i32
        %dma_wait3A_115 = tpu.memref_slice %arg10[%dma_wait3A_113, %dma_wait3A_114] : memref<128x128xf32, #tpu.memory_space<vmem>> -> memref<16x128xf32, #tpu.memory_space<vmem>>
        tpu.wait_dma2 semaphore(%run_scoped3A : memref<!tpu.dma_semaphore, #tpu.memory_space<semaphore_mem>>) src(%dma_wait3A_115 : memref<16x128xf32, #tpu.memory_space<vmem>>) dst(%dma_wait3A_112 : memref<16x128xf32, #tpu.memory_space<vmem_shared>>)
        tpu.yield
      }) : () -> ()
    } else {
    }
    %barrier3A = arith.constant 0 : index
    tpu.barrier barrier_id(%barrier3A)
    %while3A = arith.constant 0 : i32
    %while3A_54 = arith.constant 0 : i32
    %while3A_55 = arith.subi %add3A_19, %while3A_54 : i32
    %while3A_56 = arith.addi %while3A_54, %while3A_55 : i32
    %while3A_57 = arith.constant 1 : i32
    %while3A_58 = arith.divsi %while3A_55, %while3A_57 : i32
    %while3A_59 = arith.muli %while3A_58, %while3A_57 : i32
    %while3A_60 = arith.addi %while3A_54, %while3A_59 : i32
    %while3A_61 = arith.constant 1 : i32
    scf.for %while3A_94 = %while3A_54 to %while3A_60 step %while3A_61  : i32 {
      %dma_start3A = arith.constant 0 : i32
      %dma_start3A_95 = tpu.memref_slice %arg7[%while3A_94, %dma_start3A] : memref<80x128xi32, #tpu.memory_space<vmem>> -> memref<1x128xi32, #tpu.memory_space<vmem>>
      %dma_start3A_96 = tpu.memref_squeeze %dma_start3A_95 : memref<1x128xi32, #tpu.memory_space<vmem>> -> memref<128xi32, #tpu.memory_space<vmem>>
      %dma_start3A_97 = arith.constant 0 : i32
      %dma_start3A_98 = arith.constant 0 : i32
      %dma_start3A_99 = tpu.memref_slice %arg5[%dma_start3A_97, %dma_start3A_98] : memref<10000x128xf32, #tpu.memory_space<hbm>> -> memref<10000x128xf32, #tpu.memory_space<hbm>>
      tpu.enqueue_indirect_dma source(%dma_start3A_99 : memref<10000x128xf32, #tpu.memory_space<hbm>>) target(%arg10 : memref<128x128xf32, #tpu.memory_space<vmem>>) offsets(%dma_start3A_96 : memref<128xi32, #tpu.memory_space<vmem>>) semaphore(%arg12 : memref<!tpu.dma_semaphore, #tpu.memory_space<semaphore_mem>>)
      %dma_wait3A = arith.constant 0 : i32
      %dma_wait3A_100 = tpu.memref_slice %arg7[%while3A_94, %dma_wait3A] : memref<80x128xi32, #tpu.memory_space<vmem>> -> memref<1x128xi32, #tpu.memory_space<vmem>>
      %dma_wait3A_101 = tpu.memref_squeeze %dma_wait3A_100 : memref<1x128xi32, #tpu.memory_space<vmem>> -> memref<128xi32, #tpu.memory_space<vmem>>
      %dma_wait3A_102 = arith.constant 0 : i32
      %dma_wait3A_103 = arith.constant 0 : i32
      %dma_wait3A_104 = tpu.memref_slice %arg5[%dma_wait3A_102, %dma_wait3A_103] : memref<10000x128xf32, #tpu.memory_space<hbm>> -> memref<10000x128xf32, #tpu.memory_space<hbm>>
      tpu.wait_indirect_dma semaphore(%arg12 : memref<!tpu.dma_semaphore, #tpu.memory_space<semaphore_mem>>) src(%dma_wait3A_104 : memref<10000x128xf32, #tpu.memory_space<hbm>>) dst(%arg10 : memref<128x128xf32, #tpu.memory_space<vmem>>)
      %scan3A_105 = arith.constant 0 : i32
      %scan3A_106 = arith.constant 0 : i32
      %scan3A_107 = arith.constant 8 : i32
      %scan3A_108 = arith.addi %scan3A_106, %scan3A_107 : i32
      %scan3A_109 = arith.constant 1 : i32
      scf.for %scan3A_111 = %scan3A_106 to %scan3A_108 step %scan3A_109  : i32 {
        %mul3A_112 = arith.constant 128 : i32
        %mul3A_113 = arith.muli %while3A_94, %mul3A_112 : i32
        %mul3A_114 = arith.constant 16 : i32
        %mul3A_115 = arith.muli %scan3A_111, %mul3A_114 : i32
        %add3A_116 = arith.addi %mul3A_113, %mul3A_115 : i32
        %get3A = arith.index_cast %add3A_116 : i32 to index
        %get3A_117 = tpu.vector_load %arg9[%get3A] {strides = array<i32>} : memref<10240xf32, #tpu.memory_space<vmem>>, vector<16xf32>,
        %get3A_118 = vector.shape_cast %get3A_117 : vector<16xf32> to vector<16xf32>
        %jit3A_119 = arith.constant -2.000000e+00 : f32
        %jit3A_120 = arith.constant 5.000000e+00 : f32
        %max3A = vector.broadcast %jit3A_119 : f32 to vector<16xf32>
        %max3A_121 = arith.maximumf %max3A, %get3A_118 : vector<16xf32>
        %min3A = vector.broadcast %jit3A_120 : f32 to vector<16xf32>
        %min3A_122 = arith.minimumf %min3A, %max3A_121 : vector<16xf32>
        %slice3A = vector.extract_strided_slice %min3A_122 {offsets = [0], sizes = [1], strides = [1]} : vector<16xf32> to vector<1xf32>
        %squeeze3A = vector.extract %slice3A[0] : f32 from vector<1xf32>
        %mul3A_123 = arith.constant 16 : i32
        %mul3A_124 = arith.muli %scan3A_111, %mul3A_123 : i32
        %add3A_125 = arith.constant 0 : i32
        %add3A_126 = arith.addi %mul3A_124, %add3A_125 : i32
        %get3A_127 = arith.index_cast %add3A_126 : i32 to index
        %get3A_128 = arith.constant 0 : index
        %get3A_129 = tpu.vector_load %arg10[%get3A_127, %get3A_128] {strides = array<i32>} : memref<128x128xf32, #tpu.memory_space<vmem>>, vector<1x16xf32>,
        %get3A_130 = vector.shape_cast %get3A_129 : vector<1x16xf32> to vector<16xf32>
        %mul3A_131 = vector.broadcast %squeeze3A : f32 to vector<16xf32>
        %mul3A_132 = arith.mulf %get3A_130, %mul3A_131 : vector<16xf32>
        %swap3A = arith.index_cast %add3A_126 : i32 to index
        %swap3A_133 = arith.constant 0 : index
        %swap3A_134 = tpu.vector_load %arg10[%swap3A, %swap3A_133] {strides = array<i32>} : memref<128x128xf32, #tpu.memory_space<vmem>>, vector<1x16xf32>,
        %swap3A_135 = vector.shape_cast %swap3A_134 : vector<1x16xf32> to vector<16xf32>
        %swap3A_136 = vector.shape_cast %mul3A_132 : vector<16xf32> to vector<1x16xf32>
        tpu.vector_store %arg10[%swap3A, %swap3A_133], %swap3A_136 {strides = array<i32>} : memref<128x128xf32, #tpu.memory_space<vmem>>, vector<1x16xf32>,
        %get3A_137 = arith.index_cast %add3A_126 : i32 to index
        %get3A_138 = arith.constant 16 : index
        %get3A_139 = tpu.vector_load %arg10[%get3A_137, %get3A_138] {strides = array<i32>} : memref<128x128xf32, #tpu.memory_space<vmem>>, vector<1x16xf32>,
        %get3A_140 = vector.shape_cast %get3A_139 : vector<1x16xf32> to vector<16xf32>
        %mul3A_141 = vector.broadcast %squeeze3A : f32 to vector<16xf32>
        %mul3A_142 = arith.mulf %get3A_140, %mul3A_141 : vector<16xf32>
        %swap3A_143 = arith.index_cast %add3A_126 : i32 to index
        %swap3A_144 = arith.constant 16 : index
        %swap3A_145 = tpu.vector_load %arg10[%swap3A_143, %swap3A_144] {strides = array<i32>} : memref<128x128xf32, #tpu.memory_space<vmem>>, vector<1x16xf32>,
        %swap3A_146 = vector.shape_cast %swap3A_145 : vector<1x16xf32> to vector<16xf32>
        %swap3A_147 = vector.shape_cast %mul3A_142 : vector<16xf32> to vector<1x16xf32>
        tpu.vector_store %arg10[%swap3A_143, %swap3A_144], %swap3A_147 {strides = array<i32>} : memref<128x128xf32, #tpu.memory_space<vmem>>, vector<1x16xf32>,
        %get3A_148 = arith.index_cast %add3A_126 : i32 to index
        %get3A_149 = arith.constant 32 : index
        %get3A_150 = tpu.vector_load %arg10[%get3A_148, %get3A_149] {strides = array<i32>} : memref<128x128xf32, #tpu.memory_space<vmem>>, vector<1x16xf32>,
        %get3A_151 = vector.shape_cast %get3A_150 : vector<1x16xf32> to vector<16xf32>
        %mul3A_152 = vector.broadcast %squeeze3A : f32 to vector<16xf32>
        %mul3A_153 = arith.mulf %get3A_151, %mul3A_152 : vector<16xf32>
        %swap3A_154 = arith.index_cast %add3A_126 : i32 to index
        %swap3A_155 = arith.constant 32 : index
        %swap3A_156 = tpu.vector_load %arg10[%swap3A_154, %swap3A_155] {strides = array<i32>} : memref<128x128xf32, #tpu.memory_space<vmem>>, vector<1x16xf32>,
        %swap3A_157 = vector.shape_cast %swap3A_156 : vector<1x16xf32> to vector<16xf32>
        %swap3A_158 = vector.shape_cast %mul3A_153 : vector<16xf32> to vector<1x16xf32>
        tpu.vector_store %arg10[%swap3A_154, %swap3A_155], %swap3A_158 {strides = array<i32>} : memref<128x128xf32, #tpu.memory_space<vmem>>, vector<1x16xf32>,
        %get3A_159 = arith.index_cast %add3A_126 : i32 to index
        %get3A_160 = arith.constant 48 : index
        %get3A_161 = tpu.vector_load %arg10[%get3A_159, %get3A_160] {strides = array<i32>} : memref<128x128xf32, #tpu.memory_space<vmem>>, vector<1x16xf32>,
        %get3A_162 = vector.shape_cast %get3A_161 : vector<1x16xf32> to vector<16xf32>
        %mul3A_163 = vector.broadcast %squeeze3A : f32 to vector<16xf32>
        %mul3A_164 = arith.mulf %get3A_162, %mul3A_163 : vector<16xf32>
        %swap3A_165 = arith.index_cast %add3A_126 : i32 to index
        %swap3A_166 = arith.constant 48 : index
        %swap3A_167 = tpu.vector_load %arg10[%swap3A_165, %swap3A_166] {strides = array<i32>} : memref<128x128xf32, #tpu.memory_space<vmem>>, vector<1x16xf32>,
        %swap3A_168 = vector.shape_cast %swap3A_167 : vector<1x16xf32> to vector<16xf32>
        %swap3A_169 = vector.shape_cast %mul3A_164 : vector<16xf32> to vector<1x16xf32>
        tpu.vector_store %arg10[%swap3A_165, %swap3A_166], %swap3A_169 {strides = array<i32>} : memref<128x128xf32, #tpu.memory_space<vmem>>, vector<1x16xf32>,
        %get3A_170 = arith.index_cast %add3A_126 : i32 to index
        %get3A_171 = arith.constant 64 : index
        %get3A_172 = tpu.vector_load %arg10[%get3A_170, %get3A_171] {strides = array<i32>} : memref<128x128xf32, #tpu.memory_space<vmem>>, vector<1x16xf32>,
        %get3A_173 = vector.shape_cast %get3A_172 : vector<1x16xf32> to vector<16xf32>
        %mul3A_174 = vector.broadcast %squeeze3A : f32 to vector<16xf32>
        %mul3A_175 = arith.mulf %get3A_173, %mul3A_174 : vector<16xf32>
        %swap3A_176 = arith.index_cast %add3A_126 : i32 to index
        %swap3A_177 = arith.constant 64 : index
        %swap3A_178 = tpu.vector_load %arg10[%swap3A_176, %swap3A_177] {strides = array<i32>} : memref<128x128xf32, #tpu.memory_space<vmem>>, vector<1x16xf32>,
        %swap3A_179 = vector.shape_cast %swap3A_178 : vector<1x16xf32> to vector<16xf32>
        %swap3A_180 = vector.shape_cast %mul3A_175 : vector<16xf32> to vector<1x16xf32>
        tpu.vector_store %arg10[%swap3A_176, %swap3A_177], %swap3A_180 {strides = array<i32>} : memref<128x128xf32, #tpu.memory_space<vmem>>, vector<1x16xf32>,
        %get3A_181 = arith.index_cast %add3A_126 : i32 to index
        %get3A_182 = arith.constant 80 : index
        %get3A_183 = tpu.vector_load %arg10[%get3A_181, %get3A_182] {strides = array<i32>} : memref<128x128xf32, #tpu.memory_space<vmem>>, vector<1x16xf32>,
        %get3A_184 = vector.shape_cast %get3A_183 : vector<1x16xf32> to vector<16xf32>
        %mul3A_185 = vector.broadcast %squeeze3A : f32 to vector<16xf32>
        %mul3A_186 = arith.mulf %get3A_184, %mul3A_185 : vector<16xf32>
        %swap3A_187 = arith.index_cast %add3A_126 : i32 to index
        %swap3A_188 = arith.constant 80 : index
        %swap3A_189 = tpu.vector_load %arg10[%swap3A_187, %swap3A_188] {strides = array<i32>} : memref<128x128xf32, #tpu.memory_space<vmem>>, vector<1x16xf32>,
        %swap3A_190 = vector.shape_cast %swap3A_189 : vector<1x16xf32> to vector<16xf32>
        %swap3A_191 = vector.shape_cast %mul3A_186 : vector<16xf32> to vector<1x16xf32>
        tpu.vector_store %arg10[%swap3A_187, %swap3A_188], %swap3A_191 {strides = array<i32>} : memref<128x128xf32, #tpu.memory_space<vmem>>, vector<1x16xf32>,
        %get3A_192 = arith.index_cast %add3A_126 : i32 to index
        %get3A_193 = arith.constant 96 : index
        %get3A_194 = tpu.vector_load %arg10[%get3A_192, %get3A_193] {strides = array<i32>} : memref<128x128xf32, #tpu.memory_space<vmem>>, vector<1x16xf32>,
        %get3A_195 = vector.shape_cast %get3A_194 : vector<1x16xf32> to vector<16xf32>
        %mul3A_196 = vector.broadcast %squeeze3A : f32 to vector<16xf32>
        %mul3A_197 = arith.mulf %get3A_195, %mul3A_196 : vector<16xf32>
        %swap3A_198 = arith.index_cast %add3A_126 : i32 to index
        %swap3A_199 = arith.constant 96 : index
        %swap3A_200 = tpu.vector_load %arg10[%swap3A_198, %swap3A_199] {strides = array<i32>} : memref<128x128xf32, #tpu.memory_space<vmem>>, vector<1x16xf32>,
        %swap3A_201 = vector.shape_cast %swap3A_200 : vector<1x16xf32> to vector<16xf32>
        %swap3A_202 = vector.shape_cast %mul3A_197 : vector<16xf32> to vector<1x16xf32>
        tpu.vector_store %arg10[%swap3A_198, %swap3A_199], %swap3A_202 {strides = array<i32>} : memref<128x128xf32, #tpu.memory_space<vmem>>, vector<1x16xf32>,
        %get3A_203 = arith.index_cast %add3A_126 : i32 to index
        %get3A_204 = arith.constant 112 : index
        %get3A_205 = tpu.vector_load %arg10[%get3A_203, %get3A_204] {strides = array<i32>} : memref<128x128xf32, #tpu.memory_space<vmem>>, vector<1x16xf32>,
        %get3A_206 = vector.shape_cast %get3A_205 : vector<1x16xf32> to vector<16xf32>
        %mul3A_207 = vector.broadcast %squeeze3A : f32 to vector<16xf32>
        %mul3A_208 = arith.mulf %get3A_206, %mul3A_207 : vector<16xf32>
        %swap3A_209 = arith.index_cast %add3A_126 : i32 to index
        %swap3A_210 = arith.constant 112 : index
        %swap3A_211 = tpu.vector_load %arg10[%swap3A_209, %swap3A_210] {strides = array<i32>} : memref<128x128xf32, #tpu.memory_space<vmem>>, vector<1x16xf32>,
        %swap3A_212 = vector.shape_cast %swap3A_211 : vector<1x16xf32> to vector<16xf32>
        %swap3A_213 = vector.shape_cast %mul3A_208 : vector<16xf32> to vector<1x16xf32>
        tpu.vector_store %arg10[%swap3A_209, %swap3A_210], %swap3A_213 {strides = array<i32>} : memref<128x128xf32, #tpu.memory_space<vmem>>, vector<1x16xf32>,
        %slice3A_214 = vector.extract_strided_slice %min3A_122 {offsets = [1], sizes = [1], strides = [1]} : vector<16xf32> to vector<1xf32>
        %squeeze3A_215 = vector.extract %slice3A_214[0] : f32 from vector<1xf32>
        %mul3A_216 = arith.constant 16 : i32
        %mul3A_217 = arith.muli %scan3A_111, %mul3A_216 : i32
        %add3A_218 = arith.constant 1 : i32
        %add3A_219 = arith.addi %mul3A_217, %add3A_218 : i32
        %get3A_220 = arith.index_cast %add3A_219 : i32 to index
        %get3A_221 = arith.constant 0 : index
        %get3A_222 = tpu.vector_load %arg10[%get3A_220, %get3A_221] {strides = array<i32>} : memref<128x128xf32, #tpu.memory_space<vmem>>, vector<1x16xf32>,
        %get3A_223 = vector.shape_cast %get3A_222 : vector<1x16xf32> to vector<16xf32>
        %mul3A_224 = vector.broadcast %squeeze3A_215 : f32 to vector<16xf32>
        %mul3A_225 = arith.mulf %get3A_223, %mul3A_224 : vector<16xf32>
        %swap3A_226 = arith.index_cast %add3A_219 : i32 to index
        %swap3A_227 = arith.constant 0 : index
        %swap3A_228 = tpu.vector_load %arg10[%swap3A_226, %swap3A_227] {strides = array<i32>} : memref<128x128xf32, #tpu.memory_space<vmem>>, vector<1x16xf32>,
        %swap3A_229 = vector.shape_cast %swap3A_228 : vector<1x16xf32> to vector<16xf32>
        %swap3A_230 = vector.shape_cast %mul3A_225 : vector<16xf32> to vector<1x16xf32>
        tpu.vector_store %arg10[%swap3A_226, %swap3A_227], %swap3A_230 {strides = array<i32>} : memref<128x128xf32, #tpu.memory_space<vmem>>, vector<1x16xf32>,
        %get3A_231 = arith.index_cast %add3A_219 : i32 to index
        %get3A_232 = arith.constant 16 : index
        %get3A_233 = tpu.vector_load %arg10[%get3A_231, %get3A_232] {strides = array<i32>} : memref<128x128xf32, #tpu.memory_space<vmem>>, vector<1x16xf32>,
        %get3A_234 = vector.shape_cast %get3A_233 : vector<1x16xf32> to vector<16xf32>
        %mul3A_235 = vector.broadcast %squeeze3A_215 : f32 to vector<16xf32>
        %mul3A_236 = arith.mulf %get3A_234, %mul3A_235 : vector<16xf32>
        %swap3A_237 = arith.index_cast %add3A_219 : i32 to index
        %swap3A_238 = arith.constant 16 : index
        %swap3A_239 = tpu.vector_load %arg10[%swap3A_237, %swap3A_238] {strides = array<i32>} : memref<128x128xf32, #tpu.memory_space<vmem>>, vector<1x16xf32>,
        %swap3A_240 = vector.shape_cast %swap3A_239 : vector<1x16xf32> to vector<16xf32>
        %swap3A_241 = vector.shape_cast %mul3A_236 : vector<16xf32> to vector<1x16xf32>
        tpu.vector_store %arg10[%swap3A_237, %swap3A_238], %swap3A_241 {strides = array<i32>} : memref<128x128xf32, #tpu.memory_space<vmem>>, vector<1x16xf32>,
        %get3A_242 = arith.index_cast %add3A_219 : i32 to index
        %get3A_243 = arith.constant 32 : index
        %get3A_244 = tpu.vector_load %arg10[%get3A_242, %get3A_243] {strides = array<i32>} : memref<128x128xf32, #tpu.memory_space<vmem>>, vector<1x16xf32>,
        %get3A_245 = vector.shape_cast %get3A_244 : vector<1x16xf32> to vector<16xf32>
        %mul3A_246 = vector.broadcast %squeeze3A_215 : f32 to vector<16xf32>
        %mul3A_247 = arith.mulf %get3A_245, %mul3A_246 : vector<16xf32>
        %swap3A_248 = arith.index_cast %add3A_219 : i32 to index
        %swap3A_249 = arith.constant 32 : index
        %swap3A_250 = tpu.vector_load %arg10[%swap3A_248, %swap3A_249] {strides = array<i32>} : memref<128x128xf32, #tpu.memory_space<vmem>>, vector<1x16xf32>,
        %swap3A_251 = vector.shape_cast %swap3A_250 : vector<1x16xf32> to vector<16xf32>
        %swap3A_252 = vector.shape_cast %mul3A_247 : vector<16xf32> to vector<1x16xf32>
        tpu.vector_store %arg10[%swap3A_248, %swap3A_249], %swap3A_252 {strides = array<i32>} : memref<128x128xf32, #tpu.memory_space<vmem>>, vector<1x16xf32>,
        %get3A_253 = arith.index_cast %add3A_219 : i32 to index
        %get3A_254 = arith.constant 48 : index
        %get3A_255 = tpu.vector_load %arg10[%get3A_253, %get3A_254] {strides = array<i32>} : memref<128x128xf32, #tpu.memory_space<vmem>>, vector<1x16xf32>,
        %get3A_256 = vector.shape_cast %get3A_255 : vector<1x16xf32> to vector<16xf32>
        %mul3A_257 = vector.broadcast %squeeze3A_215 : f32 to vector<16xf32>
        %mul3A_258 = arith.mulf %get3A_256, %mul3A_257 : vector<16xf32>
        %swap3A_259 = arith.index_cast %add3A_219 : i32 to index
        %swap3A_260 = arith.constant 48 : index
        %swap3A_261 = tpu.vector_load %arg10[%swap3A_259, %swap3A_260] {strides = array<i32>} : memref<128x128xf32, #tpu.memory_space<vmem>>, vector<1x16xf32>,
        %swap3A_262 = vector.shape_cast %swap3A_261 : vector<1x16xf32> to vector<16xf32>
        %swap3A_263 = vector.shape_cast %mul3A_258 : vector<16xf32> to vector<1x16xf32>
        tpu.vector_store %arg10[%swap3A_259, %swap3A_260], %swap3A_263 {strides = array<i32>} : memref<128x128xf32, #tpu.memory_space<vmem>>, vector<1x16xf32>,
        %get3A_264 = arith.index_cast %add3A_219 : i32 to index
        %get3A_265 = arith.constant 64 : index
        %get3A_266 = tpu.vector_load %arg10[%get3A_264, %get3A_265] {strides = array<i32>} : memref<128x128xf32, #tpu.memory_space<vmem>>, vector<1x16xf32>,
        %get3A_267 = vector.shape_cast %get3A_266 : vector<1x16xf32> to vector<16xf32>
        %mul3A_268 = vector.broadcast %squeeze3A_215 : f32 to vector<16xf32>
        %mul3A_269 = arith.mulf %get3A_267, %mul3A_268 : vector<16xf32>
        %swap3A_270 = arith.index_cast %add3A_219 : i32 to index
        %swap3A_271 = arith.constant 64 : index
        %swap3A_272 = tpu.vector_load %arg10[%swap3A_270, %swap3A_271] {strides = array<i32>} : memref<128x128xf32, #tpu.memory_space<vmem>>, vector<1x16xf32>,
        %swap3A_273 = vector.shape_cast %swap3A_272 : vector<1x16xf32> to vector<16xf32>
        %swap3A_274 = vector.shape_cast %mul3A_269 : vector<16xf32> to vector<1x16xf32>
        tpu.vector_store %arg10[%swap3A_270, %swap3A_271], %swap3A_274 {strides = array<i32>} : memref<128x128xf32, #tpu.memory_space<vmem>>, vector<1x16xf32>,
        %get3A_275 = arith.index_cast %add3A_219 : i32 to index
        %get3A_276 = arith.constant 80 : index
        %get3A_277 = tpu.vector_load %arg10[%get3A_275, %get3A_276] {strides = array<i32>} : memref<128x128xf32, #tpu.memory_space<vmem>>, vector<1x16xf32>,
        %get3A_278 = vector.shape_cast %get3A_277 : vector<1x16xf32> to vector<16xf32>
        %mul3A_279 = vector.broadcast %squeeze3A_215 : f32 to vector<16xf32>
        %mul3A_280 = arith.mulf %get3A_278, %mul3A_279 : vector<16xf32>
        %swap3A_281 = arith.index_cast %add3A_219 : i32 to index
        %swap3A_282 = arith.constant 80 : index
        %swap3A_283 = tpu.vector_load %arg10[%swap3A_281, %swap3A_282] {strides = array<i32>} : memref<128x128xf32, #tpu.memory_space<vmem>>, vector<1x16xf32>,
        %swap3A_284 = vector.shape_cast %swap3A_283 : vector<1x16xf32> to vector<16xf32>
        %swap3A_285 = vector.shape_cast %mul3A_280 : vector<16xf32> to vector<1x16xf32>
        tpu.vector_store %arg10[%swap3A_281, %swap3A_282], %swap3A_285 {strides = array<i32>} : memref<128x128xf32, #tpu.memory_space<vmem>>, vector<1x16xf32>,
        %get3A_286 = arith.index_cast %add3A_219 : i32 to index
        %get3A_287 = arith.constant 96 : index
        %get3A_288 = tpu.vector_load %arg10[%get3A_286, %get3A_287] {strides = array<i32>} : memref<128x128xf32, #tpu.memory_space<vmem>>, vector<1x16xf32>,
        %get3A_289 = vector.shape_cast %get3A_288 : vector<1x16xf32> to vector<16xf32>
        %mul3A_290 = vector.broadcast %squeeze3A_215 : f32 to vector<16xf32>
        %mul3A_291 = arith.mulf %get3A_289, %mul3A_290 : vector<16xf32>
        %swap3A_292 = arith.index_cast %add3A_219 : i32 to index
        %swap3A_293 = arith.constant 96 : index
        %swap3A_294 = tpu.vector_load %arg10[%swap3A_292, %swap3A_293] {strides = array<i32>} : memref<128x128xf32, #tpu.memory_space<vmem>>, vector<1x16xf32>,
        %swap3A_295 = vector.shape_cast %swap3A_294 : vector<1x16xf32> to vector<16xf32>
        %swap3A_296 = vector.shape_cast %mul3A_291 : vector<16xf32> to vector<1x16xf32>
        tpu.vector_store %arg10[%swap3A_292, %swap3A_293], %swap3A_296 {strides = array<i32>} : memref<128x128xf32, #tpu.memory_space<vmem>>, vector<1x16xf32>,
        %get3A_297 = arith.index_cast %add3A_219 : i32 to index
        %get3A_298 = arith.constant 112 : index
        %get3A_299 = tpu.vector_load %arg10[%get3A_297, %get3A_298] {strides = array<i32>} : memref<128x128xf32, #tpu.memory_space<vmem>>, vector<1x16xf32>,
        %get3A_300 = vector.shape_cast %get3A_299 : vector<1x16xf32> to vector<16xf32>
        %mul3A_301 = vector.broadcast %squeeze3A_215 : f32 to vector<16xf32>
        %mul3A_302 = arith.mulf %get3A_300, %mul3A_301 : vector<16xf32>
        %swap3A_303 = arith.index_cast %add3A_219 : i32 to index
        %swap3A_304 = arith.constant 112 : index
        %swap3A_305 = tpu.vector_load %arg10[%swap3A_303, %swap3A_304] {strides = array<i32>} : memref<128x128xf32, #tpu.memory_space<vmem>>, vector<1x16xf32>,
        %swap3A_306 = vector.shape_cast %swap3A_305 : vector<1x16xf32> to vector<16xf32>
        %swap3A_307 = vector.shape_cast %mul3A_302 : vector<16xf32> to vector<1x16xf32>
        tpu.vector_store %arg10[%swap3A_303, %swap3A_304], %swap3A_307 {strides = array<i32>} : memref<128x128xf32, #tpu.memory_space<vmem>>, vector<1x16xf32>,
        %slice3A_308 = vector.extract_strided_slice %min3A_122 {offsets = [2], sizes = [1], strides = [1]} : vector<16xf32> to vector<1xf32>
        %squeeze3A_309 = vector.extract %slice3A_308[0] : f32 from vector<1xf32>
        %mul3A_310 = arith.constant 16 : i32
        %mul3A_311 = arith.muli %scan3A_111, %mul3A_310 : i32
        %add3A_312 = arith.constant 2 : i32
        %add3A_313 = arith.addi %mul3A_311, %add3A_312 : i32
        %get3A_314 = arith.index_cast %add3A_313 : i32 to index
        %get3A_315 = arith.constant 0 : index
        %get3A_316 = tpu.vector_load %arg10[%get3A_314, %get3A_315] {strides = array<i32>} : memref<128x128xf32, #tpu.memory_space<vmem>>, vector<1x16xf32>,
        %get3A_317 = vector.shape_cast %get3A_316 : vector<1x16xf32> to vector<16xf32>
        %mul3A_318 = vector.broadcast %squeeze3A_309 : f32 to vector<16xf32>
        %mul3A_319 = arith.mulf %get3A_317, %mul3A_318 : vector<16xf32>
        %swap3A_320 = arith.index_cast %add3A_313 : i32 to index
        %swap3A_321 = arith.constant 0 : index
        %swap3A_322 = tpu.vector_load %arg10[%swap3A_320, %swap3A_321] {strides = array<i32>} : memref<128x128xf32, #tpu.memory_space<vmem>>, vector<1x16xf32>,
        %swap3A_323 = vector.shape_cast %swap3A_322 : vector<1x16xf32> to vector<16xf32>
        %swap3A_324 = vector.shape_cast %mul3A_319 : vector<16xf32> to vector<1x16xf32>
        tpu.vector_store %arg10[%swap3A_320, %swap3A_321], %swap3A_324 {strides = array<i32>} : memref<128x128xf32, #tpu.memory_space<vmem>>, vector<1x16xf32>,
        %get3A_325 = arith.index_cast %add3A_313 : i32 to index
        %get3A_326 = arith.constant 16 : index
        %get3A_327 = tpu.vector_load %arg10[%get3A_325, %get3A_326] {strides = array<i32>} : memref<128x128xf32, #tpu.memory_space<vmem>>, vector<1x16xf32>,
        %get3A_328 = vector.shape_cast %get3A_327 : vector<1x16xf32> to vector<16xf32>
        %mul3A_329 = vector.broadcast %squeeze3A_309 : f32 to vector<16xf32>
        %mul3A_330 = arith.mulf %get3A_328, %mul3A_329 : vector<16xf32>
        %swap3A_331 = arith.index_cast %add3A_313 : i32 to index
        %swap3A_332 = arith.constant 16 : index
        %swap3A_333 = tpu.vector_load %arg10[%swap3A_331, %swap3A_332] {strides = array<i32>} : memref<128x128xf32, #tpu.memory_space<vmem>>, vector<1x16xf32>,
        %swap3A_334 = vector.shape_cast %swap3A_333 : vector<1x16xf32> to vector<16xf32>
        %swap3A_335 = vector.shape_cast %mul3A_330 : vector<16xf32> to vector<1x16xf32>
        tpu.vector_store %arg10[%swap3A_331, %swap3A_332], %swap3A_335 {strides = array<i32>} : memref<128x128xf32, #tpu.memory_space<vmem>>, vector<1x16xf32>,
        %get3A_336 = arith.index_cast %add3A_313 : i32 to index
        %get3A_337 = arith.constant 32 : index
        %get3A_338 = tpu.vector_load %arg10[%get3A_336, %get3A_337] {strides = array<i32>} : memref<128x128xf32, #tpu.memory_space<vmem>>, vector<1x16xf32>,
        %get3A_339 = vector.shape_cast %get3A_338 : vector<1x16xf32> to vector<16xf32>
        %mul3A_340 = vector.broadcast %squeeze3A_309 : f32 to vector<16xf32>
        %mul3A_341 = arith.mulf %get3A_339, %mul3A_340 : vector<16xf32>
        %swap3A_342 = arith.index_cast %add3A_313 : i32 to index
        %swap3A_343 = arith.constant 32 : index
        %swap3A_344 = tpu.vector_load %arg10[%swap3A_342, %swap3A_343] {strides = array<i32>} : memref<128x128xf32, #tpu.memory_space<vmem>>, vector<1x16xf32>,
        %swap3A_345 = vector.shape_cast %swap3A_344 : vector<1x16xf32> to vector<16xf32>
        %swap3A_346 = vector.shape_cast %mul3A_341 : vector<16xf32> to vector<1x16xf32>
        tpu.vector_store %arg10[%swap3A_342, %swap3A_343], %swap3A_346 {strides = array<i32>} : memref<128x128xf32, #tpu.memory_space<vmem>>, vector<1x16xf32>,
        %get3A_347 = arith.index_cast %add3A_313 : i32 to index
        %get3A_348 = arith.constant 48 : index
        %get3A_349 = tpu.vector_load %arg10[%get3A_347, %get3A_348] {strides = array<i32>} : memref<128x128xf32, #tpu.memory_space<vmem>>, vector<1x16xf32>,
        %get3A_350 = vector.shape_cast %get3A_349 : vector<1x16xf32> to vector<16xf32>
        %mul3A_351 = vector.broadcast %squeeze3A_309 : f32 to vector<16xf32>
        %mul3A_352 = arith.mulf %get3A_350, %mul3A_351 : vector<16xf32>
        %swap3A_353 = arith.index_cast %add3A_313 : i32 to index
        %swap3A_354 = arith.constant 48 : index
        %swap3A_355 = tpu.vector_load %arg10[%swap3A_353, %swap3A_354] {strides = array<i32>} : memref<128x128xf32, #tpu.memory_space<vmem>>, vector<1x16xf32>,
        %swap3A_356 = vector.shape_cast %swap3A_355 : vector<1x16xf32> to vector<16xf32>
        %swap3A_357 = vector.shape_cast %mul3A_352 : vector<16xf32> to vector<1x16xf32>
        tpu.vector_store %arg10[%swap3A_353, %swap3A_354], %swap3A_357 {strides = array<i32>} : memref<128x128xf32, #tpu.memory_space<vmem>>, vector<1x16xf32>,
        %get3A_358 = arith.index_cast %add3A_313 : i32 to index
        %get3A_359 = arith.constant 64 : index
        %get3A_360 = tpu.vector_load %arg10[%get3A_358, %get3A_359] {strides = array<i32>} : memref<128x128xf32, #tpu.memory_space<vmem>>, vector<1x16xf32>,
        %get3A_361 = vector.shape_cast %get3A_360 : vector<1x16xf32> to vector<16xf32>
        %mul3A_362 = vector.broadcast %squeeze3A_309 : f32 to vector<16xf32>
        %mul3A_363 = arith.mulf %get3A_361, %mul3A_362 : vector<16xf32>
        %swap3A_364 = arith.index_cast %add3A_313 : i32 to index
        %swap3A_365 = arith.constant 64 : index
        %swap3A_366 = tpu.vector_load %arg10[%swap3A_364, %swap3A_365] {strides = array<i32>} : memref<128x128xf32, #tpu.memory_space<vmem>>, vector<1x16xf32>,
        %swap3A_367 = vector.shape_cast %swap3A_366 : vector<1x16xf32> to vector<16xf32>
        %swap3A_368 = vector.shape_cast %mul3A_363 : vector<16xf32> to vector<1x16xf32>
        tpu.vector_store %arg10[%swap3A_364, %swap3A_365], %swap3A_368 {strides = array<i32>} : memref<128x128xf32, #tpu.memory_space<vmem>>, vector<1x16xf32>,
        %get3A_369 = arith.index_cast %add3A_313 : i32 to index
        %get3A_370 = arith.constant 80 : index
        %get3A_371 = tpu.vector_load %arg10[%get3A_369, %get3A_370] {strides = array<i32>} : memref<128x128xf32, #tpu.memory_space<vmem>>, vector<1x16xf32>,
        %get3A_372 = vector.shape_cast %get3A_371 : vector<1x16xf32> to vector<16xf32>
        %mul3A_373 = vector.broadcast %squeeze3A_309 : f32 to vector<16xf32>
        %mul3A_374 = arith.mulf %get3A_372, %mul3A_373 : vector<16xf32>
        %swap3A_375 = arith.index_cast %add3A_313 : i32 to index
        %swap3A_376 = arith.constant 80 : index
        %swap3A_377 = tpu.vector_load %arg10[%swap3A_375, %swap3A_376] {strides = array<i32>} : memref<128x128xf32, #tpu.memory_space<vmem>>, vector<1x16xf32>,
        %swap3A_378 = vector.shape_cast %swap3A_377 : vector<1x16xf32> to vector<16xf32>
        %swap3A_379 = vector.shape_cast %mul3A_374 : vector<16xf32> to vector<1x16xf32>
        tpu.vector_store %arg10[%swap3A_375, %swap3A_376], %swap3A_379 {strides = array<i32>} : memref<128x128xf32, #tpu.memory_space<vmem>>, vector<1x16xf32>,
        %get3A_380 = arith.index_cast %add3A_313 : i32 to index
        %get3A_381 = arith.constant 96 : index
        %get3A_382 = tpu.vector_load %arg10[%get3A_380, %get3A_381] {strides = array<i32>} : memref<128x128xf32, #tpu.memory_space<vmem>>, vector<1x16xf32>,
        %get3A_383 = vector.shape_cast %get3A_382 : vector<1x16xf32> to vector<16xf32>
        %mul3A_384 = vector.broadcast %squeeze3A_309 : f32 to vector<16xf32>
        %mul3A_385 = arith.mulf %get3A_383, %mul3A_384 : vector<16xf32>
        %swap3A_386 = arith.index_cast %add3A_313 : i32 to index
        %swap3A_387 = arith.constant 96 : index
        %swap3A_388 = tpu.vector_load %arg10[%swap3A_386, %swap3A_387] {strides = array<i32>} : memref<128x128xf32, #tpu.memory_space<vmem>>, vector<1x16xf32>,
        %swap3A_389 = vector.shape_cast %swap3A_388 : vector<1x16xf32> to vector<16xf32>
        %swap3A_390 = vector.shape_cast %mul3A_385 : vector<16xf32> to vector<1x16xf32>
        tpu.vector_store %arg10[%swap3A_386, %swap3A_387], %swap3A_390 {strides = array<i32>} : memref<128x128xf32, #tpu.memory_space<vmem>>, vector<1x16xf32>,
        %get3A_391 = arith.index_cast %add3A_313 : i32 to index
        %get3A_392 = arith.constant 112 : index
        %get3A_393 = tpu.vector_load %arg10[%get3A_391, %get3A_392] {strides = array<i32>} : memref<128x128xf32, #tpu.memory_space<vmem>>, vector<1x16xf32>,
        %get3A_394 = vector.shape_cast %get3A_393 : vector<1x16xf32> to vector<16xf32>
        %mul3A_395 = vector.broadcast %squeeze3A_309 : f32 to vector<16xf32>
        %mul3A_396 = arith.mulf %get3A_394, %mul3A_395 : vector<16xf32>
        %swap3A_397 = arith.index_cast %add3A_313 : i32 to index
        %swap3A_398 = arith.constant 112 : index
        %swap3A_399 = tpu.vector_load %arg10[%swap3A_397, %swap3A_398] {strides = array<i32>} : memref<128x128xf32, #tpu.memory_space<vmem>>, vector<1x16xf32>,
        %swap3A_400 = vector.shape_cast %swap3A_399 : vector<1x16xf32> to vector<16xf32>
        %swap3A_401 = vector.shape_cast %mul3A_396 : vector<16xf32> to vector<1x16xf32>
        tpu.vector_store %arg10[%swap3A_397, %swap3A_398], %swap3A_401 {strides = array<i32>} : memref<128x128xf32, #tpu.memory_space<vmem>>, vector<1x16xf32>,
        %slice3A_402 = vector.extract_strided_slice %min3A_122 {offsets = [3], sizes = [1], strides = [1]} : vector<16xf32> to vector<1xf32>
        %squeeze3A_403 = vector.extract %slice3A_402[0] : f32 from vector<1xf32>
        %mul3A_404 = arith.constant 16 : i32
        %mul3A_405 = arith.muli %scan3A_111, %mul3A_404 : i32
        %add3A_406 = arith.constant 3 : i32
        %add3A_407 = arith.addi %mul3A_405, %add3A_406 : i32
        %get3A_408 = arith.index_cast %add3A_407 : i32 to index
        %get3A_409 = arith.constant 0 : index
        %get3A_410 = tpu.vector_load %arg10[%get3A_408, %get3A_409] {strides = array<i32>} : memref<128x128xf32, #tpu.memory_space<vmem>>, vector<1x16xf32>,
        %get3A_411 = vector.shape_cast %get3A_410 : vector<1x16xf32> to vector<16xf32>
        %mul3A_412 = vector.broadcast %squeeze3A_403 : f32 to vector<16xf32>
        %mul3A_413 = arith.mulf %get3A_411, %mul3A_412 : vector<16xf32>
        %swap3A_414 = arith.index_cast %add3A_407 : i32 to index
        %swap3A_415 = arith.constant 0 : index
        %swap3A_416 = tpu.vector_load %arg10[%swap3A_414, %swap3A_415] {strides = array<i32>} : memref<128x128xf32, #tpu.memory_space<vmem>>, vector<1x16xf32>,
        %swap3A_417 = vector.shape_cast %swap3A_416 : vector<1x16xf32> to vector<16xf32>
        %swap3A_418 = vector.shape_cast %mul3A_413 : vector<16xf32> to vector<1x16xf32>
        tpu.vector_store %arg10[%swap3A_414, %swap3A_415], %swap3A_418 {strides = array<i32>} : memref<128x128xf32, #tpu.memory_space<vmem>>, vector<1x16xf32>,
        %get3A_419 = arith.index_cast %add3A_407 : i32 to index
        %get3A_420 = arith.constant 16 : index
        %get3A_421 = tpu.vector_load %arg10[%get3A_419, %get3A_420] {strides = array<i32>} : memref<128x128xf32, #tpu.memory_space<vmem>>, vector<1x16xf32>,
        %get3A_422 = vector.shape_cast %get3A_421 : vector<1x16xf32> to vector<16xf32>
        %mul3A_423 = vector.broadcast %squeeze3A_403 : f32 to vector<16xf32>
        %mul3A_424 = arith.mulf %get3A_422, %mul3A_423 : vector<16xf32>
        %swap3A_425 = arith.index_cast %add3A_407 : i32 to index
        %swap3A_426 = arith.constant 16 : index
        %swap3A_427 = tpu.vector_load %arg10[%swap3A_425, %swap3A_426] {strides = array<i32>} : memref<128x128xf32, #tpu.memory_space<vmem>>, vector<1x16xf32>,
        %swap3A_428 = vector.shape_cast %swap3A_427 : vector<1x16xf32> to vector<16xf32>
        %swap3A_429 = vector.shape_cast %mul3A_424 : vector<16xf32> to vector<1x16xf32>
        tpu.vector_store %arg10[%swap3A_425, %swap3A_426], %swap3A_429 {strides = array<i32>} : memref<128x128xf32, #tpu.memory_space<vmem>>, vector<1x16xf32>,
        %get3A_430 = arith.index_cast %add3A_407 : i32 to index
        %get3A_431 = arith.constant 32 : index
        %get3A_432 = tpu.vector_load %arg10[%get3A_430, %get3A_431] {strides = array<i32>} : memref<128x128xf32, #tpu.memory_space<vmem>>, vector<1x16xf32>,
        %get3A_433 = vector.shape_cast %get3A_432 : vector<1x16xf32> to vector<16xf32>
        %mul3A_434 = vector.broadcast %squeeze3A_403 : f32 to vector<16xf32>
        %mul3A_435 = arith.mulf %get3A_433, %mul3A_434 : vector<16xf32>
        %swap3A_436 = arith.index_cast %add3A_407 : i32 to index
        %swap3A_437 = arith.constant 32 : index
        %swap3A_438 = tpu.vector_load %arg10[%swap3A_436, %swap3A_437] {strides = array<i32>} : memref<128x128xf32, #tpu.memory_space<vmem>>, vector<1x16xf32>,
        %swap3A_439 = vector.shape_cast %swap3A_438 : vector<1x16xf32> to vector<16xf32>
        %swap3A_440 = vector.shape_cast %mul3A_435 : vector<16xf32> to vector<1x16xf32>
        tpu.vector_store %arg10[%swap3A_436, %swap3A_437], %swap3A_440 {strides = array<i32>} : memref<128x128xf32, #tpu.memory_space<vmem>>, vector<1x16xf32>,
        %get3A_441 = arith.index_cast %add3A_407 : i32 to index
        %get3A_442 = arith.constant 48 : index
        %get3A_443 = tpu.vector_load %arg10[%get3A_441, %get3A_442] {strides = array<i32>} : memref<128x128xf32, #tpu.memory_space<vmem>>, vector<1x16xf32>,
        %get3A_444 = vector.shape_cast %get3A_443 : vector<1x16xf32> to vector<16xf32>
        %mul3A_445 = vector.broadcast %squeeze3A_403 : f32 to vector<16xf32>
        %mul3A_446 = arith.mulf %get3A_444, %mul3A_445 : vector<16xf32>
        %swap3A_447 = arith.index_cast %add3A_407 : i32 to index
        %swap3A_448 = arith.constant 48 : index
        %swap3A_449 = tpu.vector_load %arg10[%swap3A_447, %swap3A_448] {strides = array<i32>} : memref<128x128xf32, #tpu.memory_space<vmem>>, vector<1x16xf32>,
        %swap3A_450 = vector.shape_cast %swap3A_449 : vector<1x16xf32> to vector<16xf32>
        %swap3A_451 = vector.shape_cast %mul3A_446 : vector<16xf32> to vector<1x16xf32>
        tpu.vector_store %arg10[%swap3A_447, %swap3A_448], %swap3A_451 {strides = array<i32>} : memref<128x128xf32, #tpu.memory_space<vmem>>, vector<1x16xf32>,
        %get3A_452 = arith.index_cast %add3A_407 : i32 to index
        %get3A_453 = arith.constant 64 : index
        %get3A_454 = tpu.vector_load %arg10[%get3A_452, %get3A_453] {strides = array<i32>} : memref<128x128xf32, #tpu.memory_space<vmem>>, vector<1x16xf32>,
        %get3A_455 = vector.shape_cast %get3A_454 : vector<1x16xf32> to vector<16xf32>
        %mul3A_456 = vector.broadcast %squeeze3A_403 : f32 to vector<16xf32>
        %mul3A_457 = arith.mulf %get3A_455, %mul3A_456 : vector<16xf32>
        %swap3A_458 = arith.index_cast %add3A_407 : i32 to index
        %swap3A_459 = arith.constant 64 : index
        %swap3A_460 = tpu.vector_load %arg10[%swap3A_458, %swap3A_459] {strides = array<i32>} : memref<128x128xf32, #tpu.memory_space<vmem>>, vector<1x16xf32>,
        %swap3A_461 = vector.shape_cast %swap3A_460 : vector<1x16xf32> to vector<16xf32>
        %swap3A_462 = vector.shape_cast %mul3A_457 : vector<16xf32> to vector<1x16xf32>
        tpu.vector_store %arg10[%swap3A_458, %swap3A_459], %swap3A_462 {strides = array<i32>} : memref<128x128xf32, #tpu.memory_space<vmem>>, vector<1x16xf32>,
        %get3A_463 = arith.index_cast %add3A_407 : i32 to index
        %get3A_464 = arith.constant 80 : index
        %get3A_465 = tpu.vector_load %arg10[%get3A_463, %get3A_464] {strides = array<i32>} : memref<128x128xf32, #tpu.memory_space<vmem>>, vector<1x16xf32>,
        %get3A_466 = vector.shape_cast %get3A_465 : vector<1x16xf32> to vector<16xf32>
        %mul3A_467 = vector.broadcast %squeeze3A_403 : f32 to vector<16xf32>
        %mul3A_468 = arith.mulf %get3A_466, %mul3A_467 : vector<16xf32>
        %swap3A_469 = arith.index_cast %add3A_407 : i32 to index
        %swap3A_470 = arith.constant 80 : index
        %swap3A_471 = tpu.vector_load %arg10[%swap3A_469, %swap3A_470] {strides = array<i32>} : memref<128x128xf32, #tpu.memory_space<vmem>>, vector<1x16xf32>,
        %swap3A_472 = vector.shape_cast %swap3A_471 : vector<1x16xf32> to vector<16xf32>
        %swap3A_473 = vector.shape_cast %mul3A_468 : vector<16xf32> to vector<1x16xf32>
        tpu.vector_store %arg10[%swap3A_469, %swap3A_470], %swap3A_473 {strides = array<i32>} : memref<128x128xf32, #tpu.memory_space<vmem>>, vector<1x16xf32>,
        %get3A_474 = arith.index_cast %add3A_407 : i32 to index
        %get3A_475 = arith.constant 96 : index
        %get3A_476 = tpu.vector_load %arg10[%get3A_474, %get3A_475] {strides = array<i32>} : memref<128x128xf32, #tpu.memory_space<vmem>>, vector<1x16xf32>,
        %get3A_477 = vector.shape_cast %get3A_476 : vector<1x16xf32> to vector<16xf32>
        %mul3A_478 = vector.broadcast %squeeze3A_403 : f32 to vector<16xf32>
        %mul3A_479 = arith.mulf %get3A_477, %mul3A_478 : vector<16xf32>
        %swap3A_480 = arith.index_cast %add3A_407 : i32 to index
        %swap3A_481 = arith.constant 96 : index
        %swap3A_482 = tpu.vector_load %arg10[%swap3A_480, %swap3A_481] {strides = array<i32>} : memref<128x128xf32, #tpu.memory_space<vmem>>, vector<1x16xf32>,
        %swap3A_483 = vector.shape_cast %swap3A_482 : vector<1x16xf32> to vector<16xf32>
        %swap3A_484 = vector.shape_cast %mul3A_479 : vector<16xf32> to vector<1x16xf32>
        tpu.vector_store %arg10[%swap3A_480, %swap3A_481], %swap3A_484 {strides = array<i32>} : memref<128x128xf32, #tpu.memory_space<vmem>>, vector<1x16xf32>,
        %get3A_485 = arith.index_cast %add3A_407 : i32 to index
        %get3A_486 = arith.constant 112 : index
        %get3A_487 = tpu.vector_load %arg10[%get3A_485, %get3A_486] {strides = array<i32>} : memref<128x128xf32, #tpu.memory_space<vmem>>, vector<1x16xf32>,
        %get3A_488 = vector.shape_cast %get3A_487 : vector<1x16xf32> to vector<16xf32>
        %mul3A_489 = vector.broadcast %squeeze3A_403 : f32 to vector<16xf32>
        %mul3A_490 = arith.mulf %get3A_488, %mul3A_489 : vector<16xf32>
        %swap3A_491 = arith.index_cast %add3A_407 : i32 to index
        %swap3A_492 = arith.constant 112 : index
        %swap3A_493 = tpu.vector_load %arg10[%swap3A_491, %swap3A_492] {strides = array<i32>} : memref<128x128xf32, #tpu.memory_space<vmem>>, vector<1x16xf32>,
        %swap3A_494 = vector.shape_cast %swap3A_493 : vector<1x16xf32> to vector<16xf32>
        %swap3A_495 = vector.shape_cast %mul3A_490 : vector<16xf32> to vector<1x16xf32>
        tpu.vector_store %arg10[%swap3A_491, %swap3A_492], %swap3A_495 {strides = array<i32>} : memref<128x128xf32, #tpu.memory_space<vmem>>, vector<1x16xf32>,
        %slice3A_496 = vector.extract_strided_slice %min3A_122 {offsets = [4], sizes = [1], strides = [1]} : vector<16xf32> to vector<1xf32>
        %squeeze3A_497 = vector.extract %slice3A_496[0] : f32 from vector<1xf32>
        %mul3A_498 = arith.constant 16 : i32
        %mul3A_499 = arith.muli %scan3A_111, %mul3A_498 : i32
        %add3A_500 = arith.constant 4 : i32
        %add3A_501 = arith.addi %mul3A_499, %add3A_500 : i32
        %get3A_502 = arith.index_cast %add3A_501 : i32 to index
        %get3A_503 = arith.constant 0 : index
        %get3A_504 = tpu.vector_load %arg10[%get3A_502, %get3A_503] {strides = array<i32>} : memref<128x128xf32, #tpu.memory_space<vmem>>, vector<1x16xf32>,
        %get3A_505 = vector.shape_cast %get3A_504 : vector<1x16xf32> to vector<16xf32>
        %mul3A_506 = vector.broadcast %squeeze3A_497 : f32 to vector<16xf32>
        %mul3A_507 = arith.mulf %get3A_505, %mul3A_506 : vector<16xf32>
        %swap3A_508 = arith.index_cast %add3A_501 : i32 to index
        %swap3A_509 = arith.constant 0 : index
        %swap3A_510 = tpu.vector_load %arg10[%swap3A_508, %swap3A_509] {strides = array<i32>} : memref<128x128xf32, #tpu.memory_space<vmem>>, vector<1x16xf32>,
        %swap3A_511 = vector.shape_cast %swap3A_510 : vector<1x16xf32> to vector<16xf32>
        %swap3A_512 = vector.shape_cast %mul3A_507 : vector<16xf32> to vector<1x16xf32>
        tpu.vector_store %arg10[%swap3A_508, %swap3A_509], %swap3A_512 {strides = array<i32>} : memref<128x128xf32, #tpu.memory_space<vmem>>, vector<1x16xf32>,
        %get3A_513 = arith.index_cast %add3A_501 : i32 to index
        %get3A_514 = arith.constant 16 : index
        %get3A_515 = tpu.vector_load %arg10[%get3A_513, %get3A_514] {strides = array<i32>} : memref<128x128xf32, #tpu.memory_space<vmem>>, vector<1x16xf32>,
        %get3A_516 = vector.shape_cast %get3A_515 : vector<1x16xf32> to vector<16xf32>
        %mul3A_517 = vector.broadcast %squeeze3A_497 : f32 to vector<16xf32>
        %mul3A_518 = arith.mulf %get3A_516, %mul3A_517 : vector<16xf32>
        %swap3A_519 = arith.index_cast %add3A_501 : i32 to index
        %swap3A_520 = arith.constant 16 : index
        %swap3A_521 = tpu.vector_load %arg10[%swap3A_519, %swap3A_520] {strides = array<i32>} : memref<128x128xf32, #tpu.memory_space<vmem>>, vector<1x16xf32>,
        %swap3A_522 = vector.shape_cast %swap3A_521 : vector<1x16xf32> to vector<16xf32>
        %swap3A_523 = vector.shape_cast %mul3A_518 : vector<16xf32> to vector<1x16xf32>
        tpu.vector_store %arg10[%swap3A_519, %swap3A_520], %swap3A_523 {strides = array<i32>} : memref<128x128xf32, #tpu.memory_space<vmem>>, vector<1x16xf32>,
        %get3A_524 = arith.index_cast %add3A_501 : i32 to index
        %get3A_525 = arith.constant 32 : index
        %get3A_526 = tpu.vector_load %arg10[%get3A_524, %get3A_525] {strides = array<i32>} : memref<128x128xf32, #tpu.memory_space<vmem>>, vector<1x16xf32>,
        %get3A_527 = vector.shape_cast %get3A_526 : vector<1x16xf32> to vector<16xf32>
        %mul3A_528 = vector.broadcast %squeeze3A_497 : f32 to vector<16xf32>
        %mul3A_529 = arith.mulf %get3A_527, %mul3A_528 : vector<16xf32>
        %swap3A_530 = arith.index_cast %add3A_501 : i32 to index
        %swap3A_531 = arith.constant 32 : index
        %swap3A_532 = tpu.vector_load %arg10[%swap3A_530, %swap3A_531] {strides = array<i32>} : memref<128x128xf32, #tpu.memory_space<vmem>>, vector<1x16xf32>,
        %swap3A_533 = vector.shape_cast %swap3A_532 : vector<1x16xf32> to vector<16xf32>
        %swap3A_534 = vector.shape_cast %mul3A_529 : vector<16xf32> to vector<1x16xf32>
        tpu.vector_store %arg10[%swap3A_530, %swap3A_531], %swap3A_534 {strides = array<i32>} : memref<128x128xf32, #tpu.memory_space<vmem>>, vector<1x16xf32>,
        %get3A_535 = arith.index_cast %add3A_501 : i32 to index
        %get3A_536 = arith.constant 48 : index
        %get3A_537 = tpu.vector_load %arg10[%get3A_535, %get3A_536] {strides = array<i32>} : memref<128x128xf32, #tpu.memory_space<vmem>>, vector<1x16xf32>,
        %get3A_538 = vector.shape_cast %get3A_537 : vector<1x16xf32> to vector<16xf32>
        %mul3A_539 = vector.broadcast %squeeze3A_497 : f32 to vector<16xf32>
        %mul3A_540 = arith.mulf %get3A_538, %mul3A_539 : vector<16xf32>
        %swap3A_541 = arith.index_cast %add3A_501 : i32 to index
        %swap3A_542 = arith.constant 48 : index
        %swap3A_543 = tpu.vector_load %arg10[%swap3A_541, %swap3A_542] {strides = array<i32>} : memref<128x128xf32, #tpu.memory_space<vmem>>, vector<1x16xf32>,
        %swap3A_544 = vector.shape_cast %swap3A_543 : vector<1x16xf32> to vector<16xf32>
        %swap3A_545 = vector.shape_cast %mul3A_540 : vector<16xf32> to vector<1x16xf32>
        tpu.vector_store %arg10[%swap3A_541, %swap3A_542], %swap3A_545 {strides = array<i32>} : memref<128x128xf32, #tpu.memory_space<vmem>>, vector<1x16xf32>,
        %get3A_546 = arith.index_cast %add3A_501 : i32 to index
        %get3A_547 = arith.constant 64 : index
        %get3A_548 = tpu.vector_load %arg10[%get3A_546, %get3A_547] {strides = array<i32>} : memref<128x128xf32, #tpu.memory_space<vmem>>, vector<1x16xf32>,
        %get3A_549 = vector.shape_cast %get3A_548 : vector<1x16xf32> to vector<16xf32>
        %mul3A_550 = vector.broadcast %squeeze3A_497 : f32 to vector<16xf32>
        %mul3A_551 = arith.mulf %get3A_549, %mul3A_550 : vector<16xf32>
        %swap3A_552 = arith.index_cast %add3A_501 : i32 to index
        %swap3A_553 = arith.constant 64 : index
        %swap3A_554 = tpu.vector_load %arg10[%swap3A_552, %swap3A_553] {strides = array<i32>} : memref<128x128xf32, #tpu.memory_space<vmem>>, vector<1x16xf32>,
        %swap3A_555 = vector.shape_cast %swap3A_554 : vector<1x16xf32> to vector<16xf32>
        %swap3A_556 = vector.shape_cast %mul3A_551 : vector<16xf32> to vector<1x16xf32>
        tpu.vector_store %arg10[%swap3A_552, %swap3A_553], %swap3A_556 {strides = array<i32>} : memref<128x128xf32, #tpu.memory_space<vmem>>, vector<1x16xf32>,
        %get3A_557 = arith.index_cast %add3A_501 : i32 to index
        %get3A_558 = arith.constant 80 : index
        %get3A_559 = tpu.vector_load %arg10[%get3A_557, %get3A_558] {strides = array<i32>} : memref<128x128xf32, #tpu.memory_space<vmem>>, vector<1x16xf32>,
        %get3A_560 = vector.shape_cast %get3A_559 : vector<1x16xf32> to vector<16xf32>
        %mul3A_561 = vector.broadcast %squeeze3A_497 : f32 to vector<16xf32>
        %mul3A_562 = arith.mulf %get3A_560, %mul3A_561 : vector<16xf32>
        %swap3A_563 = arith.index_cast %add3A_501 : i32 to index
        %swap3A_564 = arith.constant 80 : index
        %swap3A_565 = tpu.vector_load %arg10[%swap3A_563, %swap3A_564] {strides = array<i32>} : memref<128x128xf32, #tpu.memory_space<vmem>>, vector<1x16xf32>,
        %swap3A_566 = vector.shape_cast %swap3A_565 : vector<1x16xf32> to vector<16xf32>
        %swap3A_567 = vector.shape_cast %mul3A_562 : vector<16xf32> to vector<1x16xf32>
        tpu.vector_store %arg10[%swap3A_563, %swap3A_564], %swap3A_567 {strides = array<i32>} : memref<128x128xf32, #tpu.memory_space<vmem>>, vector<1x16xf32>,
        %get3A_568 = arith.index_cast %add3A_501 : i32 to index
        %get3A_569 = arith.constant 96 : index
        %get3A_570 = tpu.vector_load %arg10[%get3A_568, %get3A_569] {strides = array<i32>} : memref<128x128xf32, #tpu.memory_space<vmem>>, vector<1x16xf32>,
        %get3A_571 = vector.shape_cast %get3A_570 : vector<1x16xf32> to vector<16xf32>
        %mul3A_572 = vector.broadcast %squeeze3A_497 : f32 to vector<16xf32>
        %mul3A_573 = arith.mulf %get3A_571, %mul3A_572 : vector<16xf32>
        %swap3A_574 = arith.index_cast %add3A_501 : i32 to index
        %swap3A_575 = arith.constant 96 : index
        %swap3A_576 = tpu.vector_load %arg10[%swap3A_574, %swap3A_575] {strides = array<i32>} : memref<128x128xf32, #tpu.memory_space<vmem>>, vector<1x16xf32>,
        %swap3A_577 = vector.shape_cast %swap3A_576 : vector<1x16xf32> to vector<16xf32>
        %swap3A_578 = vector.shape_cast %mul3A_573 : vector<16xf32> to vector<1x16xf32>
        tpu.vector_store %arg10[%swap3A_574, %swap3A_575], %swap3A_578 {strides = array<i32>} : memref<128x128xf32, #tpu.memory_space<vmem>>, vector<1x16xf32>,
        %get3A_579 = arith.index_cast %add3A_501 : i32 to index
        %get3A_580 = arith.constant 112 : index
        %get3A_581 = tpu.vector_load %arg10[%get3A_579, %get3A_580] {strides = array<i32>} : memref<128x128xf32, #tpu.memory_space<vmem>>, vector<1x16xf32>,
        %get3A_582 = vector.shape_cast %get3A_581 : vector<1x16xf32> to vector<16xf32>
        %mul3A_583 = vector.broadcast %squeeze3A_497 : f32 to vector<16xf32>
        %mul3A_584 = arith.mulf %get3A_582, %mul3A_583 : vector<16xf32>
        %swap3A_585 = arith.index_cast %add3A_501 : i32 to index
        %swap3A_586 = arith.constant 112 : index
        %swap3A_587 = tpu.vector_load %arg10[%swap3A_585, %swap3A_586] {strides = array<i32>} : memref<128x128xf32, #tpu.memory_space<vmem>>, vector<1x16xf32>,
        %swap3A_588 = vector.shape_cast %swap3A_587 : vector<1x16xf32> to vector<16xf32>
        %swap3A_589 = vector.shape_cast %mul3A_584 : vector<16xf32> to vector<1x16xf32>
        tpu.vector_store %arg10[%swap3A_585, %swap3A_586], %swap3A_589 {strides = array<i32>} : memref<128x128xf32, #tpu.memory_space<vmem>>, vector<1x16xf32>,
        %slice3A_590 = vector.extract_strided_slice %min3A_122 {offsets = [5], sizes = [1], strides = [1]} : vector<16xf32> to vector<1xf32>
        %squeeze3A_591 = vector.extract %slice3A_590[0] : f32 from vector<1xf32>
        %mul3A_592 = arith.constant 16 : i32
        %mul3A_593 = arith.muli %scan3A_111, %mul3A_592 : i32
        %add3A_594 = arith.constant 5 : i32
        %add3A_595 = arith.addi %mul3A_593, %add3A_594 : i32
        %get3A_596 = arith.index_cast %add3A_595 : i32 to index
        %get3A_597 = arith.constant 0 : index
        %get3A_598 = tpu.vector_load %arg10[%get3A_596, %get3A_597] {strides = array<i32>} : memref<128x128xf32, #tpu.memory_space<vmem>>, vector<1x16xf32>,
        %get3A_599 = vector.shape_cast %get3A_598 : vector<1x16xf32> to vector<16xf32>
        %mul3A_600 = vector.broadcast %squeeze3A_591 : f32 to vector<16xf32>
        %mul3A_601 = arith.mulf %get3A_599, %mul3A_600 : vector<16xf32>
        %swap3A_602 = arith.index_cast %add3A_595 : i32 to index
        %swap3A_603 = arith.constant 0 : index
        %swap3A_604 = tpu.vector_load %arg10[%swap3A_602, %swap3A_603] {strides = array<i32>} : memref<128x128xf32, #tpu.memory_space<vmem>>, vector<1x16xf32>,
        %swap3A_605 = vector.shape_cast %swap3A_604 : vector<1x16xf32> to vector<16xf32>
        %swap3A_606 = vector.shape_cast %mul3A_601 : vector<16xf32> to vector<1x16xf32>
        tpu.vector_store %arg10[%swap3A_602, %swap3A_603], %swap3A_606 {strides = array<i32>} : memref<128x128xf32, #tpu.memory_space<vmem>>, vector<1x16xf32>,
        %get3A_607 = arith.index_cast %add3A_595 : i32 to index
        %get3A_608 = arith.constant 16 : index
        %get3A_609 = tpu.vector_load %arg10[%get3A_607, %get3A_608] {strides = array<i32>} : memref<128x128xf32, #tpu.memory_space<vmem>>, vector<1x16xf32>,
        %get3A_610 = vector.shape_cast %get3A_609 : vector<1x16xf32> to vector<16xf32>
        %mul3A_611 = vector.broadcast %squeeze3A_591 : f32 to vector<16xf32>
        %mul3A_612 = arith.mulf %get3A_610, %mul3A_611 : vector<16xf32>
        %swap3A_613 = arith.index_cast %add3A_595 : i32 to index
        %swap3A_614 = arith.constant 16 : index
        %swap3A_615 = tpu.vector_load %arg10[%swap3A_613, %swap3A_614] {strides = array<i32>} : memref<128x128xf32, #tpu.memory_space<vmem>>, vector<1x16xf32>,
        %swap3A_616 = vector.shape_cast %swap3A_615 : vector<1x16xf32> to vector<16xf32>
        %swap3A_617 = vector.shape_cast %mul3A_612 : vector<16xf32> to vector<1x16xf32>
        tpu.vector_store %arg10[%swap3A_613, %swap3A_614], %swap3A_617 {strides = array<i32>} : memref<128x128xf32, #tpu.memory_space<vmem>>, vector<1x16xf32>,
        %get3A_618 = arith.index_cast %add3A_595 : i32 to index
        %get3A_619 = arith.constant 32 : index
        %get3A_620 = tpu.vector_load %arg10[%get3A_618, %get3A_619] {strides = array<i32>} : memref<128x128xf32, #tpu.memory_space<vmem>>, vector<1x16xf32>,
        %get3A_621 = vector.shape_cast %get3A_620 : vector<1x16xf32> to vector<16xf32>
        %mul3A_622 = vector.broadcast %squeeze3A_591 : f32 to vector<16xf32>
        %mul3A_623 = arith.mulf %get3A_621, %mul3A_622 : vector<16xf32>
        %swap3A_624 = arith.index_cast %add3A_595 : i32 to index
        %swap3A_625 = arith.constant 32 : index
        %swap3A_626 = tpu.vector_load %arg10[%swap3A_624, %swap3A_625] {strides = array<i32>} : memref<128x128xf32, #tpu.memory_space<vmem>>, vector<1x16xf32>,
        %swap3A_627 = vector.shape_cast %swap3A_626 : vector<1x16xf32> to vector<16xf32>
        %swap3A_628 = vector.shape_cast %mul3A_623 : vector<16xf32> to vector<1x16xf32>
        tpu.vector_store %arg10[%swap3A_624, %swap3A_625], %swap3A_628 {strides = array<i32>} : memref<128x128xf32, #tpu.memory_space<vmem>>, vector<1x16xf32>,
        %get3A_629 = arith.index_cast %add3A_595 : i32 to index
        %get3A_630 = arith.constant 48 : index
        %get3A_631 = tpu.vector_load %arg10[%get3A_629, %get3A_630] {strides = array<i32>} : memref<128x128xf32, #tpu.memory_space<vmem>>, vector<1x16xf32>,
        %get3A_632 = vector.shape_cast %get3A_631 : vector<1x16xf32> to vector<16xf32>
        %mul3A_633 = vector.broadcast %squeeze3A_591 : f32 to vector<16xf32>
        %mul3A_634 = arith.mulf %get3A_632, %mul3A_633 : vector<16xf32>
        %swap3A_635 = arith.index_cast %add3A_595 : i32 to index
        %swap3A_636 = arith.constant 48 : index
        %swap3A_637 = tpu.vector_load %arg10[%swap3A_635, %swap3A_636] {strides = array<i32>} : memref<128x128xf32, #tpu.memory_space<vmem>>, vector<1x16xf32>,
        %swap3A_638 = vector.shape_cast %swap3A_637 : vector<1x16xf32> to vector<16xf32>
        %swap3A_639 = vector.shape_cast %mul3A_634 : vector<16xf32> to vector<1x16xf32>
        tpu.vector_store %arg10[%swap3A_635, %swap3A_636], %swap3A_639 {strides = array<i32>} : memref<128x128xf32, #tpu.memory_space<vmem>>, vector<1x16xf32>,
        %get3A_640 = arith.index_cast %add3A_595 : i32 to index
        %get3A_641 = arith.constant 64 : index
        %get3A_642 = tpu.vector_load %arg10[%get3A_640, %get3A_641] {strides = array<i32>} : memref<128x128xf32, #tpu.memory_space<vmem>>, vector<1x16xf32>,
        %get3A_643 = vector.shape_cast %get3A_642 : vector<1x16xf32> to vector<16xf32>
        %mul3A_644 = vector.broadcast %squeeze3A_591 : f32 to vector<16xf32>
        %mul3A_645 = arith.mulf %get3A_643, %mul3A_644 : vector<16xf32>
        %swap3A_646 = arith.index_cast %add3A_595 : i32 to index
        %swap3A_647 = arith.constant 64 : index
        %swap3A_648 = tpu.vector_load %arg10[%swap3A_646, %swap3A_647] {strides = array<i32>} : memref<128x128xf32, #tpu.memory_space<vmem>>, vector<1x16xf32>,
        %swap3A_649 = vector.shape_cast %swap3A_648 : vector<1x16xf32> to vector<16xf32>
        %swap3A_650 = vector.shape_cast %mul3A_645 : vector<16xf32> to vector<1x16xf32>
        tpu.vector_store %arg10[%swap3A_646, %swap3A_647], %swap3A_650 {strides = array<i32>} : memref<128x128xf32, #tpu.memory_space<vmem>>, vector<1x16xf32>,
        %get3A_651 = arith.index_cast %add3A_595 : i32 to index
        %get3A_652 = arith.constant 80 : index
        %get3A_653 = tpu.vector_load %arg10[%get3A_651, %get3A_652] {strides = array<i32>} : memref<128x128xf32, #tpu.memory_space<vmem>>, vector<1x16xf32>,
        %get3A_654 = vector.shape_cast %get3A_653 : vector<1x16xf32> to vector<16xf32>
        %mul3A_655 = vector.broadcast %squeeze3A_591 : f32 to vector<16xf32>
        %mul3A_656 = arith.mulf %get3A_654, %mul3A_655 : vector<16xf32>
        %swap3A_657 = arith.index_cast %add3A_595 : i32 to index
        %swap3A_658 = arith.constant 80 : index
        %swap3A_659 = tpu.vector_load %arg10[%swap3A_657, %swap3A_658] {strides = array<i32>} : memref<128x128xf32, #tpu.memory_space<vmem>>, vector<1x16xf32>,
        %swap3A_660 = vector.shape_cast %swap3A_659 : vector<1x16xf32> to vector<16xf32>
        %swap3A_661 = vector.shape_cast %mul3A_656 : vector<16xf32> to vector<1x16xf32>
        tpu.vector_store %arg10[%swap3A_657, %swap3A_658], %swap3A_661 {strides = array<i32>} : memref<128x128xf32, #tpu.memory_space<vmem>>, vector<1x16xf32>,
        %get3A_662 = arith.index_cast %add3A_595 : i32 to index
        %get3A_663 = arith.constant 96 : index
        %get3A_664 = tpu.vector_load %arg10[%get3A_662, %get3A_663] {strides = array<i32>} : memref<128x128xf32, #tpu.memory_space<vmem>>, vector<1x16xf32>,
        %get3A_665 = vector.shape_cast %get3A_664 : vector<1x16xf32> to vector<16xf32>
        %mul3A_666 = vector.broadcast %squeeze3A_591 : f32 to vector<16xf32>
        %mul3A_667 = arith.mulf %get3A_665, %mul3A_666 : vector<16xf32>
        %swap3A_668 = arith.index_cast %add3A_595 : i32 to index
        %swap3A_669 = arith.constant 96 : index
        %swap3A_670 = tpu.vector_load %arg10[%swap3A_668, %swap3A_669] {strides = array<i32>} : memref<128x128xf32, #tpu.memory_space<vmem>>, vector<1x16xf32>,
        %swap3A_671 = vector.shape_cast %swap3A_670 : vector<1x16xf32> to vector<16xf32>
        %swap3A_672 = vector.shape_cast %mul3A_667 : vector<16xf32> to vector<1x16xf32>
        tpu.vector_store %arg10[%swap3A_668, %swap3A_669], %swap3A_672 {strides = array<i32>} : memref<128x128xf32, #tpu.memory_space<vmem>>, vector<1x16xf32>,
        %get3A_673 = arith.index_cast %add3A_595 : i32 to index
        %get3A_674 = arith.constant 112 : index
        %get3A_675 = tpu.vector_load %arg10[%get3A_673, %get3A_674] {strides = array<i32>} : memref<128x128xf32, #tpu.memory_space<vmem>>, vector<1x16xf32>,
        %get3A_676 = vector.shape_cast %get3A_675 : vector<1x16xf32> to vector<16xf32>
        %mul3A_677 = vector.broadcast %squeeze3A_591 : f32 to vector<16xf32>
        %mul3A_678 = arith.mulf %get3A_676, %mul3A_677 : vector<16xf32>
        %swap3A_679 = arith.index_cast %add3A_595 : i32 to index
        %swap3A_680 = arith.constant 112 : index
        %swap3A_681 = tpu.vector_load %arg10[%swap3A_679, %swap3A_680] {strides = array<i32>} : memref<128x128xf32, #tpu.memory_space<vmem>>, vector<1x16xf32>,
        %swap3A_682 = vector.shape_cast %swap3A_681 : vector<1x16xf32> to vector<16xf32>
        %swap3A_683 = vector.shape_cast %mul3A_678 : vector<16xf32> to vector<1x16xf32>
        tpu.vector_store %arg10[%swap3A_679, %swap3A_680], %swap3A_683 {strides = array<i32>} : memref<128x128xf32, #tpu.memory_space<vmem>>, vector<1x16xf32>,
        %slice3A_684 = vector.extract_strided_slice %min3A_122 {offsets = [6], sizes = [1], strides = [1]} : vector<16xf32> to vector<1xf32>
        %squeeze3A_685 = vector.extract %slice3A_684[0] : f32 from vector<1xf32>
        %mul3A_686 = arith.constant 16 : i32
        %mul3A_687 = arith.muli %scan3A_111, %mul3A_686 : i32
        %add3A_688 = arith.constant 6 : i32
        %add3A_689 = arith.addi %mul3A_687, %add3A_688 : i32
        %get3A_690 = arith.index_cast %add3A_689 : i32 to index
        %get3A_691 = arith.constant 0 : index
        %get3A_692 = tpu.vector_load %arg10[%get3A_690, %get3A_691] {strides = array<i32>} : memref<128x128xf32, #tpu.memory_space<vmem>>, vector<1x16xf32>,
        %get3A_693 = vector.shape_cast %get3A_692 : vector<1x16xf32> to vector<16xf32>
        %mul3A_694 = vector.broadcast %squeeze3A_685 : f32 to vector<16xf32>
        %mul3A_695 = arith.mulf %get3A_693, %mul3A_694 : vector<16xf32>
        %swap3A_696 = arith.index_cast %add3A_689 : i32 to index
        %swap3A_697 = arith.constant 0 : index
        %swap3A_698 = tpu.vector_load %arg10[%swap3A_696, %swap3A_697] {strides = array<i32>} : memref<128x128xf32, #tpu.memory_space<vmem>>, vector<1x16xf32>,
        %swap3A_699 = vector.shape_cast %swap3A_698 : vector<1x16xf32> to vector<16xf32>
        %swap3A_700 = vector.shape_cast %mul3A_695 : vector<16xf32> to vector<1x16xf32>
        tpu.vector_store %arg10[%swap3A_696, %swap3A_697], %swap3A_700 {strides = array<i32>} : memref<128x128xf32, #tpu.memory_space<vmem>>, vector<1x16xf32>,
        %get3A_701 = arith.index_cast %add3A_689 : i32 to index
        %get3A_702 = arith.constant 16 : index
        %get3A_703 = tpu.vector_load %arg10[%get3A_701, %get3A_702] {strides = array<i32>} : memref<128x128xf32, #tpu.memory_space<vmem>>, vector<1x16xf32>,
        %get3A_704 = vector.shape_cast %get3A_703 : vector<1x16xf32> to vector<16xf32>
        %mul3A_705 = vector.broadcast %squeeze3A_685 : f32 to vector<16xf32>
        %mul3A_706 = arith.mulf %get3A_704, %mul3A_705 : vector<16xf32>
        %swap3A_707 = arith.index_cast %add3A_689 : i32 to index
        %swap3A_708 = arith.constant 16 : index
        %swap3A_709 = tpu.vector_load %arg10[%swap3A_707, %swap3A_708] {strides = array<i32>} : memref<128x128xf32, #tpu.memory_space<vmem>>, vector<1x16xf32>,
        %swap3A_710 = vector.shape_cast %swap3A_709 : vector<1x16xf32> to vector<16xf32>
        %swap3A_711 = vector.shape_cast %mul3A_706 : vector<16xf32> to vector<1x16xf32>
        tpu.vector_store %arg10[%swap3A_707, %swap3A_708], %swap3A_711 {strides = array<i32>} : memref<128x128xf32, #tpu.memory_space<vmem>>, vector<1x16xf32>,
        %get3A_712 = arith.index_cast %add3A_689 : i32 to index
        %get3A_713 = arith.constant 32 : index
        %get3A_714 = tpu.vector_load %arg10[%get3A_712, %get3A_713] {strides = array<i32>} : memref<128x128xf32, #tpu.memory_space<vmem>>, vector<1x16xf32>,
        %get3A_715 = vector.shape_cast %get3A_714 : vector<1x16xf32> to vector<16xf32>
        %mul3A_716 = vector.broadcast %squeeze3A_685 : f32 to vector<16xf32>
        %mul3A_717 = arith.mulf %get3A_715, %mul3A_716 : vector<16xf32>
        %swap3A_718 = arith.index_cast %add3A_689 : i32 to index
        %swap3A_719 = arith.constant 32 : index
        %swap3A_720 = tpu.vector_load %arg10[%swap3A_718, %swap3A_719] {strides = array<i32>} : memref<128x128xf32, #tpu.memory_space<vmem>>, vector<1x16xf32>,
        %swap3A_721 = vector.shape_cast %swap3A_720 : vector<1x16xf32> to vector<16xf32>
        %swap3A_722 = vector.shape_cast %mul3A_717 : vector<16xf32> to vector<1x16xf32>
        tpu.vector_store %arg10[%swap3A_718, %swap3A_719], %swap3A_722 {strides = array<i32>} : memref<128x128xf32, #tpu.memory_space<vmem>>, vector<1x16xf32>,
        %get3A_723 = arith.index_cast %add3A_689 : i32 to index
        %get3A_724 = arith.constant 48 : index
        %get3A_725 = tpu.vector_load %arg10[%get3A_723, %get3A_724] {strides = array<i32>} : memref<128x128xf32, #tpu.memory_space<vmem>>, vector<1x16xf32>,
        %get3A_726 = vector.shape_cast %get3A_725 : vector<1x16xf32> to vector<16xf32>
        %mul3A_727 = vector.broadcast %squeeze3A_685 : f32 to vector<16xf32>
        %mul3A_728 = arith.mulf %get3A_726, %mul3A_727 : vector<16xf32>
        %swap3A_729 = arith.index_cast %add3A_689 : i32 to index
        %swap3A_730 = arith.constant 48 : index
        %swap3A_731 = tpu.vector_load %arg10[%swap3A_729, %swap3A_730] {strides = array<i32>} : memref<128x128xf32, #tpu.memory_space<vmem>>, vector<1x16xf32>,
        %swap3A_732 = vector.shape_cast %swap3A_731 : vector<1x16xf32> to vector<16xf32>
        %swap3A_733 = vector.shape_cast %mul3A_728 : vector<16xf32> to vector<1x16xf32>
        tpu.vector_store %arg10[%swap3A_729, %swap3A_730], %swap3A_733 {strides = array<i32>} : memref<128x128xf32, #tpu.memory_space<vmem>>, vector<1x16xf32>,
        %get3A_734 = arith.index_cast %add3A_689 : i32 to index
        %get3A_735 = arith.constant 64 : index
        %get3A_736 = tpu.vector_load %arg10[%get3A_734, %get3A_735] {strides = array<i32>} : memref<128x128xf32, #tpu.memory_space<vmem>>, vector<1x16xf32>,
        %get3A_737 = vector.shape_cast %get3A_736 : vector<1x16xf32> to vector<16xf32>
        %mul3A_738 = vector.broadcast %squeeze3A_685 : f32 to vector<16xf32>
        %mul3A_739 = arith.mulf %get3A_737, %mul3A_738 : vector<16xf32>
        %swap3A_740 = arith.index_cast %add3A_689 : i32 to index
        %swap3A_741 = arith.constant 64 : index
        %swap3A_742 = tpu.vector_load %arg10[%swap3A_740, %swap3A_741] {strides = array<i32>} : memref<128x128xf32, #tpu.memory_space<vmem>>, vector<1x16xf32>,
        %swap3A_743 = vector.shape_cast %swap3A_742 : vector<1x16xf32> to vector<16xf32>
        %swap3A_744 = vector.shape_cast %mul3A_739 : vector<16xf32> to vector<1x16xf32>
        tpu.vector_store %arg10[%swap3A_740, %swap3A_741], %swap3A_744 {strides = array<i32>} : memref<128x128xf32, #tpu.memory_space<vmem>>, vector<1x16xf32>,
        %get3A_745 = arith.index_cast %add3A_689 : i32 to index
        %get3A_746 = arith.constant 80 : index
        %get3A_747 = tpu.vector_load %arg10[%get3A_745, %get3A_746] {strides = array<i32>} : memref<128x128xf32, #tpu.memory_space<vmem>>, vector<1x16xf32>,
        %get3A_748 = vector.shape_cast %get3A_747 : vector<1x16xf32> to vector<16xf32>
        %mul3A_749 = vector.broadcast %squeeze3A_685 : f32 to vector<16xf32>
        %mul3A_750 = arith.mulf %get3A_748, %mul3A_749 : vector<16xf32>
        %swap3A_751 = arith.index_cast %add3A_689 : i32 to index
        %swap3A_752 = arith.constant 80 : index
        %swap3A_753 = tpu.vector_load %arg10[%swap3A_751, %swap3A_752] {strides = array<i32>} : memref<128x128xf32, #tpu.memory_space<vmem>>, vector<1x16xf32>,
        %swap3A_754 = vector.shape_cast %swap3A_753 : vector<1x16xf32> to vector<16xf32>
        %swap3A_755 = vector.shape_cast %mul3A_750 : vector<16xf32> to vector<1x16xf32>
        tpu.vector_store %arg10[%swap3A_751, %swap3A_752], %swap3A_755 {strides = array<i32>} : memref<128x128xf32, #tpu.memory_space<vmem>>, vector<1x16xf32>,
        %get3A_756 = arith.index_cast %add3A_689 : i32 to index
        %get3A_757 = arith.constant 96 : index
        %get3A_758 = tpu.vector_load %arg10[%get3A_756, %get3A_757] {strides = array<i32>} : memref<128x128xf32, #tpu.memory_space<vmem>>, vector<1x16xf32>,
        %get3A_759 = vector.shape_cast %get3A_758 : vector<1x16xf32> to vector<16xf32>
        %mul3A_760 = vector.broadcast %squeeze3A_685 : f32 to vector<16xf32>
        %mul3A_761 = arith.mulf %get3A_759, %mul3A_760 : vector<16xf32>
        %swap3A_762 = arith.index_cast %add3A_689 : i32 to index
        %swap3A_763 = arith.constant 96 : index
        %swap3A_764 = tpu.vector_load %arg10[%swap3A_762, %swap3A_763] {strides = array<i32>} : memref<128x128xf32, #tpu.memory_space<vmem>>, vector<1x16xf32>,
        %swap3A_765 = vector.shape_cast %swap3A_764 : vector<1x16xf32> to vector<16xf32>
        %swap3A_766 = vector.shape_cast %mul3A_761 : vector<16xf32> to vector<1x16xf32>
        tpu.vector_store %arg10[%swap3A_762, %swap3A_763], %swap3A_766 {strides = array<i32>} : memref<128x128xf32, #tpu.memory_space<vmem>>, vector<1x16xf32>,
        %get3A_767 = arith.index_cast %add3A_689 : i32 to index
        %get3A_768 = arith.constant 112 : index
        %get3A_769 = tpu.vector_load %arg10[%get3A_767, %get3A_768] {strides = array<i32>} : memref<128x128xf32, #tpu.memory_space<vmem>>, vector<1x16xf32>,
        %get3A_770 = vector.shape_cast %get3A_769 : vector<1x16xf32> to vector<16xf32>
        %mul3A_771 = vector.broadcast %squeeze3A_685 : f32 to vector<16xf32>
        %mul3A_772 = arith.mulf %get3A_770, %mul3A_771 : vector<16xf32>
        %swap3A_773 = arith.index_cast %add3A_689 : i32 to index
        %swap3A_774 = arith.constant 112 : index
        %swap3A_775 = tpu.vector_load %arg10[%swap3A_773, %swap3A_774] {strides = array<i32>} : memref<128x128xf32, #tpu.memory_space<vmem>>, vector<1x16xf32>,
        %swap3A_776 = vector.shape_cast %swap3A_775 : vector<1x16xf32> to vector<16xf32>
        %swap3A_777 = vector.shape_cast %mul3A_772 : vector<16xf32> to vector<1x16xf32>
        tpu.vector_store %arg10[%swap3A_773, %swap3A_774], %swap3A_777 {strides = array<i32>} : memref<128x128xf32, #tpu.memory_space<vmem>>, vector<1x16xf32>,
        %slice3A_778 = vector.extract_strided_slice %min3A_122 {offsets = [7], sizes = [1], strides = [1]} : vector<16xf32> to vector<1xf32>
        %squeeze3A_779 = vector.extract %slice3A_778[0] : f32 from vector<1xf32>
        %mul3A_780 = arith.constant 16 : i32
        %mul3A_781 = arith.muli %scan3A_111, %mul3A_780 : i32
        %add3A_782 = arith.constant 7 : i32
        %add3A_783 = arith.addi %mul3A_781, %add3A_782 : i32
        %get3A_784 = arith.index_cast %add3A_783 : i32 to index
        %get3A_785 = arith.constant 0 : index
        %get3A_786 = tpu.vector_load %arg10[%get3A_784, %get3A_785] {strides = array<i32>} : memref<128x128xf32, #tpu.memory_space<vmem>>, vector<1x16xf32>,
        %get3A_787 = vector.shape_cast %get3A_786 : vector<1x16xf32> to vector<16xf32>
        %mul3A_788 = vector.broadcast %squeeze3A_779 : f32 to vector<16xf32>
        %mul3A_789 = arith.mulf %get3A_787, %mul3A_788 : vector<16xf32>
        %swap3A_790 = arith.index_cast %add3A_783 : i32 to index
        %swap3A_791 = arith.constant 0 : index
        %swap3A_792 = tpu.vector_load %arg10[%swap3A_790, %swap3A_791] {strides = array<i32>} : memref<128x128xf32, #tpu.memory_space<vmem>>, vector<1x16xf32>,
        %swap3A_793 = vector.shape_cast %swap3A_792 : vector<1x16xf32> to vector<16xf32>
        %swap3A_794 = vector.shape_cast %mul3A_789 : vector<16xf32> to vector<1x16xf32>
        tpu.vector_store %arg10[%swap3A_790, %swap3A_791], %swap3A_794 {strides = array<i32>} : memref<128x128xf32, #tpu.memory_space<vmem>>, vector<1x16xf32>,
        %get3A_795 = arith.index_cast %add3A_783 : i32 to index
        %get3A_796 = arith.constant 16 : index
        %get3A_797 = tpu.vector_load %arg10[%get3A_795, %get3A_796] {strides = array<i32>} : memref<128x128xf32, #tpu.memory_space<vmem>>, vector<1x16xf32>,
        %get3A_798 = vector.shape_cast %get3A_797 : vector<1x16xf32> to vector<16xf32>
        %mul3A_799 = vector.broadcast %squeeze3A_779 : f32 to vector<16xf32>
        %mul3A_800 = arith.mulf %get3A_798, %mul3A_799 : vector<16xf32>
        %swap3A_801 = arith.index_cast %add3A_783 : i32 to index
        %swap3A_802 = arith.constant 16 : index
        %swap3A_803 = tpu.vector_load %arg10[%swap3A_801, %swap3A_802] {strides = array<i32>} : memref<128x128xf32, #tpu.memory_space<vmem>>, vector<1x16xf32>,
        %swap3A_804 = vector.shape_cast %swap3A_803 : vector<1x16xf32> to vector<16xf32>
        %swap3A_805 = vector.shape_cast %mul3A_800 : vector<16xf32> to vector<1x16xf32>
        tpu.vector_store %arg10[%swap3A_801, %swap3A_802], %swap3A_805 {strides = array<i32>} : memref<128x128xf32, #tpu.memory_space<vmem>>, vector<1x16xf32>,
        %get3A_806 = arith.index_cast %add3A_783 : i32 to index
        %get3A_807 = arith.constant 32 : index
        %get3A_808 = tpu.vector_load %arg10[%get3A_806, %get3A_807] {strides = array<i32>} : memref<128x128xf32, #tpu.memory_space<vmem>>, vector<1x16xf32>,
        %get3A_809 = vector.shape_cast %get3A_808 : vector<1x16xf32> to vector<16xf32>
        %mul3A_810 = vector.broadcast %squeeze3A_779 : f32 to vector<16xf32>
        %mul3A_811 = arith.mulf %get3A_809, %mul3A_810 : vector<16xf32>
        %swap3A_812 = arith.index_cast %add3A_783 : i32 to index
        %swap3A_813 = arith.constant 32 : index
        %swap3A_814 = tpu.vector_load %arg10[%swap3A_812, %swap3A_813] {strides = array<i32>} : memref<128x128xf32, #tpu.memory_space<vmem>>, vector<1x16xf32>,
        %swap3A_815 = vector.shape_cast %swap3A_814 : vector<1x16xf32> to vector<16xf32>
        %swap3A_816 = vector.shape_cast %mul3A_811 : vector<16xf32> to vector<1x16xf32>
        tpu.vector_store %arg10[%swap3A_812, %swap3A_813], %swap3A_816 {strides = array<i32>} : memref<128x128xf32, #tpu.memory_space<vmem>>, vector<1x16xf32>,
        %get3A_817 = arith.index_cast %add3A_783 : i32 to index
        %get3A_818 = arith.constant 48 : index
        %get3A_819 = tpu.vector_load %arg10[%get3A_817, %get3A_818] {strides = array<i32>} : memref<128x128xf32, #tpu.memory_space<vmem>>, vector<1x16xf32>,
        %get3A_820 = vector.shape_cast %get3A_819 : vector<1x16xf32> to vector<16xf32>
        %mul3A_821 = vector.broadcast %squeeze3A_779 : f32 to vector<16xf32>
        %mul3A_822 = arith.mulf %get3A_820, %mul3A_821 : vector<16xf32>
        %swap3A_823 = arith.index_cast %add3A_783 : i32 to index
        %swap3A_824 = arith.constant 48 : index
        %swap3A_825 = tpu.vector_load %arg10[%swap3A_823, %swap3A_824] {strides = array<i32>} : memref<128x128xf32, #tpu.memory_space<vmem>>, vector<1x16xf32>,
        %swap3A_826 = vector.shape_cast %swap3A_825 : vector<1x16xf32> to vector<16xf32>
        %swap3A_827 = vector.shape_cast %mul3A_822 : vector<16xf32> to vector<1x16xf32>
        tpu.vector_store %arg10[%swap3A_823, %swap3A_824], %swap3A_827 {strides = array<i32>} : memref<128x128xf32, #tpu.memory_space<vmem>>, vector<1x16xf32>,
        %get3A_828 = arith.index_cast %add3A_783 : i32 to index
        %get3A_829 = arith.constant 64 : index
        %get3A_830 = tpu.vector_load %arg10[%get3A_828, %get3A_829] {strides = array<i32>} : memref<128x128xf32, #tpu.memory_space<vmem>>, vector<1x16xf32>,
        %get3A_831 = vector.shape_cast %get3A_830 : vector<1x16xf32> to vector<16xf32>
        %mul3A_832 = vector.broadcast %squeeze3A_779 : f32 to vector<16xf32>
        %mul3A_833 = arith.mulf %get3A_831, %mul3A_832 : vector<16xf32>
        %swap3A_834 = arith.index_cast %add3A_783 : i32 to index
        %swap3A_835 = arith.constant 64 : index
        %swap3A_836 = tpu.vector_load %arg10[%swap3A_834, %swap3A_835] {strides = array<i32>} : memref<128x128xf32, #tpu.memory_space<vmem>>, vector<1x16xf32>,
        %swap3A_837 = vector.shape_cast %swap3A_836 : vector<1x16xf32> to vector<16xf32>
        %swap3A_838 = vector.shape_cast %mul3A_833 : vector<16xf32> to vector<1x16xf32>
        tpu.vector_store %arg10[%swap3A_834, %swap3A_835], %swap3A_838 {strides = array<i32>} : memref<128x128xf32, #tpu.memory_space<vmem>>, vector<1x16xf32>,
        %get3A_839 = arith.index_cast %add3A_783 : i32 to index
        %get3A_840 = arith.constant 80 : index
        %get3A_841 = tpu.vector_load %arg10[%get3A_839, %get3A_840] {strides = array<i32>} : memref<128x128xf32, #tpu.memory_space<vmem>>, vector<1x16xf32>,
        %get3A_842 = vector.shape_cast %get3A_841 : vector<1x16xf32> to vector<16xf32>
        %mul3A_843 = vector.broadcast %squeeze3A_779 : f32 to vector<16xf32>
        %mul3A_844 = arith.mulf %get3A_842, %mul3A_843 : vector<16xf32>
        %swap3A_845 = arith.index_cast %add3A_783 : i32 to index
        %swap3A_846 = arith.constant 80 : index
        %swap3A_847 = tpu.vector_load %arg10[%swap3A_845, %swap3A_846] {strides = array<i32>} : memref<128x128xf32, #tpu.memory_space<vmem>>, vector<1x16xf32>,
        %swap3A_848 = vector.shape_cast %swap3A_847 : vector<1x16xf32> to vector<16xf32>
        %swap3A_849 = vector.shape_cast %mul3A_844 : vector<16xf32> to vector<1x16xf32>
        tpu.vector_store %arg10[%swap3A_845, %swap3A_846], %swap3A_849 {strides = array<i32>} : memref<128x128xf32, #tpu.memory_space<vmem>>, vector<1x16xf32>,
        %get3A_850 = arith.index_cast %add3A_783 : i32 to index
        %get3A_851 = arith.constant 96 : index
        %get3A_852 = tpu.vector_load %arg10[%get3A_850, %get3A_851] {strides = array<i32>} : memref<128x128xf32, #tpu.memory_space<vmem>>, vector<1x16xf32>,
        %get3A_853 = vector.shape_cast %get3A_852 : vector<1x16xf32> to vector<16xf32>
        %mul3A_854 = vector.broadcast %squeeze3A_779 : f32 to vector<16xf32>
        %mul3A_855 = arith.mulf %get3A_853, %mul3A_854 : vector<16xf32>
        %swap3A_856 = arith.index_cast %add3A_783 : i32 to index
        %swap3A_857 = arith.constant 96 : index
        %swap3A_858 = tpu.vector_load %arg10[%swap3A_856, %swap3A_857] {strides = array<i32>} : memref<128x128xf32, #tpu.memory_space<vmem>>, vector<1x16xf32>,
        %swap3A_859 = vector.shape_cast %swap3A_858 : vector<1x16xf32> to vector<16xf32>
        %swap3A_860 = vector.shape_cast %mul3A_855 : vector<16xf32> to vector<1x16xf32>
        tpu.vector_store %arg10[%swap3A_856, %swap3A_857], %swap3A_860 {strides = array<i32>} : memref<128x128xf32, #tpu.memory_space<vmem>>, vector<1x16xf32>,
        %get3A_861 = arith.index_cast %add3A_783 : i32 to index
        %get3A_862 = arith.constant 112 : index
        %get3A_863 = tpu.vector_load %arg10[%get3A_861, %get3A_862] {strides = array<i32>} : memref<128x128xf32, #tpu.memory_space<vmem>>, vector<1x16xf32>,
        %get3A_864 = vector.shape_cast %get3A_863 : vector<1x16xf32> to vector<16xf32>
        %mul3A_865 = vector.broadcast %squeeze3A_779 : f32 to vector<16xf32>
        %mul3A_866 = arith.mulf %get3A_864, %mul3A_865 : vector<16xf32>
        %swap3A_867 = arith.index_cast %add3A_783 : i32 to index
        %swap3A_868 = arith.constant 112 : index
        %swap3A_869 = tpu.vector_load %arg10[%swap3A_867, %swap3A_868] {strides = array<i32>} : memref<128x128xf32, #tpu.memory_space<vmem>>, vector<1x16xf32>,
        %swap3A_870 = vector.shape_cast %swap3A_869 : vector<1x16xf32> to vector<16xf32>
        %swap3A_871 = vector.shape_cast %mul3A_866 : vector<16xf32> to vector<1x16xf32>
        tpu.vector_store %arg10[%swap3A_867, %swap3A_868], %swap3A_871 {strides = array<i32>} : memref<128x128xf32, #tpu.memory_space<vmem>>, vector<1x16xf32>,
        %slice3A_872 = vector.extract_strided_slice %min3A_122 {offsets = [8], sizes = [1], strides = [1]} : vector<16xf32> to vector<1xf32>
        %squeeze3A_873 = vector.extract %slice3A_872[0] : f32 from vector<1xf32>
        %mul3A_874 = arith.constant 16 : i32
        %mul3A_875 = arith.muli %scan3A_111, %mul3A_874 : i32
        %add3A_876 = arith.constant 8 : i32
        %add3A_877 = arith.addi %mul3A_875, %add3A_876 : i32
        %get3A_878 = arith.index_cast %add3A_877 : i32 to index
        %get3A_879 = arith.constant 0 : index
        %get3A_880 = tpu.vector_load %arg10[%get3A_878, %get3A_879] {strides = array<i32>} : memref<128x128xf32, #tpu.memory_space<vmem>>, vector<1x16xf32>,
        %get3A_881 = vector.shape_cast %get3A_880 : vector<1x16xf32> to vector<16xf32>
        %mul3A_882 = vector.broadcast %squeeze3A_873 : f32 to vector<16xf32>
        %mul3A_883 = arith.mulf %get3A_881, %mul3A_882 : vector<16xf32>
        %swap3A_884 = arith.index_cast %add3A_877 : i32 to index
        %swap3A_885 = arith.constant 0 : index
        %swap3A_886 = tpu.vector_load %arg10[%swap3A_884, %swap3A_885] {strides = array<i32>} : memref<128x128xf32, #tpu.memory_space<vmem>>, vector<1x16xf32>,
        %swap3A_887 = vector.shape_cast %swap3A_886 : vector<1x16xf32> to vector<16xf32>
        %swap3A_888 = vector.shape_cast %mul3A_883 : vector<16xf32> to vector<1x16xf32>
        tpu.vector_store %arg10[%swap3A_884, %swap3A_885], %swap3A_888 {strides = array<i32>} : memref<128x128xf32, #tpu.memory_space<vmem>>, vector<1x16xf32>,
        %get3A_889 = arith.index_cast %add3A_877 : i32 to index
        %get3A_890 = arith.constant 16 : index
        %get3A_891 = tpu.vector_load %arg10[%get3A_889, %get3A_890] {strides = array<i32>} : memref<128x128xf32, #tpu.memory_space<vmem>>, vector<1x16xf32>,
        %get3A_892 = vector.shape_cast %get3A_891 : vector<1x16xf32> to vector<16xf32>
        %mul3A_893 = vector.broadcast %squeeze3A_873 : f32 to vector<16xf32>
        %mul3A_894 = arith.mulf %get3A_892, %mul3A_893 : vector<16xf32>
        %swap3A_895 = arith.index_cast %add3A_877 : i32 to index
        %swap3A_896 = arith.constant 16 : index
        %swap3A_897 = tpu.vector_load %arg10[%swap3A_895, %swap3A_896] {strides = array<i32>} : memref<128x128xf32, #tpu.memory_space<vmem>>, vector<1x16xf32>,
        %swap3A_898 = vector.shape_cast %swap3A_897 : vector<1x16xf32> to vector<16xf32>
        %swap3A_899 = vector.shape_cast %mul3A_894 : vector<16xf32> to vector<1x16xf32>
        tpu.vector_store %arg10[%swap3A_895, %swap3A_896], %swap3A_899 {strides = array<i32>} : memref<128x128xf32, #tpu.memory_space<vmem>>, vector<1x16xf32>,
        %get3A_900 = arith.index_cast %add3A_877 : i32 to index
        %get3A_901 = arith.constant 32 : index
        %get3A_902 = tpu.vector_load %arg10[%get3A_900, %get3A_901] {strides = array<i32>} : memref<128x128xf32, #tpu.memory_space<vmem>>, vector<1x16xf32>,
        %get3A_903 = vector.shape_cast %get3A_902 : vector<1x16xf32> to vector<16xf32>
        %mul3A_904 = vector.broadcast %squeeze3A_873 : f32 to vector<16xf32>
        %mul3A_905 = arith.mulf %get3A_903, %mul3A_904 : vector<16xf32>
        %swap3A_906 = arith.index_cast %add3A_877 : i32 to index
        %swap3A_907 = arith.constant 32 : index
        %swap3A_908 = tpu.vector_load %arg10[%swap3A_906, %swap3A_907] {strides = array<i32>} : memref<128x128xf32, #tpu.memory_space<vmem>>, vector<1x16xf32>,
        %swap3A_909 = vector.shape_cast %swap3A_908 : vector<1x16xf32> to vector<16xf32>
        %swap3A_910 = vector.shape_cast %mul3A_905 : vector<16xf32> to vector<1x16xf32>
        tpu.vector_store %arg10[%swap3A_906, %swap3A_907], %swap3A_910 {strides = array<i32>} : memref<128x128xf32, #tpu.memory_space<vmem>>, vector<1x16xf32>,
        %get3A_911 = arith.index_cast %add3A_877 : i32 to index
        %get3A_912 = arith.constant 48 : index
        %get3A_913 = tpu.vector_load %arg10[%get3A_911, %get3A_912] {strides = array<i32>} : memref<128x128xf32, #tpu.memory_space<vmem>>, vector<1x16xf32>,
        %get3A_914 = vector.shape_cast %get3A_913 : vector<1x16xf32> to vector<16xf32>
        %mul3A_915 = vector.broadcast %squeeze3A_873 : f32 to vector<16xf32>
        %mul3A_916 = arith.mulf %get3A_914, %mul3A_915 : vector<16xf32>
        %swap3A_917 = arith.index_cast %add3A_877 : i32 to index
        %swap3A_918 = arith.constant 48 : index
        %swap3A_919 = tpu.vector_load %arg10[%swap3A_917, %swap3A_918] {strides = array<i32>} : memref<128x128xf32, #tpu.memory_space<vmem>>, vector<1x16xf32>,
        %swap3A_920 = vector.shape_cast %swap3A_919 : vector<1x16xf32> to vector<16xf32>
        %swap3A_921 = vector.shape_cast %mul3A_916 : vector<16xf32> to vector<1x16xf32>
        tpu.vector_store %arg10[%swap3A_917, %swap3A_918], %swap3A_921 {strides = array<i32>} : memref<128x128xf32, #tpu.memory_space<vmem>>, vector<1x16xf32>,
        %get3A_922 = arith.index_cast %add3A_877 : i32 to index
        %get3A_923 = arith.constant 64 : index
        %get3A_924 = tpu.vector_load %arg10[%get3A_922, %get3A_923] {strides = array<i32>} : memref<128x128xf32, #tpu.memory_space<vmem>>, vector<1x16xf32>,
        %get3A_925 = vector.shape_cast %get3A_924 : vector<1x16xf32> to vector<16xf32>
        %mul3A_926 = vector.broadcast %squeeze3A_873 : f32 to vector<16xf32>
        %mul3A_927 = arith.mulf %get3A_925, %mul3A_926 : vector<16xf32>
        %swap3A_928 = arith.index_cast %add3A_877 : i32 to index
        %swap3A_929 = arith.constant 64 : index
        %swap3A_930 = tpu.vector_load %arg10[%swap3A_928, %swap3A_929] {strides = array<i32>} : memref<128x128xf32, #tpu.memory_space<vmem>>, vector<1x16xf32>,
        %swap3A_931 = vector.shape_cast %swap3A_930 : vector<1x16xf32> to vector<16xf32>
        %swap3A_932 = vector.shape_cast %mul3A_927 : vector<16xf32> to vector<1x16xf32>
        tpu.vector_store %arg10[%swap3A_928, %swap3A_929], %swap3A_932 {strides = array<i32>} : memref<128x128xf32, #tpu.memory_space<vmem>>, vector<1x16xf32>,
        %get3A_933 = arith.index_cast %add3A_877 : i32 to index
        %get3A_934 = arith.constant 80 : index
        %get3A_935 = tpu.vector_load %arg10[%get3A_933, %get3A_934] {strides = array<i32>} : memref<128x128xf32, #tpu.memory_space<vmem>>, vector<1x16xf32>,
        %get3A_936 = vector.shape_cast %get3A_935 : vector<1x16xf32> to vector<16xf32>
        %mul3A_937 = vector.broadcast %squeeze3A_873 : f32 to vector<16xf32>
        %mul3A_938 = arith.mulf %get3A_936, %mul3A_937 : vector<16xf32>
        %swap3A_939 = arith.index_cast %add3A_877 : i32 to index
        %swap3A_940 = arith.constant 80 : index
        %swap3A_941 = tpu.vector_load %arg10[%swap3A_939, %swap3A_940] {strides = array<i32>} : memref<128x128xf32, #tpu.memory_space<vmem>>, vector<1x16xf32>,
        %swap3A_942 = vector.shape_cast %swap3A_941 : vector<1x16xf32> to vector<16xf32>
        %swap3A_943 = vector.shape_cast %mul3A_938 : vector<16xf32> to vector<1x16xf32>
        tpu.vector_store %arg10[%swap3A_939, %swap3A_940], %swap3A_943 {strides = array<i32>} : memref<128x128xf32, #tpu.memory_space<vmem>>, vector<1x16xf32>,
        %get3A_944 = arith.index_cast %add3A_877 : i32 to index
        %get3A_945 = arith.constant 96 : index
        %get3A_946 = tpu.vector_load %arg10[%get3A_944, %get3A_945] {strides = array<i32>} : memref<128x128xf32, #tpu.memory_space<vmem>>, vector<1x16xf32>,
        %get3A_947 = vector.shape_cast %get3A_946 : vector<1x16xf32> to vector<16xf32>
        %mul3A_948 = vector.broadcast %squeeze3A_873 : f32 to vector<16xf32>
        %mul3A_949 = arith.mulf %get3A_947, %mul3A_948 : vector<16xf32>
        %swap3A_950 = arith.index_cast %add3A_877 : i32 to index
        %swap3A_951 = arith.constant 96 : index
        %swap3A_952 = tpu.vector_load %arg10[%swap3A_950, %swap3A_951] {strides = array<i32>} : memref<128x128xf32, #tpu.memory_space<vmem>>, vector<1x16xf32>,
        %swap3A_953 = vector.shape_cast %swap3A_952 : vector<1x16xf32> to vector<16xf32>
        %swap3A_954 = vector.shape_cast %mul3A_949 : vector<16xf32> to vector<1x16xf32>
        tpu.vector_store %arg10[%swap3A_950, %swap3A_951], %swap3A_954 {strides = array<i32>} : memref<128x128xf32, #tpu.memory_space<vmem>>, vector<1x16xf32>,
        %get3A_955 = arith.index_cast %add3A_877 : i32 to index
        %get3A_956 = arith.constant 112 : index
        %get3A_957 = tpu.vector_load %arg10[%get3A_955, %get3A_956] {strides = array<i32>} : memref<128x128xf32, #tpu.memory_space<vmem>>, vector<1x16xf32>,
        %get3A_958 = vector.shape_cast %get3A_957 : vector<1x16xf32> to vector<16xf32>
        %mul3A_959 = vector.broadcast %squeeze3A_873 : f32 to vector<16xf32>
        %mul3A_960 = arith.mulf %get3A_958, %mul3A_959 : vector<16xf32>
        %swap3A_961 = arith.index_cast %add3A_877 : i32 to index
        %swap3A_962 = arith.constant 112 : index
        %swap3A_963 = tpu.vector_load %arg10[%swap3A_961, %swap3A_962] {strides = array<i32>} : memref<128x128xf32, #tpu.memory_space<vmem>>, vector<1x16xf32>,
        %swap3A_964 = vector.shape_cast %swap3A_963 : vector<1x16xf32> to vector<16xf32>
        %swap3A_965 = vector.shape_cast %mul3A_960 : vector<16xf32> to vector<1x16xf32>
        tpu.vector_store %arg10[%swap3A_961, %swap3A_962], %swap3A_965 {strides = array<i32>} : memref<128x128xf32, #tpu.memory_space<vmem>>, vector<1x16xf32>,
        %slice3A_966 = vector.extract_strided_slice %min3A_122 {offsets = [9], sizes = [1], strides = [1]} : vector<16xf32> to vector<1xf32>
        %squeeze3A_967 = vector.extract %slice3A_966[0] : f32 from vector<1xf32>
        %mul3A_968 = arith.constant 16 : i32
        %mul3A_969 = arith.muli %scan3A_111, %mul3A_968 : i32
        %add3A_970 = arith.constant 9 : i32
        %add3A_971 = arith.addi %mul3A_969, %add3A_970 : i32
        %get3A_972 = arith.index_cast %add3A_971 : i32 to index
        %get3A_973 = arith.constant 0 : index
        %get3A_974 = tpu.vector_load %arg10[%get3A_972, %get3A_973] {strides = array<i32>} : memref<128x128xf32, #tpu.memory_space<vmem>>, vector<1x16xf32>,
        %get3A_975 = vector.shape_cast %get3A_974 : vector<1x16xf32> to vector<16xf32>
        %mul3A_976 = vector.broadcast %squeeze3A_967 : f32 to vector<16xf32>
        %mul3A_977 = arith.mulf %get3A_975, %mul3A_976 : vector<16xf32>
        %swap3A_978 = arith.index_cast %add3A_971 : i32 to index
        %swap3A_979 = arith.constant 0 : index
        %swap3A_980 = tpu.vector_load %arg10[%swap3A_978, %swap3A_979] {strides = array<i32>} : memref<128x128xf32, #tpu.memory_space<vmem>>, vector<1x16xf32>,
        %swap3A_981 = vector.shape_cast %swap3A_980 : vector<1x16xf32> to vector<16xf32>
        %swap3A_982 = vector.shape_cast %mul3A_977 : vector<16xf32> to vector<1x16xf32>
        tpu.vector_store %arg10[%swap3A_978, %swap3A_979], %swap3A_982 {strides = array<i32>} : memref<128x128xf32, #tpu.memory_space<vmem>>, vector<1x16xf32>,
        %get3A_983 = arith.index_cast %add3A_971 : i32 to index
        %get3A_984 = arith.constant 16 : index
        %get3A_985 = tpu.vector_load %arg10[%get3A_983, %get3A_984] {strides = array<i32>} : memref<128x128xf32, #tpu.memory_space<vmem>>, vector<1x16xf32>,
        %get3A_986 = vector.shape_cast %get3A_985 : vector<1x16xf32> to vector<16xf32>
        %mul3A_987 = vector.broadcast %squeeze3A_967 : f32 to vector<16xf32>
        %mul3A_988 = arith.mulf %get3A_986, %mul3A_987 : vector<16xf32>
        %swap3A_989 = arith.index_cast %add3A_971 : i32 to index
        %swap3A_990 = arith.constant 16 : index
        %swap3A_991 = tpu.vector_load %arg10[%swap3A_989, %swap3A_990] {strides = array<i32>} : memref<128x128xf32, #tpu.memory_space<vmem>>, vector<1x16xf32>,
        %swap3A_992 = vector.shape_cast %swap3A_991 : vector<1x16xf32> to vector<16xf32>
        %swap3A_993 = vector.shape_cast %mul3A_988 : vector<16xf32> to vector<1x16xf32>
        tpu.vector_store %arg10[%swap3A_989, %swap3A_990], %swap3A_993 {strides = array<i32>} : memref<128x128xf32, #tpu.memory_space<vmem>>, vector<1x16xf32>,
        %get3A_994 = arith.index_cast %add3A_971 : i32 to index
        %get3A_995 = arith.constant 32 : index
        %get3A_996 = tpu.vector_load %arg10[%get3A_994, %get3A_995] {strides = array<i32>} : memref<128x128xf32, #tpu.memory_space<vmem>>, vector<1x16xf32>,
        %get3A_997 = vector.shape_cast %get3A_996 : vector<1x16xf32> to vector<16xf32>
        %mul3A_998 = vector.broadcast %squeeze3A_967 : f32 to vector<16xf32>
        %mul3A_999 = arith.mulf %get3A_997, %mul3A_998 : vector<16xf32>
        %swap3A_1000 = arith.index_cast %add3A_971 : i32 to index
        %swap3A_1001 = arith.constant 32 : index
        %swap3A_1002 = tpu.vector_load %arg10[%swap3A_1000, %swap3A_1001] {strides = array<i32>} : memref<128x128xf32, #tpu.memory_space<vmem>>, vector<1x16xf32>,
        %swap3A_1003 = vector.shape_cast %swap3A_1002 : vector<1x16xf32> to vector<16xf32>
        %swap3A_1004 = vector.shape_cast %mul3A_999 : vector<16xf32> to vector<1x16xf32>
        tpu.vector_store %arg10[%swap3A_1000, %swap3A_1001], %swap3A_1004 {strides = array<i32>} : memref<128x128xf32, #tpu.memory_space<vmem>>, vector<1x16xf32>,
        %get3A_1005 = arith.index_cast %add3A_971 : i32 to index
        %get3A_1006 = arith.constant 48 : index
        %get3A_1007 = tpu.vector_load %arg10[%get3A_1005, %get3A_1006] {strides = array<i32>} : memref<128x128xf32, #tpu.memory_space<vmem>>, vector<1x16xf32>,
        %get3A_1008 = vector.shape_cast %get3A_1007 : vector<1x16xf32> to vector<16xf32>
        %mul3A_1009 = vector.broadcast %squeeze3A_967 : f32 to vector<16xf32>
        %mul3A_1010 = arith.mulf %get3A_1008, %mul3A_1009 : vector<16xf32>
        %swap3A_1011 = arith.index_cast %add3A_971 : i32 to index
        %swap3A_1012 = arith.constant 48 : index
        %swap3A_1013 = tpu.vector_load %arg10[%swap3A_1011, %swap3A_1012] {strides = array<i32>} : memref<128x128xf32, #tpu.memory_space<vmem>>, vector<1x16xf32>,
        %swap3A_1014 = vector.shape_cast %swap3A_1013 : vector<1x16xf32> to vector<16xf32>
        %swap3A_1015 = vector.shape_cast %mul3A_1010 : vector<16xf32> to vector<1x16xf32>
        tpu.vector_store %arg10[%swap3A_1011, %swap3A_1012], %swap3A_1015 {strides = array<i32>} : memref<128x128xf32, #tpu.memory_space<vmem>>, vector<1x16xf32>,
        %get3A_1016 = arith.index_cast %add3A_971 : i32 to index
        %get3A_1017 = arith.constant 64 : index
        %get3A_1018 = tpu.vector_load %arg10[%get3A_1016, %get3A_1017] {strides = array<i32>} : memref<128x128xf32, #tpu.memory_space<vmem>>, vector<1x16xf32>,
        %get3A_1019 = vector.shape_cast %get3A_1018 : vector<1x16xf32> to vector<16xf32>
        %mul3A_1020 = vector.broadcast %squeeze3A_967 : f32 to vector<16xf32>
        %mul3A_1021 = arith.mulf %get3A_1019, %mul3A_1020 : vector<16xf32>
        %swap3A_1022 = arith.index_cast %add3A_971 : i32 to index
        %swap3A_1023 = arith.constant 64 : index
        %swap3A_1024 = tpu.vector_load %arg10[%swap3A_1022, %swap3A_1023] {strides = array<i32>} : memref<128x128xf32, #tpu.memory_space<vmem>>, vector<1x16xf32>,
        %swap3A_1025 = vector.shape_cast %swap3A_1024 : vector<1x16xf32> to vector<16xf32>
        %swap3A_1026 = vector.shape_cast %mul3A_1021 : vector<16xf32> to vector<1x16xf32>
        tpu.vector_store %arg10[%swap3A_1022, %swap3A_1023], %swap3A_1026 {strides = array<i32>} : memref<128x128xf32, #tpu.memory_space<vmem>>, vector<1x16xf32>,
        %get3A_1027 = arith.index_cast %add3A_971 : i32 to index
        %get3A_1028 = arith.constant 80 : index
        %get3A_1029 = tpu.vector_load %arg10[%get3A_1027, %get3A_1028] {strides = array<i32>} : memref<128x128xf32, #tpu.memory_space<vmem>>, vector<1x16xf32>,
        %get3A_1030 = vector.shape_cast %get3A_1029 : vector<1x16xf32> to vector<16xf32>
        %mul3A_1031 = vector.broadcast %squeeze3A_967 : f32 to vector<16xf32>
        %mul3A_1032 = arith.mulf %get3A_1030, %mul3A_1031 : vector<16xf32>
        %swap3A_1033 = arith.index_cast %add3A_971 : i32 to index
        %swap3A_1034 = arith.constant 80 : index
        %swap3A_1035 = tpu.vector_load %arg10[%swap3A_1033, %swap3A_1034] {strides = array<i32>} : memref<128x128xf32, #tpu.memory_space<vmem>>, vector<1x16xf32>,
        %swap3A_1036 = vector.shape_cast %swap3A_1035 : vector<1x16xf32> to vector<16xf32>
        %swap3A_1037 = vector.shape_cast %mul3A_1032 : vector<16xf32> to vector<1x16xf32>
        tpu.vector_store %arg10[%swap3A_1033, %swap3A_1034], %swap3A_1037 {strides = array<i32>} : memref<128x128xf32, #tpu.memory_space<vmem>>, vector<1x16xf32>,
        %get3A_1038 = arith.index_cast %add3A_971 : i32 to index
        %get3A_1039 = arith.constant 96 : index
        %get3A_1040 = tpu.vector_load %arg10[%get3A_1038, %get3A_1039] {strides = array<i32>} : memref<128x128xf32, #tpu.memory_space<vmem>>, vector<1x16xf32>,
        %get3A_1041 = vector.shape_cast %get3A_1040 : vector<1x16xf32> to vector<16xf32>
        %mul3A_1042 = vector.broadcast %squeeze3A_967 : f32 to vector<16xf32>
        %mul3A_1043 = arith.mulf %get3A_1041, %mul3A_1042 : vector<16xf32>
        %swap3A_1044 = arith.index_cast %add3A_971 : i32 to index
        %swap3A_1045 = arith.constant 96 : index
        %swap3A_1046 = tpu.vector_load %arg10[%swap3A_1044, %swap3A_1045] {strides = array<i32>} : memref<128x128xf32, #tpu.memory_space<vmem>>, vector<1x16xf32>,
        %swap3A_1047 = vector.shape_cast %swap3A_1046 : vector<1x16xf32> to vector<16xf32>
        %swap3A_1048 = vector.shape_cast %mul3A_1043 : vector<16xf32> to vector<1x16xf32>
        tpu.vector_store %arg10[%swap3A_1044, %swap3A_1045], %swap3A_1048 {strides = array<i32>} : memref<128x128xf32, #tpu.memory_space<vmem>>, vector<1x16xf32>,
        %get3A_1049 = arith.index_cast %add3A_971 : i32 to index
        %get3A_1050 = arith.constant 112 : index
        %get3A_1051 = tpu.vector_load %arg10[%get3A_1049, %get3A_1050] {strides = array<i32>} : memref<128x128xf32, #tpu.memory_space<vmem>>, vector<1x16xf32>,
        %get3A_1052 = vector.shape_cast %get3A_1051 : vector<1x16xf32> to vector<16xf32>
        %mul3A_1053 = vector.broadcast %squeeze3A_967 : f32 to vector<16xf32>
        %mul3A_1054 = arith.mulf %get3A_1052, %mul3A_1053 : vector<16xf32>
        %swap3A_1055 = arith.index_cast %add3A_971 : i32 to index
        %swap3A_1056 = arith.constant 112 : index
        %swap3A_1057 = tpu.vector_load %arg10[%swap3A_1055, %swap3A_1056] {strides = array<i32>} : memref<128x128xf32, #tpu.memory_space<vmem>>, vector<1x16xf32>,
        %swap3A_1058 = vector.shape_cast %swap3A_1057 : vector<1x16xf32> to vector<16xf32>
        %swap3A_1059 = vector.shape_cast %mul3A_1054 : vector<16xf32> to vector<1x16xf32>
        tpu.vector_store %arg10[%swap3A_1055, %swap3A_1056], %swap3A_1059 {strides = array<i32>} : memref<128x128xf32, #tpu.memory_space<vmem>>, vector<1x16xf32>,
        %slice3A_1060 = vector.extract_strided_slice %min3A_122 {offsets = [10], sizes = [1], strides = [1]} : vector<16xf32> to vector<1xf32>
        %squeeze3A_1061 = vector.extract %slice3A_1060[0] : f32 from vector<1xf32>
        %mul3A_1062 = arith.constant 16 : i32
        %mul3A_1063 = arith.muli %scan3A_111, %mul3A_1062 : i32
        %add3A_1064 = arith.constant 10 : i32
        %add3A_1065 = arith.addi %mul3A_1063, %add3A_1064 : i32
        %get3A_1066 = arith.index_cast %add3A_1065 : i32 to index
        %get3A_1067 = arith.constant 0 : index
        %get3A_1068 = tpu.vector_load %arg10[%get3A_1066, %get3A_1067] {strides = array<i32>} : memref<128x128xf32, #tpu.memory_space<vmem>>, vector<1x16xf32>,
        %get3A_1069 = vector.shape_cast %get3A_1068 : vector<1x16xf32> to vector<16xf32>
        %mul3A_1070 = vector.broadcast %squeeze3A_1061 : f32 to vector<16xf32>
        %mul3A_1071 = arith.mulf %get3A_1069, %mul3A_1070 : vector<16xf32>
        %swap3A_1072 = arith.index_cast %add3A_1065 : i32 to index
        %swap3A_1073 = arith.constant 0 : index
        %swap3A_1074 = tpu.vector_load %arg10[%swap3A_1072, %swap3A_1073] {strides = array<i32>} : memref<128x128xf32, #tpu.memory_space<vmem>>, vector<1x16xf32>,
        %swap3A_1075 = vector.shape_cast %swap3A_1074 : vector<1x16xf32> to vector<16xf32>
        %swap3A_1076 = vector.shape_cast %mul3A_1071 : vector<16xf32> to vector<1x16xf32>
        tpu.vector_store %arg10[%swap3A_1072, %swap3A_1073], %swap3A_1076 {strides = array<i32>} : memref<128x128xf32, #tpu.memory_space<vmem>>, vector<1x16xf32>,
        %get3A_1077 = arith.index_cast %add3A_1065 : i32 to index
        %get3A_1078 = arith.constant 16 : index
        %get3A_1079 = tpu.vector_load %arg10[%get3A_1077, %get3A_1078] {strides = array<i32>} : memref<128x128xf32, #tpu.memory_space<vmem>>, vector<1x16xf32>,
        %get3A_1080 = vector.shape_cast %get3A_1079 : vector<1x16xf32> to vector<16xf32>
        %mul3A_1081 = vector.broadcast %squeeze3A_1061 : f32 to vector<16xf32>
        %mul3A_1082 = arith.mulf %get3A_1080, %mul3A_1081 : vector<16xf32>
        %swap3A_1083 = arith.index_cast %add3A_1065 : i32 to index
        %swap3A_1084 = arith.constant 16 : index
        %swap3A_1085 = tpu.vector_load %arg10[%swap3A_1083, %swap3A_1084] {strides = array<i32>} : memref<128x128xf32, #tpu.memory_space<vmem>>, vector<1x16xf32>,
        %swap3A_1086 = vector.shape_cast %swap3A_1085 : vector<1x16xf32> to vector<16xf32>
        %swap3A_1087 = vector.shape_cast %mul3A_1082 : vector<16xf32> to vector<1x16xf32>
        tpu.vector_store %arg10[%swap3A_1083, %swap3A_1084], %swap3A_1087 {strides = array<i32>} : memref<128x128xf32, #tpu.memory_space<vmem>>, vector<1x16xf32>,
        %get3A_1088 = arith.index_cast %add3A_1065 : i32 to index
        %get3A_1089 = arith.constant 32 : index
        %get3A_1090 = tpu.vector_load %arg10[%get3A_1088, %get3A_1089] {strides = array<i32>} : memref<128x128xf32, #tpu.memory_space<vmem>>, vector<1x16xf32>,
        %get3A_1091 = vector.shape_cast %get3A_1090 : vector<1x16xf32> to vector<16xf32>
        %mul3A_1092 = vector.broadcast %squeeze3A_1061 : f32 to vector<16xf32>
        %mul3A_1093 = arith.mulf %get3A_1091, %mul3A_1092 : vector<16xf32>
        %swap3A_1094 = arith.index_cast %add3A_1065 : i32 to index
        %swap3A_1095 = arith.constant 32 : index
        %swap3A_1096 = tpu.vector_load %arg10[%swap3A_1094, %swap3A_1095] {strides = array<i32>} : memref<128x128xf32, #tpu.memory_space<vmem>>, vector<1x16xf32>,
        %swap3A_1097 = vector.shape_cast %swap3A_1096 : vector<1x16xf32> to vector<16xf32>
        %swap3A_1098 = vector.shape_cast %mul3A_1093 : vector<16xf32> to vector<1x16xf32>
        tpu.vector_store %arg10[%swap3A_1094, %swap3A_1095], %swap3A_1098 {strides = array<i32>} : memref<128x128xf32, #tpu.memory_space<vmem>>, vector<1x16xf32>,
        %get3A_1099 = arith.index_cast %add3A_1065 : i32 to index
        %get3A_1100 = arith.constant 48 : index
        %get3A_1101 = tpu.vector_load %arg10[%get3A_1099, %get3A_1100] {strides = array<i32>} : memref<128x128xf32, #tpu.memory_space<vmem>>, vector<1x16xf32>,
        %get3A_1102 = vector.shape_cast %get3A_1101 : vector<1x16xf32> to vector<16xf32>
        %mul3A_1103 = vector.broadcast %squeeze3A_1061 : f32 to vector<16xf32>
        %mul3A_1104 = arith.mulf %get3A_1102, %mul3A_1103 : vector<16xf32>
        %swap3A_1105 = arith.index_cast %add3A_1065 : i32 to index
        %swap3A_1106 = arith.constant 48 : index
        %swap3A_1107 = tpu.vector_load %arg10[%swap3A_1105, %swap3A_1106] {strides = array<i32>} : memref<128x128xf32, #tpu.memory_space<vmem>>, vector<1x16xf32>,
        %swap3A_1108 = vector.shape_cast %swap3A_1107 : vector<1x16xf32> to vector<16xf32>
        %swap3A_1109 = vector.shape_cast %mul3A_1104 : vector<16xf32> to vector<1x16xf32>
        tpu.vector_store %arg10[%swap3A_1105, %swap3A_1106], %swap3A_1109 {strides = array<i32>} : memref<128x128xf32, #tpu.memory_space<vmem>>, vector<1x16xf32>,
        %get3A_1110 = arith.index_cast %add3A_1065 : i32 to index
        %get3A_1111 = arith.constant 64 : index
        %get3A_1112 = tpu.vector_load %arg10[%get3A_1110, %get3A_1111] {strides = array<i32>} : memref<128x128xf32, #tpu.memory_space<vmem>>, vector<1x16xf32>,
        %get3A_1113 = vector.shape_cast %get3A_1112 : vector<1x16xf32> to vector<16xf32>
        %mul3A_1114 = vector.broadcast %squeeze3A_1061 : f32 to vector<16xf32>
        %mul3A_1115 = arith.mulf %get3A_1113, %mul3A_1114 : vector<16xf32>
        %swap3A_1116 = arith.index_cast %add3A_1065 : i32 to index
        %swap3A_1117 = arith.constant 64 : index
        %swap3A_1118 = tpu.vector_load %arg10[%swap3A_1116, %swap3A_1117] {strides = array<i32>} : memref<128x128xf32, #tpu.memory_space<vmem>>, vector<1x16xf32>,
        %swap3A_1119 = vector.shape_cast %swap3A_1118 : vector<1x16xf32> to vector<16xf32>
        %swap3A_1120 = vector.shape_cast %mul3A_1115 : vector<16xf32> to vector<1x16xf32>
        tpu.vector_store %arg10[%swap3A_1116, %swap3A_1117], %swap3A_1120 {strides = array<i32>} : memref<128x128xf32, #tpu.memory_space<vmem>>, vector<1x16xf32>,
        %get3A_1121 = arith.index_cast %add3A_1065 : i32 to index
        %get3A_1122 = arith.constant 80 : index
        %get3A_1123 = tpu.vector_load %arg10[%get3A_1121, %get3A_1122] {strides = array<i32>} : memref<128x128xf32, #tpu.memory_space<vmem>>, vector<1x16xf32>,
        %get3A_1124 = vector.shape_cast %get3A_1123 : vector<1x16xf32> to vector<16xf32>
        %mul3A_1125 = vector.broadcast %squeeze3A_1061 : f32 to vector<16xf32>
        %mul3A_1126 = arith.mulf %get3A_1124, %mul3A_1125 : vector<16xf32>
        %swap3A_1127 = arith.index_cast %add3A_1065 : i32 to index
        %swap3A_1128 = arith.constant 80 : index
        %swap3A_1129 = tpu.vector_load %arg10[%swap3A_1127, %swap3A_1128] {strides = array<i32>} : memref<128x128xf32, #tpu.memory_space<vmem>>, vector<1x16xf32>,
        %swap3A_1130 = vector.shape_cast %swap3A_1129 : vector<1x16xf32> to vector<16xf32>
        %swap3A_1131 = vector.shape_cast %mul3A_1126 : vector<16xf32> to vector<1x16xf32>
        tpu.vector_store %arg10[%swap3A_1127, %swap3A_1128], %swap3A_1131 {strides = array<i32>} : memref<128x128xf32, #tpu.memory_space<vmem>>, vector<1x16xf32>,
        %get3A_1132 = arith.index_cast %add3A_1065 : i32 to index
        %get3A_1133 = arith.constant 96 : index
        %get3A_1134 = tpu.vector_load %arg10[%get3A_1132, %get3A_1133] {strides = array<i32>} : memref<128x128xf32, #tpu.memory_space<vmem>>, vector<1x16xf32>,
        %get3A_1135 = vector.shape_cast %get3A_1134 : vector<1x16xf32> to vector<16xf32>
        %mul3A_1136 = vector.broadcast %squeeze3A_1061 : f32 to vector<16xf32>
        %mul3A_1137 = arith.mulf %get3A_1135, %mul3A_1136 : vector<16xf32>
        %swap3A_1138 = arith.index_cast %add3A_1065 : i32 to index
        %swap3A_1139 = arith.constant 96 : index
        %swap3A_1140 = tpu.vector_load %arg10[%swap3A_1138, %swap3A_1139] {strides = array<i32>} : memref<128x128xf32, #tpu.memory_space<vmem>>, vector<1x16xf32>,
        %swap3A_1141 = vector.shape_cast %swap3A_1140 : vector<1x16xf32> to vector<16xf32>
        %swap3A_1142 = vector.shape_cast %mul3A_1137 : vector<16xf32> to vector<1x16xf32>
        tpu.vector_store %arg10[%swap3A_1138, %swap3A_1139], %swap3A_1142 {strides = array<i32>} : memref<128x128xf32, #tpu.memory_space<vmem>>, vector<1x16xf32>,
        %get3A_1143 = arith.index_cast %add3A_1065 : i32 to index
        %get3A_1144 = arith.constant 112 : index
        %get3A_1145 = tpu.vector_load %arg10[%get3A_1143, %get3A_1144] {strides = array<i32>} : memref<128x128xf32, #tpu.memory_space<vmem>>, vector<1x16xf32>,
        %get3A_1146 = vector.shape_cast %get3A_1145 : vector<1x16xf32> to vector<16xf32>
        %mul3A_1147 = vector.broadcast %squeeze3A_1061 : f32 to vector<16xf32>
        %mul3A_1148 = arith.mulf %get3A_1146, %mul3A_1147 : vector<16xf32>
        %swap3A_1149 = arith.index_cast %add3A_1065 : i32 to index
        %swap3A_1150 = arith.constant 112 : index
        %swap3A_1151 = tpu.vector_load %arg10[%swap3A_1149, %swap3A_1150] {strides = array<i32>} : memref<128x128xf32, #tpu.memory_space<vmem>>, vector<1x16xf32>,
        %swap3A_1152 = vector.shape_cast %swap3A_1151 : vector<1x16xf32> to vector<16xf32>
        %swap3A_1153 = vector.shape_cast %mul3A_1148 : vector<16xf32> to vector<1x16xf32>
        tpu.vector_store %arg10[%swap3A_1149, %swap3A_1150], %swap3A_1153 {strides = array<i32>} : memref<128x128xf32, #tpu.memory_space<vmem>>, vector<1x16xf32>,
        %slice3A_1154 = vector.extract_strided_slice %min3A_122 {offsets = [11], sizes = [1], strides = [1]} : vector<16xf32> to vector<1xf32>
        %squeeze3A_1155 = vector.extract %slice3A_1154[0] : f32 from vector<1xf32>
        %mul3A_1156 = arith.constant 16 : i32
        %mul3A_1157 = arith.muli %scan3A_111, %mul3A_1156 : i32
        %add3A_1158 = arith.constant 11 : i32
        %add3A_1159 = arith.addi %mul3A_1157, %add3A_1158 : i32
        %get3A_1160 = arith.index_cast %add3A_1159 : i32 to index
        %get3A_1161 = arith.constant 0 : index
        %get3A_1162 = tpu.vector_load %arg10[%get3A_1160, %get3A_1161] {strides = array<i32>} : memref<128x128xf32, #tpu.memory_space<vmem>>, vector<1x16xf32>,
        %get3A_1163 = vector.shape_cast %get3A_1162 : vector<1x16xf32> to vector<16xf32>
        %mul3A_1164 = vector.broadcast %squeeze3A_1155 : f32 to vector<16xf32>
        %mul3A_1165 = arith.mulf %get3A_1163, %mul3A_1164 : vector<16xf32>
        %swap3A_1166 = arith.index_cast %add3A_1159 : i32 to index
        %swap3A_1167 = arith.constant 0 : index
        %swap3A_1168 = tpu.vector_load %arg10[%swap3A_1166, %swap3A_1167] {strides = array<i32>} : memref<128x128xf32, #tpu.memory_space<vmem>>, vector<1x16xf32>,
        %swap3A_1169 = vector.shape_cast %swap3A_1168 : vector<1x16xf32> to vector<16xf32>
        %swap3A_1170 = vector.shape_cast %mul3A_1165 : vector<16xf32> to vector<1x16xf32>
        tpu.vector_store %arg10[%swap3A_1166, %swap3A_1167], %swap3A_1170 {strides = array<i32>} : memref<128x128xf32, #tpu.memory_space<vmem>>, vector<1x16xf32>,
        %get3A_1171 = arith.index_cast %add3A_1159 : i32 to index
        %get3A_1172 = arith.constant 16 : index
        %get3A_1173 = tpu.vector_load %arg10[%get3A_1171, %get3A_1172] {strides = array<i32>} : memref<128x128xf32, #tpu.memory_space<vmem>>, vector<1x16xf32>,
        %get3A_1174 = vector.shape_cast %get3A_1173 : vector<1x16xf32> to vector<16xf32>
        %mul3A_1175 = vector.broadcast %squeeze3A_1155 : f32 to vector<16xf32>
        %mul3A_1176 = arith.mulf %get3A_1174, %mul3A_1175 : vector<16xf32>
        %swap3A_1177 = arith.index_cast %add3A_1159 : i32 to index
        %swap3A_1178 = arith.constant 16 : index
        %swap3A_1179 = tpu.vector_load %arg10[%swap3A_1177, %swap3A_1178] {strides = array<i32>} : memref<128x128xf32, #tpu.memory_space<vmem>>, vector<1x16xf32>,
        %swap3A_1180 = vector.shape_cast %swap3A_1179 : vector<1x16xf32> to vector<16xf32>
        %swap3A_1181 = vector.shape_cast %mul3A_1176 : vector<16xf32> to vector<1x16xf32>
        tpu.vector_store %arg10[%swap3A_1177, %swap3A_1178], %swap3A_1181 {strides = array<i32>} : memref<128x128xf32, #tpu.memory_space<vmem>>, vector<1x16xf32>,
        %get3A_1182 = arith.index_cast %add3A_1159 : i32 to index
        %get3A_1183 = arith.constant 32 : index
        %get3A_1184 = tpu.vector_load %arg10[%get3A_1182, %get3A_1183] {strides = array<i32>} : memref<128x128xf32, #tpu.memory_space<vmem>>, vector<1x16xf32>,
        %get3A_1185 = vector.shape_cast %get3A_1184 : vector<1x16xf32> to vector<16xf32>
        %mul3A_1186 = vector.broadcast %squeeze3A_1155 : f32 to vector<16xf32>
        %mul3A_1187 = arith.mulf %get3A_1185, %mul3A_1186 : vector<16xf32>
        %swap3A_1188 = arith.index_cast %add3A_1159 : i32 to index
        %swap3A_1189 = arith.constant 32 : index
        %swap3A_1190 = tpu.vector_load %arg10[%swap3A_1188, %swap3A_1189] {strides = array<i32>} : memref<128x128xf32, #tpu.memory_space<vmem>>, vector<1x16xf32>,
        %swap3A_1191 = vector.shape_cast %swap3A_1190 : vector<1x16xf32> to vector<16xf32>
        %swap3A_1192 = vector.shape_cast %mul3A_1187 : vector<16xf32> to vector<1x16xf32>
        tpu.vector_store %arg10[%swap3A_1188, %swap3A_1189], %swap3A_1192 {strides = array<i32>} : memref<128x128xf32, #tpu.memory_space<vmem>>, vector<1x16xf32>,
        %get3A_1193 = arith.index_cast %add3A_1159 : i32 to index
        %get3A_1194 = arith.constant 48 : index
        %get3A_1195 = tpu.vector_load %arg10[%get3A_1193, %get3A_1194] {strides = array<i32>} : memref<128x128xf32, #tpu.memory_space<vmem>>, vector<1x16xf32>,
        %get3A_1196 = vector.shape_cast %get3A_1195 : vector<1x16xf32> to vector<16xf32>
        %mul3A_1197 = vector.broadcast %squeeze3A_1155 : f32 to vector<16xf32>
        %mul3A_1198 = arith.mulf %get3A_1196, %mul3A_1197 : vector<16xf32>
        %swap3A_1199 = arith.index_cast %add3A_1159 : i32 to index
        %swap3A_1200 = arith.constant 48 : index
        %swap3A_1201 = tpu.vector_load %arg10[%swap3A_1199, %swap3A_1200] {strides = array<i32>} : memref<128x128xf32, #tpu.memory_space<vmem>>, vector<1x16xf32>,
        %swap3A_1202 = vector.shape_cast %swap3A_1201 : vector<1x16xf32> to vector<16xf32>
        %swap3A_1203 = vector.shape_cast %mul3A_1198 : vector<16xf32> to vector<1x16xf32>
        tpu.vector_store %arg10[%swap3A_1199, %swap3A_1200], %swap3A_1203 {strides = array<i32>} : memref<128x128xf32, #tpu.memory_space<vmem>>, vector<1x16xf32>,
        %get3A_1204 = arith.index_cast %add3A_1159 : i32 to index
        %get3A_1205 = arith.constant 64 : index
        %get3A_1206 = tpu.vector_load %arg10[%get3A_1204, %get3A_1205] {strides = array<i32>} : memref<128x128xf32, #tpu.memory_space<vmem>>, vector<1x16xf32>,
        %get3A_1207 = vector.shape_cast %get3A_1206 : vector<1x16xf32> to vector<16xf32>
        %mul3A_1208 = vector.broadcast %squeeze3A_1155 : f32 to vector<16xf32>
        %mul3A_1209 = arith.mulf %get3A_1207, %mul3A_1208 : vector<16xf32>
        %swap3A_1210 = arith.index_cast %add3A_1159 : i32 to index
        %swap3A_1211 = arith.constant 64 : index
        %swap3A_1212 = tpu.vector_load %arg10[%swap3A_1210, %swap3A_1211] {strides = array<i32>} : memref<128x128xf32, #tpu.memory_space<vmem>>, vector<1x16xf32>,
        %swap3A_1213 = vector.shape_cast %swap3A_1212 : vector<1x16xf32> to vector<16xf32>
        %swap3A_1214 = vector.shape_cast %mul3A_1209 : vector<16xf32> to vector<1x16xf32>
        tpu.vector_store %arg10[%swap3A_1210, %swap3A_1211], %swap3A_1214 {strides = array<i32>} : memref<128x128xf32, #tpu.memory_space<vmem>>, vector<1x16xf32>,
        %get3A_1215 = arith.index_cast %add3A_1159 : i32 to index
        %get3A_1216 = arith.constant 80 : index
        %get3A_1217 = tpu.vector_load %arg10[%get3A_1215, %get3A_1216] {strides = array<i32>} : memref<128x128xf32, #tpu.memory_space<vmem>>, vector<1x16xf32>,
        %get3A_1218 = vector.shape_cast %get3A_1217 : vector<1x16xf32> to vector<16xf32>
        %mul3A_1219 = vector.broadcast %squeeze3A_1155 : f32 to vector<16xf32>
        %mul3A_1220 = arith.mulf %get3A_1218, %mul3A_1219 : vector<16xf32>
        %swap3A_1221 = arith.index_cast %add3A_1159 : i32 to index
        %swap3A_1222 = arith.constant 80 : index
        %swap3A_1223 = tpu.vector_load %arg10[%swap3A_1221, %swap3A_1222] {strides = array<i32>} : memref<128x128xf32, #tpu.memory_space<vmem>>, vector<1x16xf32>,
        %swap3A_1224 = vector.shape_cast %swap3A_1223 : vector<1x16xf32> to vector<16xf32>
        %swap3A_1225 = vector.shape_cast %mul3A_1220 : vector<16xf32> to vector<1x16xf32>
        tpu.vector_store %arg10[%swap3A_1221, %swap3A_1222], %swap3A_1225 {strides = array<i32>} : memref<128x128xf32, #tpu.memory_space<vmem>>, vector<1x16xf32>,
        %get3A_1226 = arith.index_cast %add3A_1159 : i32 to index
        %get3A_1227 = arith.constant 96 : index
        %get3A_1228 = tpu.vector_load %arg10[%get3A_1226, %get3A_1227] {strides = array<i32>} : memref<128x128xf32, #tpu.memory_space<vmem>>, vector<1x16xf32>,
        %get3A_1229 = vector.shape_cast %get3A_1228 : vector<1x16xf32> to vector<16xf32>
        %mul3A_1230 = vector.broadcast %squeeze3A_1155 : f32 to vector<16xf32>
        %mul3A_1231 = arith.mulf %get3A_1229, %mul3A_1230 : vector<16xf32>
        %swap3A_1232 = arith.index_cast %add3A_1159 : i32 to index
        %swap3A_1233 = arith.constant 96 : index
        %swap3A_1234 = tpu.vector_load %arg10[%swap3A_1232, %swap3A_1233] {strides = array<i32>} : memref<128x128xf32, #tpu.memory_space<vmem>>, vector<1x16xf32>,
        %swap3A_1235 = vector.shape_cast %swap3A_1234 : vector<1x16xf32> to vector<16xf32>
        %swap3A_1236 = vector.shape_cast %mul3A_1231 : vector<16xf32> to vector<1x16xf32>
        tpu.vector_store %arg10[%swap3A_1232, %swap3A_1233], %swap3A_1236 {strides = array<i32>} : memref<128x128xf32, #tpu.memory_space<vmem>>, vector<1x16xf32>,
        %get3A_1237 = arith.index_cast %add3A_1159 : i32 to index
        %get3A_1238 = arith.constant 112 : index
        %get3A_1239 = tpu.vector_load %arg10[%get3A_1237, %get3A_1238] {strides = array<i32>} : memref<128x128xf32, #tpu.memory_space<vmem>>, vector<1x16xf32>,
        %get3A_1240 = vector.shape_cast %get3A_1239 : vector<1x16xf32> to vector<16xf32>
        %mul3A_1241 = vector.broadcast %squeeze3A_1155 : f32 to vector<16xf32>
        %mul3A_1242 = arith.mulf %get3A_1240, %mul3A_1241 : vector<16xf32>
        %swap3A_1243 = arith.index_cast %add3A_1159 : i32 to index
        %swap3A_1244 = arith.constant 112 : index
        %swap3A_1245 = tpu.vector_load %arg10[%swap3A_1243, %swap3A_1244] {strides = array<i32>} : memref<128x128xf32, #tpu.memory_space<vmem>>, vector<1x16xf32>,
        %swap3A_1246 = vector.shape_cast %swap3A_1245 : vector<1x16xf32> to vector<16xf32>
        %swap3A_1247 = vector.shape_cast %mul3A_1242 : vector<16xf32> to vector<1x16xf32>
        tpu.vector_store %arg10[%swap3A_1243, %swap3A_1244], %swap3A_1247 {strides = array<i32>} : memref<128x128xf32, #tpu.memory_space<vmem>>, vector<1x16xf32>,
        %slice3A_1248 = vector.extract_strided_slice %min3A_122 {offsets = [12], sizes = [1], strides = [1]} : vector<16xf32> to vector<1xf32>
        %squeeze3A_1249 = vector.extract %slice3A_1248[0] : f32 from vector<1xf32>
        %mul3A_1250 = arith.constant 16 : i32
        %mul3A_1251 = arith.muli %scan3A_111, %mul3A_1250 : i32
        %add3A_1252 = arith.constant 12 : i32
        %add3A_1253 = arith.addi %mul3A_1251, %add3A_1252 : i32
        %get3A_1254 = arith.index_cast %add3A_1253 : i32 to index
        %get3A_1255 = arith.constant 0 : index
        %get3A_1256 = tpu.vector_load %arg10[%get3A_1254, %get3A_1255] {strides = array<i32>} : memref<128x128xf32, #tpu.memory_space<vmem>>, vector<1x16xf32>,
        %get3A_1257 = vector.shape_cast %get3A_1256 : vector<1x16xf32> to vector<16xf32>
        %mul3A_1258 = vector.broadcast %squeeze3A_1249 : f32 to vector<16xf32>
        %mul3A_1259 = arith.mulf %get3A_1257, %mul3A_1258 : vector<16xf32>
        %swap3A_1260 = arith.index_cast %add3A_1253 : i32 to index
        %swap3A_1261 = arith.constant 0 : index
        %swap3A_1262 = tpu.vector_load %arg10[%swap3A_1260, %swap3A_1261] {strides = array<i32>} : memref<128x128xf32, #tpu.memory_space<vmem>>, vector<1x16xf32>,
        %swap3A_1263 = vector.shape_cast %swap3A_1262 : vector<1x16xf32> to vector<16xf32>
        %swap3A_1264 = vector.shape_cast %mul3A_1259 : vector<16xf32> to vector<1x16xf32>
        tpu.vector_store %arg10[%swap3A_1260, %swap3A_1261], %swap3A_1264 {strides = array<i32>} : memref<128x128xf32, #tpu.memory_space<vmem>>, vector<1x16xf32>,
        %get3A_1265 = arith.index_cast %add3A_1253 : i32 to index
        %get3A_1266 = arith.constant 16 : index
        %get3A_1267 = tpu.vector_load %arg10[%get3A_1265, %get3A_1266] {strides = array<i32>} : memref<128x128xf32, #tpu.memory_space<vmem>>, vector<1x16xf32>,
        %get3A_1268 = vector.shape_cast %get3A_1267 : vector<1x16xf32> to vector<16xf32>
        %mul3A_1269 = vector.broadcast %squeeze3A_1249 : f32 to vector<16xf32>
        %mul3A_1270 = arith.mulf %get3A_1268, %mul3A_1269 : vector<16xf32>
        %swap3A_1271 = arith.index_cast %add3A_1253 : i32 to index
        %swap3A_1272 = arith.constant 16 : index
        %swap3A_1273 = tpu.vector_load %arg10[%swap3A_1271, %swap3A_1272] {strides = array<i32>} : memref<128x128xf32, #tpu.memory_space<vmem>>, vector<1x16xf32>,
        %swap3A_1274 = vector.shape_cast %swap3A_1273 : vector<1x16xf32> to vector<16xf32>
        %swap3A_1275 = vector.shape_cast %mul3A_1270 : vector<16xf32> to vector<1x16xf32>
        tpu.vector_store %arg10[%swap3A_1271, %swap3A_1272], %swap3A_1275 {strides = array<i32>} : memref<128x128xf32, #tpu.memory_space<vmem>>, vector<1x16xf32>,
        %get3A_1276 = arith.index_cast %add3A_1253 : i32 to index
        %get3A_1277 = arith.constant 32 : index
        %get3A_1278 = tpu.vector_load %arg10[%get3A_1276, %get3A_1277] {strides = array<i32>} : memref<128x128xf32, #tpu.memory_space<vmem>>, vector<1x16xf32>,
        %get3A_1279 = vector.shape_cast %get3A_1278 : vector<1x16xf32> to vector<16xf32>
        %mul3A_1280 = vector.broadcast %squeeze3A_1249 : f32 to vector<16xf32>
        %mul3A_1281 = arith.mulf %get3A_1279, %mul3A_1280 : vector<16xf32>
        %swap3A_1282 = arith.index_cast %add3A_1253 : i32 to index
        %swap3A_1283 = arith.constant 32 : index
        %swap3A_1284 = tpu.vector_load %arg10[%swap3A_1282, %swap3A_1283] {strides = array<i32>} : memref<128x128xf32, #tpu.memory_space<vmem>>, vector<1x16xf32>,
        %swap3A_1285 = vector.shape_cast %swap3A_1284 : vector<1x16xf32> to vector<16xf32>
        %swap3A_1286 = vector.shape_cast %mul3A_1281 : vector<16xf32> to vector<1x16xf32>
        tpu.vector_store %arg10[%swap3A_1282, %swap3A_1283], %swap3A_1286 {strides = array<i32>} : memref<128x128xf32, #tpu.memory_space<vmem>>, vector<1x16xf32>,
        %get3A_1287 = arith.index_cast %add3A_1253 : i32 to index
        %get3A_1288 = arith.constant 48 : index
        %get3A_1289 = tpu.vector_load %arg10[%get3A_1287, %get3A_1288] {strides = array<i32>} : memref<128x128xf32, #tpu.memory_space<vmem>>, vector<1x16xf32>,
        %get3A_1290 = vector.shape_cast %get3A_1289 : vector<1x16xf32> to vector<16xf32>
        %mul3A_1291 = vector.broadcast %squeeze3A_1249 : f32 to vector<16xf32>
        %mul3A_1292 = arith.mulf %get3A_1290, %mul3A_1291 : vector<16xf32>
        %swap3A_1293 = arith.index_cast %add3A_1253 : i32 to index
        %swap3A_1294 = arith.constant 48 : index
        %swap3A_1295 = tpu.vector_load %arg10[%swap3A_1293, %swap3A_1294] {strides = array<i32>} : memref<128x128xf32, #tpu.memory_space<vmem>>, vector<1x16xf32>,
        %swap3A_1296 = vector.shape_cast %swap3A_1295 : vector<1x16xf32> to vector<16xf32>
        %swap3A_1297 = vector.shape_cast %mul3A_1292 : vector<16xf32> to vector<1x16xf32>
        tpu.vector_store %arg10[%swap3A_1293, %swap3A_1294], %swap3A_1297 {strides = array<i32>} : memref<128x128xf32, #tpu.memory_space<vmem>>, vector<1x16xf32>,
        %get3A_1298 = arith.index_cast %add3A_1253 : i32 to index
        %get3A_1299 = arith.constant 64 : index
        %get3A_1300 = tpu.vector_load %arg10[%get3A_1298, %get3A_1299] {strides = array<i32>} : memref<128x128xf32, #tpu.memory_space<vmem>>, vector<1x16xf32>,
        %get3A_1301 = vector.shape_cast %get3A_1300 : vector<1x16xf32> to vector<16xf32>
        %mul3A_1302 = vector.broadcast %squeeze3A_1249 : f32 to vector<16xf32>
        %mul3A_1303 = arith.mulf %get3A_1301, %mul3A_1302 : vector<16xf32>
        %swap3A_1304 = arith.index_cast %add3A_1253 : i32 to index
        %swap3A_1305 = arith.constant 64 : index
        %swap3A_1306 = tpu.vector_load %arg10[%swap3A_1304, %swap3A_1305] {strides = array<i32>} : memref<128x128xf32, #tpu.memory_space<vmem>>, vector<1x16xf32>,
        %swap3A_1307 = vector.shape_cast %swap3A_1306 : vector<1x16xf32> to vector<16xf32>
        %swap3A_1308 = vector.shape_cast %mul3A_1303 : vector<16xf32> to vector<1x16xf32>
        tpu.vector_store %arg10[%swap3A_1304, %swap3A_1305], %swap3A_1308 {strides = array<i32>} : memref<128x128xf32, #tpu.memory_space<vmem>>, vector<1x16xf32>,
        %get3A_1309 = arith.index_cast %add3A_1253 : i32 to index
        %get3A_1310 = arith.constant 80 : index
        %get3A_1311 = tpu.vector_load %arg10[%get3A_1309, %get3A_1310] {strides = array<i32>} : memref<128x128xf32, #tpu.memory_space<vmem>>, vector<1x16xf32>,
        %get3A_1312 = vector.shape_cast %get3A_1311 : vector<1x16xf32> to vector<16xf32>
        %mul3A_1313 = vector.broadcast %squeeze3A_1249 : f32 to vector<16xf32>
        %mul3A_1314 = arith.mulf %get3A_1312, %mul3A_1313 : vector<16xf32>
        %swap3A_1315 = arith.index_cast %add3A_1253 : i32 to index
        %swap3A_1316 = arith.constant 80 : index
        %swap3A_1317 = tpu.vector_load %arg10[%swap3A_1315, %swap3A_1316] {strides = array<i32>} : memref<128x128xf32, #tpu.memory_space<vmem>>, vector<1x16xf32>,
        %swap3A_1318 = vector.shape_cast %swap3A_1317 : vector<1x16xf32> to vector<16xf32>
        %swap3A_1319 = vector.shape_cast %mul3A_1314 : vector<16xf32> to vector<1x16xf32>
        tpu.vector_store %arg10[%swap3A_1315, %swap3A_1316], %swap3A_1319 {strides = array<i32>} : memref<128x128xf32, #tpu.memory_space<vmem>>, vector<1x16xf32>,
        %get3A_1320 = arith.index_cast %add3A_1253 : i32 to index
        %get3A_1321 = arith.constant 96 : index
        %get3A_1322 = tpu.vector_load %arg10[%get3A_1320, %get3A_1321] {strides = array<i32>} : memref<128x128xf32, #tpu.memory_space<vmem>>, vector<1x16xf32>,
        %get3A_1323 = vector.shape_cast %get3A_1322 : vector<1x16xf32> to vector<16xf32>
        %mul3A_1324 = vector.broadcast %squeeze3A_1249 : f32 to vector<16xf32>
        %mul3A_1325 = arith.mulf %get3A_1323, %mul3A_1324 : vector<16xf32>
        %swap3A_1326 = arith.index_cast %add3A_1253 : i32 to index
        %swap3A_1327 = arith.constant 96 : index
        %swap3A_1328 = tpu.vector_load %arg10[%swap3A_1326, %swap3A_1327] {strides = array<i32>} : memref<128x128xf32, #tpu.memory_space<vmem>>, vector<1x16xf32>,
        %swap3A_1329 = vector.shape_cast %swap3A_1328 : vector<1x16xf32> to vector<16xf32>
        %swap3A_1330 = vector.shape_cast %mul3A_1325 : vector<16xf32> to vector<1x16xf32>
        tpu.vector_store %arg10[%swap3A_1326, %swap3A_1327], %swap3A_1330 {strides = array<i32>} : memref<128x128xf32, #tpu.memory_space<vmem>>, vector<1x16xf32>,
        %get3A_1331 = arith.index_cast %add3A_1253 : i32 to index
        %get3A_1332 = arith.constant 112 : index
        %get3A_1333 = tpu.vector_load %arg10[%get3A_1331, %get3A_1332] {strides = array<i32>} : memref<128x128xf32, #tpu.memory_space<vmem>>, vector<1x16xf32>,
        %get3A_1334 = vector.shape_cast %get3A_1333 : vector<1x16xf32> to vector<16xf32>
        %mul3A_1335 = vector.broadcast %squeeze3A_1249 : f32 to vector<16xf32>
        %mul3A_1336 = arith.mulf %get3A_1334, %mul3A_1335 : vector<16xf32>
        %swap3A_1337 = arith.index_cast %add3A_1253 : i32 to index
        %swap3A_1338 = arith.constant 112 : index
        %swap3A_1339 = tpu.vector_load %arg10[%swap3A_1337, %swap3A_1338] {strides = array<i32>} : memref<128x128xf32, #tpu.memory_space<vmem>>, vector<1x16xf32>,
        %swap3A_1340 = vector.shape_cast %swap3A_1339 : vector<1x16xf32> to vector<16xf32>
        %swap3A_1341 = vector.shape_cast %mul3A_1336 : vector<16xf32> to vector<1x16xf32>
        tpu.vector_store %arg10[%swap3A_1337, %swap3A_1338], %swap3A_1341 {strides = array<i32>} : memref<128x128xf32, #tpu.memory_space<vmem>>, vector<1x16xf32>,
        %slice3A_1342 = vector.extract_strided_slice %min3A_122 {offsets = [13], sizes = [1], strides = [1]} : vector<16xf32> to vector<1xf32>
        %squeeze3A_1343 = vector.extract %slice3A_1342[0] : f32 from vector<1xf32>
        %mul3A_1344 = arith.constant 16 : i32
        %mul3A_1345 = arith.muli %scan3A_111, %mul3A_1344 : i32
        %add3A_1346 = arith.constant 13 : i32
        %add3A_1347 = arith.addi %mul3A_1345, %add3A_1346 : i32
        %get3A_1348 = arith.index_cast %add3A_1347 : i32 to index
        %get3A_1349 = arith.constant 0 : index
        %get3A_1350 = tpu.vector_load %arg10[%get3A_1348, %get3A_1349] {strides = array<i32>} : memref<128x128xf32, #tpu.memory_space<vmem>>, vector<1x16xf32>,
        %get3A_1351 = vector.shape_cast %get3A_1350 : vector<1x16xf32> to vector<16xf32>
        %mul3A_1352 = vector.broadcast %squeeze3A_1343 : f32 to vector<16xf32>
        %mul3A_1353 = arith.mulf %get3A_1351, %mul3A_1352 : vector<16xf32>
        %swap3A_1354 = arith.index_cast %add3A_1347 : i32 to index
        %swap3A_1355 = arith.constant 0 : index
        %swap3A_1356 = tpu.vector_load %arg10[%swap3A_1354, %swap3A_1355] {strides = array<i32>} : memref<128x128xf32, #tpu.memory_space<vmem>>, vector<1x16xf32>,
        %swap3A_1357 = vector.shape_cast %swap3A_1356 : vector<1x16xf32> to vector<16xf32>
        %swap3A_1358 = vector.shape_cast %mul3A_1353 : vector<16xf32> to vector<1x16xf32>
        tpu.vector_store %arg10[%swap3A_1354, %swap3A_1355], %swap3A_1358 {strides = array<i32>} : memref<128x128xf32, #tpu.memory_space<vmem>>, vector<1x16xf32>,
        %get3A_1359 = arith.index_cast %add3A_1347 : i32 to index
        %get3A_1360 = arith.constant 16 : index
        %get3A_1361 = tpu.vector_load %arg10[%get3A_1359, %get3A_1360] {strides = array<i32>} : memref<128x128xf32, #tpu.memory_space<vmem>>, vector<1x16xf32>,
        %get3A_1362 = vector.shape_cast %get3A_1361 : vector<1x16xf32> to vector<16xf32>
        %mul3A_1363 = vector.broadcast %squeeze3A_1343 : f32 to vector<16xf32>
        %mul3A_1364 = arith.mulf %get3A_1362, %mul3A_1363 : vector<16xf32>
        %swap3A_1365 = arith.index_cast %add3A_1347 : i32 to index
        %swap3A_1366 = arith.constant 16 : index
        %swap3A_1367 = tpu.vector_load %arg10[%swap3A_1365, %swap3A_1366] {strides = array<i32>} : memref<128x128xf32, #tpu.memory_space<vmem>>, vector<1x16xf32>,
        %swap3A_1368 = vector.shape_cast %swap3A_1367 : vector<1x16xf32> to vector<16xf32>
        %swap3A_1369 = vector.shape_cast %mul3A_1364 : vector<16xf32> to vector<1x16xf32>
        tpu.vector_store %arg10[%swap3A_1365, %swap3A_1366], %swap3A_1369 {strides = array<i32>} : memref<128x128xf32, #tpu.memory_space<vmem>>, vector<1x16xf32>,
        %get3A_1370 = arith.index_cast %add3A_1347 : i32 to index
        %get3A_1371 = arith.constant 32 : index
        %get3A_1372 = tpu.vector_load %arg10[%get3A_1370, %get3A_1371] {strides = array<i32>} : memref<128x128xf32, #tpu.memory_space<vmem>>, vector<1x16xf32>,
        %get3A_1373 = vector.shape_cast %get3A_1372 : vector<1x16xf32> to vector<16xf32>
        %mul3A_1374 = vector.broadcast %squeeze3A_1343 : f32 to vector<16xf32>
        %mul3A_1375 = arith.mulf %get3A_1373, %mul3A_1374 : vector<16xf32>
        %swap3A_1376 = arith.index_cast %add3A_1347 : i32 to index
        %swap3A_1377 = arith.constant 32 : index
        %swap3A_1378 = tpu.vector_load %arg10[%swap3A_1376, %swap3A_1377] {strides = array<i32>} : memref<128x128xf32, #tpu.memory_space<vmem>>, vector<1x16xf32>,
        %swap3A_1379 = vector.shape_cast %swap3A_1378 : vector<1x16xf32> to vector<16xf32>
        %swap3A_1380 = vector.shape_cast %mul3A_1375 : vector<16xf32> to vector<1x16xf32>
        tpu.vector_store %arg10[%swap3A_1376, %swap3A_1377], %swap3A_1380 {strides = array<i32>} : memref<128x128xf32, #tpu.memory_space<vmem>>, vector<1x16xf32>,
        %get3A_1381 = arith.index_cast %add3A_1347 : i32 to index
        %get3A_1382 = arith.constant 48 : index
        %get3A_1383 = tpu.vector_load %arg10[%get3A_1381, %get3A_1382] {strides = array<i32>} : memref<128x128xf32, #tpu.memory_space<vmem>>, vector<1x16xf32>,
        %get3A_1384 = vector.shape_cast %get3A_1383 : vector<1x16xf32> to vector<16xf32>
        %mul3A_1385 = vector.broadcast %squeeze3A_1343 : f32 to vector<16xf32>
        %mul3A_1386 = arith.mulf %get3A_1384, %mul3A_1385 : vector<16xf32>
        %swap3A_1387 = arith.index_cast %add3A_1347 : i32 to index
        %swap3A_1388 = arith.constant 48 : index
        %swap3A_1389 = tpu.vector_load %arg10[%swap3A_1387, %swap3A_1388] {strides = array<i32>} : memref<128x128xf32, #tpu.memory_space<vmem>>, vector<1x16xf32>,
        %swap3A_1390 = vector.shape_cast %swap3A_1389 : vector<1x16xf32> to vector<16xf32>
        %swap3A_1391 = vector.shape_cast %mul3A_1386 : vector<16xf32> to vector<1x16xf32>
        tpu.vector_store %arg10[%swap3A_1387, %swap3A_1388], %swap3A_1391 {strides = array<i32>} : memref<128x128xf32, #tpu.memory_space<vmem>>, vector<1x16xf32>,
        %get3A_1392 = arith.index_cast %add3A_1347 : i32 to index
        %get3A_1393 = arith.constant 64 : index
        %get3A_1394 = tpu.vector_load %arg10[%get3A_1392, %get3A_1393] {strides = array<i32>} : memref<128x128xf32, #tpu.memory_space<vmem>>, vector<1x16xf32>,
        %get3A_1395 = vector.shape_cast %get3A_1394 : vector<1x16xf32> to vector<16xf32>
        %mul3A_1396 = vector.broadcast %squeeze3A_1343 : f32 to vector<16xf32>
        %mul3A_1397 = arith.mulf %get3A_1395, %mul3A_1396 : vector<16xf32>
        %swap3A_1398 = arith.index_cast %add3A_1347 : i32 to index
        %swap3A_1399 = arith.constant 64 : index
        %swap3A_1400 = tpu.vector_load %arg10[%swap3A_1398, %swap3A_1399] {strides = array<i32>} : memref<128x128xf32, #tpu.memory_space<vmem>>, vector<1x16xf32>,
        %swap3A_1401 = vector.shape_cast %swap3A_1400 : vector<1x16xf32> to vector<16xf32>
        %swap3A_1402 = vector.shape_cast %mul3A_1397 : vector<16xf32> to vector<1x16xf32>
        tpu.vector_store %arg10[%swap3A_1398, %swap3A_1399], %swap3A_1402 {strides = array<i32>} : memref<128x128xf32, #tpu.memory_space<vmem>>, vector<1x16xf32>,
        %get3A_1403 = arith.index_cast %add3A_1347 : i32 to index
        %get3A_1404 = arith.constant 80 : index
        %get3A_1405 = tpu.vector_load %arg10[%get3A_1403, %get3A_1404] {strides = array<i32>} : memref<128x128xf32, #tpu.memory_space<vmem>>, vector<1x16xf32>,
        %get3A_1406 = vector.shape_cast %get3A_1405 : vector<1x16xf32> to vector<16xf32>
        %mul3A_1407 = vector.broadcast %squeeze3A_1343 : f32 to vector<16xf32>
        %mul3A_1408 = arith.mulf %get3A_1406, %mul3A_1407 : vector<16xf32>
        %swap3A_1409 = arith.index_cast %add3A_1347 : i32 to index
        %swap3A_1410 = arith.constant 80 : index
        %swap3A_1411 = tpu.vector_load %arg10[%swap3A_1409, %swap3A_1410] {strides = array<i32>} : memref<128x128xf32, #tpu.memory_space<vmem>>, vector<1x16xf32>,
        %swap3A_1412 = vector.shape_cast %swap3A_1411 : vector<1x16xf32> to vector<16xf32>
        %swap3A_1413 = vector.shape_cast %mul3A_1408 : vector<16xf32> to vector<1x16xf32>
        tpu.vector_store %arg10[%swap3A_1409, %swap3A_1410], %swap3A_1413 {strides = array<i32>} : memref<128x128xf32, #tpu.memory_space<vmem>>, vector<1x16xf32>,
        %get3A_1414 = arith.index_cast %add3A_1347 : i32 to index
        %get3A_1415 = arith.constant 96 : index
        %get3A_1416 = tpu.vector_load %arg10[%get3A_1414, %get3A_1415] {strides = array<i32>} : memref<128x128xf32, #tpu.memory_space<vmem>>, vector<1x16xf32>,
        %get3A_1417 = vector.shape_cast %get3A_1416 : vector<1x16xf32> to vector<16xf32>
        %mul3A_1418 = vector.broadcast %squeeze3A_1343 : f32 to vector<16xf32>
        %mul3A_1419 = arith.mulf %get3A_1417, %mul3A_1418 : vector<16xf32>
        %swap3A_1420 = arith.index_cast %add3A_1347 : i32 to index
        %swap3A_1421 = arith.constant 96 : index
        %swap3A_1422 = tpu.vector_load %arg10[%swap3A_1420, %swap3A_1421] {strides = array<i32>} : memref<128x128xf32, #tpu.memory_space<vmem>>, vector<1x16xf32>,
        %swap3A_1423 = vector.shape_cast %swap3A_1422 : vector<1x16xf32> to vector<16xf32>
        %swap3A_1424 = vector.shape_cast %mul3A_1419 : vector<16xf32> to vector<1x16xf32>
        tpu.vector_store %arg10[%swap3A_1420, %swap3A_1421], %swap3A_1424 {strides = array<i32>} : memref<128x128xf32, #tpu.memory_space<vmem>>, vector<1x16xf32>,
        %get3A_1425 = arith.index_cast %add3A_1347 : i32 to index
        %get3A_1426 = arith.constant 112 : index
        %get3A_1427 = tpu.vector_load %arg10[%get3A_1425, %get3A_1426] {strides = array<i32>} : memref<128x128xf32, #tpu.memory_space<vmem>>, vector<1x16xf32>,
        %get3A_1428 = vector.shape_cast %get3A_1427 : vector<1x16xf32> to vector<16xf32>
        %mul3A_1429 = vector.broadcast %squeeze3A_1343 : f32 to vector<16xf32>
        %mul3A_1430 = arith.mulf %get3A_1428, %mul3A_1429 : vector<16xf32>
        %swap3A_1431 = arith.index_cast %add3A_1347 : i32 to index
        %swap3A_1432 = arith.constant 112 : index
        %swap3A_1433 = tpu.vector_load %arg10[%swap3A_1431, %swap3A_1432] {strides = array<i32>} : memref<128x128xf32, #tpu.memory_space<vmem>>, vector<1x16xf32>,
        %swap3A_1434 = vector.shape_cast %swap3A_1433 : vector<1x16xf32> to vector<16xf32>
        %swap3A_1435 = vector.shape_cast %mul3A_1430 : vector<16xf32> to vector<1x16xf32>
        tpu.vector_store %arg10[%swap3A_1431, %swap3A_1432], %swap3A_1435 {strides = array<i32>} : memref<128x128xf32, #tpu.memory_space<vmem>>, vector<1x16xf32>,
        %slice3A_1436 = vector.extract_strided_slice %min3A_122 {offsets = [14], sizes = [1], strides = [1]} : vector<16xf32> to vector<1xf32>
        %squeeze3A_1437 = vector.extract %slice3A_1436[0] : f32 from vector<1xf32>
        %mul3A_1438 = arith.constant 16 : i32
        %mul3A_1439 = arith.muli %scan3A_111, %mul3A_1438 : i32
        %add3A_1440 = arith.constant 14 : i32
        %add3A_1441 = arith.addi %mul3A_1439, %add3A_1440 : i32
        %get3A_1442 = arith.index_cast %add3A_1441 : i32 to index
        %get3A_1443 = arith.constant 0 : index
        %get3A_1444 = tpu.vector_load %arg10[%get3A_1442, %get3A_1443] {strides = array<i32>} : memref<128x128xf32, #tpu.memory_space<vmem>>, vector<1x16xf32>,
        %get3A_1445 = vector.shape_cast %get3A_1444 : vector<1x16xf32> to vector<16xf32>
        %mul3A_1446 = vector.broadcast %squeeze3A_1437 : f32 to vector<16xf32>
        %mul3A_1447 = arith.mulf %get3A_1445, %mul3A_1446 : vector<16xf32>
        %swap3A_1448 = arith.index_cast %add3A_1441 : i32 to index
        %swap3A_1449 = arith.constant 0 : index
        %swap3A_1450 = tpu.vector_load %arg10[%swap3A_1448, %swap3A_1449] {strides = array<i32>} : memref<128x128xf32, #tpu.memory_space<vmem>>, vector<1x16xf32>,
        %swap3A_1451 = vector.shape_cast %swap3A_1450 : vector<1x16xf32> to vector<16xf32>
        %swap3A_1452 = vector.shape_cast %mul3A_1447 : vector<16xf32> to vector<1x16xf32>
        tpu.vector_store %arg10[%swap3A_1448, %swap3A_1449], %swap3A_1452 {strides = array<i32>} : memref<128x128xf32, #tpu.memory_space<vmem>>, vector<1x16xf32>,
        %get3A_1453 = arith.index_cast %add3A_1441 : i32 to index
        %get3A_1454 = arith.constant 16 : index
        %get3A_1455 = tpu.vector_load %arg10[%get3A_1453, %get3A_1454] {strides = array<i32>} : memref<128x128xf32, #tpu.memory_space<vmem>>, vector<1x16xf32>,
        %get3A_1456 = vector.shape_cast %get3A_1455 : vector<1x16xf32> to vector<16xf32>
        %mul3A_1457 = vector.broadcast %squeeze3A_1437 : f32 to vector<16xf32>
        %mul3A_1458 = arith.mulf %get3A_1456, %mul3A_1457 : vector<16xf32>
        %swap3A_1459 = arith.index_cast %add3A_1441 : i32 to index
        %swap3A_1460 = arith.constant 16 : index
        %swap3A_1461 = tpu.vector_load %arg10[%swap3A_1459, %swap3A_1460] {strides = array<i32>} : memref<128x128xf32, #tpu.memory_space<vmem>>, vector<1x16xf32>,
        %swap3A_1462 = vector.shape_cast %swap3A_1461 : vector<1x16xf32> to vector<16xf32>
        %swap3A_1463 = vector.shape_cast %mul3A_1458 : vector<16xf32> to vector<1x16xf32>
        tpu.vector_store %arg10[%swap3A_1459, %swap3A_1460], %swap3A_1463 {strides = array<i32>} : memref<128x128xf32, #tpu.memory_space<vmem>>, vector<1x16xf32>,
        %get3A_1464 = arith.index_cast %add3A_1441 : i32 to index
        %get3A_1465 = arith.constant 32 : index
        %get3A_1466 = tpu.vector_load %arg10[%get3A_1464, %get3A_1465] {strides = array<i32>} : memref<128x128xf32, #tpu.memory_space<vmem>>, vector<1x16xf32>,
        %get3A_1467 = vector.shape_cast %get3A_1466 : vector<1x16xf32> to vector<16xf32>
        %mul3A_1468 = vector.broadcast %squeeze3A_1437 : f32 to vector<16xf32>
        %mul3A_1469 = arith.mulf %get3A_1467, %mul3A_1468 : vector<16xf32>
        %swap3A_1470 = arith.index_cast %add3A_1441 : i32 to index
        %swap3A_1471 = arith.constant 32 : index
        %swap3A_1472 = tpu.vector_load %arg10[%swap3A_1470, %swap3A_1471] {strides = array<i32>} : memref<128x128xf32, #tpu.memory_space<vmem>>, vector<1x16xf32>,
        %swap3A_1473 = vector.shape_cast %swap3A_1472 : vector<1x16xf32> to vector<16xf32>
        %swap3A_1474 = vector.shape_cast %mul3A_1469 : vector<16xf32> to vector<1x16xf32>
        tpu.vector_store %arg10[%swap3A_1470, %swap3A_1471], %swap3A_1474 {strides = array<i32>} : memref<128x128xf32, #tpu.memory_space<vmem>>, vector<1x16xf32>,
        %get3A_1475 = arith.index_cast %add3A_1441 : i32 to index
        %get3A_1476 = arith.constant 48 : index
        %get3A_1477 = tpu.vector_load %arg10[%get3A_1475, %get3A_1476] {strides = array<i32>} : memref<128x128xf32, #tpu.memory_space<vmem>>, vector<1x16xf32>,
        %get3A_1478 = vector.shape_cast %get3A_1477 : vector<1x16xf32> to vector<16xf32>
        %mul3A_1479 = vector.broadcast %squeeze3A_1437 : f32 to vector<16xf32>
        %mul3A_1480 = arith.mulf %get3A_1478, %mul3A_1479 : vector<16xf32>
        %swap3A_1481 = arith.index_cast %add3A_1441 : i32 to index
        %swap3A_1482 = arith.constant 48 : index
        %swap3A_1483 = tpu.vector_load %arg10[%swap3A_1481, %swap3A_1482] {strides = array<i32>} : memref<128x128xf32, #tpu.memory_space<vmem>>, vector<1x16xf32>,
        %swap3A_1484 = vector.shape_cast %swap3A_1483 : vector<1x16xf32> to vector<16xf32>
        %swap3A_1485 = vector.shape_cast %mul3A_1480 : vector<16xf32> to vector<1x16xf32>
        tpu.vector_store %arg10[%swap3A_1481, %swap3A_1482], %swap3A_1485 {strides = array<i32>} : memref<128x128xf32, #tpu.memory_space<vmem>>, vector<1x16xf32>,
        %get3A_1486 = arith.index_cast %add3A_1441 : i32 to index
        %get3A_1487 = arith.constant 64 : index
        %get3A_1488 = tpu.vector_load %arg10[%get3A_1486, %get3A_1487] {strides = array<i32>} : memref<128x128xf32, #tpu.memory_space<vmem>>, vector<1x16xf32>,
        %get3A_1489 = vector.shape_cast %get3A_1488 : vector<1x16xf32> to vector<16xf32>
        %mul3A_1490 = vector.broadcast %squeeze3A_1437 : f32 to vector<16xf32>
        %mul3A_1491 = arith.mulf %get3A_1489, %mul3A_1490 : vector<16xf32>
        %swap3A_1492 = arith.index_cast %add3A_1441 : i32 to index
        %swap3A_1493 = arith.constant 64 : index
        %swap3A_1494 = tpu.vector_load %arg10[%swap3A_1492, %swap3A_1493] {strides = array<i32>} : memref<128x128xf32, #tpu.memory_space<vmem>>, vector<1x16xf32>,
        %swap3A_1495 = vector.shape_cast %swap3A_1494 : vector<1x16xf32> to vector<16xf32>
        %swap3A_1496 = vector.shape_cast %mul3A_1491 : vector<16xf32> to vector<1x16xf32>
        tpu.vector_store %arg10[%swap3A_1492, %swap3A_1493], %swap3A_1496 {strides = array<i32>} : memref<128x128xf32, #tpu.memory_space<vmem>>, vector<1x16xf32>,
        %get3A_1497 = arith.index_cast %add3A_1441 : i32 to index
        %get3A_1498 = arith.constant 80 : index
        %get3A_1499 = tpu.vector_load %arg10[%get3A_1497, %get3A_1498] {strides = array<i32>} : memref<128x128xf32, #tpu.memory_space<vmem>>, vector<1x16xf32>,
        %get3A_1500 = vector.shape_cast %get3A_1499 : vector<1x16xf32> to vector<16xf32>
        %mul3A_1501 = vector.broadcast %squeeze3A_1437 : f32 to vector<16xf32>
        %mul3A_1502 = arith.mulf %get3A_1500, %mul3A_1501 : vector<16xf32>
        %swap3A_1503 = arith.index_cast %add3A_1441 : i32 to index
        %swap3A_1504 = arith.constant 80 : index
        %swap3A_1505 = tpu.vector_load %arg10[%swap3A_1503, %swap3A_1504] {strides = array<i32>} : memref<128x128xf32, #tpu.memory_space<vmem>>, vector<1x16xf32>,
        %swap3A_1506 = vector.shape_cast %swap3A_1505 : vector<1x16xf32> to vector<16xf32>
        %swap3A_1507 = vector.shape_cast %mul3A_1502 : vector<16xf32> to vector<1x16xf32>
        tpu.vector_store %arg10[%swap3A_1503, %swap3A_1504], %swap3A_1507 {strides = array<i32>} : memref<128x128xf32, #tpu.memory_space<vmem>>, vector<1x16xf32>,
        %get3A_1508 = arith.index_cast %add3A_1441 : i32 to index
        %get3A_1509 = arith.constant 96 : index
        %get3A_1510 = tpu.vector_load %arg10[%get3A_1508, %get3A_1509] {strides = array<i32>} : memref<128x128xf32, #tpu.memory_space<vmem>>, vector<1x16xf32>,
        %get3A_1511 = vector.shape_cast %get3A_1510 : vector<1x16xf32> to vector<16xf32>
        %mul3A_1512 = vector.broadcast %squeeze3A_1437 : f32 to vector<16xf32>
        %mul3A_1513 = arith.mulf %get3A_1511, %mul3A_1512 : vector<16xf32>
        %swap3A_1514 = arith.index_cast %add3A_1441 : i32 to index
        %swap3A_1515 = arith.constant 96 : index
        %swap3A_1516 = tpu.vector_load %arg10[%swap3A_1514, %swap3A_1515] {strides = array<i32>} : memref<128x128xf32, #tpu.memory_space<vmem>>, vector<1x16xf32>,
        %swap3A_1517 = vector.shape_cast %swap3A_1516 : vector<1x16xf32> to vector<16xf32>
        %swap3A_1518 = vector.shape_cast %mul3A_1513 : vector<16xf32> to vector<1x16xf32>
        tpu.vector_store %arg10[%swap3A_1514, %swap3A_1515], %swap3A_1518 {strides = array<i32>} : memref<128x128xf32, #tpu.memory_space<vmem>>, vector<1x16xf32>,
        %get3A_1519 = arith.index_cast %add3A_1441 : i32 to index
        %get3A_1520 = arith.constant 112 : index
        %get3A_1521 = tpu.vector_load %arg10[%get3A_1519, %get3A_1520] {strides = array<i32>} : memref<128x128xf32, #tpu.memory_space<vmem>>, vector<1x16xf32>,
        %get3A_1522 = vector.shape_cast %get3A_1521 : vector<1x16xf32> to vector<16xf32>
        %mul3A_1523 = vector.broadcast %squeeze3A_1437 : f32 to vector<16xf32>
        %mul3A_1524 = arith.mulf %get3A_1522, %mul3A_1523 : vector<16xf32>
        %swap3A_1525 = arith.index_cast %add3A_1441 : i32 to index
        %swap3A_1526 = arith.constant 112 : index
        %swap3A_1527 = tpu.vector_load %arg10[%swap3A_1525, %swap3A_1526] {strides = array<i32>} : memref<128x128xf32, #tpu.memory_space<vmem>>, vector<1x16xf32>,
        %swap3A_1528 = vector.shape_cast %swap3A_1527 : vector<1x16xf32> to vector<16xf32>
        %swap3A_1529 = vector.shape_cast %mul3A_1524 : vector<16xf32> to vector<1x16xf32>
        tpu.vector_store %arg10[%swap3A_1525, %swap3A_1526], %swap3A_1529 {strides = array<i32>} : memref<128x128xf32, #tpu.memory_space<vmem>>, vector<1x16xf32>,
        %slice3A_1530 = vector.extract_strided_slice %min3A_122 {offsets = [15], sizes = [1], strides = [1]} : vector<16xf32> to vector<1xf32>
        %squeeze3A_1531 = vector.extract %slice3A_1530[0] : f32 from vector<1xf32>
        %mul3A_1532 = arith.constant 16 : i32
        %mul3A_1533 = arith.muli %scan3A_111, %mul3A_1532 : i32
        %add3A_1534 = arith.constant 15 : i32
        %add3A_1535 = arith.addi %mul3A_1533, %add3A_1534 : i32
        %get3A_1536 = arith.index_cast %add3A_1535 : i32 to index
        %get3A_1537 = arith.constant 0 : index
        %get3A_1538 = tpu.vector_load %arg10[%get3A_1536, %get3A_1537] {strides = array<i32>} : memref<128x128xf32, #tpu.memory_space<vmem>>, vector<1x16xf32>,
        %get3A_1539 = vector.shape_cast %get3A_1538 : vector<1x16xf32> to vector<16xf32>
        %mul3A_1540 = vector.broadcast %squeeze3A_1531 : f32 to vector<16xf32>
        %mul3A_1541 = arith.mulf %get3A_1539, %mul3A_1540 : vector<16xf32>
        %swap3A_1542 = arith.index_cast %add3A_1535 : i32 to index
        %swap3A_1543 = arith.constant 0 : index
        %swap3A_1544 = tpu.vector_load %arg10[%swap3A_1542, %swap3A_1543] {strides = array<i32>} : memref<128x128xf32, #tpu.memory_space<vmem>>, vector<1x16xf32>,
        %swap3A_1545 = vector.shape_cast %swap3A_1544 : vector<1x16xf32> to vector<16xf32>
        %swap3A_1546 = vector.shape_cast %mul3A_1541 : vector<16xf32> to vector<1x16xf32>
        tpu.vector_store %arg10[%swap3A_1542, %swap3A_1543], %swap3A_1546 {strides = array<i32>} : memref<128x128xf32, #tpu.memory_space<vmem>>, vector<1x16xf32>,
        %get3A_1547 = arith.index_cast %add3A_1535 : i32 to index
        %get3A_1548 = arith.constant 16 : index
        %get3A_1549 = tpu.vector_load %arg10[%get3A_1547, %get3A_1548] {strides = array<i32>} : memref<128x128xf32, #tpu.memory_space<vmem>>, vector<1x16xf32>,
        %get3A_1550 = vector.shape_cast %get3A_1549 : vector<1x16xf32> to vector<16xf32>
        %mul3A_1551 = vector.broadcast %squeeze3A_1531 : f32 to vector<16xf32>
        %mul3A_1552 = arith.mulf %get3A_1550, %mul3A_1551 : vector<16xf32>
        %swap3A_1553 = arith.index_cast %add3A_1535 : i32 to index
        %swap3A_1554 = arith.constant 16 : index
        %swap3A_1555 = tpu.vector_load %arg10[%swap3A_1553, %swap3A_1554] {strides = array<i32>} : memref<128x128xf32, #tpu.memory_space<vmem>>, vector<1x16xf32>,
        %swap3A_1556 = vector.shape_cast %swap3A_1555 : vector<1x16xf32> to vector<16xf32>
        %swap3A_1557 = vector.shape_cast %mul3A_1552 : vector<16xf32> to vector<1x16xf32>
        tpu.vector_store %arg10[%swap3A_1553, %swap3A_1554], %swap3A_1557 {strides = array<i32>} : memref<128x128xf32, #tpu.memory_space<vmem>>, vector<1x16xf32>,
        %get3A_1558 = arith.index_cast %add3A_1535 : i32 to index
        %get3A_1559 = arith.constant 32 : index
        %get3A_1560 = tpu.vector_load %arg10[%get3A_1558, %get3A_1559] {strides = array<i32>} : memref<128x128xf32, #tpu.memory_space<vmem>>, vector<1x16xf32>,
        %get3A_1561 = vector.shape_cast %get3A_1560 : vector<1x16xf32> to vector<16xf32>
        %mul3A_1562 = vector.broadcast %squeeze3A_1531 : f32 to vector<16xf32>
        %mul3A_1563 = arith.mulf %get3A_1561, %mul3A_1562 : vector<16xf32>
        %swap3A_1564 = arith.index_cast %add3A_1535 : i32 to index
        %swap3A_1565 = arith.constant 32 : index
        %swap3A_1566 = tpu.vector_load %arg10[%swap3A_1564, %swap3A_1565] {strides = array<i32>} : memref<128x128xf32, #tpu.memory_space<vmem>>, vector<1x16xf32>,
        %swap3A_1567 = vector.shape_cast %swap3A_1566 : vector<1x16xf32> to vector<16xf32>
        %swap3A_1568 = vector.shape_cast %mul3A_1563 : vector<16xf32> to vector<1x16xf32>
        tpu.vector_store %arg10[%swap3A_1564, %swap3A_1565], %swap3A_1568 {strides = array<i32>} : memref<128x128xf32, #tpu.memory_space<vmem>>, vector<1x16xf32>,
        %get3A_1569 = arith.index_cast %add3A_1535 : i32 to index
        %get3A_1570 = arith.constant 48 : index
        %get3A_1571 = tpu.vector_load %arg10[%get3A_1569, %get3A_1570] {strides = array<i32>} : memref<128x128xf32, #tpu.memory_space<vmem>>, vector<1x16xf32>,
        %get3A_1572 = vector.shape_cast %get3A_1571 : vector<1x16xf32> to vector<16xf32>
        %mul3A_1573 = vector.broadcast %squeeze3A_1531 : f32 to vector<16xf32>
        %mul3A_1574 = arith.mulf %get3A_1572, %mul3A_1573 : vector<16xf32>
        %swap3A_1575 = arith.index_cast %add3A_1535 : i32 to index
        %swap3A_1576 = arith.constant 48 : index
        %swap3A_1577 = tpu.vector_load %arg10[%swap3A_1575, %swap3A_1576] {strides = array<i32>} : memref<128x128xf32, #tpu.memory_space<vmem>>, vector<1x16xf32>,
        %swap3A_1578 = vector.shape_cast %swap3A_1577 : vector<1x16xf32> to vector<16xf32>
        %swap3A_1579 = vector.shape_cast %mul3A_1574 : vector<16xf32> to vector<1x16xf32>
        tpu.vector_store %arg10[%swap3A_1575, %swap3A_1576], %swap3A_1579 {strides = array<i32>} : memref<128x128xf32, #tpu.memory_space<vmem>>, vector<1x16xf32>,
        %get3A_1580 = arith.index_cast %add3A_1535 : i32 to index
        %get3A_1581 = arith.constant 64 : index
        %get3A_1582 = tpu.vector_load %arg10[%get3A_1580, %get3A_1581] {strides = array<i32>} : memref<128x128xf32, #tpu.memory_space<vmem>>, vector<1x16xf32>,
        %get3A_1583 = vector.shape_cast %get3A_1582 : vector<1x16xf32> to vector<16xf32>
        %mul3A_1584 = vector.broadcast %squeeze3A_1531 : f32 to vector<16xf32>
        %mul3A_1585 = arith.mulf %get3A_1583, %mul3A_1584 : vector<16xf32>
        %swap3A_1586 = arith.index_cast %add3A_1535 : i32 to index
        %swap3A_1587 = arith.constant 64 : index
        %swap3A_1588 = tpu.vector_load %arg10[%swap3A_1586, %swap3A_1587] {strides = array<i32>} : memref<128x128xf32, #tpu.memory_space<vmem>>, vector<1x16xf32>,
        %swap3A_1589 = vector.shape_cast %swap3A_1588 : vector<1x16xf32> to vector<16xf32>
        %swap3A_1590 = vector.shape_cast %mul3A_1585 : vector<16xf32> to vector<1x16xf32>
        tpu.vector_store %arg10[%swap3A_1586, %swap3A_1587], %swap3A_1590 {strides = array<i32>} : memref<128x128xf32, #tpu.memory_space<vmem>>, vector<1x16xf32>,
        %get3A_1591 = arith.index_cast %add3A_1535 : i32 to index
        %get3A_1592 = arith.constant 80 : index
        %get3A_1593 = tpu.vector_load %arg10[%get3A_1591, %get3A_1592] {strides = array<i32>} : memref<128x128xf32, #tpu.memory_space<vmem>>, vector<1x16xf32>,
        %get3A_1594 = vector.shape_cast %get3A_1593 : vector<1x16xf32> to vector<16xf32>
        %mul3A_1595 = vector.broadcast %squeeze3A_1531 : f32 to vector<16xf32>
        %mul3A_1596 = arith.mulf %get3A_1594, %mul3A_1595 : vector<16xf32>
        %swap3A_1597 = arith.index_cast %add3A_1535 : i32 to index
        %swap3A_1598 = arith.constant 80 : index
        %swap3A_1599 = tpu.vector_load %arg10[%swap3A_1597, %swap3A_1598] {strides = array<i32>} : memref<128x128xf32, #tpu.memory_space<vmem>>, vector<1x16xf32>,
        %swap3A_1600 = vector.shape_cast %swap3A_1599 : vector<1x16xf32> to vector<16xf32>
        %swap3A_1601 = vector.shape_cast %mul3A_1596 : vector<16xf32> to vector<1x16xf32>
        tpu.vector_store %arg10[%swap3A_1597, %swap3A_1598], %swap3A_1601 {strides = array<i32>} : memref<128x128xf32, #tpu.memory_space<vmem>>, vector<1x16xf32>,
        %get3A_1602 = arith.index_cast %add3A_1535 : i32 to index
        %get3A_1603 = arith.constant 96 : index
        %get3A_1604 = tpu.vector_load %arg10[%get3A_1602, %get3A_1603] {strides = array<i32>} : memref<128x128xf32, #tpu.memory_space<vmem>>, vector<1x16xf32>,
        %get3A_1605 = vector.shape_cast %get3A_1604 : vector<1x16xf32> to vector<16xf32>
        %mul3A_1606 = vector.broadcast %squeeze3A_1531 : f32 to vector<16xf32>
        %mul3A_1607 = arith.mulf %get3A_1605, %mul3A_1606 : vector<16xf32>
        %swap3A_1608 = arith.index_cast %add3A_1535 : i32 to index
        %swap3A_1609 = arith.constant 96 : index
        %swap3A_1610 = tpu.vector_load %arg10[%swap3A_1608, %swap3A_1609] {strides = array<i32>} : memref<128x128xf32, #tpu.memory_space<vmem>>, vector<1x16xf32>,
        %swap3A_1611 = vector.shape_cast %swap3A_1610 : vector<1x16xf32> to vector<16xf32>
        %swap3A_1612 = vector.shape_cast %mul3A_1607 : vector<16xf32> to vector<1x16xf32>
        tpu.vector_store %arg10[%swap3A_1608, %swap3A_1609], %swap3A_1612 {strides = array<i32>} : memref<128x128xf32, #tpu.memory_space<vmem>>, vector<1x16xf32>,
        %get3A_1613 = arith.index_cast %add3A_1535 : i32 to index
        %get3A_1614 = arith.constant 112 : index
        %get3A_1615 = tpu.vector_load %arg10[%get3A_1613, %get3A_1614] {strides = array<i32>} : memref<128x128xf32, #tpu.memory_space<vmem>>, vector<1x16xf32>,
        %get3A_1616 = vector.shape_cast %get3A_1615 : vector<1x16xf32> to vector<16xf32>
        %mul3A_1617 = vector.broadcast %squeeze3A_1531 : f32 to vector<16xf32>
        %mul3A_1618 = arith.mulf %get3A_1616, %mul3A_1617 : vector<16xf32>
        %swap3A_1619 = arith.index_cast %add3A_1535 : i32 to index
        %swap3A_1620 = arith.constant 112 : index
        %swap3A_1621 = tpu.vector_load %arg10[%swap3A_1619, %swap3A_1620] {strides = array<i32>} : memref<128x128xf32, #tpu.memory_space<vmem>>, vector<1x16xf32>,
        %swap3A_1622 = vector.shape_cast %swap3A_1621 : vector<1x16xf32> to vector<16xf32>
        %swap3A_1623 = vector.shape_cast %mul3A_1618 : vector<16xf32> to vector<1x16xf32>
        tpu.vector_store %arg10[%swap3A_1619, %swap3A_1620], %swap3A_1623 {strides = array<i32>} : memref<128x128xf32, #tpu.memory_space<vmem>>, vector<1x16xf32>,
      }
      %scan3A_110 = arith.constant 8 : i32
      "tpu.region"() ({
        %run_scoped3A = tpu.sem_alloc : memref<!tpu.dma_semaphore, #tpu.memory_space<semaphore_mem>>
        %dma_start3A_111 = arith.constant 0 : i32
        %dma_start3A_112 = tpu.memref_slice %arg8[%while3A_94, %dma_start3A_111] : memref<80x128xi32, #tpu.memory_space<vmem>> -> memref<1x128xi32, #tpu.memory_space<vmem>>
        %dma_start3A_113 = tpu.memref_squeeze %dma_start3A_112 : memref<1x128xi32, #tpu.memory_space<vmem>> -> memref<128xi32, #tpu.memory_space<vmem>>
        %dma_start3A_114 = arith.constant 0 : i32
        %dma_start3A_115 = arith.constant 0 : i32
        %dma_start3A_116 = tpu.memref_slice %arg11[%dma_start3A_114, %dma_start3A_115] : memref<10000x128xf32, #tpu.memory_space<vmem_shared>> -> memref<10000x128xf32, #tpu.memory_space<vmem_shared>>
        tpu.enqueue_indirect_dma source(%arg10 : memref<128x128xf32, #tpu.memory_space<vmem>>) target(%dma_start3A_116 : memref<10000x128xf32, #tpu.memory_space<vmem_shared>>) offsets(%dma_start3A_113 : memref<128xi32, #tpu.memory_space<vmem>>) semaphore(%run_scoped3A : memref<!tpu.dma_semaphore, #tpu.memory_space<semaphore_mem>>) {add = true}
        %dma_wait3A_117 = arith.constant 0 : i32
        %dma_wait3A_118 = tpu.memref_slice %arg8[%while3A_94, %dma_wait3A_117] : memref<80x128xi32, #tpu.memory_space<vmem>> -> memref<1x128xi32, #tpu.memory_space<vmem>>
        %dma_wait3A_119 = tpu.memref_squeeze %dma_wait3A_118 : memref<1x128xi32, #tpu.memory_space<vmem>> -> memref<128xi32, #tpu.memory_space<vmem>>
        %dma_wait3A_120 = arith.constant 0 : i32
        %dma_wait3A_121 = arith.constant 0 : i32
        %dma_wait3A_122 = tpu.memref_slice %arg11[%dma_wait3A_120, %dma_wait3A_121] : memref<10000x128xf32, #tpu.memory_space<vmem_shared>> -> memref<10000x128xf32, #tpu.memory_space<vmem_shared>>
        tpu.wait_indirect_dma semaphore(%run_scoped3A : memref<!tpu.dma_semaphore, #tpu.memory_space<semaphore_mem>>) src(%arg10 : memref<128x128xf32, #tpu.memory_space<vmem>>) dst(%dma_wait3A_122 : memref<10000x128xf32, #tpu.memory_space<vmem_shared>>)
        tpu.yield
      }) : () -> ()
    }
    %while3A_62 = arith.constant 1 : i32
    scf.for %while3A_94 = %while3A_60 to %while3A_56 step %while3A_62  : i32 {
      %dma_start3A = arith.constant 0 : i32
      %dma_start3A_95 = tpu.memref_slice %arg7[%while3A_94, %dma_start3A] : memref<80x128xi32, #tpu.memory_space<vmem>> -> memref<1x128xi32, #tpu.memory_space<vmem>>
      %dma_start3A_96 = tpu.memref_squeeze %dma_start3A_95 : memref<1x128xi32, #tpu.memory_space<vmem>> -> memref<128xi32, #tpu.memory_space<vmem>>
      %dma_start3A_97 = arith.constant 0 : i32
      %dma_start3A_98 = arith.constant 0 : i32
      %dma_start3A_99 = tpu.memref_slice %arg5[%dma_start3A_97, %dma_start3A_98] : memref<10000x128xf32, #tpu.memory_space<hbm>> -> memref<10000x128xf32, #tpu.memory_space<hbm>>
      tpu.enqueue_indirect_dma source(%dma_start3A_99 : memref<10000x128xf32, #tpu.memory_space<hbm>>) target(%arg10 : memref<128x128xf32, #tpu.memory_space<vmem>>) offsets(%dma_start3A_96 : memref<128xi32, #tpu.memory_space<vmem>>) semaphore(%arg12 : memref<!tpu.dma_semaphore, #tpu.memory_space<semaphore_mem>>)
      %dma_wait3A = arith.constant 0 : i32
      %dma_wait3A_100 = tpu.memref_slice %arg7[%while3A_94, %dma_wait3A] : memref<80x128xi32, #tpu.memory_space<vmem>> -> memref<1x128xi32, #tpu.memory_space<vmem>>
      %dma_wait3A_101 = tpu.memref_squeeze %dma_wait3A_100 : memref<1x128xi32, #tpu.memory_space<vmem>> -> memref<128xi32, #tpu.memory_space<vmem>>
      %dma_wait3A_102 = arith.constant 0 : i32
      %dma_wait3A_103 = arith.constant 0 : i32
      %dma_wait3A_104 = tpu.memref_slice %arg5[%dma_wait3A_102, %dma_wait3A_103] : memref<10000x128xf32, #tpu.memory_space<hbm>> -> memref<10000x128xf32, #tpu.memory_space<hbm>>
      tpu.wait_indirect_dma semaphore(%arg12 : memref<!tpu.dma_semaphore, #tpu.memory_space<semaphore_mem>>) src(%dma_wait3A_104 : memref<10000x128xf32, #tpu.memory_space<hbm>>) dst(%arg10 : memref<128x128xf32, #tpu.memory_space<vmem>>)
      %scan3A_105 = arith.constant 0 : i32
      %scan3A_106 = arith.constant 0 : i32
      %scan3A_107 = arith.constant 8 : i32
      %scan3A_108 = arith.addi %scan3A_106, %scan3A_107 : i32
      %scan3A_109 = arith.constant 1 : i32
      scf.for %scan3A_111 = %scan3A_106 to %scan3A_108 step %scan3A_109  : i32 {
        %mul3A_112 = arith.constant 128 : i32
        %mul3A_113 = arith.muli %while3A_94, %mul3A_112 : i32
        %mul3A_114 = arith.constant 16 : i32
        %mul3A_115 = arith.muli %scan3A_111, %mul3A_114 : i32
        %add3A_116 = arith.addi %mul3A_113, %mul3A_115 : i32
        %get3A = arith.index_cast %add3A_116 : i32 to index
        %get3A_117 = tpu.vector_load %arg9[%get3A] {strides = array<i32>} : memref<10240xf32, #tpu.memory_space<vmem>>, vector<16xf32>,
        %get3A_118 = vector.shape_cast %get3A_117 : vector<16xf32> to vector<16xf32>
        %jit3A_119 = arith.constant -2.000000e+00 : f32
        %jit3A_120 = arith.constant 5.000000e+00 : f32
        %max3A = vector.broadcast %jit3A_119 : f32 to vector<16xf32>
        %max3A_121 = arith.maximumf %max3A, %get3A_118 : vector<16xf32>
        %min3A = vector.broadcast %jit3A_120 : f32 to vector<16xf32>
        %min3A_122 = arith.minimumf %min3A, %max3A_121 : vector<16xf32>
        %slice3A = vector.extract_strided_slice %min3A_122 {offsets = [0], sizes = [1], strides = [1]} : vector<16xf32> to vector<1xf32>
        %squeeze3A = vector.extract %slice3A[0] : f32 from vector<1xf32>
        %mul3A_123 = arith.constant 16 : i32
        %mul3A_124 = arith.muli %scan3A_111, %mul3A_123 : i32
        %add3A_125 = arith.constant 0 : i32
        %add3A_126 = arith.addi %mul3A_124, %add3A_125 : i32
        %get3A_127 = arith.index_cast %add3A_126 : i32 to index
        %get3A_128 = arith.constant 0 : index
        %get3A_129 = tpu.vector_load %arg10[%get3A_127, %get3A_128] {strides = array<i32>} : memref<128x128xf32, #tpu.memory_space<vmem>>, vector<1x16xf32>,
        %get3A_130 = vector.shape_cast %get3A_129 : vector<1x16xf32> to vector<16xf32>
        %mul3A_131 = vector.broadcast %squeeze3A : f32 to vector<16xf32>
        %mul3A_132 = arith.mulf %get3A_130, %mul3A_131 : vector<16xf32>
        %swap3A = arith.index_cast %add3A_126 : i32 to index
        %swap3A_133 = arith.constant 0 : index
        %swap3A_134 = tpu.vector_load %arg10[%swap3A, %swap3A_133] {strides = array<i32>} : memref<128x128xf32, #tpu.memory_space<vmem>>, vector<1x16xf32>,
        %swap3A_135 = vector.shape_cast %swap3A_134 : vector<1x16xf32> to vector<16xf32>
        %swap3A_136 = vector.shape_cast %mul3A_132 : vector<16xf32> to vector<1x16xf32>
        tpu.vector_store %arg10[%swap3A, %swap3A_133], %swap3A_136 {strides = array<i32>} : memref<128x128xf32, #tpu.memory_space<vmem>>, vector<1x16xf32>,
        %get3A_137 = arith.index_cast %add3A_126 : i32 to index
        %get3A_138 = arith.constant 16 : index
        %get3A_139 = tpu.vector_load %arg10[%get3A_137, %get3A_138] {strides = array<i32>} : memref<128x128xf32, #tpu.memory_space<vmem>>, vector<1x16xf32>,
        %get3A_140 = vector.shape_cast %get3A_139 : vector<1x16xf32> to vector<16xf32>
        %mul3A_141 = vector.broadcast %squeeze3A : f32 to vector<16xf32>
        %mul3A_142 = arith.mulf %get3A_140, %mul3A_141 : vector<16xf32>
        %swap3A_143 = arith.index_cast %add3A_126 : i32 to index
        %swap3A_144 = arith.constant 16 : index
        %swap3A_145 = tpu.vector_load %arg10[%swap3A_143, %swap3A_144] {strides = array<i32>} : memref<128x128xf32, #tpu.memory_space<vmem>>, vector<1x16xf32>,
        %swap3A_146 = vector.shape_cast %swap3A_145 : vector<1x16xf32> to vector<16xf32>
        %swap3A_147 = vector.shape_cast %mul3A_142 : vector<16xf32> to vector<1x16xf32>
        tpu.vector_store %arg10[%swap3A_143, %swap3A_144], %swap3A_147 {strides = array<i32>} : memref<128x128xf32, #tpu.memory_space<vmem>>, vector<1x16xf32>,
        %get3A_148 = arith.index_cast %add3A_126 : i32 to index
        %get3A_149 = arith.constant 32 : index
        %get3A_150 = tpu.vector_load %arg10[%get3A_148, %get3A_149] {strides = array<i32>} : memref<128x128xf32, #tpu.memory_space<vmem>>, vector<1x16xf32>,
        %get3A_151 = vector.shape_cast %get3A_150 : vector<1x16xf32> to vector<16xf32>
        %mul3A_152 = vector.broadcast %squeeze3A : f32 to vector<16xf32>
        %mul3A_153 = arith.mulf %get3A_151, %mul3A_152 : vector<16xf32>
        %swap3A_154 = arith.index_cast %add3A_126 : i32 to index
        %swap3A_155 = arith.constant 32 : index
        %swap3A_156 = tpu.vector_load %arg10[%swap3A_154, %swap3A_155] {strides = array<i32>} : memref<128x128xf32, #tpu.memory_space<vmem>>, vector<1x16xf32>,
        %swap3A_157 = vector.shape_cast %swap3A_156 : vector<1x16xf32> to vector<16xf32>
        %swap3A_158 = vector.shape_cast %mul3A_153 : vector<16xf32> to vector<1x16xf32>
        tpu.vector_store %arg10[%swap3A_154, %swap3A_155], %swap3A_158 {strides = array<i32>} : memref<128x128xf32, #tpu.memory_space<vmem>>, vector<1x16xf32>,
        %get3A_159 = arith.index_cast %add3A_126 : i32 to index
        %get3A_160 = arith.constant 48 : index
        %get3A_161 = tpu.vector_load %arg10[%get3A_159, %get3A_160] {strides = array<i32>} : memref<128x128xf32, #tpu.memory_space<vmem>>, vector<1x16xf32>,
        %get3A_162 = vector.shape_cast %get3A_161 : vector<1x16xf32> to vector<16xf32>
        %mul3A_163 = vector.broadcast %squeeze3A : f32 to vector<16xf32>
        %mul3A_164 = arith.mulf %get3A_162, %mul3A_163 : vector<16xf32>
        %swap3A_165 = arith.index_cast %add3A_126 : i32 to index
        %swap3A_166 = arith.constant 48 : index
        %swap3A_167 = tpu.vector_load %arg10[%swap3A_165, %swap3A_166] {strides = array<i32>} : memref<128x128xf32, #tpu.memory_space<vmem>>, vector<1x16xf32>,
        %swap3A_168 = vector.shape_cast %swap3A_167 : vector<1x16xf32> to vector<16xf32>
        %swap3A_169 = vector.shape_cast %mul3A_164 : vector<16xf32> to vector<1x16xf32>
        tpu.vector_store %arg10[%swap3A_165, %swap3A_166], %swap3A_169 {strides = array<i32>} : memref<128x128xf32, #tpu.memory_space<vmem>>, vector<1x16xf32>,
        %get3A_170 = arith.index_cast %add3A_126 : i32 to index
        %get3A_171 = arith.constant 64 : index
        %get3A_172 = tpu.vector_load %arg10[%get3A_170, %get3A_171] {strides = array<i32>} : memref<128x128xf32, #tpu.memory_space<vmem>>, vector<1x16xf32>,
        %get3A_173 = vector.shape_cast %get3A_172 : vector<1x16xf32> to vector<16xf32>
        %mul3A_174 = vector.broadcast %squeeze3A : f32 to vector<16xf32>
        %mul3A_175 = arith.mulf %get3A_173, %mul3A_174 : vector<16xf32>
        %swap3A_176 = arith.index_cast %add3A_126 : i32 to index
        %swap3A_177 = arith.constant 64 : index
        %swap3A_178 = tpu.vector_load %arg10[%swap3A_176, %swap3A_177] {strides = array<i32>} : memref<128x128xf32, #tpu.memory_space<vmem>>, vector<1x16xf32>,
        %swap3A_179 = vector.shape_cast %swap3A_178 : vector<1x16xf32> to vector<16xf32>
        %swap3A_180 = vector.shape_cast %mul3A_175 : vector<16xf32> to vector<1x16xf32>
        tpu.vector_store %arg10[%swap3A_176, %swap3A_177], %swap3A_180 {strides = array<i32>} : memref<128x128xf32, #tpu.memory_space<vmem>>, vector<1x16xf32>,
        %get3A_181 = arith.index_cast %add3A_126 : i32 to index
        %get3A_182 = arith.constant 80 : index
        %get3A_183 = tpu.vector_load %arg10[%get3A_181, %get3A_182] {strides = array<i32>} : memref<128x128xf32, #tpu.memory_space<vmem>>, vector<1x16xf32>,
        %get3A_184 = vector.shape_cast %get3A_183 : vector<1x16xf32> to vector<16xf32>
        %mul3A_185 = vector.broadcast %squeeze3A : f32 to vector<16xf32>
        %mul3A_186 = arith.mulf %get3A_184, %mul3A_185 : vector<16xf32>
        %swap3A_187 = arith.index_cast %add3A_126 : i32 to index
        %swap3A_188 = arith.constant 80 : index
        %swap3A_189 = tpu.vector_load %arg10[%swap3A_187, %swap3A_188] {strides = array<i32>} : memref<128x128xf32, #tpu.memory_space<vmem>>, vector<1x16xf32>,
        %swap3A_190 = vector.shape_cast %swap3A_189 : vector<1x16xf32> to vector<16xf32>
        %swap3A_191 = vector.shape_cast %mul3A_186 : vector<16xf32> to vector<1x16xf32>
        tpu.vector_store %arg10[%swap3A_187, %swap3A_188], %swap3A_191 {strides = array<i32>} : memref<128x128xf32, #tpu.memory_space<vmem>>, vector<1x16xf32>,
        %get3A_192 = arith.index_cast %add3A_126 : i32 to index
        %get3A_193 = arith.constant 96 : index
        %get3A_194 = tpu.vector_load %arg10[%get3A_192, %get3A_193] {strides = array<i32>} : memref<128x128xf32, #tpu.memory_space<vmem>>, vector<1x16xf32>,
        %get3A_195 = vector.shape_cast %get3A_194 : vector<1x16xf32> to vector<16xf32>
        %mul3A_196 = vector.broadcast %squeeze3A : f32 to vector<16xf32>
        %mul3A_197 = arith.mulf %get3A_195, %mul3A_196 : vector<16xf32>
        %swap3A_198 = arith.index_cast %add3A_126 : i32 to index
        %swap3A_199 = arith.constant 96 : index
        %swap3A_200 = tpu.vector_load %arg10[%swap3A_198, %swap3A_199] {strides = array<i32>} : memref<128x128xf32, #tpu.memory_space<vmem>>, vector<1x16xf32>,
        %swap3A_201 = vector.shape_cast %swap3A_200 : vector<1x16xf32> to vector<16xf32>
        %swap3A_202 = vector.shape_cast %mul3A_197 : vector<16xf32> to vector<1x16xf32>
        tpu.vector_store %arg10[%swap3A_198, %swap3A_199], %swap3A_202 {strides = array<i32>} : memref<128x128xf32, #tpu.memory_space<vmem>>, vector<1x16xf32>,
        %get3A_203 = arith.index_cast %add3A_126 : i32 to index
        %get3A_204 = arith.constant 112 : index
        %get3A_205 = tpu.vector_load %arg10[%get3A_203, %get3A_204] {strides = array<i32>} : memref<128x128xf32, #tpu.memory_space<vmem>>, vector<1x16xf32>,
        %get3A_206 = vector.shape_cast %get3A_205 : vector<1x16xf32> to vector<16xf32>
        %mul3A_207 = vector.broadcast %squeeze3A : f32 to vector<16xf32>
        %mul3A_208 = arith.mulf %get3A_206, %mul3A_207 : vector<16xf32>
        %swap3A_209 = arith.index_cast %add3A_126 : i32 to index
        %swap3A_210 = arith.constant 112 : index
        %swap3A_211 = tpu.vector_load %arg10[%swap3A_209, %swap3A_210] {strides = array<i32>} : memref<128x128xf32, #tpu.memory_space<vmem>>, vector<1x16xf32>,
        %swap3A_212 = vector.shape_cast %swap3A_211 : vector<1x16xf32> to vector<16xf32>
        %swap3A_213 = vector.shape_cast %mul3A_208 : vector<16xf32> to vector<1x16xf32>
        tpu.vector_store %arg10[%swap3A_209, %swap3A_210], %swap3A_213 {strides = array<i32>} : memref<128x128xf32, #tpu.memory_space<vmem>>, vector<1x16xf32>,
        %slice3A_214 = vector.extract_strided_slice %min3A_122 {offsets = [1], sizes = [1], strides = [1]} : vector<16xf32> to vector<1xf32>
        %squeeze3A_215 = vector.extract %slice3A_214[0] : f32 from vector<1xf32>
        %mul3A_216 = arith.constant 16 : i32
        %mul3A_217 = arith.muli %scan3A_111, %mul3A_216 : i32
        %add3A_218 = arith.constant 1 : i32
        %add3A_219 = arith.addi %mul3A_217, %add3A_218 : i32
        %get3A_220 = arith.index_cast %add3A_219 : i32 to index
        %get3A_221 = arith.constant 0 : index
        %get3A_222 = tpu.vector_load %arg10[%get3A_220, %get3A_221] {strides = array<i32>} : memref<128x128xf32, #tpu.memory_space<vmem>>, vector<1x16xf32>,
        %get3A_223 = vector.shape_cast %get3A_222 : vector<1x16xf32> to vector<16xf32>
        %mul3A_224 = vector.broadcast %squeeze3A_215 : f32 to vector<16xf32>
        %mul3A_225 = arith.mulf %get3A_223, %mul3A_224 : vector<16xf32>
        %swap3A_226 = arith.index_cast %add3A_219 : i32 to index
        %swap3A_227 = arith.constant 0 : index
        %swap3A_228 = tpu.vector_load %arg10[%swap3A_226, %swap3A_227] {strides = array<i32>} : memref<128x128xf32, #tpu.memory_space<vmem>>, vector<1x16xf32>,
        %swap3A_229 = vector.shape_cast %swap3A_228 : vector<1x16xf32> to vector<16xf32>
        %swap3A_230 = vector.shape_cast %mul3A_225 : vector<16xf32> to vector<1x16xf32>
        tpu.vector_store %arg10[%swap3A_226, %swap3A_227], %swap3A_230 {strides = array<i32>} : memref<128x128xf32, #tpu.memory_space<vmem>>, vector<1x16xf32>,
        %get3A_231 = arith.index_cast %add3A_219 : i32 to index
        %get3A_232 = arith.constant 16 : index
        %get3A_233 = tpu.vector_load %arg10[%get3A_231, %get3A_232] {strides = array<i32>} : memref<128x128xf32, #tpu.memory_space<vmem>>, vector<1x16xf32>,
        %get3A_234 = vector.shape_cast %get3A_233 : vector<1x16xf32> to vector<16xf32>
        %mul3A_235 = vector.broadcast %squeeze3A_215 : f32 to vector<16xf32>
        %mul3A_236 = arith.mulf %get3A_234, %mul3A_235 : vector<16xf32>
        %swap3A_237 = arith.index_cast %add3A_219 : i32 to index
        %swap3A_238 = arith.constant 16 : index
        %swap3A_239 = tpu.vector_load %arg10[%swap3A_237, %swap3A_238] {strides = array<i32>} : memref<128x128xf32, #tpu.memory_space<vmem>>, vector<1x16xf32>,
        %swap3A_240 = vector.shape_cast %swap3A_239 : vector<1x16xf32> to vector<16xf32>
        %swap3A_241 = vector.shape_cast %mul3A_236 : vector<16xf32> to vector<1x16xf32>
        tpu.vector_store %arg10[%swap3A_237, %swap3A_238], %swap3A_241 {strides = array<i32>} : memref<128x128xf32, #tpu.memory_space<vmem>>, vector<1x16xf32>,
        %get3A_242 = arith.index_cast %add3A_219 : i32 to index
        %get3A_243 = arith.constant 32 : index
        %get3A_244 = tpu.vector_load %arg10[%get3A_242, %get3A_243] {strides = array<i32>} : memref<128x128xf32, #tpu.memory_space<vmem>>, vector<1x16xf32>,
        %get3A_245 = vector.shape_cast %get3A_244 : vector<1x16xf32> to vector<16xf32>
        %mul3A_246 = vector.broadcast %squeeze3A_215 : f32 to vector<16xf32>
        %mul3A_247 = arith.mulf %get3A_245, %mul3A_246 : vector<16xf32>
        %swap3A_248 = arith.index_cast %add3A_219 : i32 to index
        %swap3A_249 = arith.constant 32 : index
        %swap3A_250 = tpu.vector_load %arg10[%swap3A_248, %swap3A_249] {strides = array<i32>} : memref<128x128xf32, #tpu.memory_space<vmem>>, vector<1x16xf32>,
        %swap3A_251 = vector.shape_cast %swap3A_250 : vector<1x16xf32> to vector<16xf32>
        %swap3A_252 = vector.shape_cast %mul3A_247 : vector<16xf32> to vector<1x16xf32>
        tpu.vector_store %arg10[%swap3A_248, %swap3A_249], %swap3A_252 {strides = array<i32>} : memref<128x128xf32, #tpu.memory_space<vmem>>, vector<1x16xf32>,
        %get3A_253 = arith.index_cast %add3A_219 : i32 to index
        %get3A_254 = arith.constant 48 : index
        %get3A_255 = tpu.vector_load %arg10[%get3A_253, %get3A_254] {strides = array<i32>} : memref<128x128xf32, #tpu.memory_space<vmem>>, vector<1x16xf32>,
        %get3A_256 = vector.shape_cast %get3A_255 : vector<1x16xf32> to vector<16xf32>
        %mul3A_257 = vector.broadcast %squeeze3A_215 : f32 to vector<16xf32>
        %mul3A_258 = arith.mulf %get3A_256, %mul3A_257 : vector<16xf32>
        %swap3A_259 = arith.index_cast %add3A_219 : i32 to index
        %swap3A_260 = arith.constant 48 : index
        %swap3A_261 = tpu.vector_load %arg10[%swap3A_259, %swap3A_260] {strides = array<i32>} : memref<128x128xf32, #tpu.memory_space<vmem>>, vector<1x16xf32>,
        %swap3A_262 = vector.shape_cast %swap3A_261 : vector<1x16xf32> to vector<16xf32>
        %swap3A_263 = vector.shape_cast %mul3A_258 : vector<16xf32> to vector<1x16xf32>
        tpu.vector_store %arg10[%swap3A_259, %swap3A_260], %swap3A_263 {strides = array<i32>} : memref<128x128xf32, #tpu.memory_space<vmem>>, vector<1x16xf32>,
        %get3A_264 = arith.index_cast %add3A_219 : i32 to index
        %get3A_265 = arith.constant 64 : index
        %get3A_266 = tpu.vector_load %arg10[%get3A_264, %get3A_265] {strides = array<i32>} : memref<128x128xf32, #tpu.memory_space<vmem>>, vector<1x16xf32>,
        %get3A_267 = vector.shape_cast %get3A_266 : vector<1x16xf32> to vector<16xf32>
        %mul3A_268 = vector.broadcast %squeeze3A_215 : f32 to vector<16xf32>
        %mul3A_269 = arith.mulf %get3A_267, %mul3A_268 : vector<16xf32>
        %swap3A_270 = arith.index_cast %add3A_219 : i32 to index
        %swap3A_271 = arith.constant 64 : index
        %swap3A_272 = tpu.vector_load %arg10[%swap3A_270, %swap3A_271] {strides = array<i32>} : memref<128x128xf32, #tpu.memory_space<vmem>>, vector<1x16xf32>,
        %swap3A_273 = vector.shape_cast %swap3A_272 : vector<1x16xf32> to vector<16xf32>
        %swap3A_274 = vector.shape_cast %mul3A_269 : vector<16xf32> to vector<1x16xf32>
        tpu.vector_store %arg10[%swap3A_270, %swap3A_271], %swap3A_274 {strides = array<i32>} : memref<128x128xf32, #tpu.memory_space<vmem>>, vector<1x16xf32>,
        %get3A_275 = arith.index_cast %add3A_219 : i32 to index
        %get3A_276 = arith.constant 80 : index
        %get3A_277 = tpu.vector_load %arg10[%get3A_275, %get3A_276] {strides = array<i32>} : memref<128x128xf32, #tpu.memory_space<vmem>>, vector<1x16xf32>,
        %get3A_278 = vector.shape_cast %get3A_277 : vector<1x16xf32> to vector<16xf32>
        %mul3A_279 = vector.broadcast %squeeze3A_215 : f32 to vector<16xf32>
        %mul3A_280 = arith.mulf %get3A_278, %mul3A_279 : vector<16xf32>
        %swap3A_281 = arith.index_cast %add3A_219 : i32 to index
        %swap3A_282 = arith.constant 80 : index
        %swap3A_283 = tpu.vector_load %arg10[%swap3A_281, %swap3A_282] {strides = array<i32>} : memref<128x128xf32, #tpu.memory_space<vmem>>, vector<1x16xf32>,
        %swap3A_284 = vector.shape_cast %swap3A_283 : vector<1x16xf32> to vector<16xf32>
        %swap3A_285 = vector.shape_cast %mul3A_280 : vector<16xf32> to vector<1x16xf32>
        tpu.vector_store %arg10[%swap3A_281, %swap3A_282], %swap3A_285 {strides = array<i32>} : memref<128x128xf32, #tpu.memory_space<vmem>>, vector<1x16xf32>,
        %get3A_286 = arith.index_cast %add3A_219 : i32 to index
        %get3A_287 = arith.constant 96 : index
        %get3A_288 = tpu.vector_load %arg10[%get3A_286, %get3A_287] {strides = array<i32>} : memref<128x128xf32, #tpu.memory_space<vmem>>, vector<1x16xf32>,
        %get3A_289 = vector.shape_cast %get3A_288 : vector<1x16xf32> to vector<16xf32>
        %mul3A_290 = vector.broadcast %squeeze3A_215 : f32 to vector<16xf32>
        %mul3A_291 = arith.mulf %get3A_289, %mul3A_290 : vector<16xf32>
        %swap3A_292 = arith.index_cast %add3A_219 : i32 to index
        %swap3A_293 = arith.constant 96 : index
        %swap3A_294 = tpu.vector_load %arg10[%swap3A_292, %swap3A_293] {strides = array<i32>} : memref<128x128xf32, #tpu.memory_space<vmem>>, vector<1x16xf32>,
        %swap3A_295 = vector.shape_cast %swap3A_294 : vector<1x16xf32> to vector<16xf32>
        %swap3A_296 = vector.shape_cast %mul3A_291 : vector<16xf32> to vector<1x16xf32>
        tpu.vector_store %arg10[%swap3A_292, %swap3A_293], %swap3A_296 {strides = array<i32>} : memref<128x128xf32, #tpu.memory_space<vmem>>, vector<1x16xf32>,
        %get3A_297 = arith.index_cast %add3A_219 : i32 to index
        %get3A_298 = arith.constant 112 : index
        %get3A_299 = tpu.vector_load %arg10[%get3A_297, %get3A_298] {strides = array<i32>} : memref<128x128xf32, #tpu.memory_space<vmem>>, vector<1x16xf32>,
        %get3A_300 = vector.shape_cast %get3A_299 : vector<1x16xf32> to vector<16xf32>
        %mul3A_301 = vector.broadcast %squeeze3A_215 : f32 to vector<16xf32>
        %mul3A_302 = arith.mulf %get3A_300, %mul3A_301 : vector<16xf32>
        %swap3A_303 = arith.index_cast %add3A_219 : i32 to index
        %swap3A_304 = arith.constant 112 : index
        %swap3A_305 = tpu.vector_load %arg10[%swap3A_303, %swap3A_304] {strides = array<i32>} : memref<128x128xf32, #tpu.memory_space<vmem>>, vector<1x16xf32>,
        %swap3A_306 = vector.shape_cast %swap3A_305 : vector<1x16xf32> to vector<16xf32>
        %swap3A_307 = vector.shape_cast %mul3A_302 : vector<16xf32> to vector<1x16xf32>
        tpu.vector_store %arg10[%swap3A_303, %swap3A_304], %swap3A_307 {strides = array<i32>} : memref<128x128xf32, #tpu.memory_space<vmem>>, vector<1x16xf32>,
        %slice3A_308 = vector.extract_strided_slice %min3A_122 {offsets = [2], sizes = [1], strides = [1]} : vector<16xf32> to vector<1xf32>
        %squeeze3A_309 = vector.extract %slice3A_308[0] : f32 from vector<1xf32>
        %mul3A_310 = arith.constant 16 : i32
        %mul3A_311 = arith.muli %scan3A_111, %mul3A_310 : i32
        %add3A_312 = arith.constant 2 : i32
        %add3A_313 = arith.addi %mul3A_311, %add3A_312 : i32
        %get3A_314 = arith.index_cast %add3A_313 : i32 to index
        %get3A_315 = arith.constant 0 : index
        %get3A_316 = tpu.vector_load %arg10[%get3A_314, %get3A_315] {strides = array<i32>} : memref<128x128xf32, #tpu.memory_space<vmem>>, vector<1x16xf32>,
        %get3A_317 = vector.shape_cast %get3A_316 : vector<1x16xf32> to vector<16xf32>
        %mul3A_318 = vector.broadcast %squeeze3A_309 : f32 to vector<16xf32>
        %mul3A_319 = arith.mulf %get3A_317, %mul3A_318 : vector<16xf32>
        %swap3A_320 = arith.index_cast %add3A_313 : i32 to index
        %swap3A_321 = arith.constant 0 : index
        %swap3A_322 = tpu.vector_load %arg10[%swap3A_320, %swap3A_321] {strides = array<i32>} : memref<128x128xf32, #tpu.memory_space<vmem>>, vector<1x16xf32>,
        %swap3A_323 = vector.shape_cast %swap3A_322 : vector<1x16xf32> to vector<16xf32>
        %swap3A_324 = vector.shape_cast %mul3A_319 : vector<16xf32> to vector<1x16xf32>
        tpu.vector_store %arg10[%swap3A_320, %swap3A_321], %swap3A_324 {strides = array<i32>} : memref<128x128xf32, #tpu.memory_space<vmem>>, vector<1x16xf32>,
        %get3A_325 = arith.index_cast %add3A_313 : i32 to index
        %get3A_326 = arith.constant 16 : index
        %get3A_327 = tpu.vector_load %arg10[%get3A_325, %get3A_326] {strides = array<i32>} : memref<128x128xf32, #tpu.memory_space<vmem>>, vector<1x16xf32>,
        %get3A_328 = vector.shape_cast %get3A_327 : vector<1x16xf32> to vector<16xf32>
        %mul3A_329 = vector.broadcast %squeeze3A_309 : f32 to vector<16xf32>
        %mul3A_330 = arith.mulf %get3A_328, %mul3A_329 : vector<16xf32>
        %swap3A_331 = arith.index_cast %add3A_313 : i32 to index
        %swap3A_332 = arith.constant 16 : index
        %swap3A_333 = tpu.vector_load %arg10[%swap3A_331, %swap3A_332] {strides = array<i32>} : memref<128x128xf32, #tpu.memory_space<vmem>>, vector<1x16xf32>,
        %swap3A_334 = vector.shape_cast %swap3A_333 : vector<1x16xf32> to vector<16xf32>
        %swap3A_335 = vector.shape_cast %mul3A_330 : vector<16xf32> to vector<1x16xf32>
        tpu.vector_store %arg10[%swap3A_331, %swap3A_332], %swap3A_335 {strides = array<i32>} : memref<128x128xf32, #tpu.memory_space<vmem>>, vector<1x16xf32>,
        %get3A_336 = arith.index_cast %add3A_313 : i32 to index
        %get3A_337 = arith.constant 32 : index
        %get3A_338 = tpu.vector_load %arg10[%get3A_336, %get3A_337] {strides = array<i32>} : memref<128x128xf32, #tpu.memory_space<vmem>>, vector<1x16xf32>,
        %get3A_339 = vector.shape_cast %get3A_338 : vector<1x16xf32> to vector<16xf32>
        %mul3A_340 = vector.broadcast %squeeze3A_309 : f32 to vector<16xf32>
        %mul3A_341 = arith.mulf %get3A_339, %mul3A_340 : vector<16xf32>
        %swap3A_342 = arith.index_cast %add3A_313 : i32 to index
        %swap3A_343 = arith.constant 32 : index
        %swap3A_344 = tpu.vector_load %arg10[%swap3A_342, %swap3A_343] {strides = array<i32>} : memref<128x128xf32, #tpu.memory_space<vmem>>, vector<1x16xf32>,
        %swap3A_345 = vector.shape_cast %swap3A_344 : vector<1x16xf32> to vector<16xf32>
        %swap3A_346 = vector.shape_cast %mul3A_341 : vector<16xf32> to vector<1x16xf32>
        tpu.vector_store %arg10[%swap3A_342, %swap3A_343], %swap3A_346 {strides = array<i32>} : memref<128x128xf32, #tpu.memory_space<vmem>>, vector<1x16xf32>,
        %get3A_347 = arith.index_cast %add3A_313 : i32 to index
        %get3A_348 = arith.constant 48 : index
        %get3A_349 = tpu.vector_load %arg10[%get3A_347, %get3A_348] {strides = array<i32>} : memref<128x128xf32, #tpu.memory_space<vmem>>, vector<1x16xf32>,
        %get3A_350 = vector.shape_cast %get3A_349 : vector<1x16xf32> to vector<16xf32>
        %mul3A_351 = vector.broadcast %squeeze3A_309 : f32 to vector<16xf32>
        %mul3A_352 = arith.mulf %get3A_350, %mul3A_351 : vector<16xf32>
        %swap3A_353 = arith.index_cast %add3A_313 : i32 to index
        %swap3A_354 = arith.constant 48 : index
        %swap3A_355 = tpu.vector_load %arg10[%swap3A_353, %swap3A_354] {strides = array<i32>} : memref<128x128xf32, #tpu.memory_space<vmem>>, vector<1x16xf32>,
        %swap3A_356 = vector.shape_cast %swap3A_355 : vector<1x16xf32> to vector<16xf32>
        %swap3A_357 = vector.shape_cast %mul3A_352 : vector<16xf32> to vector<1x16xf32>
        tpu.vector_store %arg10[%swap3A_353, %swap3A_354], %swap3A_357 {strides = array<i32>} : memref<128x128xf32, #tpu.memory_space<vmem>>, vector<1x16xf32>,
        %get3A_358 = arith.index_cast %add3A_313 : i32 to index
        %get3A_359 = arith.constant 64 : index
        %get3A_360 = tpu.vector_load %arg10[%get3A_358, %get3A_359] {strides = array<i32>} : memref<128x128xf32, #tpu.memory_space<vmem>>, vector<1x16xf32>,
        %get3A_361 = vector.shape_cast %get3A_360 : vector<1x16xf32> to vector<16xf32>
        %mul3A_362 = vector.broadcast %squeeze3A_309 : f32 to vector<16xf32>
        %mul3A_363 = arith.mulf %get3A_361, %mul3A_362 : vector<16xf32>
        %swap3A_364 = arith.index_cast %add3A_313 : i32 to index
        %swap3A_365 = arith.constant 64 : index
        %swap3A_366 = tpu.vector_load %arg10[%swap3A_364, %swap3A_365] {strides = array<i32>} : memref<128x128xf32, #tpu.memory_space<vmem>>, vector<1x16xf32>,
        %swap3A_367 = vector.shape_cast %swap3A_366 : vector<1x16xf32> to vector<16xf32>
        %swap3A_368 = vector.shape_cast %mul3A_363 : vector<16xf32> to vector<1x16xf32>
        tpu.vector_store %arg10[%swap3A_364, %swap3A_365], %swap3A_368 {strides = array<i32>} : memref<128x128xf32, #tpu.memory_space<vmem>>, vector<1x16xf32>,
        %get3A_369 = arith.index_cast %add3A_313 : i32 to index
        %get3A_370 = arith.constant 80 : index
        %get3A_371 = tpu.vector_load %arg10[%get3A_369, %get3A_370] {strides = array<i32>} : memref<128x128xf32, #tpu.memory_space<vmem>>, vector<1x16xf32>,
        %get3A_372 = vector.shape_cast %get3A_371 : vector<1x16xf32> to vector<16xf32>
        %mul3A_373 = vector.broadcast %squeeze3A_309 : f32 to vector<16xf32>
        %mul3A_374 = arith.mulf %get3A_372, %mul3A_373 : vector<16xf32>
        %swap3A_375 = arith.index_cast %add3A_313 : i32 to index
        %swap3A_376 = arith.constant 80 : index
        %swap3A_377 = tpu.vector_load %arg10[%swap3A_375, %swap3A_376] {strides = array<i32>} : memref<128x128xf32, #tpu.memory_space<vmem>>, vector<1x16xf32>,
        %swap3A_378 = vector.shape_cast %swap3A_377 : vector<1x16xf32> to vector<16xf32>
        %swap3A_379 = vector.shape_cast %mul3A_374 : vector<16xf32> to vector<1x16xf32>
        tpu.vector_store %arg10[%swap3A_375, %swap3A_376], %swap3A_379 {strides = array<i32>} : memref<128x128xf32, #tpu.memory_space<vmem>>, vector<1x16xf32>,
        %get3A_380 = arith.index_cast %add3A_313 : i32 to index
        %get3A_381 = arith.constant 96 : index
        %get3A_382 = tpu.vector_load %arg10[%get3A_380, %get3A_381] {strides = array<i32>} : memref<128x128xf32, #tpu.memory_space<vmem>>, vector<1x16xf32>,
        %get3A_383 = vector.shape_cast %get3A_382 : vector<1x16xf32> to vector<16xf32>
        %mul3A_384 = vector.broadcast %squeeze3A_309 : f32 to vector<16xf32>
        %mul3A_385 = arith.mulf %get3A_383, %mul3A_384 : vector<16xf32>
        %swap3A_386 = arith.index_cast %add3A_313 : i32 to index
        %swap3A_387 = arith.constant 96 : index
        %swap3A_388 = tpu.vector_load %arg10[%swap3A_386, %swap3A_387] {strides = array<i32>} : memref<128x128xf32, #tpu.memory_space<vmem>>, vector<1x16xf32>,
        %swap3A_389 = vector.shape_cast %swap3A_388 : vector<1x16xf32> to vector<16xf32>
        %swap3A_390 = vector.shape_cast %mul3A_385 : vector<16xf32> to vector<1x16xf32>
        tpu.vector_store %arg10[%swap3A_386, %swap3A_387], %swap3A_390 {strides = array<i32>} : memref<128x128xf32, #tpu.memory_space<vmem>>, vector<1x16xf32>,
        %get3A_391 = arith.index_cast %add3A_313 : i32 to index
        %get3A_392 = arith.constant 112 : index
        %get3A_393 = tpu.vector_load %arg10[%get3A_391, %get3A_392] {strides = array<i32>} : memref<128x128xf32, #tpu.memory_space<vmem>>, vector<1x16xf32>,
        %get3A_394 = vector.shape_cast %get3A_393 : vector<1x16xf32> to vector<16xf32>
        %mul3A_395 = vector.broadcast %squeeze3A_309 : f32 to vector<16xf32>
        %mul3A_396 = arith.mulf %get3A_394, %mul3A_395 : vector<16xf32>
        %swap3A_397 = arith.index_cast %add3A_313 : i32 to index
        %swap3A_398 = arith.constant 112 : index
        %swap3A_399 = tpu.vector_load %arg10[%swap3A_397, %swap3A_398] {strides = array<i32>} : memref<128x128xf32, #tpu.memory_space<vmem>>, vector<1x16xf32>,
        %swap3A_400 = vector.shape_cast %swap3A_399 : vector<1x16xf32> to vector<16xf32>
        %swap3A_401 = vector.shape_cast %mul3A_396 : vector<16xf32> to vector<1x16xf32>
        tpu.vector_store %arg10[%swap3A_397, %swap3A_398], %swap3A_401 {strides = array<i32>} : memref<128x128xf32, #tpu.memory_space<vmem>>, vector<1x16xf32>,
        %slice3A_402 = vector.extract_strided_slice %min3A_122 {offsets = [3], sizes = [1], strides = [1]} : vector<16xf32> to vector<1xf32>
        %squeeze3A_403 = vector.extract %slice3A_402[0] : f32 from vector<1xf32>
        %mul3A_404 = arith.constant 16 : i32
        %mul3A_405 = arith.muli %scan3A_111, %mul3A_404 : i32
        %add3A_406 = arith.constant 3 : i32
        %add3A_407 = arith.addi %mul3A_405, %add3A_406 : i32
        %get3A_408 = arith.index_cast %add3A_407 : i32 to index
        %get3A_409 = arith.constant 0 : index
        %get3A_410 = tpu.vector_load %arg10[%get3A_408, %get3A_409] {strides = array<i32>} : memref<128x128xf32, #tpu.memory_space<vmem>>, vector<1x16xf32>,
        %get3A_411 = vector.shape_cast %get3A_410 : vector<1x16xf32> to vector<16xf32>
        %mul3A_412 = vector.broadcast %squeeze3A_403 : f32 to vector<16xf32>
        %mul3A_413 = arith.mulf %get3A_411, %mul3A_412 : vector<16xf32>
        %swap3A_414 = arith.index_cast %add3A_407 : i32 to index
        %swap3A_415 = arith.constant 0 : index
        %swap3A_416 = tpu.vector_load %arg10[%swap3A_414, %swap3A_415] {strides = array<i32>} : memref<128x128xf32, #tpu.memory_space<vmem>>, vector<1x16xf32>,
        %swap3A_417 = vector.shape_cast %swap3A_416 : vector<1x16xf32> to vector<16xf32>
        %swap3A_418 = vector.shape_cast %mul3A_413 : vector<16xf32> to vector<1x16xf32>
        tpu.vector_store %arg10[%swap3A_414, %swap3A_415], %swap3A_418 {strides = array<i32>} : memref<128x128xf32, #tpu.memory_space<vmem>>, vector<1x16xf32>,
        %get3A_419 = arith.index_cast %add3A_407 : i32 to index
        %get3A_420 = arith.constant 16 : index
        %get3A_421 = tpu.vector_load %arg10[%get3A_419, %get3A_420] {strides = array<i32>} : memref<128x128xf32, #tpu.memory_space<vmem>>, vector<1x16xf32>,
        %get3A_422 = vector.shape_cast %get3A_421 : vector<1x16xf32> to vector<16xf32>
        %mul3A_423 = vector.broadcast %squeeze3A_403 : f32 to vector<16xf32>
        %mul3A_424 = arith.mulf %get3A_422, %mul3A_423 : vector<16xf32>
        %swap3A_425 = arith.index_cast %add3A_407 : i32 to index
        %swap3A_426 = arith.constant 16 : index
        %swap3A_427 = tpu.vector_load %arg10[%swap3A_425, %swap3A_426] {strides = array<i32>} : memref<128x128xf32, #tpu.memory_space<vmem>>, vector<1x16xf32>,
        %swap3A_428 = vector.shape_cast %swap3A_427 : vector<1x16xf32> to vector<16xf32>
        %swap3A_429 = vector.shape_cast %mul3A_424 : vector<16xf32> to vector<1x16xf32>
        tpu.vector_store %arg10[%swap3A_425, %swap3A_426], %swap3A_429 {strides = array<i32>} : memref<128x128xf32, #tpu.memory_space<vmem>>, vector<1x16xf32>,
        %get3A_430 = arith.index_cast %add3A_407 : i32 to index
        %get3A_431 = arith.constant 32 : index
        %get3A_432 = tpu.vector_load %arg10[%get3A_430, %get3A_431] {strides = array<i32>} : memref<128x128xf32, #tpu.memory_space<vmem>>, vector<1x16xf32>,
        %get3A_433 = vector.shape_cast %get3A_432 : vector<1x16xf32> to vector<16xf32>
        %mul3A_434 = vector.broadcast %squeeze3A_403 : f32 to vector<16xf32>
        %mul3A_435 = arith.mulf %get3A_433, %mul3A_434 : vector<16xf32>
        %swap3A_436 = arith.index_cast %add3A_407 : i32 to index
        %swap3A_437 = arith.constant 32 : index
        %swap3A_438 = tpu.vector_load %arg10[%swap3A_436, %swap3A_437] {strides = array<i32>} : memref<128x128xf32, #tpu.memory_space<vmem>>, vector<1x16xf32>,
        %swap3A_439 = vector.shape_cast %swap3A_438 : vector<1x16xf32> to vector<16xf32>
        %swap3A_440 = vector.shape_cast %mul3A_435 : vector<16xf32> to vector<1x16xf32>
        tpu.vector_store %arg10[%swap3A_436, %swap3A_437], %swap3A_440 {strides = array<i32>} : memref<128x128xf32, #tpu.memory_space<vmem>>, vector<1x16xf32>,
        %get3A_441 = arith.index_cast %add3A_407 : i32 to index
        %get3A_442 = arith.constant 48 : index
        %get3A_443 = tpu.vector_load %arg10[%get3A_441, %get3A_442] {strides = array<i32>} : memref<128x128xf32, #tpu.memory_space<vmem>>, vector<1x16xf32>,
        %get3A_444 = vector.shape_cast %get3A_443 : vector<1x16xf32> to vector<16xf32>
        %mul3A_445 = vector.broadcast %squeeze3A_403 : f32 to vector<16xf32>
        %mul3A_446 = arith.mulf %get3A_444, %mul3A_445 : vector<16xf32>
        %swap3A_447 = arith.index_cast %add3A_407 : i32 to index
        %swap3A_448 = arith.constant 48 : index
        %swap3A_449 = tpu.vector_load %arg10[%swap3A_447, %swap3A_448] {strides = array<i32>} : memref<128x128xf32, #tpu.memory_space<vmem>>, vector<1x16xf32>,
        %swap3A_450 = vector.shape_cast %swap3A_449 : vector<1x16xf32> to vector<16xf32>
        %swap3A_451 = vector.shape_cast %mul3A_446 : vector<16xf32> to vector<1x16xf32>
        tpu.vector_store %arg10[%swap3A_447, %swap3A_448], %swap3A_451 {strides = array<i32>} : memref<128x128xf32, #tpu.memory_space<vmem>>, vector<1x16xf32>,
        %get3A_452 = arith.index_cast %add3A_407 : i32 to index
        %get3A_453 = arith.constant 64 : index
        %get3A_454 = tpu.vector_load %arg10[%get3A_452, %get3A_453] {strides = array<i32>} : memref<128x128xf32, #tpu.memory_space<vmem>>, vector<1x16xf32>,
        %get3A_455 = vector.shape_cast %get3A_454 : vector<1x16xf32> to vector<16xf32>
        %mul3A_456 = vector.broadcast %squeeze3A_403 : f32 to vector<16xf32>
        %mul3A_457 = arith.mulf %get3A_455, %mul3A_456 : vector<16xf32>
        %swap3A_458 = arith.index_cast %add3A_407 : i32 to index
        %swap3A_459 = arith.constant 64 : index
        %swap3A_460 = tpu.vector_load %arg10[%swap3A_458, %swap3A_459] {strides = array<i32>} : memref<128x128xf32, #tpu.memory_space<vmem>>, vector<1x16xf32>,
        %swap3A_461 = vector.shape_cast %swap3A_460 : vector<1x16xf32> to vector<16xf32>
        %swap3A_462 = vector.shape_cast %mul3A_457 : vector<16xf32> to vector<1x16xf32>
        tpu.vector_store %arg10[%swap3A_458, %swap3A_459], %swap3A_462 {strides = array<i32>} : memref<128x128xf32, #tpu.memory_space<vmem>>, vector<1x16xf32>,
        %get3A_463 = arith.index_cast %add3A_407 : i32 to index
        %get3A_464 = arith.constant 80 : index
        %get3A_465 = tpu.vector_load %arg10[%get3A_463, %get3A_464] {strides = array<i32>} : memref<128x128xf32, #tpu.memory_space<vmem>>, vector<1x16xf32>,
        %get3A_466 = vector.shape_cast %get3A_465 : vector<1x16xf32> to vector<16xf32>
        %mul3A_467 = vector.broadcast %squeeze3A_403 : f32 to vector<16xf32>
        %mul3A_468 = arith.mulf %get3A_466, %mul3A_467 : vector<16xf32>
        %swap3A_469 = arith.index_cast %add3A_407 : i32 to index
        %swap3A_470 = arith.constant 80 : index
        %swap3A_471 = tpu.vector_load %arg10[%swap3A_469, %swap3A_470] {strides = array<i32>} : memref<128x128xf32, #tpu.memory_space<vmem>>, vector<1x16xf32>,
        %swap3A_472 = vector.shape_cast %swap3A_471 : vector<1x16xf32> to vector<16xf32>
        %swap3A_473 = vector.shape_cast %mul3A_468 : vector<16xf32> to vector<1x16xf32>
        tpu.vector_store %arg10[%swap3A_469, %swap3A_470], %swap3A_473 {strides = array<i32>} : memref<128x128xf32, #tpu.memory_space<vmem>>, vector<1x16xf32>,
        %get3A_474 = arith.index_cast %add3A_407 : i32 to index
        %get3A_475 = arith.constant 96 : index
        %get3A_476 = tpu.vector_load %arg10[%get3A_474, %get3A_475] {strides = array<i32>} : memref<128x128xf32, #tpu.memory_space<vmem>>, vector<1x16xf32>,
        %get3A_477 = vector.shape_cast %get3A_476 : vector<1x16xf32> to vector<16xf32>
        %mul3A_478 = vector.broadcast %squeeze3A_403 : f32 to vector<16xf32>
        %mul3A_479 = arith.mulf %get3A_477, %mul3A_478 : vector<16xf32>
        %swap3A_480 = arith.index_cast %add3A_407 : i32 to index
        %swap3A_481 = arith.constant 96 : index
        %swap3A_482 = tpu.vector_load %arg10[%swap3A_480, %swap3A_481] {strides = array<i32>} : memref<128x128xf32, #tpu.memory_space<vmem>>, vector<1x16xf32>,
        %swap3A_483 = vector.shape_cast %swap3A_482 : vector<1x16xf32> to vector<16xf32>
        %swap3A_484 = vector.shape_cast %mul3A_479 : vector<16xf32> to vector<1x16xf32>
        tpu.vector_store %arg10[%swap3A_480, %swap3A_481], %swap3A_484 {strides = array<i32>} : memref<128x128xf32, #tpu.memory_space<vmem>>, vector<1x16xf32>,
        %get3A_485 = arith.index_cast %add3A_407 : i32 to index
        %get3A_486 = arith.constant 112 : index
        %get3A_487 = tpu.vector_load %arg10[%get3A_485, %get3A_486] {strides = array<i32>} : memref<128x128xf32, #tpu.memory_space<vmem>>, vector<1x16xf32>,
        %get3A_488 = vector.shape_cast %get3A_487 : vector<1x16xf32> to vector<16xf32>
        %mul3A_489 = vector.broadcast %squeeze3A_403 : f32 to vector<16xf32>
        %mul3A_490 = arith.mulf %get3A_488, %mul3A_489 : vector<16xf32>
        %swap3A_491 = arith.index_cast %add3A_407 : i32 to index
        %swap3A_492 = arith.constant 112 : index
        %swap3A_493 = tpu.vector_load %arg10[%swap3A_491, %swap3A_492] {strides = array<i32>} : memref<128x128xf32, #tpu.memory_space<vmem>>, vector<1x16xf32>,
        %swap3A_494 = vector.shape_cast %swap3A_493 : vector<1x16xf32> to vector<16xf32>
        %swap3A_495 = vector.shape_cast %mul3A_490 : vector<16xf32> to vector<1x16xf32>
        tpu.vector_store %arg10[%swap3A_491, %swap3A_492], %swap3A_495 {strides = array<i32>} : memref<128x128xf32, #tpu.memory_space<vmem>>, vector<1x16xf32>,
        %slice3A_496 = vector.extract_strided_slice %min3A_122 {offsets = [4], sizes = [1], strides = [1]} : vector<16xf32> to vector<1xf32>
        %squeeze3A_497 = vector.extract %slice3A_496[0] : f32 from vector<1xf32>
        %mul3A_498 = arith.constant 16 : i32
        %mul3A_499 = arith.muli %scan3A_111, %mul3A_498 : i32
        %add3A_500 = arith.constant 4 : i32
        %add3A_501 = arith.addi %mul3A_499, %add3A_500 : i32
        %get3A_502 = arith.index_cast %add3A_501 : i32 to index
        %get3A_503 = arith.constant 0 : index
        %get3A_504 = tpu.vector_load %arg10[%get3A_502, %get3A_503] {strides = array<i32>} : memref<128x128xf32, #tpu.memory_space<vmem>>, vector<1x16xf32>,
        %get3A_505 = vector.shape_cast %get3A_504 : vector<1x16xf32> to vector<16xf32>
        %mul3A_506 = vector.broadcast %squeeze3A_497 : f32 to vector<16xf32>
        %mul3A_507 = arith.mulf %get3A_505, %mul3A_506 : vector<16xf32>
        %swap3A_508 = arith.index_cast %add3A_501 : i32 to index
        %swap3A_509 = arith.constant 0 : index
        %swap3A_510 = tpu.vector_load %arg10[%swap3A_508, %swap3A_509] {strides = array<i32>} : memref<128x128xf32, #tpu.memory_space<vmem>>, vector<1x16xf32>,
        %swap3A_511 = vector.shape_cast %swap3A_510 : vector<1x16xf32> to vector<16xf32>
        %swap3A_512 = vector.shape_cast %mul3A_507 : vector<16xf32> to vector<1x16xf32>
        tpu.vector_store %arg10[%swap3A_508, %swap3A_509], %swap3A_512 {strides = array<i32>} : memref<128x128xf32, #tpu.memory_space<vmem>>, vector<1x16xf32>,
        %get3A_513 = arith.index_cast %add3A_501 : i32 to index
        %get3A_514 = arith.constant 16 : index
        %get3A_515 = tpu.vector_load %arg10[%get3A_513, %get3A_514] {strides = array<i32>} : memref<128x128xf32, #tpu.memory_space<vmem>>, vector<1x16xf32>,
        %get3A_516 = vector.shape_cast %get3A_515 : vector<1x16xf32> to vector<16xf32>
        %mul3A_517 = vector.broadcast %squeeze3A_497 : f32 to vector<16xf32>
        %mul3A_518 = arith.mulf %get3A_516, %mul3A_517 : vector<16xf32>
        %swap3A_519 = arith.index_cast %add3A_501 : i32 to index
        %swap3A_520 = arith.constant 16 : index
        %swap3A_521 = tpu.vector_load %arg10[%swap3A_519, %swap3A_520] {strides = array<i32>} : memref<128x128xf32, #tpu.memory_space<vmem>>, vector<1x16xf32>,
        %swap3A_522 = vector.shape_cast %swap3A_521 : vector<1x16xf32> to vector<16xf32>
        %swap3A_523 = vector.shape_cast %mul3A_518 : vector<16xf32> to vector<1x16xf32>
        tpu.vector_store %arg10[%swap3A_519, %swap3A_520], %swap3A_523 {strides = array<i32>} : memref<128x128xf32, #tpu.memory_space<vmem>>, vector<1x16xf32>,
        %get3A_524 = arith.index_cast %add3A_501 : i32 to index
        %get3A_525 = arith.constant 32 : index
        %get3A_526 = tpu.vector_load %arg10[%get3A_524, %get3A_525] {strides = array<i32>} : memref<128x128xf32, #tpu.memory_space<vmem>>, vector<1x16xf32>,
        %get3A_527 = vector.shape_cast %get3A_526 : vector<1x16xf32> to vector<16xf32>
        %mul3A_528 = vector.broadcast %squeeze3A_497 : f32 to vector<16xf32>
        %mul3A_529 = arith.mulf %get3A_527, %mul3A_528 : vector<16xf32>
        %swap3A_530 = arith.index_cast %add3A_501 : i32 to index
        %swap3A_531 = arith.constant 32 : index
        %swap3A_532 = tpu.vector_load %arg10[%swap3A_530, %swap3A_531] {strides = array<i32>} : memref<128x128xf32, #tpu.memory_space<vmem>>, vector<1x16xf32>,
        %swap3A_533 = vector.shape_cast %swap3A_532 : vector<1x16xf32> to vector<16xf32>
        %swap3A_534 = vector.shape_cast %mul3A_529 : vector<16xf32> to vector<1x16xf32>
        tpu.vector_store %arg10[%swap3A_530, %swap3A_531], %swap3A_534 {strides = array<i32>} : memref<128x128xf32, #tpu.memory_space<vmem>>, vector<1x16xf32>,
        %get3A_535 = arith.index_cast %add3A_501 : i32 to index
        %get3A_536 = arith.constant 48 : index
        %get3A_537 = tpu.vector_load %arg10[%get3A_535, %get3A_536] {strides = array<i32>} : memref<128x128xf32, #tpu.memory_space<vmem>>, vector<1x16xf32>,
        %get3A_538 = vector.shape_cast %get3A_537 : vector<1x16xf32> to vector<16xf32>
        %mul3A_539 = vector.broadcast %squeeze3A_497 : f32 to vector<16xf32>
        %mul3A_540 = arith.mulf %get3A_538, %mul3A_539 : vector<16xf32>
        %swap3A_541 = arith.index_cast %add3A_501 : i32 to index
        %swap3A_542 = arith.constant 48 : index
        %swap3A_543 = tpu.vector_load %arg10[%swap3A_541, %swap3A_542] {strides = array<i32>} : memref<128x128xf32, #tpu.memory_space<vmem>>, vector<1x16xf32>,
        %swap3A_544 = vector.shape_cast %swap3A_543 : vector<1x16xf32> to vector<16xf32>
        %swap3A_545 = vector.shape_cast %mul3A_540 : vector<16xf32> to vector<1x16xf32>
        tpu.vector_store %arg10[%swap3A_541, %swap3A_542], %swap3A_545 {strides = array<i32>} : memref<128x128xf32, #tpu.memory_space<vmem>>, vector<1x16xf32>,
        %get3A_546 = arith.index_cast %add3A_501 : i32 to index
        %get3A_547 = arith.constant 64 : index
        %get3A_548 = tpu.vector_load %arg10[%get3A_546, %get3A_547] {strides = array<i32>} : memref<128x128xf32, #tpu.memory_space<vmem>>, vector<1x16xf32>,
        %get3A_549 = vector.shape_cast %get3A_548 : vector<1x16xf32> to vector<16xf32>
        %mul3A_550 = vector.broadcast %squeeze3A_497 : f32 to vector<16xf32>
        %mul3A_551 = arith.mulf %get3A_549, %mul3A_550 : vector<16xf32>
        %swap3A_552 = arith.index_cast %add3A_501 : i32 to index
        %swap3A_553 = arith.constant 64 : index
        %swap3A_554 = tpu.vector_load %arg10[%swap3A_552, %swap3A_553] {strides = array<i32>} : memref<128x128xf32, #tpu.memory_space<vmem>>, vector<1x16xf32>,
        %swap3A_555 = vector.shape_cast %swap3A_554 : vector<1x16xf32> to vector<16xf32>
        %swap3A_556 = vector.shape_cast %mul3A_551 : vector<16xf32> to vector<1x16xf32>
        tpu.vector_store %arg10[%swap3A_552, %swap3A_553], %swap3A_556 {strides = array<i32>} : memref<128x128xf32, #tpu.memory_space<vmem>>, vector<1x16xf32>,
        %get3A_557 = arith.index_cast %add3A_501 : i32 to index
        %get3A_558 = arith.constant 80 : index
        %get3A_559 = tpu.vector_load %arg10[%get3A_557, %get3A_558] {strides = array<i32>} : memref<128x128xf32, #tpu.memory_space<vmem>>, vector<1x16xf32>,
        %get3A_560 = vector.shape_cast %get3A_559 : vector<1x16xf32> to vector<16xf32>
        %mul3A_561 = vector.broadcast %squeeze3A_497 : f32 to vector<16xf32>
        %mul3A_562 = arith.mulf %get3A_560, %mul3A_561 : vector<16xf32>
        %swap3A_563 = arith.index_cast %add3A_501 : i32 to index
        %swap3A_564 = arith.constant 80 : index
        %swap3A_565 = tpu.vector_load %arg10[%swap3A_563, %swap3A_564] {strides = array<i32>} : memref<128x128xf32, #tpu.memory_space<vmem>>, vector<1x16xf32>,
        %swap3A_566 = vector.shape_cast %swap3A_565 : vector<1x16xf32> to vector<16xf32>
        %swap3A_567 = vector.shape_cast %mul3A_562 : vector<16xf32> to vector<1x16xf32>
        tpu.vector_store %arg10[%swap3A_563, %swap3A_564], %swap3A_567 {strides = array<i32>} : memref<128x128xf32, #tpu.memory_space<vmem>>, vector<1x16xf32>,
        %get3A_568 = arith.index_cast %add3A_501 : i32 to index
        %get3A_569 = arith.constant 96 : index
        %get3A_570 = tpu.vector_load %arg10[%get3A_568, %get3A_569] {strides = array<i32>} : memref<128x128xf32, #tpu.memory_space<vmem>>, vector<1x16xf32>,
        %get3A_571 = vector.shape_cast %get3A_570 : vector<1x16xf32> to vector<16xf32>
        %mul3A_572 = vector.broadcast %squeeze3A_497 : f32 to vector<16xf32>
        %mul3A_573 = arith.mulf %get3A_571, %mul3A_572 : vector<16xf32>
        %swap3A_574 = arith.index_cast %add3A_501 : i32 to index
        %swap3A_575 = arith.constant 96 : index
        %swap3A_576 = tpu.vector_load %arg10[%swap3A_574, %swap3A_575] {strides = array<i32>} : memref<128x128xf32, #tpu.memory_space<vmem>>, vector<1x16xf32>,
        %swap3A_577 = vector.shape_cast %swap3A_576 : vector<1x16xf32> to vector<16xf32>
        %swap3A_578 = vector.shape_cast %mul3A_573 : vector<16xf32> to vector<1x16xf32>
        tpu.vector_store %arg10[%swap3A_574, %swap3A_575], %swap3A_578 {strides = array<i32>} : memref<128x128xf32, #tpu.memory_space<vmem>>, vector<1x16xf32>,
        %get3A_579 = arith.index_cast %add3A_501 : i32 to index
        %get3A_580 = arith.constant 112 : index
        %get3A_581 = tpu.vector_load %arg10[%get3A_579, %get3A_580] {strides = array<i32>} : memref<128x128xf32, #tpu.memory_space<vmem>>, vector<1x16xf32>,
        %get3A_582 = vector.shape_cast %get3A_581 : vector<1x16xf32> to vector<16xf32>
        %mul3A_583 = vector.broadcast %squeeze3A_497 : f32 to vector<16xf32>
        %mul3A_584 = arith.mulf %get3A_582, %mul3A_583 : vector<16xf32>
        %swap3A_585 = arith.index_cast %add3A_501 : i32 to index
        %swap3A_586 = arith.constant 112 : index
        %swap3A_587 = tpu.vector_load %arg10[%swap3A_585, %swap3A_586] {strides = array<i32>} : memref<128x128xf32, #tpu.memory_space<vmem>>, vector<1x16xf32>,
        %swap3A_588 = vector.shape_cast %swap3A_587 : vector<1x16xf32> to vector<16xf32>
        %swap3A_589 = vector.shape_cast %mul3A_584 : vector<16xf32> to vector<1x16xf32>
        tpu.vector_store %arg10[%swap3A_585, %swap3A_586], %swap3A_589 {strides = array<i32>} : memref<128x128xf32, #tpu.memory_space<vmem>>, vector<1x16xf32>,
        %slice3A_590 = vector.extract_strided_slice %min3A_122 {offsets = [5], sizes = [1], strides = [1]} : vector<16xf32> to vector<1xf32>
        %squeeze3A_591 = vector.extract %slice3A_590[0] : f32 from vector<1xf32>
        %mul3A_592 = arith.constant 16 : i32
        %mul3A_593 = arith.muli %scan3A_111, %mul3A_592 : i32
        %add3A_594 = arith.constant 5 : i32
        %add3A_595 = arith.addi %mul3A_593, %add3A_594 : i32
        %get3A_596 = arith.index_cast %add3A_595 : i32 to index
        %get3A_597 = arith.constant 0 : index
        %get3A_598 = tpu.vector_load %arg10[%get3A_596, %get3A_597] {strides = array<i32>} : memref<128x128xf32, #tpu.memory_space<vmem>>, vector<1x16xf32>,
        %get3A_599 = vector.shape_cast %get3A_598 : vector<1x16xf32> to vector<16xf32>
        %mul3A_600 = vector.broadcast %squeeze3A_591 : f32 to vector<16xf32>
        %mul3A_601 = arith.mulf %get3A_599, %mul3A_600 : vector<16xf32>
        %swap3A_602 = arith.index_cast %add3A_595 : i32 to index
        %swap3A_603 = arith.constant 0 : index
        %swap3A_604 = tpu.vector_load %arg10[%swap3A_602, %swap3A_603] {strides = array<i32>} : memref<128x128xf32, #tpu.memory_space<vmem>>, vector<1x16xf32>,
        %swap3A_605 = vector.shape_cast %swap3A_604 : vector<1x16xf32> to vector<16xf32>
        %swap3A_606 = vector.shape_cast %mul3A_601 : vector<16xf32> to vector<1x16xf32>
        tpu.vector_store %arg10[%swap3A_602, %swap3A_603], %swap3A_606 {strides = array<i32>} : memref<128x128xf32, #tpu.memory_space<vmem>>, vector<1x16xf32>,
        %get3A_607 = arith.index_cast %add3A_595 : i32 to index
        %get3A_608 = arith.constant 16 : index
        %get3A_609 = tpu.vector_load %arg10[%get3A_607, %get3A_608] {strides = array<i32>} : memref<128x128xf32, #tpu.memory_space<vmem>>, vector<1x16xf32>,
        %get3A_610 = vector.shape_cast %get3A_609 : vector<1x16xf32> to vector<16xf32>
        %mul3A_611 = vector.broadcast %squeeze3A_591 : f32 to vector<16xf32>
        %mul3A_612 = arith.mulf %get3A_610, %mul3A_611 : vector<16xf32>
        %swap3A_613 = arith.index_cast %add3A_595 : i32 to index
        %swap3A_614 = arith.constant 16 : index
        %swap3A_615 = tpu.vector_load %arg10[%swap3A_613, %swap3A_614] {strides = array<i32>} : memref<128x128xf32, #tpu.memory_space<vmem>>, vector<1x16xf32>,
        %swap3A_616 = vector.shape_cast %swap3A_615 : vector<1x16xf32> to vector<16xf32>
        %swap3A_617 = vector.shape_cast %mul3A_612 : vector<16xf32> to vector<1x16xf32>
        tpu.vector_store %arg10[%swap3A_613, %swap3A_614], %swap3A_617 {strides = array<i32>} : memref<128x128xf32, #tpu.memory_space<vmem>>, vector<1x16xf32>,
        %get3A_618 = arith.index_cast %add3A_595 : i32 to index
        %get3A_619 = arith.constant 32 : index
        %get3A_620 = tpu.vector_load %arg10[%get3A_618, %get3A_619] {strides = array<i32>} : memref<128x128xf32, #tpu.memory_space<vmem>>, vector<1x16xf32>,
        %get3A_621 = vector.shape_cast %get3A_620 : vector<1x16xf32> to vector<16xf32>
        %mul3A_622 = vector.broadcast %squeeze3A_591 : f32 to vector<16xf32>
        %mul3A_623 = arith.mulf %get3A_621, %mul3A_622 : vector<16xf32>
        %swap3A_624 = arith.index_cast %add3A_595 : i32 to index
        %swap3A_625 = arith.constant 32 : index
        %swap3A_626 = tpu.vector_load %arg10[%swap3A_624, %swap3A_625] {strides = array<i32>} : memref<128x128xf32, #tpu.memory_space<vmem>>, vector<1x16xf32>,
        %swap3A_627 = vector.shape_cast %swap3A_626 : vector<1x16xf32> to vector<16xf32>
        %swap3A_628 = vector.shape_cast %mul3A_623 : vector<16xf32> to vector<1x16xf32>
        tpu.vector_store %arg10[%swap3A_624, %swap3A_625], %swap3A_628 {strides = array<i32>} : memref<128x128xf32, #tpu.memory_space<vmem>>, vector<1x16xf32>,
        %get3A_629 = arith.index_cast %add3A_595 : i32 to index
        %get3A_630 = arith.constant 48 : index
        %get3A_631 = tpu.vector_load %arg10[%get3A_629, %get3A_630] {strides = array<i32>} : memref<128x128xf32, #tpu.memory_space<vmem>>, vector<1x16xf32>,
        %get3A_632 = vector.shape_cast %get3A_631 : vector<1x16xf32> to vector<16xf32>
        %mul3A_633 = vector.broadcast %squeeze3A_591 : f32 to vector<16xf32>
        %mul3A_634 = arith.mulf %get3A_632, %mul3A_633 : vector<16xf32>
        %swap3A_635 = arith.index_cast %add3A_595 : i32 to index
        %swap3A_636 = arith.constant 48 : index
        %swap3A_637 = tpu.vector_load %arg10[%swap3A_635, %swap3A_636] {strides = array<i32>} : memref<128x128xf32, #tpu.memory_space<vmem>>, vector<1x16xf32>,
        %swap3A_638 = vector.shape_cast %swap3A_637 : vector<1x16xf32> to vector<16xf32>
        %swap3A_639 = vector.shape_cast %mul3A_634 : vector<16xf32> to vector<1x16xf32>
        tpu.vector_store %arg10[%swap3A_635, %swap3A_636], %swap3A_639 {strides = array<i32>} : memref<128x128xf32, #tpu.memory_space<vmem>>, vector<1x16xf32>,
        %get3A_640 = arith.index_cast %add3A_595 : i32 to index
        %get3A_641 = arith.constant 64 : index
        %get3A_642 = tpu.vector_load %arg10[%get3A_640, %get3A_641] {strides = array<i32>} : memref<128x128xf32, #tpu.memory_space<vmem>>, vector<1x16xf32>,
        %get3A_643 = vector.shape_cast %get3A_642 : vector<1x16xf32> to vector<16xf32>
        %mul3A_644 = vector.broadcast %squeeze3A_591 : f32 to vector<16xf32>
        %mul3A_645 = arith.mulf %get3A_643, %mul3A_644 : vector<16xf32>
        %swap3A_646 = arith.index_cast %add3A_595 : i32 to index
        %swap3A_647 = arith.constant 64 : index
        %swap3A_648 = tpu.vector_load %arg10[%swap3A_646, %swap3A_647] {strides = array<i32>} : memref<128x128xf32, #tpu.memory_space<vmem>>, vector<1x16xf32>,
        %swap3A_649 = vector.shape_cast %swap3A_648 : vector<1x16xf32> to vector<16xf32>
        %swap3A_650 = vector.shape_cast %mul3A_645 : vector<16xf32> to vector<1x16xf32>
        tpu.vector_store %arg10[%swap3A_646, %swap3A_647], %swap3A_650 {strides = array<i32>} : memref<128x128xf32, #tpu.memory_space<vmem>>, vector<1x16xf32>,
        %get3A_651 = arith.index_cast %add3A_595 : i32 to index
        %get3A_652 = arith.constant 80 : index
        %get3A_653 = tpu.vector_load %arg10[%get3A_651, %get3A_652] {strides = array<i32>} : memref<128x128xf32, #tpu.memory_space<vmem>>, vector<1x16xf32>,
        %get3A_654 = vector.shape_cast %get3A_653 : vector<1x16xf32> to vector<16xf32>
        %mul3A_655 = vector.broadcast %squeeze3A_591 : f32 to vector<16xf32>
        %mul3A_656 = arith.mulf %get3A_654, %mul3A_655 : vector<16xf32>
        %swap3A_657 = arith.index_cast %add3A_595 : i32 to index
        %swap3A_658 = arith.constant 80 : index
        %swap3A_659 = tpu.vector_load %arg10[%swap3A_657, %swap3A_658] {strides = array<i32>} : memref<128x128xf32, #tpu.memory_space<vmem>>, vector<1x16xf32>,
        %swap3A_660 = vector.shape_cast %swap3A_659 : vector<1x16xf32> to vector<16xf32>
        %swap3A_661 = vector.shape_cast %mul3A_656 : vector<16xf32> to vector<1x16xf32>
        tpu.vector_store %arg10[%swap3A_657, %swap3A_658], %swap3A_661 {strides = array<i32>} : memref<128x128xf32, #tpu.memory_space<vmem>>, vector<1x16xf32>,
        %get3A_662 = arith.index_cast %add3A_595 : i32 to index
        %get3A_663 = arith.constant 96 : index
        %get3A_664 = tpu.vector_load %arg10[%get3A_662, %get3A_663] {strides = array<i32>} : memref<128x128xf32, #tpu.memory_space<vmem>>, vector<1x16xf32>,
        %get3A_665 = vector.shape_cast %get3A_664 : vector<1x16xf32> to vector<16xf32>
        %mul3A_666 = vector.broadcast %squeeze3A_591 : f32 to vector<16xf32>
        %mul3A_667 = arith.mulf %get3A_665, %mul3A_666 : vector<16xf32>
        %swap3A_668 = arith.index_cast %add3A_595 : i32 to index
        %swap3A_669 = arith.constant 96 : index
        %swap3A_670 = tpu.vector_load %arg10[%swap3A_668, %swap3A_669] {strides = array<i32>} : memref<128x128xf32, #tpu.memory_space<vmem>>, vector<1x16xf32>,
        %swap3A_671 = vector.shape_cast %swap3A_670 : vector<1x16xf32> to vector<16xf32>
        %swap3A_672 = vector.shape_cast %mul3A_667 : vector<16xf32> to vector<1x16xf32>
        tpu.vector_store %arg10[%swap3A_668, %swap3A_669], %swap3A_672 {strides = array<i32>} : memref<128x128xf32, #tpu.memory_space<vmem>>, vector<1x16xf32>,
        %get3A_673 = arith.index_cast %add3A_595 : i32 to index
        %get3A_674 = arith.constant 112 : index
        %get3A_675 = tpu.vector_load %arg10[%get3A_673, %get3A_674] {strides = array<i32>} : memref<128x128xf32, #tpu.memory_space<vmem>>, vector<1x16xf32>,
        %get3A_676 = vector.shape_cast %get3A_675 : vector<1x16xf32> to vector<16xf32>
        %mul3A_677 = vector.broadcast %squeeze3A_591 : f32 to vector<16xf32>
        %mul3A_678 = arith.mulf %get3A_676, %mul3A_677 : vector<16xf32>
        %swap3A_679 = arith.index_cast %add3A_595 : i32 to index
        %swap3A_680 = arith.constant 112 : index
        %swap3A_681 = tpu.vector_load %arg10[%swap3A_679, %swap3A_680] {strides = array<i32>} : memref<128x128xf32, #tpu.memory_space<vmem>>, vector<1x16xf32>,
        %swap3A_682 = vector.shape_cast %swap3A_681 : vector<1x16xf32> to vector<16xf32>
        %swap3A_683 = vector.shape_cast %mul3A_678 : vector<16xf32> to vector<1x16xf32>
        tpu.vector_store %arg10[%swap3A_679, %swap3A_680], %swap3A_683 {strides = array<i32>} : memref<128x128xf32, #tpu.memory_space<vmem>>, vector<1x16xf32>,
        %slice3A_684 = vector.extract_strided_slice %min3A_122 {offsets = [6], sizes = [1], strides = [1]} : vector<16xf32> to vector<1xf32>
        %squeeze3A_685 = vector.extract %slice3A_684[0] : f32 from vector<1xf32>
        %mul3A_686 = arith.constant 16 : i32
        %mul3A_687 = arith.muli %scan3A_111, %mul3A_686 : i32
        %add3A_688 = arith.constant 6 : i32
        %add3A_689 = arith.addi %mul3A_687, %add3A_688 : i32
        %get3A_690 = arith.index_cast %add3A_689 : i32 to index
        %get3A_691 = arith.constant 0 : index
        %get3A_692 = tpu.vector_load %arg10[%get3A_690, %get3A_691] {strides = array<i32>} : memref<128x128xf32, #tpu.memory_space<vmem>>, vector<1x16xf32>,
        %get3A_693 = vector.shape_cast %get3A_692 : vector<1x16xf32> to vector<16xf32>
        %mul3A_694 = vector.broadcast %squeeze3A_685 : f32 to vector<16xf32>
        %mul3A_695 = arith.mulf %get3A_693, %mul3A_694 : vector<16xf32>
        %swap3A_696 = arith.index_cast %add3A_689 : i32 to index
        %swap3A_697 = arith.constant 0 : index
        %swap3A_698 = tpu.vector_load %arg10[%swap3A_696, %swap3A_697] {strides = array<i32>} : memref<128x128xf32, #tpu.memory_space<vmem>>, vector<1x16xf32>,
        %swap3A_699 = vector.shape_cast %swap3A_698 : vector<1x16xf32> to vector<16xf32>
        %swap3A_700 = vector.shape_cast %mul3A_695 : vector<16xf32> to vector<1x16xf32>
        tpu.vector_store %arg10[%swap3A_696, %swap3A_697], %swap3A_700 {strides = array<i32>} : memref<128x128xf32, #tpu.memory_space<vmem>>, vector<1x16xf32>,
        %get3A_701 = arith.index_cast %add3A_689 : i32 to index
        %get3A_702 = arith.constant 16 : index
        %get3A_703 = tpu.vector_load %arg10[%get3A_701, %get3A_702] {strides = array<i32>} : memref<128x128xf32, #tpu.memory_space<vmem>>, vector<1x16xf32>,
        %get3A_704 = vector.shape_cast %get3A_703 : vector<1x16xf32> to vector<16xf32>
        %mul3A_705 = vector.broadcast %squeeze3A_685 : f32 to vector<16xf32>
        %mul3A_706 = arith.mulf %get3A_704, %mul3A_705 : vector<16xf32>
        %swap3A_707 = arith.index_cast %add3A_689 : i32 to index
        %swap3A_708 = arith.constant 16 : index
        %swap3A_709 = tpu.vector_load %arg10[%swap3A_707, %swap3A_708] {strides = array<i32>} : memref<128x128xf32, #tpu.memory_space<vmem>>, vector<1x16xf32>,
        %swap3A_710 = vector.shape_cast %swap3A_709 : vector<1x16xf32> to vector<16xf32>
        %swap3A_711 = vector.shape_cast %mul3A_706 : vector<16xf32> to vector<1x16xf32>
        tpu.vector_store %arg10[%swap3A_707, %swap3A_708], %swap3A_711 {strides = array<i32>} : memref<128x128xf32, #tpu.memory_space<vmem>>, vector<1x16xf32>,
        %get3A_712 = arith.index_cast %add3A_689 : i32 to index
        %get3A_713 = arith.constant 32 : index
        %get3A_714 = tpu.vector_load %arg10[%get3A_712, %get3A_713] {strides = array<i32>} : memref<128x128xf32, #tpu.memory_space<vmem>>, vector<1x16xf32>,
        %get3A_715 = vector.shape_cast %get3A_714 : vector<1x16xf32> to vector<16xf32>
        %mul3A_716 = vector.broadcast %squeeze3A_685 : f32 to vector<16xf32>
        %mul3A_717 = arith.mulf %get3A_715, %mul3A_716 : vector<16xf32>
        %swap3A_718 = arith.index_cast %add3A_689 : i32 to index
        %swap3A_719 = arith.constant 32 : index
        %swap3A_720 = tpu.vector_load %arg10[%swap3A_718, %swap3A_719] {strides = array<i32>} : memref<128x128xf32, #tpu.memory_space<vmem>>, vector<1x16xf32>,
        %swap3A_721 = vector.shape_cast %swap3A_720 : vector<1x16xf32> to vector<16xf32>
        %swap3A_722 = vector.shape_cast %mul3A_717 : vector<16xf32> to vector<1x16xf32>
        tpu.vector_store %arg10[%swap3A_718, %swap3A_719], %swap3A_722 {strides = array<i32>} : memref<128x128xf32, #tpu.memory_space<vmem>>, vector<1x16xf32>,
        %get3A_723 = arith.index_cast %add3A_689 : i32 to index
        %get3A_724 = arith.constant 48 : index
        %get3A_725 = tpu.vector_load %arg10[%get3A_723, %get3A_724] {strides = array<i32>} : memref<128x128xf32, #tpu.memory_space<vmem>>, vector<1x16xf32>,
        %get3A_726 = vector.shape_cast %get3A_725 : vector<1x16xf32> to vector<16xf32>
        %mul3A_727 = vector.broadcast %squeeze3A_685 : f32 to vector<16xf32>
        %mul3A_728 = arith.mulf %get3A_726, %mul3A_727 : vector<16xf32>
        %swap3A_729 = arith.index_cast %add3A_689 : i32 to index
        %swap3A_730 = arith.constant 48 : index
        %swap3A_731 = tpu.vector_load %arg10[%swap3A_729, %swap3A_730] {strides = array<i32>} : memref<128x128xf32, #tpu.memory_space<vmem>>, vector<1x16xf32>,
        %swap3A_732 = vector.shape_cast %swap3A_731 : vector<1x16xf32> to vector<16xf32>
        %swap3A_733 = vector.shape_cast %mul3A_728 : vector<16xf32> to vector<1x16xf32>
        tpu.vector_store %arg10[%swap3A_729, %swap3A_730], %swap3A_733 {strides = array<i32>} : memref<128x128xf32, #tpu.memory_space<vmem>>, vector<1x16xf32>,
        %get3A_734 = arith.index_cast %add3A_689 : i32 to index
        %get3A_735 = arith.constant 64 : index
        %get3A_736 = tpu.vector_load %arg10[%get3A_734, %get3A_735] {strides = array<i32>} : memref<128x128xf32, #tpu.memory_space<vmem>>, vector<1x16xf32>,
        %get3A_737 = vector.shape_cast %get3A_736 : vector<1x16xf32> to vector<16xf32>
        %mul3A_738 = vector.broadcast %squeeze3A_685 : f32 to vector<16xf32>
        %mul3A_739 = arith.mulf %get3A_737, %mul3A_738 : vector<16xf32>
        %swap3A_740 = arith.index_cast %add3A_689 : i32 to index
        %swap3A_741 = arith.constant 64 : index
        %swap3A_742 = tpu.vector_load %arg10[%swap3A_740, %swap3A_741] {strides = array<i32>} : memref<128x128xf32, #tpu.memory_space<vmem>>, vector<1x16xf32>,
        %swap3A_743 = vector.shape_cast %swap3A_742 : vector<1x16xf32> to vector<16xf32>
        %swap3A_744 = vector.shape_cast %mul3A_739 : vector<16xf32> to vector<1x16xf32>
        tpu.vector_store %arg10[%swap3A_740, %swap3A_741], %swap3A_744 {strides = array<i32>} : memref<128x128xf32, #tpu.memory_space<vmem>>, vector<1x16xf32>,
        %get3A_745 = arith.index_cast %add3A_689 : i32 to index
        %get3A_746 = arith.constant 80 : index
        %get3A_747 = tpu.vector_load %arg10[%get3A_745, %get3A_746] {strides = array<i32>} : memref<128x128xf32, #tpu.memory_space<vmem>>, vector<1x16xf32>,
        %get3A_748 = vector.shape_cast %get3A_747 : vector<1x16xf32> to vector<16xf32>
        %mul3A_749 = vector.broadcast %squeeze3A_685 : f32 to vector<16xf32>
        %mul3A_750 = arith.mulf %get3A_748, %mul3A_749 : vector<16xf32>
        %swap3A_751 = arith.index_cast %add3A_689 : i32 to index
        %swap3A_752 = arith.constant 80 : index
        %swap3A_753 = tpu.vector_load %arg10[%swap3A_751, %swap3A_752] {strides = array<i32>} : memref<128x128xf32, #tpu.memory_space<vmem>>, vector<1x16xf32>,
        %swap3A_754 = vector.shape_cast %swap3A_753 : vector<1x16xf32> to vector<16xf32>
        %swap3A_755 = vector.shape_cast %mul3A_750 : vector<16xf32> to vector<1x16xf32>
        tpu.vector_store %arg10[%swap3A_751, %swap3A_752], %swap3A_755 {strides = array<i32>} : memref<128x128xf32, #tpu.memory_space<vmem>>, vector<1x16xf32>,
        %get3A_756 = arith.index_cast %add3A_689 : i32 to index
        %get3A_757 = arith.constant 96 : index
        %get3A_758 = tpu.vector_load %arg10[%get3A_756, %get3A_757] {strides = array<i32>} : memref<128x128xf32, #tpu.memory_space<vmem>>, vector<1x16xf32>,
        %get3A_759 = vector.shape_cast %get3A_758 : vector<1x16xf32> to vector<16xf32>
        %mul3A_760 = vector.broadcast %squeeze3A_685 : f32 to vector<16xf32>
        %mul3A_761 = arith.mulf %get3A_759, %mul3A_760 : vector<16xf32>
        %swap3A_762 = arith.index_cast %add3A_689 : i32 to index
        %swap3A_763 = arith.constant 96 : index
        %swap3A_764 = tpu.vector_load %arg10[%swap3A_762, %swap3A_763] {strides = array<i32>} : memref<128x128xf32, #tpu.memory_space<vmem>>, vector<1x16xf32>,
        %swap3A_765 = vector.shape_cast %swap3A_764 : vector<1x16xf32> to vector<16xf32>
        %swap3A_766 = vector.shape_cast %mul3A_761 : vector<16xf32> to vector<1x16xf32>
        tpu.vector_store %arg10[%swap3A_762, %swap3A_763], %swap3A_766 {strides = array<i32>} : memref<128x128xf32, #tpu.memory_space<vmem>>, vector<1x16xf32>,
        %get3A_767 = arith.index_cast %add3A_689 : i32 to index
        %get3A_768 = arith.constant 112 : index
        %get3A_769 = tpu.vector_load %arg10[%get3A_767, %get3A_768] {strides = array<i32>} : memref<128x128xf32, #tpu.memory_space<vmem>>, vector<1x16xf32>,
        %get3A_770 = vector.shape_cast %get3A_769 : vector<1x16xf32> to vector<16xf32>
        %mul3A_771 = vector.broadcast %squeeze3A_685 : f32 to vector<16xf32>
        %mul3A_772 = arith.mulf %get3A_770, %mul3A_771 : vector<16xf32>
        %swap3A_773 = arith.index_cast %add3A_689 : i32 to index
        %swap3A_774 = arith.constant 112 : index
        %swap3A_775 = tpu.vector_load %arg10[%swap3A_773, %swap3A_774] {strides = array<i32>} : memref<128x128xf32, #tpu.memory_space<vmem>>, vector<1x16xf32>,
        %swap3A_776 = vector.shape_cast %swap3A_775 : vector<1x16xf32> to vector<16xf32>
        %swap3A_777 = vector.shape_cast %mul3A_772 : vector<16xf32> to vector<1x16xf32>
        tpu.vector_store %arg10[%swap3A_773, %swap3A_774], %swap3A_777 {strides = array<i32>} : memref<128x128xf32, #tpu.memory_space<vmem>>, vector<1x16xf32>,
        %slice3A_778 = vector.extract_strided_slice %min3A_122 {offsets = [7], sizes = [1], strides = [1]} : vector<16xf32> to vector<1xf32>
        %squeeze3A_779 = vector.extract %slice3A_778[0] : f32 from vector<1xf32>
        %mul3A_780 = arith.constant 16 : i32
        %mul3A_781 = arith.muli %scan3A_111, %mul3A_780 : i32
        %add3A_782 = arith.constant 7 : i32
        %add3A_783 = arith.addi %mul3A_781, %add3A_782 : i32
        %get3A_784 = arith.index_cast %add3A_783 : i32 to index
        %get3A_785 = arith.constant 0 : index
        %get3A_786 = tpu.vector_load %arg10[%get3A_784, %get3A_785] {strides = array<i32>} : memref<128x128xf32, #tpu.memory_space<vmem>>, vector<1x16xf32>,
        %get3A_787 = vector.shape_cast %get3A_786 : vector<1x16xf32> to vector<16xf32>
        %mul3A_788 = vector.broadcast %squeeze3A_779 : f32 to vector<16xf32>
        %mul3A_789 = arith.mulf %get3A_787, %mul3A_788 : vector<16xf32>
        %swap3A_790 = arith.index_cast %add3A_783 : i32 to index
        %swap3A_791 = arith.constant 0 : index
        %swap3A_792 = tpu.vector_load %arg10[%swap3A_790, %swap3A_791] {strides = array<i32>} : memref<128x128xf32, #tpu.memory_space<vmem>>, vector<1x16xf32>,
        %swap3A_793 = vector.shape_cast %swap3A_792 : vector<1x16xf32> to vector<16xf32>
        %swap3A_794 = vector.shape_cast %mul3A_789 : vector<16xf32> to vector<1x16xf32>
        tpu.vector_store %arg10[%swap3A_790, %swap3A_791], %swap3A_794 {strides = array<i32>} : memref<128x128xf32, #tpu.memory_space<vmem>>, vector<1x16xf32>,
        %get3A_795 = arith.index_cast %add3A_783 : i32 to index
        %get3A_796 = arith.constant 16 : index
        %get3A_797 = tpu.vector_load %arg10[%get3A_795, %get3A_796] {strides = array<i32>} : memref<128x128xf32, #tpu.memory_space<vmem>>, vector<1x16xf32>,
        %get3A_798 = vector.shape_cast %get3A_797 : vector<1x16xf32> to vector<16xf32>
        %mul3A_799 = vector.broadcast %squeeze3A_779 : f32 to vector<16xf32>
        %mul3A_800 = arith.mulf %get3A_798, %mul3A_799 : vector<16xf32>
        %swap3A_801 = arith.index_cast %add3A_783 : i32 to index
        %swap3A_802 = arith.constant 16 : index
        %swap3A_803 = tpu.vector_load %arg10[%swap3A_801, %swap3A_802] {strides = array<i32>} : memref<128x128xf32, #tpu.memory_space<vmem>>, vector<1x16xf32>,
        %swap3A_804 = vector.shape_cast %swap3A_803 : vector<1x16xf32> to vector<16xf32>
        %swap3A_805 = vector.shape_cast %mul3A_800 : vector<16xf32> to vector<1x16xf32>
        tpu.vector_store %arg10[%swap3A_801, %swap3A_802], %swap3A_805 {strides = array<i32>} : memref<128x128xf32, #tpu.memory_space<vmem>>, vector<1x16xf32>,
        %get3A_806 = arith.index_cast %add3A_783 : i32 to index
        %get3A_807 = arith.constant 32 : index
        %get3A_808 = tpu.vector_load %arg10[%get3A_806, %get3A_807] {strides = array<i32>} : memref<128x128xf32, #tpu.memory_space<vmem>>, vector<1x16xf32>,
        %get3A_809 = vector.shape_cast %get3A_808 : vector<1x16xf32> to vector<16xf32>
        %mul3A_810 = vector.broadcast %squeeze3A_779 : f32 to vector<16xf32>
        %mul3A_811 = arith.mulf %get3A_809, %mul3A_810 : vector<16xf32>
        %swap3A_812 = arith.index_cast %add3A_783 : i32 to index
        %swap3A_813 = arith.constant 32 : index
        %swap3A_814 = tpu.vector_load %arg10[%swap3A_812, %swap3A_813] {strides = array<i32>} : memref<128x128xf32, #tpu.memory_space<vmem>>, vector<1x16xf32>,
        %swap3A_815 = vector.shape_cast %swap3A_814 : vector<1x16xf32> to vector<16xf32>
        %swap3A_816 = vector.shape_cast %mul3A_811 : vector<16xf32> to vector<1x16xf32>
        tpu.vector_store %arg10[%swap3A_812, %swap3A_813], %swap3A_816 {strides = array<i32>} : memref<128x128xf32, #tpu.memory_space<vmem>>, vector<1x16xf32>,
        %get3A_817 = arith.index_cast %add3A_783 : i32 to index
        %get3A_818 = arith.constant 48 : index
        %get3A_819 = tpu.vector_load %arg10[%get3A_817, %get3A_818] {strides = array<i32>} : memref<128x128xf32, #tpu.memory_space<vmem>>, vector<1x16xf32>,
        %get3A_820 = vector.shape_cast %get3A_819 : vector<1x16xf32> to vector<16xf32>
        %mul3A_821 = vector.broadcast %squeeze3A_779 : f32 to vector<16xf32>
        %mul3A_822 = arith.mulf %get3A_820, %mul3A_821 : vector<16xf32>
        %swap3A_823 = arith.index_cast %add3A_783 : i32 to index
        %swap3A_824 = arith.constant 48 : index
        %swap3A_825 = tpu.vector_load %arg10[%swap3A_823, %swap3A_824] {strides = array<i32>} : memref<128x128xf32, #tpu.memory_space<vmem>>, vector<1x16xf32>,
        %swap3A_826 = vector.shape_cast %swap3A_825 : vector<1x16xf32> to vector<16xf32>
        %swap3A_827 = vector.shape_cast %mul3A_822 : vector<16xf32> to vector<1x16xf32>
        tpu.vector_store %arg10[%swap3A_823, %swap3A_824], %swap3A_827 {strides = array<i32>} : memref<128x128xf32, #tpu.memory_space<vmem>>, vector<1x16xf32>,
        %get3A_828 = arith.index_cast %add3A_783 : i32 to index
        %get3A_829 = arith.constant 64 : index
        %get3A_830 = tpu.vector_load %arg10[%get3A_828, %get3A_829] {strides = array<i32>} : memref<128x128xf32, #tpu.memory_space<vmem>>, vector<1x16xf32>,
        %get3A_831 = vector.shape_cast %get3A_830 : vector<1x16xf32> to vector<16xf32>
        %mul3A_832 = vector.broadcast %squeeze3A_779 : f32 to vector<16xf32>
        %mul3A_833 = arith.mulf %get3A_831, %mul3A_832 : vector<16xf32>
        %swap3A_834 = arith.index_cast %add3A_783 : i32 to index
        %swap3A_835 = arith.constant 64 : index
        %swap3A_836 = tpu.vector_load %arg10[%swap3A_834, %swap3A_835] {strides = array<i32>} : memref<128x128xf32, #tpu.memory_space<vmem>>, vector<1x16xf32>,
        %swap3A_837 = vector.shape_cast %swap3A_836 : vector<1x16xf32> to vector<16xf32>
        %swap3A_838 = vector.shape_cast %mul3A_833 : vector<16xf32> to vector<1x16xf32>
        tpu.vector_store %arg10[%swap3A_834, %swap3A_835], %swap3A_838 {strides = array<i32>} : memref<128x128xf32, #tpu.memory_space<vmem>>, vector<1x16xf32>,
        %get3A_839 = arith.index_cast %add3A_783 : i32 to index
        %get3A_840 = arith.constant 80 : index
        %get3A_841 = tpu.vector_load %arg10[%get3A_839, %get3A_840] {strides = array<i32>} : memref<128x128xf32, #tpu.memory_space<vmem>>, vector<1x16xf32>,
        %get3A_842 = vector.shape_cast %get3A_841 : vector<1x16xf32> to vector<16xf32>
        %mul3A_843 = vector.broadcast %squeeze3A_779 : f32 to vector<16xf32>
        %mul3A_844 = arith.mulf %get3A_842, %mul3A_843 : vector<16xf32>
        %swap3A_845 = arith.index_cast %add3A_783 : i32 to index
        %swap3A_846 = arith.constant 80 : index
        %swap3A_847 = tpu.vector_load %arg10[%swap3A_845, %swap3A_846] {strides = array<i32>} : memref<128x128xf32, #tpu.memory_space<vmem>>, vector<1x16xf32>,
        %swap3A_848 = vector.shape_cast %swap3A_847 : vector<1x16xf32> to vector<16xf32>
        %swap3A_849 = vector.shape_cast %mul3A_844 : vector<16xf32> to vector<1x16xf32>
        tpu.vector_store %arg10[%swap3A_845, %swap3A_846], %swap3A_849 {strides = array<i32>} : memref<128x128xf32, #tpu.memory_space<vmem>>, vector<1x16xf32>,
        %get3A_850 = arith.index_cast %add3A_783 : i32 to index
        %get3A_851 = arith.constant 96 : index
        %get3A_852 = tpu.vector_load %arg10[%get3A_850, %get3A_851] {strides = array<i32>} : memref<128x128xf32, #tpu.memory_space<vmem>>, vector<1x16xf32>,
        %get3A_853 = vector.shape_cast %get3A_852 : vector<1x16xf32> to vector<16xf32>
        %mul3A_854 = vector.broadcast %squeeze3A_779 : f32 to vector<16xf32>
        %mul3A_855 = arith.mulf %get3A_853, %mul3A_854 : vector<16xf32>
        %swap3A_856 = arith.index_cast %add3A_783 : i32 to index
        %swap3A_857 = arith.constant 96 : index
        %swap3A_858 = tpu.vector_load %arg10[%swap3A_856, %swap3A_857] {strides = array<i32>} : memref<128x128xf32, #tpu.memory_space<vmem>>, vector<1x16xf32>,
        %swap3A_859 = vector.shape_cast %swap3A_858 : vector<1x16xf32> to vector<16xf32>
        %swap3A_860 = vector.shape_cast %mul3A_855 : vector<16xf32> to vector<1x16xf32>
        tpu.vector_store %arg10[%swap3A_856, %swap3A_857], %swap3A_860 {strides = array<i32>} : memref<128x128xf32, #tpu.memory_space<vmem>>, vector<1x16xf32>,
        %get3A_861 = arith.index_cast %add3A_783 : i32 to index
        %get3A_862 = arith.constant 112 : index
        %get3A_863 = tpu.vector_load %arg10[%get3A_861, %get3A_862] {strides = array<i32>} : memref<128x128xf32, #tpu.memory_space<vmem>>, vector<1x16xf32>,
        %get3A_864 = vector.shape_cast %get3A_863 : vector<1x16xf32> to vector<16xf32>
        %mul3A_865 = vector.broadcast %squeeze3A_779 : f32 to vector<16xf32>
        %mul3A_866 = arith.mulf %get3A_864, %mul3A_865 : vector<16xf32>
        %swap3A_867 = arith.index_cast %add3A_783 : i32 to index
        %swap3A_868 = arith.constant 112 : index
        %swap3A_869 = tpu.vector_load %arg10[%swap3A_867, %swap3A_868] {strides = array<i32>} : memref<128x128xf32, #tpu.memory_space<vmem>>, vector<1x16xf32>,
        %swap3A_870 = vector.shape_cast %swap3A_869 : vector<1x16xf32> to vector<16xf32>
        %swap3A_871 = vector.shape_cast %mul3A_866 : vector<16xf32> to vector<1x16xf32>
        tpu.vector_store %arg10[%swap3A_867, %swap3A_868], %swap3A_871 {strides = array<i32>} : memref<128x128xf32, #tpu.memory_space<vmem>>, vector<1x16xf32>,
        %slice3A_872 = vector.extract_strided_slice %min3A_122 {offsets = [8], sizes = [1], strides = [1]} : vector<16xf32> to vector<1xf32>
        %squeeze3A_873 = vector.extract %slice3A_872[0] : f32 from vector<1xf32>
        %mul3A_874 = arith.constant 16 : i32
        %mul3A_875 = arith.muli %scan3A_111, %mul3A_874 : i32
        %add3A_876 = arith.constant 8 : i32
        %add3A_877 = arith.addi %mul3A_875, %add3A_876 : i32
        %get3A_878 = arith.index_cast %add3A_877 : i32 to index
        %get3A_879 = arith.constant 0 : index
        %get3A_880 = tpu.vector_load %arg10[%get3A_878, %get3A_879] {strides = array<i32>} : memref<128x128xf32, #tpu.memory_space<vmem>>, vector<1x16xf32>,
        %get3A_881 = vector.shape_cast %get3A_880 : vector<1x16xf32> to vector<16xf32>
        %mul3A_882 = vector.broadcast %squeeze3A_873 : f32 to vector<16xf32>
        %mul3A_883 = arith.mulf %get3A_881, %mul3A_882 : vector<16xf32>
        %swap3A_884 = arith.index_cast %add3A_877 : i32 to index
        %swap3A_885 = arith.constant 0 : index
        %swap3A_886 = tpu.vector_load %arg10[%swap3A_884, %swap3A_885] {strides = array<i32>} : memref<128x128xf32, #tpu.memory_space<vmem>>, vector<1x16xf32>,
        %swap3A_887 = vector.shape_cast %swap3A_886 : vector<1x16xf32> to vector<16xf32>
        %swap3A_888 = vector.shape_cast %mul3A_883 : vector<16xf32> to vector<1x16xf32>
        tpu.vector_store %arg10[%swap3A_884, %swap3A_885], %swap3A_888 {strides = array<i32>} : memref<128x128xf32, #tpu.memory_space<vmem>>, vector<1x16xf32>,
        %get3A_889 = arith.index_cast %add3A_877 : i32 to index
        %get3A_890 = arith.constant 16 : index
        %get3A_891 = tpu.vector_load %arg10[%get3A_889, %get3A_890] {strides = array<i32>} : memref<128x128xf32, #tpu.memory_space<vmem>>, vector<1x16xf32>,
        %get3A_892 = vector.shape_cast %get3A_891 : vector<1x16xf32> to vector<16xf32>
        %mul3A_893 = vector.broadcast %squeeze3A_873 : f32 to vector<16xf32>
        %mul3A_894 = arith.mulf %get3A_892, %mul3A_893 : vector<16xf32>
        %swap3A_895 = arith.index_cast %add3A_877 : i32 to index
        %swap3A_896 = arith.constant 16 : index
        %swap3A_897 = tpu.vector_load %arg10[%swap3A_895, %swap3A_896] {strides = array<i32>} : memref<128x128xf32, #tpu.memory_space<vmem>>, vector<1x16xf32>,
        %swap3A_898 = vector.shape_cast %swap3A_897 : vector<1x16xf32> to vector<16xf32>
        %swap3A_899 = vector.shape_cast %mul3A_894 : vector<16xf32> to vector<1x16xf32>
        tpu.vector_store %arg10[%swap3A_895, %swap3A_896], %swap3A_899 {strides = array<i32>} : memref<128x128xf32, #tpu.memory_space<vmem>>, vector<1x16xf32>,
        %get3A_900 = arith.index_cast %add3A_877 : i32 to index
        %get3A_901 = arith.constant 32 : index
        %get3A_902 = tpu.vector_load %arg10[%get3A_900, %get3A_901] {strides = array<i32>} : memref<128x128xf32, #tpu.memory_space<vmem>>, vector<1x16xf32>,
        %get3A_903 = vector.shape_cast %get3A_902 : vector<1x16xf32> to vector<16xf32>
        %mul3A_904 = vector.broadcast %squeeze3A_873 : f32 to vector<16xf32>
        %mul3A_905 = arith.mulf %get3A_903, %mul3A_904 : vector<16xf32>
        %swap3A_906 = arith.index_cast %add3A_877 : i32 to index
        %swap3A_907 = arith.constant 32 : index
        %swap3A_908 = tpu.vector_load %arg10[%swap3A_906, %swap3A_907] {strides = array<i32>} : memref<128x128xf32, #tpu.memory_space<vmem>>, vector<1x16xf32>,
        %swap3A_909 = vector.shape_cast %swap3A_908 : vector<1x16xf32> to vector<16xf32>
        %swap3A_910 = vector.shape_cast %mul3A_905 : vector<16xf32> to vector<1x16xf32>
        tpu.vector_store %arg10[%swap3A_906, %swap3A_907], %swap3A_910 {strides = array<i32>} : memref<128x128xf32, #tpu.memory_space<vmem>>, vector<1x16xf32>,
        %get3A_911 = arith.index_cast %add3A_877 : i32 to index
        %get3A_912 = arith.constant 48 : index
        %get3A_913 = tpu.vector_load %arg10[%get3A_911, %get3A_912] {strides = array<i32>} : memref<128x128xf32, #tpu.memory_space<vmem>>, vector<1x16xf32>,
        %get3A_914 = vector.shape_cast %get3A_913 : vector<1x16xf32> to vector<16xf32>
        %mul3A_915 = vector.broadcast %squeeze3A_873 : f32 to vector<16xf32>
        %mul3A_916 = arith.mulf %get3A_914, %mul3A_915 : vector<16xf32>
        %swap3A_917 = arith.index_cast %add3A_877 : i32 to index
        %swap3A_918 = arith.constant 48 : index
        %swap3A_919 = tpu.vector_load %arg10[%swap3A_917, %swap3A_918] {strides = array<i32>} : memref<128x128xf32, #tpu.memory_space<vmem>>, vector<1x16xf32>,
        %swap3A_920 = vector.shape_cast %swap3A_919 : vector<1x16xf32> to vector<16xf32>
        %swap3A_921 = vector.shape_cast %mul3A_916 : vector<16xf32> to vector<1x16xf32>
        tpu.vector_store %arg10[%swap3A_917, %swap3A_918], %swap3A_921 {strides = array<i32>} : memref<128x128xf32, #tpu.memory_space<vmem>>, vector<1x16xf32>,
        %get3A_922 = arith.index_cast %add3A_877 : i32 to index
        %get3A_923 = arith.constant 64 : index
        %get3A_924 = tpu.vector_load %arg10[%get3A_922, %get3A_923] {strides = array<i32>} : memref<128x128xf32, #tpu.memory_space<vmem>>, vector<1x16xf32>,
        %get3A_925 = vector.shape_cast %get3A_924 : vector<1x16xf32> to vector<16xf32>
        %mul3A_926 = vector.broadcast %squeeze3A_873 : f32 to vector<16xf32>
        %mul3A_927 = arith.mulf %get3A_925, %mul3A_926 : vector<16xf32>
        %swap3A_928 = arith.index_cast %add3A_877 : i32 to index
        %swap3A_929 = arith.constant 64 : index
        %swap3A_930 = tpu.vector_load %arg10[%swap3A_928, %swap3A_929] {strides = array<i32>} : memref<128x128xf32, #tpu.memory_space<vmem>>, vector<1x16xf32>,
        %swap3A_931 = vector.shape_cast %swap3A_930 : vector<1x16xf32> to vector<16xf32>
        %swap3A_932 = vector.shape_cast %mul3A_927 : vector<16xf32> to vector<1x16xf32>
        tpu.vector_store %arg10[%swap3A_928, %swap3A_929], %swap3A_932 {strides = array<i32>} : memref<128x128xf32, #tpu.memory_space<vmem>>, vector<1x16xf32>,
        %get3A_933 = arith.index_cast %add3A_877 : i32 to index
        %get3A_934 = arith.constant 80 : index
        %get3A_935 = tpu.vector_load %arg10[%get3A_933, %get3A_934] {strides = array<i32>} : memref<128x128xf32, #tpu.memory_space<vmem>>, vector<1x16xf32>,
        %get3A_936 = vector.shape_cast %get3A_935 : vector<1x16xf32> to vector<16xf32>
        %mul3A_937 = vector.broadcast %squeeze3A_873 : f32 to vector<16xf32>
        %mul3A_938 = arith.mulf %get3A_936, %mul3A_937 : vector<16xf32>
        %swap3A_939 = arith.index_cast %add3A_877 : i32 to index
        %swap3A_940 = arith.constant 80 : index
        %swap3A_941 = tpu.vector_load %arg10[%swap3A_939, %swap3A_940] {strides = array<i32>} : memref<128x128xf32, #tpu.memory_space<vmem>>, vector<1x16xf32>,
        %swap3A_942 = vector.shape_cast %swap3A_941 : vector<1x16xf32> to vector<16xf32>
        %swap3A_943 = vector.shape_cast %mul3A_938 : vector<16xf32> to vector<1x16xf32>
        tpu.vector_store %arg10[%swap3A_939, %swap3A_940], %swap3A_943 {strides = array<i32>} : memref<128x128xf32, #tpu.memory_space<vmem>>, vector<1x16xf32>,
        %get3A_944 = arith.index_cast %add3A_877 : i32 to index
        %get3A_945 = arith.constant 96 : index
        %get3A_946 = tpu.vector_load %arg10[%get3A_944, %get3A_945] {strides = array<i32>} : memref<128x128xf32, #tpu.memory_space<vmem>>, vector<1x16xf32>,
        %get3A_947 = vector.shape_cast %get3A_946 : vector<1x16xf32> to vector<16xf32>
        %mul3A_948 = vector.broadcast %squeeze3A_873 : f32 to vector<16xf32>
        %mul3A_949 = arith.mulf %get3A_947, %mul3A_948 : vector<16xf32>
        %swap3A_950 = arith.index_cast %add3A_877 : i32 to index
        %swap3A_951 = arith.constant 96 : index
        %swap3A_952 = tpu.vector_load %arg10[%swap3A_950, %swap3A_951] {strides = array<i32>} : memref<128x128xf32, #tpu.memory_space<vmem>>, vector<1x16xf32>,
        %swap3A_953 = vector.shape_cast %swap3A_952 : vector<1x16xf32> to vector<16xf32>
        %swap3A_954 = vector.shape_cast %mul3A_949 : vector<16xf32> to vector<1x16xf32>
        tpu.vector_store %arg10[%swap3A_950, %swap3A_951], %swap3A_954 {strides = array<i32>} : memref<128x128xf32, #tpu.memory_space<vmem>>, vector<1x16xf32>,
        %get3A_955 = arith.index_cast %add3A_877 : i32 to index
        %get3A_956 = arith.constant 112 : index
        %get3A_957 = tpu.vector_load %arg10[%get3A_955, %get3A_956] {strides = array<i32>} : memref<128x128xf32, #tpu.memory_space<vmem>>, vector<1x16xf32>,
        %get3A_958 = vector.shape_cast %get3A_957 : vector<1x16xf32> to vector<16xf32>
        %mul3A_959 = vector.broadcast %squeeze3A_873 : f32 to vector<16xf32>
        %mul3A_960 = arith.mulf %get3A_958, %mul3A_959 : vector<16xf32>
        %swap3A_961 = arith.index_cast %add3A_877 : i32 to index
        %swap3A_962 = arith.constant 112 : index
        %swap3A_963 = tpu.vector_load %arg10[%swap3A_961, %swap3A_962] {strides = array<i32>} : memref<128x128xf32, #tpu.memory_space<vmem>>, vector<1x16xf32>,
        %swap3A_964 = vector.shape_cast %swap3A_963 : vector<1x16xf32> to vector<16xf32>
        %swap3A_965 = vector.shape_cast %mul3A_960 : vector<16xf32> to vector<1x16xf32>
        tpu.vector_store %arg10[%swap3A_961, %swap3A_962], %swap3A_965 {strides = array<i32>} : memref<128x128xf32, #tpu.memory_space<vmem>>, vector<1x16xf32>,
        %slice3A_966 = vector.extract_strided_slice %min3A_122 {offsets = [9], sizes = [1], strides = [1]} : vector<16xf32> to vector<1xf32>
        %squeeze3A_967 = vector.extract %slice3A_966[0] : f32 from vector<1xf32>
        %mul3A_968 = arith.constant 16 : i32
        %mul3A_969 = arith.muli %scan3A_111, %mul3A_968 : i32
        %add3A_970 = arith.constant 9 : i32
        %add3A_971 = arith.addi %mul3A_969, %add3A_970 : i32
        %get3A_972 = arith.index_cast %add3A_971 : i32 to index
        %get3A_973 = arith.constant 0 : index
        %get3A_974 = tpu.vector_load %arg10[%get3A_972, %get3A_973] {strides = array<i32>} : memref<128x128xf32, #tpu.memory_space<vmem>>, vector<1x16xf32>,
        %get3A_975 = vector.shape_cast %get3A_974 : vector<1x16xf32> to vector<16xf32>
        %mul3A_976 = vector.broadcast %squeeze3A_967 : f32 to vector<16xf32>
        %mul3A_977 = arith.mulf %get3A_975, %mul3A_976 : vector<16xf32>
        %swap3A_978 = arith.index_cast %add3A_971 : i32 to index
        %swap3A_979 = arith.constant 0 : index
        %swap3A_980 = tpu.vector_load %arg10[%swap3A_978, %swap3A_979] {strides = array<i32>} : memref<128x128xf32, #tpu.memory_space<vmem>>, vector<1x16xf32>,
        %swap3A_981 = vector.shape_cast %swap3A_980 : vector<1x16xf32> to vector<16xf32>
        %swap3A_982 = vector.shape_cast %mul3A_977 : vector<16xf32> to vector<1x16xf32>
        tpu.vector_store %arg10[%swap3A_978, %swap3A_979], %swap3A_982 {strides = array<i32>} : memref<128x128xf32, #tpu.memory_space<vmem>>, vector<1x16xf32>,
        %get3A_983 = arith.index_cast %add3A_971 : i32 to index
        %get3A_984 = arith.constant 16 : index
        %get3A_985 = tpu.vector_load %arg10[%get3A_983, %get3A_984] {strides = array<i32>} : memref<128x128xf32, #tpu.memory_space<vmem>>, vector<1x16xf32>,
        %get3A_986 = vector.shape_cast %get3A_985 : vector<1x16xf32> to vector<16xf32>
        %mul3A_987 = vector.broadcast %squeeze3A_967 : f32 to vector<16xf32>
        %mul3A_988 = arith.mulf %get3A_986, %mul3A_987 : vector<16xf32>
        %swap3A_989 = arith.index_cast %add3A_971 : i32 to index
        %swap3A_990 = arith.constant 16 : index
        %swap3A_991 = tpu.vector_load %arg10[%swap3A_989, %swap3A_990] {strides = array<i32>} : memref<128x128xf32, #tpu.memory_space<vmem>>, vector<1x16xf32>,
        %swap3A_992 = vector.shape_cast %swap3A_991 : vector<1x16xf32> to vector<16xf32>
        %swap3A_993 = vector.shape_cast %mul3A_988 : vector<16xf32> to vector<1x16xf32>
        tpu.vector_store %arg10[%swap3A_989, %swap3A_990], %swap3A_993 {strides = array<i32>} : memref<128x128xf32, #tpu.memory_space<vmem>>, vector<1x16xf32>,
        %get3A_994 = arith.index_cast %add3A_971 : i32 to index
        %get3A_995 = arith.constant 32 : index
        %get3A_996 = tpu.vector_load %arg10[%get3A_994, %get3A_995] {strides = array<i32>} : memref<128x128xf32, #tpu.memory_space<vmem>>, vector<1x16xf32>,
        %get3A_997 = vector.shape_cast %get3A_996 : vector<1x16xf32> to vector<16xf32>
        %mul3A_998 = vector.broadcast %squeeze3A_967 : f32 to vector<16xf32>
        %mul3A_999 = arith.mulf %get3A_997, %mul3A_998 : vector<16xf32>
        %swap3A_1000 = arith.index_cast %add3A_971 : i32 to index
        %swap3A_1001 = arith.constant 32 : index
        %swap3A_1002 = tpu.vector_load %arg10[%swap3A_1000, %swap3A_1001] {strides = array<i32>} : memref<128x128xf32, #tpu.memory_space<vmem>>, vector<1x16xf32>,
        %swap3A_1003 = vector.shape_cast %swap3A_1002 : vector<1x16xf32> to vector<16xf32>
        %swap3A_1004 = vector.shape_cast %mul3A_999 : vector<16xf32> to vector<1x16xf32>
        tpu.vector_store %arg10[%swap3A_1000, %swap3A_1001], %swap3A_1004 {strides = array<i32>} : memref<128x128xf32, #tpu.memory_space<vmem>>, vector<1x16xf32>,
        %get3A_1005 = arith.index_cast %add3A_971 : i32 to index
        %get3A_1006 = arith.constant 48 : index
        %get3A_1007 = tpu.vector_load %arg10[%get3A_1005, %get3A_1006] {strides = array<i32>} : memref<128x128xf32, #tpu.memory_space<vmem>>, vector<1x16xf32>,
        %get3A_1008 = vector.shape_cast %get3A_1007 : vector<1x16xf32> to vector<16xf32>
        %mul3A_1009 = vector.broadcast %squeeze3A_967 : f32 to vector<16xf32>
        %mul3A_1010 = arith.mulf %get3A_1008, %mul3A_1009 : vector<16xf32>
        %swap3A_1011 = arith.index_cast %add3A_971 : i32 to index
        %swap3A_1012 = arith.constant 48 : index
        %swap3A_1013 = tpu.vector_load %arg10[%swap3A_1011, %swap3A_1012] {strides = array<i32>} : memref<128x128xf32, #tpu.memory_space<vmem>>, vector<1x16xf32>,
        %swap3A_1014 = vector.shape_cast %swap3A_1013 : vector<1x16xf32> to vector<16xf32>
        %swap3A_1015 = vector.shape_cast %mul3A_1010 : vector<16xf32> to vector<1x16xf32>
        tpu.vector_store %arg10[%swap3A_1011, %swap3A_1012], %swap3A_1015 {strides = array<i32>} : memref<128x128xf32, #tpu.memory_space<vmem>>, vector<1x16xf32>,
        %get3A_1016 = arith.index_cast %add3A_971 : i32 to index
        %get3A_1017 = arith.constant 64 : index
        %get3A_1018 = tpu.vector_load %arg10[%get3A_1016, %get3A_1017] {strides = array<i32>} : memref<128x128xf32, #tpu.memory_space<vmem>>, vector<1x16xf32>,
        %get3A_1019 = vector.shape_cast %get3A_1018 : vector<1x16xf32> to vector<16xf32>
        %mul3A_1020 = vector.broadcast %squeeze3A_967 : f32 to vector<16xf32>
        %mul3A_1021 = arith.mulf %get3A_1019, %mul3A_1020 : vector<16xf32>
        %swap3A_1022 = arith.index_cast %add3A_971 : i32 to index
        %swap3A_1023 = arith.constant 64 : index
        %swap3A_1024 = tpu.vector_load %arg10[%swap3A_1022, %swap3A_1023] {strides = array<i32>} : memref<128x128xf32, #tpu.memory_space<vmem>>, vector<1x16xf32>,
        %swap3A_1025 = vector.shape_cast %swap3A_1024 : vector<1x16xf32> to vector<16xf32>
        %swap3A_1026 = vector.shape_cast %mul3A_1021 : vector<16xf32> to vector<1x16xf32>
        tpu.vector_store %arg10[%swap3A_1022, %swap3A_1023], %swap3A_1026 {strides = array<i32>} : memref<128x128xf32, #tpu.memory_space<vmem>>, vector<1x16xf32>,
        %get3A_1027 = arith.index_cast %add3A_971 : i32 to index
        %get3A_1028 = arith.constant 80 : index
        %get3A_1029 = tpu.vector_load %arg10[%get3A_1027, %get3A_1028] {strides = array<i32>} : memref<128x128xf32, #tpu.memory_space<vmem>>, vector<1x16xf32>,
        %get3A_1030 = vector.shape_cast %get3A_1029 : vector<1x16xf32> to vector<16xf32>
        %mul3A_1031 = vector.broadcast %squeeze3A_967 : f32 to vector<16xf32>
        %mul3A_1032 = arith.mulf %get3A_1030, %mul3A_1031 : vector<16xf32>
        %swap3A_1033 = arith.index_cast %add3A_971 : i32 to index
        %swap3A_1034 = arith.constant 80 : index
        %swap3A_1035 = tpu.vector_load %arg10[%swap3A_1033, %swap3A_1034] {strides = array<i32>} : memref<128x128xf32, #tpu.memory_space<vmem>>, vector<1x16xf32>,
        %swap3A_1036 = vector.shape_cast %swap3A_1035 : vector<1x16xf32> to vector<16xf32>
        %swap3A_1037 = vector.shape_cast %mul3A_1032 : vector<16xf32> to vector<1x16xf32>
        tpu.vector_store %arg10[%swap3A_1033, %swap3A_1034], %swap3A_1037 {strides = array<i32>} : memref<128x128xf32, #tpu.memory_space<vmem>>, vector<1x16xf32>,
        %get3A_1038 = arith.index_cast %add3A_971 : i32 to index
        %get3A_1039 = arith.constant 96 : index
        %get3A_1040 = tpu.vector_load %arg10[%get3A_1038, %get3A_1039] {strides = array<i32>} : memref<128x128xf32, #tpu.memory_space<vmem>>, vector<1x16xf32>,
        %get3A_1041 = vector.shape_cast %get3A_1040 : vector<1x16xf32> to vector<16xf32>
        %mul3A_1042 = vector.broadcast %squeeze3A_967 : f32 to vector<16xf32>
        %mul3A_1043 = arith.mulf %get3A_1041, %mul3A_1042 : vector<16xf32>
        %swap3A_1044 = arith.index_cast %add3A_971 : i32 to index
        %swap3A_1045 = arith.constant 96 : index
        %swap3A_1046 = tpu.vector_load %arg10[%swap3A_1044, %swap3A_1045] {strides = array<i32>} : memref<128x128xf32, #tpu.memory_space<vmem>>, vector<1x16xf32>,
        %swap3A_1047 = vector.shape_cast %swap3A_1046 : vector<1x16xf32> to vector<16xf32>
        %swap3A_1048 = vector.shape_cast %mul3A_1043 : vector<16xf32> to vector<1x16xf32>
        tpu.vector_store %arg10[%swap3A_1044, %swap3A_1045], %swap3A_1048 {strides = array<i32>} : memref<128x128xf32, #tpu.memory_space<vmem>>, vector<1x16xf32>,
        %get3A_1049 = arith.index_cast %add3A_971 : i32 to index
        %get3A_1050 = arith.constant 112 : index
        %get3A_1051 = tpu.vector_load %arg10[%get3A_1049, %get3A_1050] {strides = array<i32>} : memref<128x128xf32, #tpu.memory_space<vmem>>, vector<1x16xf32>,
        %get3A_1052 = vector.shape_cast %get3A_1051 : vector<1x16xf32> to vector<16xf32>
        %mul3A_1053 = vector.broadcast %squeeze3A_967 : f32 to vector<16xf32>
        %mul3A_1054 = arith.mulf %get3A_1052, %mul3A_1053 : vector<16xf32>
        %swap3A_1055 = arith.index_cast %add3A_971 : i32 to index
        %swap3A_1056 = arith.constant 112 : index
        %swap3A_1057 = tpu.vector_load %arg10[%swap3A_1055, %swap3A_1056] {strides = array<i32>} : memref<128x128xf32, #tpu.memory_space<vmem>>, vector<1x16xf32>,
        %swap3A_1058 = vector.shape_cast %swap3A_1057 : vector<1x16xf32> to vector<16xf32>
        %swap3A_1059 = vector.shape_cast %mul3A_1054 : vector<16xf32> to vector<1x16xf32>
        tpu.vector_store %arg10[%swap3A_1055, %swap3A_1056], %swap3A_1059 {strides = array<i32>} : memref<128x128xf32, #tpu.memory_space<vmem>>, vector<1x16xf32>,
        %slice3A_1060 = vector.extract_strided_slice %min3A_122 {offsets = [10], sizes = [1], strides = [1]} : vector<16xf32> to vector<1xf32>
        %squeeze3A_1061 = vector.extract %slice3A_1060[0] : f32 from vector<1xf32>
        %mul3A_1062 = arith.constant 16 : i32
        %mul3A_1063 = arith.muli %scan3A_111, %mul3A_1062 : i32
        %add3A_1064 = arith.constant 10 : i32
        %add3A_1065 = arith.addi %mul3A_1063, %add3A_1064 : i32
        %get3A_1066 = arith.index_cast %add3A_1065 : i32 to index
        %get3A_1067 = arith.constant 0 : index
        %get3A_1068 = tpu.vector_load %arg10[%get3A_1066, %get3A_1067] {strides = array<i32>} : memref<128x128xf32, #tpu.memory_space<vmem>>, vector<1x16xf32>,
        %get3A_1069 = vector.shape_cast %get3A_1068 : vector<1x16xf32> to vector<16xf32>
        %mul3A_1070 = vector.broadcast %squeeze3A_1061 : f32 to vector<16xf32>
        %mul3A_1071 = arith.mulf %get3A_1069, %mul3A_1070 : vector<16xf32>
        %swap3A_1072 = arith.index_cast %add3A_1065 : i32 to index
        %swap3A_1073 = arith.constant 0 : index
        %swap3A_1074 = tpu.vector_load %arg10[%swap3A_1072, %swap3A_1073] {strides = array<i32>} : memref<128x128xf32, #tpu.memory_space<vmem>>, vector<1x16xf32>,
        %swap3A_1075 = vector.shape_cast %swap3A_1074 : vector<1x16xf32> to vector<16xf32>
        %swap3A_1076 = vector.shape_cast %mul3A_1071 : vector<16xf32> to vector<1x16xf32>
        tpu.vector_store %arg10[%swap3A_1072, %swap3A_1073], %swap3A_1076 {strides = array<i32>} : memref<128x128xf32, #tpu.memory_space<vmem>>, vector<1x16xf32>,
        %get3A_1077 = arith.index_cast %add3A_1065 : i32 to index
        %get3A_1078 = arith.constant 16 : index
        %get3A_1079 = tpu.vector_load %arg10[%get3A_1077, %get3A_1078] {strides = array<i32>} : memref<128x128xf32, #tpu.memory_space<vmem>>, vector<1x16xf32>,
        %get3A_1080 = vector.shape_cast %get3A_1079 : vector<1x16xf32> to vector<16xf32>
        %mul3A_1081 = vector.broadcast %squeeze3A_1061 : f32 to vector<16xf32>
        %mul3A_1082 = arith.mulf %get3A_1080, %mul3A_1081 : vector<16xf32>
        %swap3A_1083 = arith.index_cast %add3A_1065 : i32 to index
        %swap3A_1084 = arith.constant 16 : index
        %swap3A_1085 = tpu.vector_load %arg10[%swap3A_1083, %swap3A_1084] {strides = array<i32>} : memref<128x128xf32, #tpu.memory_space<vmem>>, vector<1x16xf32>,
        %swap3A_1086 = vector.shape_cast %swap3A_1085 : vector<1x16xf32> to vector<16xf32>
        %swap3A_1087 = vector.shape_cast %mul3A_1082 : vector<16xf32> to vector<1x16xf32>
        tpu.vector_store %arg10[%swap3A_1083, %swap3A_1084], %swap3A_1087 {strides = array<i32>} : memref<128x128xf32, #tpu.memory_space<vmem>>, vector<1x16xf32>,
        %get3A_1088 = arith.index_cast %add3A_1065 : i32 to index
        %get3A_1089 = arith.constant 32 : index
        %get3A_1090 = tpu.vector_load %arg10[%get3A_1088, %get3A_1089] {strides = array<i32>} : memref<128x128xf32, #tpu.memory_space<vmem>>, vector<1x16xf32>,
        %get3A_1091 = vector.shape_cast %get3A_1090 : vector<1x16xf32> to vector<16xf32>
        %mul3A_1092 = vector.broadcast %squeeze3A_1061 : f32 to vector<16xf32>
        %mul3A_1093 = arith.mulf %get3A_1091, %mul3A_1092 : vector<16xf32>
        %swap3A_1094 = arith.index_cast %add3A_1065 : i32 to index
        %swap3A_1095 = arith.constant 32 : index
        %swap3A_1096 = tpu.vector_load %arg10[%swap3A_1094, %swap3A_1095] {strides = array<i32>} : memref<128x128xf32, #tpu.memory_space<vmem>>, vector<1x16xf32>,
        %swap3A_1097 = vector.shape_cast %swap3A_1096 : vector<1x16xf32> to vector<16xf32>
        %swap3A_1098 = vector.shape_cast %mul3A_1093 : vector<16xf32> to vector<1x16xf32>
        tpu.vector_store %arg10[%swap3A_1094, %swap3A_1095], %swap3A_1098 {strides = array<i32>} : memref<128x128xf32, #tpu.memory_space<vmem>>, vector<1x16xf32>,
        %get3A_1099 = arith.index_cast %add3A_1065 : i32 to index
        %get3A_1100 = arith.constant 48 : index
        %get3A_1101 = tpu.vector_load %arg10[%get3A_1099, %get3A_1100] {strides = array<i32>} : memref<128x128xf32, #tpu.memory_space<vmem>>, vector<1x16xf32>,
        %get3A_1102 = vector.shape_cast %get3A_1101 : vector<1x16xf32> to vector<16xf32>
        %mul3A_1103 = vector.broadcast %squeeze3A_1061 : f32 to vector<16xf32>
        %mul3A_1104 = arith.mulf %get3A_1102, %mul3A_1103 : vector<16xf32>
        %swap3A_1105 = arith.index_cast %add3A_1065 : i32 to index
        %swap3A_1106 = arith.constant 48 : index
        %swap3A_1107 = tpu.vector_load %arg10[%swap3A_1105, %swap3A_1106] {strides = array<i32>} : memref<128x128xf32, #tpu.memory_space<vmem>>, vector<1x16xf32>,
        %swap3A_1108 = vector.shape_cast %swap3A_1107 : vector<1x16xf32> to vector<16xf32>
        %swap3A_1109 = vector.shape_cast %mul3A_1104 : vector<16xf32> to vector<1x16xf32>
        tpu.vector_store %arg10[%swap3A_1105, %swap3A_1106], %swap3A_1109 {strides = array<i32>} : memref<128x128xf32, #tpu.memory_space<vmem>>, vector<1x16xf32>,
        %get3A_1110 = arith.index_cast %add3A_1065 : i32 to index
        %get3A_1111 = arith.constant 64 : index
        %get3A_1112 = tpu.vector_load %arg10[%get3A_1110, %get3A_1111] {strides = array<i32>} : memref<128x128xf32, #tpu.memory_space<vmem>>, vector<1x16xf32>,
        %get3A_1113 = vector.shape_cast %get3A_1112 : vector<1x16xf32> to vector<16xf32>
        %mul3A_1114 = vector.broadcast %squeeze3A_1061 : f32 to vector<16xf32>
        %mul3A_1115 = arith.mulf %get3A_1113, %mul3A_1114 : vector<16xf32>
        %swap3A_1116 = arith.index_cast %add3A_1065 : i32 to index
        %swap3A_1117 = arith.constant 64 : index
        %swap3A_1118 = tpu.vector_load %arg10[%swap3A_1116, %swap3A_1117] {strides = array<i32>} : memref<128x128xf32, #tpu.memory_space<vmem>>, vector<1x16xf32>,
        %swap3A_1119 = vector.shape_cast %swap3A_1118 : vector<1x16xf32> to vector<16xf32>
        %swap3A_1120 = vector.shape_cast %mul3A_1115 : vector<16xf32> to vector<1x16xf32>
        tpu.vector_store %arg10[%swap3A_1116, %swap3A_1117], %swap3A_1120 {strides = array<i32>} : memref<128x128xf32, #tpu.memory_space<vmem>>, vector<1x16xf32>,
        %get3A_1121 = arith.index_cast %add3A_1065 : i32 to index
        %get3A_1122 = arith.constant 80 : index
        %get3A_1123 = tpu.vector_load %arg10[%get3A_1121, %get3A_1122] {strides = array<i32>} : memref<128x128xf32, #tpu.memory_space<vmem>>, vector<1x16xf32>,
        %get3A_1124 = vector.shape_cast %get3A_1123 : vector<1x16xf32> to vector<16xf32>
        %mul3A_1125 = vector.broadcast %squeeze3A_1061 : f32 to vector<16xf32>
        %mul3A_1126 = arith.mulf %get3A_1124, %mul3A_1125 : vector<16xf32>
        %swap3A_1127 = arith.index_cast %add3A_1065 : i32 to index
        %swap3A_1128 = arith.constant 80 : index
        %swap3A_1129 = tpu.vector_load %arg10[%swap3A_1127, %swap3A_1128] {strides = array<i32>} : memref<128x128xf32, #tpu.memory_space<vmem>>, vector<1x16xf32>,
        %swap3A_1130 = vector.shape_cast %swap3A_1129 : vector<1x16xf32> to vector<16xf32>
        %swap3A_1131 = vector.shape_cast %mul3A_1126 : vector<16xf32> to vector<1x16xf32>
        tpu.vector_store %arg10[%swap3A_1127, %swap3A_1128], %swap3A_1131 {strides = array<i32>} : memref<128x128xf32, #tpu.memory_space<vmem>>, vector<1x16xf32>,
        %get3A_1132 = arith.index_cast %add3A_1065 : i32 to index
        %get3A_1133 = arith.constant 96 : index
        %get3A_1134 = tpu.vector_load %arg10[%get3A_1132, %get3A_1133] {strides = array<i32>} : memref<128x128xf32, #tpu.memory_space<vmem>>, vector<1x16xf32>,
        %get3A_1135 = vector.shape_cast %get3A_1134 : vector<1x16xf32> to vector<16xf32>
        %mul3A_1136 = vector.broadcast %squeeze3A_1061 : f32 to vector<16xf32>
        %mul3A_1137 = arith.mulf %get3A_1135, %mul3A_1136 : vector<16xf32>
        %swap3A_1138 = arith.index_cast %add3A_1065 : i32 to index
        %swap3A_1139 = arith.constant 96 : index
        %swap3A_1140 = tpu.vector_load %arg10[%swap3A_1138, %swap3A_1139] {strides = array<i32>} : memref<128x128xf32, #tpu.memory_space<vmem>>, vector<1x16xf32>,
        %swap3A_1141 = vector.shape_cast %swap3A_1140 : vector<1x16xf32> to vector<16xf32>
        %swap3A_1142 = vector.shape_cast %mul3A_1137 : vector<16xf32> to vector<1x16xf32>
        tpu.vector_store %arg10[%swap3A_1138, %swap3A_1139], %swap3A_1142 {strides = array<i32>} : memref<128x128xf32, #tpu.memory_space<vmem>>, vector<1x16xf32>,
        %get3A_1143 = arith.index_cast %add3A_1065 : i32 to index
        %get3A_1144 = arith.constant 112 : index
        %get3A_1145 = tpu.vector_load %arg10[%get3A_1143, %get3A_1144] {strides = array<i32>} : memref<128x128xf32, #tpu.memory_space<vmem>>, vector<1x16xf32>,
        %get3A_1146 = vector.shape_cast %get3A_1145 : vector<1x16xf32> to vector<16xf32>
        %mul3A_1147 = vector.broadcast %squeeze3A_1061 : f32 to vector<16xf32>
        %mul3A_1148 = arith.mulf %get3A_1146, %mul3A_1147 : vector<16xf32>
        %swap3A_1149 = arith.index_cast %add3A_1065 : i32 to index
        %swap3A_1150 = arith.constant 112 : index
        %swap3A_1151 = tpu.vector_load %arg10[%swap3A_1149, %swap3A_1150] {strides = array<i32>} : memref<128x128xf32, #tpu.memory_space<vmem>>, vector<1x16xf32>,
        %swap3A_1152 = vector.shape_cast %swap3A_1151 : vector<1x16xf32> to vector<16xf32>
        %swap3A_1153 = vector.shape_cast %mul3A_1148 : vector<16xf32> to vector<1x16xf32>
        tpu.vector_store %arg10[%swap3A_1149, %swap3A_1150], %swap3A_1153 {strides = array<i32>} : memref<128x128xf32, #tpu.memory_space<vmem>>, vector<1x16xf32>,
        %slice3A_1154 = vector.extract_strided_slice %min3A_122 {offsets = [11], sizes = [1], strides = [1]} : vector<16xf32> to vector<1xf32>
        %squeeze3A_1155 = vector.extract %slice3A_1154[0] : f32 from vector<1xf32>
        %mul3A_1156 = arith.constant 16 : i32
        %mul3A_1157 = arith.muli %scan3A_111, %mul3A_1156 : i32
        %add3A_1158 = arith.constant 11 : i32
        %add3A_1159 = arith.addi %mul3A_1157, %add3A_1158 : i32
        %get3A_1160 = arith.index_cast %add3A_1159 : i32 to index
        %get3A_1161 = arith.constant 0 : index
        %get3A_1162 = tpu.vector_load %arg10[%get3A_1160, %get3A_1161] {strides = array<i32>} : memref<128x128xf32, #tpu.memory_space<vmem>>, vector<1x16xf32>,
        %get3A_1163 = vector.shape_cast %get3A_1162 : vector<1x16xf32> to vector<16xf32>
        %mul3A_1164 = vector.broadcast %squeeze3A_1155 : f32 to vector<16xf32>
        %mul3A_1165 = arith.mulf %get3A_1163, %mul3A_1164 : vector<16xf32>
        %swap3A_1166 = arith.index_cast %add3A_1159 : i32 to index
        %swap3A_1167 = arith.constant 0 : index
        %swap3A_1168 = tpu.vector_load %arg10[%swap3A_1166, %swap3A_1167] {strides = array<i32>} : memref<128x128xf32, #tpu.memory_space<vmem>>, vector<1x16xf32>,
        %swap3A_1169 = vector.shape_cast %swap3A_1168 : vector<1x16xf32> to vector<16xf32>
        %swap3A_1170 = vector.shape_cast %mul3A_1165 : vector<16xf32> to vector<1x16xf32>
        tpu.vector_store %arg10[%swap3A_1166, %swap3A_1167], %swap3A_1170 {strides = array<i32>} : memref<128x128xf32, #tpu.memory_space<vmem>>, vector<1x16xf32>,
        %get3A_1171 = arith.index_cast %add3A_1159 : i32 to index
        %get3A_1172 = arith.constant 16 : index
        %get3A_1173 = tpu.vector_load %arg10[%get3A_1171, %get3A_1172] {strides = array<i32>} : memref<128x128xf32, #tpu.memory_space<vmem>>, vector<1x16xf32>,
        %get3A_1174 = vector.shape_cast %get3A_1173 : vector<1x16xf32> to vector<16xf32>
        %mul3A_1175 = vector.broadcast %squeeze3A_1155 : f32 to vector<16xf32>
        %mul3A_1176 = arith.mulf %get3A_1174, %mul3A_1175 : vector<16xf32>
        %swap3A_1177 = arith.index_cast %add3A_1159 : i32 to index
        %swap3A_1178 = arith.constant 16 : index
        %swap3A_1179 = tpu.vector_load %arg10[%swap3A_1177, %swap3A_1178] {strides = array<i32>} : memref<128x128xf32, #tpu.memory_space<vmem>>, vector<1x16xf32>,
        %swap3A_1180 = vector.shape_cast %swap3A_1179 : vector<1x16xf32> to vector<16xf32>
        %swap3A_1181 = vector.shape_cast %mul3A_1176 : vector<16xf32> to vector<1x16xf32>
        tpu.vector_store %arg10[%swap3A_1177, %swap3A_1178], %swap3A_1181 {strides = array<i32>} : memref<128x128xf32, #tpu.memory_space<vmem>>, vector<1x16xf32>,
        %get3A_1182 = arith.index_cast %add3A_1159 : i32 to index
        %get3A_1183 = arith.constant 32 : index
        %get3A_1184 = tpu.vector_load %arg10[%get3A_1182, %get3A_1183] {strides = array<i32>} : memref<128x128xf32, #tpu.memory_space<vmem>>, vector<1x16xf32>,
        %get3A_1185 = vector.shape_cast %get3A_1184 : vector<1x16xf32> to vector<16xf32>
        %mul3A_1186 = vector.broadcast %squeeze3A_1155 : f32 to vector<16xf32>
        %mul3A_1187 = arith.mulf %get3A_1185, %mul3A_1186 : vector<16xf32>
        %swap3A_1188 = arith.index_cast %add3A_1159 : i32 to index
        %swap3A_1189 = arith.constant 32 : index
        %swap3A_1190 = tpu.vector_load %arg10[%swap3A_1188, %swap3A_1189] {strides = array<i32>} : memref<128x128xf32, #tpu.memory_space<vmem>>, vector<1x16xf32>,
        %swap3A_1191 = vector.shape_cast %swap3A_1190 : vector<1x16xf32> to vector<16xf32>
        %swap3A_1192 = vector.shape_cast %mul3A_1187 : vector<16xf32> to vector<1x16xf32>
        tpu.vector_store %arg10[%swap3A_1188, %swap3A_1189], %swap3A_1192 {strides = array<i32>} : memref<128x128xf32, #tpu.memory_space<vmem>>, vector<1x16xf32>,
        %get3A_1193 = arith.index_cast %add3A_1159 : i32 to index
        %get3A_1194 = arith.constant 48 : index
        %get3A_1195 = tpu.vector_load %arg10[%get3A_1193, %get3A_1194] {strides = array<i32>} : memref<128x128xf32, #tpu.memory_space<vmem>>, vector<1x16xf32>,
        %get3A_1196 = vector.shape_cast %get3A_1195 : vector<1x16xf32> to vector<16xf32>
        %mul3A_1197 = vector.broadcast %squeeze3A_1155 : f32 to vector<16xf32>
        %mul3A_1198 = arith.mulf %get3A_1196, %mul3A_1197 : vector<16xf32>
        %swap3A_1199 = arith.index_cast %add3A_1159 : i32 to index
        %swap3A_1200 = arith.constant 48 : index
        %swap3A_1201 = tpu.vector_load %arg10[%swap3A_1199, %swap3A_1200] {strides = array<i32>} : memref<128x128xf32, #tpu.memory_space<vmem>>, vector<1x16xf32>,
        %swap3A_1202 = vector.shape_cast %swap3A_1201 : vector<1x16xf32> to vector<16xf32>
        %swap3A_1203 = vector.shape_cast %mul3A_1198 : vector<16xf32> to vector<1x16xf32>
        tpu.vector_store %arg10[%swap3A_1199, %swap3A_1200], %swap3A_1203 {strides = array<i32>} : memref<128x128xf32, #tpu.memory_space<vmem>>, vector<1x16xf32>,
        %get3A_1204 = arith.index_cast %add3A_1159 : i32 to index
        %get3A_1205 = arith.constant 64 : index
        %get3A_1206 = tpu.vector_load %arg10[%get3A_1204, %get3A_1205] {strides = array<i32>} : memref<128x128xf32, #tpu.memory_space<vmem>>, vector<1x16xf32>,
        %get3A_1207 = vector.shape_cast %get3A_1206 : vector<1x16xf32> to vector<16xf32>
        %mul3A_1208 = vector.broadcast %squeeze3A_1155 : f32 to vector<16xf32>
        %mul3A_1209 = arith.mulf %get3A_1207, %mul3A_1208 : vector<16xf32>
        %swap3A_1210 = arith.index_cast %add3A_1159 : i32 to index
        %swap3A_1211 = arith.constant 64 : index
        %swap3A_1212 = tpu.vector_load %arg10[%swap3A_1210, %swap3A_1211] {strides = array<i32>} : memref<128x128xf32, #tpu.memory_space<vmem>>, vector<1x16xf32>,
        %swap3A_1213 = vector.shape_cast %swap3A_1212 : vector<1x16xf32> to vector<16xf32>
        %swap3A_1214 = vector.shape_cast %mul3A_1209 : vector<16xf32> to vector<1x16xf32>
        tpu.vector_store %arg10[%swap3A_1210, %swap3A_1211], %swap3A_1214 {strides = array<i32>} : memref<128x128xf32, #tpu.memory_space<vmem>>, vector<1x16xf32>,
        %get3A_1215 = arith.index_cast %add3A_1159 : i32 to index
        %get3A_1216 = arith.constant 80 : index
        %get3A_1217 = tpu.vector_load %arg10[%get3A_1215, %get3A_1216] {strides = array<i32>} : memref<128x128xf32, #tpu.memory_space<vmem>>, vector<1x16xf32>,
        %get3A_1218 = vector.shape_cast %get3A_1217 : vector<1x16xf32> to vector<16xf32>
        %mul3A_1219 = vector.broadcast %squeeze3A_1155 : f32 to vector<16xf32>
        %mul3A_1220 = arith.mulf %get3A_1218, %mul3A_1219 : vector<16xf32>
        %swap3A_1221 = arith.index_cast %add3A_1159 : i32 to index
        %swap3A_1222 = arith.constant 80 : index
        %swap3A_1223 = tpu.vector_load %arg10[%swap3A_1221, %swap3A_1222] {strides = array<i32>} : memref<128x128xf32, #tpu.memory_space<vmem>>, vector<1x16xf32>,
        %swap3A_1224 = vector.shape_cast %swap3A_1223 : vector<1x16xf32> to vector<16xf32>
        %swap3A_1225 = vector.shape_cast %mul3A_1220 : vector<16xf32> to vector<1x16xf32>
        tpu.vector_store %arg10[%swap3A_1221, %swap3A_1222], %swap3A_1225 {strides = array<i32>} : memref<128x128xf32, #tpu.memory_space<vmem>>, vector<1x16xf32>,
        %get3A_1226 = arith.index_cast %add3A_1159 : i32 to index
        %get3A_1227 = arith.constant 96 : index
        %get3A_1228 = tpu.vector_load %arg10[%get3A_1226, %get3A_1227] {strides = array<i32>} : memref<128x128xf32, #tpu.memory_space<vmem>>, vector<1x16xf32>,
        %get3A_1229 = vector.shape_cast %get3A_1228 : vector<1x16xf32> to vector<16xf32>
        %mul3A_1230 = vector.broadcast %squeeze3A_1155 : f32 to vector<16xf32>
        %mul3A_1231 = arith.mulf %get3A_1229, %mul3A_1230 : vector<16xf32>
        %swap3A_1232 = arith.index_cast %add3A_1159 : i32 to index
        %swap3A_1233 = arith.constant 96 : index
        %swap3A_1234 = tpu.vector_load %arg10[%swap3A_1232, %swap3A_1233] {strides = array<i32>} : memref<128x128xf32, #tpu.memory_space<vmem>>, vector<1x16xf32>,
        %swap3A_1235 = vector.shape_cast %swap3A_1234 : vector<1x16xf32> to vector<16xf32>
        %swap3A_1236 = vector.shape_cast %mul3A_1231 : vector<16xf32> to vector<1x16xf32>
        tpu.vector_store %arg10[%swap3A_1232, %swap3A_1233], %swap3A_1236 {strides = array<i32>} : memref<128x128xf32, #tpu.memory_space<vmem>>, vector<1x16xf32>,
        %get3A_1237 = arith.index_cast %add3A_1159 : i32 to index
        %get3A_1238 = arith.constant 112 : index
        %get3A_1239 = tpu.vector_load %arg10[%get3A_1237, %get3A_1238] {strides = array<i32>} : memref<128x128xf32, #tpu.memory_space<vmem>>, vector<1x16xf32>,
        %get3A_1240 = vector.shape_cast %get3A_1239 : vector<1x16xf32> to vector<16xf32>
        %mul3A_1241 = vector.broadcast %squeeze3A_1155 : f32 to vector<16xf32>
        %mul3A_1242 = arith.mulf %get3A_1240, %mul3A_1241 : vector<16xf32>
        %swap3A_1243 = arith.index_cast %add3A_1159 : i32 to index
        %swap3A_1244 = arith.constant 112 : index
        %swap3A_1245 = tpu.vector_load %arg10[%swap3A_1243, %swap3A_1244] {strides = array<i32>} : memref<128x128xf32, #tpu.memory_space<vmem>>, vector<1x16xf32>,
        %swap3A_1246 = vector.shape_cast %swap3A_1245 : vector<1x16xf32> to vector<16xf32>
        %swap3A_1247 = vector.shape_cast %mul3A_1242 : vector<16xf32> to vector<1x16xf32>
        tpu.vector_store %arg10[%swap3A_1243, %swap3A_1244], %swap3A_1247 {strides = array<i32>} : memref<128x128xf32, #tpu.memory_space<vmem>>, vector<1x16xf32>,
        %slice3A_1248 = vector.extract_strided_slice %min3A_122 {offsets = [12], sizes = [1], strides = [1]} : vector<16xf32> to vector<1xf32>
        %squeeze3A_1249 = vector.extract %slice3A_1248[0] : f32 from vector<1xf32>
        %mul3A_1250 = arith.constant 16 : i32
        %mul3A_1251 = arith.muli %scan3A_111, %mul3A_1250 : i32
        %add3A_1252 = arith.constant 12 : i32
        %add3A_1253 = arith.addi %mul3A_1251, %add3A_1252 : i32
        %get3A_1254 = arith.index_cast %add3A_1253 : i32 to index
        %get3A_1255 = arith.constant 0 : index
        %get3A_1256 = tpu.vector_load %arg10[%get3A_1254, %get3A_1255] {strides = array<i32>} : memref<128x128xf32, #tpu.memory_space<vmem>>, vector<1x16xf32>,
        %get3A_1257 = vector.shape_cast %get3A_1256 : vector<1x16xf32> to vector<16xf32>
        %mul3A_1258 = vector.broadcast %squeeze3A_1249 : f32 to vector<16xf32>
        %mul3A_1259 = arith.mulf %get3A_1257, %mul3A_1258 : vector<16xf32>
        %swap3A_1260 = arith.index_cast %add3A_1253 : i32 to index
        %swap3A_1261 = arith.constant 0 : index
        %swap3A_1262 = tpu.vector_load %arg10[%swap3A_1260, %swap3A_1261] {strides = array<i32>} : memref<128x128xf32, #tpu.memory_space<vmem>>, vector<1x16xf32>,
        %swap3A_1263 = vector.shape_cast %swap3A_1262 : vector<1x16xf32> to vector<16xf32>
        %swap3A_1264 = vector.shape_cast %mul3A_1259 : vector<16xf32> to vector<1x16xf32>
        tpu.vector_store %arg10[%swap3A_1260, %swap3A_1261], %swap3A_1264 {strides = array<i32>} : memref<128x128xf32, #tpu.memory_space<vmem>>, vector<1x16xf32>,
        %get3A_1265 = arith.index_cast %add3A_1253 : i32 to index
        %get3A_1266 = arith.constant 16 : index
        %get3A_1267 = tpu.vector_load %arg10[%get3A_1265, %get3A_1266] {strides = array<i32>} : memref<128x128xf32, #tpu.memory_space<vmem>>, vector<1x16xf32>,
        %get3A_1268 = vector.shape_cast %get3A_1267 : vector<1x16xf32> to vector<16xf32>
        %mul3A_1269 = vector.broadcast %squeeze3A_1249 : f32 to vector<16xf32>
        %mul3A_1270 = arith.mulf %get3A_1268, %mul3A_1269 : vector<16xf32>
        %swap3A_1271 = arith.index_cast %add3A_1253 : i32 to index
        %swap3A_1272 = arith.constant 16 : index
        %swap3A_1273 = tpu.vector_load %arg10[%swap3A_1271, %swap3A_1272] {strides = array<i32>} : memref<128x128xf32, #tpu.memory_space<vmem>>, vector<1x16xf32>,
        %swap3A_1274 = vector.shape_cast %swap3A_1273 : vector<1x16xf32> to vector<16xf32>
        %swap3A_1275 = vector.shape_cast %mul3A_1270 : vector<16xf32> to vector<1x16xf32>
        tpu.vector_store %arg10[%swap3A_1271, %swap3A_1272], %swap3A_1275 {strides = array<i32>} : memref<128x128xf32, #tpu.memory_space<vmem>>, vector<1x16xf32>,
        %get3A_1276 = arith.index_cast %add3A_1253 : i32 to index
        %get3A_1277 = arith.constant 32 : index
        %get3A_1278 = tpu.vector_load %arg10[%get3A_1276, %get3A_1277] {strides = array<i32>} : memref<128x128xf32, #tpu.memory_space<vmem>>, vector<1x16xf32>,
        %get3A_1279 = vector.shape_cast %get3A_1278 : vector<1x16xf32> to vector<16xf32>
        %mul3A_1280 = vector.broadcast %squeeze3A_1249 : f32 to vector<16xf32>
        %mul3A_1281 = arith.mulf %get3A_1279, %mul3A_1280 : vector<16xf32>
        %swap3A_1282 = arith.index_cast %add3A_1253 : i32 to index
        %swap3A_1283 = arith.constant 32 : index
        %swap3A_1284 = tpu.vector_load %arg10[%swap3A_1282, %swap3A_1283] {strides = array<i32>} : memref<128x128xf32, #tpu.memory_space<vmem>>, vector<1x16xf32>,
        %swap3A_1285 = vector.shape_cast %swap3A_1284 : vector<1x16xf32> to vector<16xf32>
        %swap3A_1286 = vector.shape_cast %mul3A_1281 : vector<16xf32> to vector<1x16xf32>
        tpu.vector_store %arg10[%swap3A_1282, %swap3A_1283], %swap3A_1286 {strides = array<i32>} : memref<128x128xf32, #tpu.memory_space<vmem>>, vector<1x16xf32>,
        %get3A_1287 = arith.index_cast %add3A_1253 : i32 to index
        %get3A_1288 = arith.constant 48 : index
        %get3A_1289 = tpu.vector_load %arg10[%get3A_1287, %get3A_1288] {strides = array<i32>} : memref<128x128xf32, #tpu.memory_space<vmem>>, vector<1x16xf32>,
        %get3A_1290 = vector.shape_cast %get3A_1289 : vector<1x16xf32> to vector<16xf32>
        %mul3A_1291 = vector.broadcast %squeeze3A_1249 : f32 to vector<16xf32>
        %mul3A_1292 = arith.mulf %get3A_1290, %mul3A_1291 : vector<16xf32>
        %swap3A_1293 = arith.index_cast %add3A_1253 : i32 to index
        %swap3A_1294 = arith.constant 48 : index
        %swap3A_1295 = tpu.vector_load %arg10[%swap3A_1293, %swap3A_1294] {strides = array<i32>} : memref<128x128xf32, #tpu.memory_space<vmem>>, vector<1x16xf32>,
        %swap3A_1296 = vector.shape_cast %swap3A_1295 : vector<1x16xf32> to vector<16xf32>
        %swap3A_1297 = vector.shape_cast %mul3A_1292 : vector<16xf32> to vector<1x16xf32>
        tpu.vector_store %arg10[%swap3A_1293, %swap3A_1294], %swap3A_1297 {strides = array<i32>} : memref<128x128xf32, #tpu.memory_space<vmem>>, vector<1x16xf32>,
        %get3A_1298 = arith.index_cast %add3A_1253 : i32 to index
        %get3A_1299 = arith.constant 64 : index
        %get3A_1300 = tpu.vector_load %arg10[%get3A_1298, %get3A_1299] {strides = array<i32>} : memref<128x128xf32, #tpu.memory_space<vmem>>, vector<1x16xf32>,
        %get3A_1301 = vector.shape_cast %get3A_1300 : vector<1x16xf32> to vector<16xf32>
        %mul3A_1302 = vector.broadcast %squeeze3A_1249 : f32 to vector<16xf32>
        %mul3A_1303 = arith.mulf %get3A_1301, %mul3A_1302 : vector<16xf32>
        %swap3A_1304 = arith.index_cast %add3A_1253 : i32 to index
        %swap3A_1305 = arith.constant 64 : index
        %swap3A_1306 = tpu.vector_load %arg10[%swap3A_1304, %swap3A_1305] {strides = array<i32>} : memref<128x128xf32, #tpu.memory_space<vmem>>, vector<1x16xf32>,
        %swap3A_1307 = vector.shape_cast %swap3A_1306 : vector<1x16xf32> to vector<16xf32>
        %swap3A_1308 = vector.shape_cast %mul3A_1303 : vector<16xf32> to vector<1x16xf32>
        tpu.vector_store %arg10[%swap3A_1304, %swap3A_1305], %swap3A_1308 {strides = array<i32>} : memref<128x128xf32, #tpu.memory_space<vmem>>, vector<1x16xf32>,
        %get3A_1309 = arith.index_cast %add3A_1253 : i32 to index
        %get3A_1310 = arith.constant 80 : index
        %get3A_1311 = tpu.vector_load %arg10[%get3A_1309, %get3A_1310] {strides = array<i32>} : memref<128x128xf32, #tpu.memory_space<vmem>>, vector<1x16xf32>,
        %get3A_1312 = vector.shape_cast %get3A_1311 : vector<1x16xf32> to vector<16xf32>
        %mul3A_1313 = vector.broadcast %squeeze3A_1249 : f32 to vector<16xf32>
        %mul3A_1314 = arith.mulf %get3A_1312, %mul3A_1313 : vector<16xf32>
        %swap3A_1315 = arith.index_cast %add3A_1253 : i32 to index
        %swap3A_1316 = arith.constant 80 : index
        %swap3A_1317 = tpu.vector_load %arg10[%swap3A_1315, %swap3A_1316] {strides = array<i32>} : memref<128x128xf32, #tpu.memory_space<vmem>>, vector<1x16xf32>,
        %swap3A_1318 = vector.shape_cast %swap3A_1317 : vector<1x16xf32> to vector<16xf32>
        %swap3A_1319 = vector.shape_cast %mul3A_1314 : vector<16xf32> to vector<1x16xf32>
        tpu.vector_store %arg10[%swap3A_1315, %swap3A_1316], %swap3A_1319 {strides = array<i32>} : memref<128x128xf32, #tpu.memory_space<vmem>>, vector<1x16xf32>,
        %get3A_1320 = arith.index_cast %add3A_1253 : i32 to index
        %get3A_1321 = arith.constant 96 : index
        %get3A_1322 = tpu.vector_load %arg10[%get3A_1320, %get3A_1321] {strides = array<i32>} : memref<128x128xf32, #tpu.memory_space<vmem>>, vector<1x16xf32>,
        %get3A_1323 = vector.shape_cast %get3A_1322 : vector<1x16xf32> to vector<16xf32>
        %mul3A_1324 = vector.broadcast %squeeze3A_1249 : f32 to vector<16xf32>
        %mul3A_1325 = arith.mulf %get3A_1323, %mul3A_1324 : vector<16xf32>
        %swap3A_1326 = arith.index_cast %add3A_1253 : i32 to index
        %swap3A_1327 = arith.constant 96 : index
        %swap3A_1328 = tpu.vector_load %arg10[%swap3A_1326, %swap3A_1327] {strides = array<i32>} : memref<128x128xf32, #tpu.memory_space<vmem>>, vector<1x16xf32>,
        %swap3A_1329 = vector.shape_cast %swap3A_1328 : vector<1x16xf32> to vector<16xf32>
        %swap3A_1330 = vector.shape_cast %mul3A_1325 : vector<16xf32> to vector<1x16xf32>
        tpu.vector_store %arg10[%swap3A_1326, %swap3A_1327], %swap3A_1330 {strides = array<i32>} : memref<128x128xf32, #tpu.memory_space<vmem>>, vector<1x16xf32>,
        %get3A_1331 = arith.index_cast %add3A_1253 : i32 to index
        %get3A_1332 = arith.constant 112 : index
        %get3A_1333 = tpu.vector_load %arg10[%get3A_1331, %get3A_1332] {strides = array<i32>} : memref<128x128xf32, #tpu.memory_space<vmem>>, vector<1x16xf32>,
        %get3A_1334 = vector.shape_cast %get3A_1333 : vector<1x16xf32> to vector<16xf32>
        %mul3A_1335 = vector.broadcast %squeeze3A_1249 : f32 to vector<16xf32>
        %mul3A_1336 = arith.mulf %get3A_1334, %mul3A_1335 : vector<16xf32>
        %swap3A_1337 = arith.index_cast %add3A_1253 : i32 to index
        %swap3A_1338 = arith.constant 112 : index
        %swap3A_1339 = tpu.vector_load %arg10[%swap3A_1337, %swap3A_1338] {strides = array<i32>} : memref<128x128xf32, #tpu.memory_space<vmem>>, vector<1x16xf32>,
        %swap3A_1340 = vector.shape_cast %swap3A_1339 : vector<1x16xf32> to vector<16xf32>
        %swap3A_1341 = vector.shape_cast %mul3A_1336 : vector<16xf32> to vector<1x16xf32>
        tpu.vector_store %arg10[%swap3A_1337, %swap3A_1338], %swap3A_1341 {strides = array<i32>} : memref<128x128xf32, #tpu.memory_space<vmem>>, vector<1x16xf32>,
        %slice3A_1342 = vector.extract_strided_slice %min3A_122 {offsets = [13], sizes = [1], strides = [1]} : vector<16xf32> to vector<1xf32>
        %squeeze3A_1343 = vector.extract %slice3A_1342[0] : f32 from vector<1xf32>
        %mul3A_1344 = arith.constant 16 : i32
        %mul3A_1345 = arith.muli %scan3A_111, %mul3A_1344 : i32
        %add3A_1346 = arith.constant 13 : i32
        %add3A_1347 = arith.addi %mul3A_1345, %add3A_1346 : i32
        %get3A_1348 = arith.index_cast %add3A_1347 : i32 to index
        %get3A_1349 = arith.constant 0 : index
        %get3A_1350 = tpu.vector_load %arg10[%get3A_1348, %get3A_1349] {strides = array<i32>} : memref<128x128xf32, #tpu.memory_space<vmem>>, vector<1x16xf32>,
        %get3A_1351 = vector.shape_cast %get3A_1350 : vector<1x16xf32> to vector<16xf32>
        %mul3A_1352 = vector.broadcast %squeeze3A_1343 : f32 to vector<16xf32>
        %mul3A_1353 = arith.mulf %get3A_1351, %mul3A_1352 : vector<16xf32>
        %swap3A_1354 = arith.index_cast %add3A_1347 : i32 to index
        %swap3A_1355 = arith.constant 0 : index
        %swap3A_1356 = tpu.vector_load %arg10[%swap3A_1354, %swap3A_1355] {strides = array<i32>} : memref<128x128xf32, #tpu.memory_space<vmem>>, vector<1x16xf32>,
        %swap3A_1357 = vector.shape_cast %swap3A_1356 : vector<1x16xf32> to vector<16xf32>
        %swap3A_1358 = vector.shape_cast %mul3A_1353 : vector<16xf32> to vector<1x16xf32>
        tpu.vector_store %arg10[%swap3A_1354, %swap3A_1355], %swap3A_1358 {strides = array<i32>} : memref<128x128xf32, #tpu.memory_space<vmem>>, vector<1x16xf32>,
        %get3A_1359 = arith.index_cast %add3A_1347 : i32 to index
        %get3A_1360 = arith.constant 16 : index
        %get3A_1361 = tpu.vector_load %arg10[%get3A_1359, %get3A_1360] {strides = array<i32>} : memref<128x128xf32, #tpu.memory_space<vmem>>, vector<1x16xf32>,
        %get3A_1362 = vector.shape_cast %get3A_1361 : vector<1x16xf32> to vector<16xf32>
        %mul3A_1363 = vector.broadcast %squeeze3A_1343 : f32 to vector<16xf32>
        %mul3A_1364 = arith.mulf %get3A_1362, %mul3A_1363 : vector<16xf32>
        %swap3A_1365 = arith.index_cast %add3A_1347 : i32 to index
        %swap3A_1366 = arith.constant 16 : index
        %swap3A_1367 = tpu.vector_load %arg10[%swap3A_1365, %swap3A_1366] {strides = array<i32>} : memref<128x128xf32, #tpu.memory_space<vmem>>, vector<1x16xf32>,
        %swap3A_1368 = vector.shape_cast %swap3A_1367 : vector<1x16xf32> to vector<16xf32>
        %swap3A_1369 = vector.shape_cast %mul3A_1364 : vector<16xf32> to vector<1x16xf32>
        tpu.vector_store %arg10[%swap3A_1365, %swap3A_1366], %swap3A_1369 {strides = array<i32>} : memref<128x128xf32, #tpu.memory_space<vmem>>, vector<1x16xf32>,
        %get3A_1370 = arith.index_cast %add3A_1347 : i32 to index
        %get3A_1371 = arith.constant 32 : index
        %get3A_1372 = tpu.vector_load %arg10[%get3A_1370, %get3A_1371] {strides = array<i32>} : memref<128x128xf32, #tpu.memory_space<vmem>>, vector<1x16xf32>,
        %get3A_1373 = vector.shape_cast %get3A_1372 : vector<1x16xf32> to vector<16xf32>
        %mul3A_1374 = vector.broadcast %squeeze3A_1343 : f32 to vector<16xf32>
        %mul3A_1375 = arith.mulf %get3A_1373, %mul3A_1374 : vector<16xf32>
        %swap3A_1376 = arith.index_cast %add3A_1347 : i32 to index
        %swap3A_1377 = arith.constant 32 : index
        %swap3A_1378 = tpu.vector_load %arg10[%swap3A_1376, %swap3A_1377] {strides = array<i32>} : memref<128x128xf32, #tpu.memory_space<vmem>>, vector<1x16xf32>,
        %swap3A_1379 = vector.shape_cast %swap3A_1378 : vector<1x16xf32> to vector<16xf32>
        %swap3A_1380 = vector.shape_cast %mul3A_1375 : vector<16xf32> to vector<1x16xf32>
        tpu.vector_store %arg10[%swap3A_1376, %swap3A_1377], %swap3A_1380 {strides = array<i32>} : memref<128x128xf32, #tpu.memory_space<vmem>>, vector<1x16xf32>,
        %get3A_1381 = arith.index_cast %add3A_1347 : i32 to index
        %get3A_1382 = arith.constant 48 : index
        %get3A_1383 = tpu.vector_load %arg10[%get3A_1381, %get3A_1382] {strides = array<i32>} : memref<128x128xf32, #tpu.memory_space<vmem>>, vector<1x16xf32>,
        %get3A_1384 = vector.shape_cast %get3A_1383 : vector<1x16xf32> to vector<16xf32>
        %mul3A_1385 = vector.broadcast %squeeze3A_1343 : f32 to vector<16xf32>
        %mul3A_1386 = arith.mulf %get3A_1384, %mul3A_1385 : vector<16xf32>
        %swap3A_1387 = arith.index_cast %add3A_1347 : i32 to index
        %swap3A_1388 = arith.constant 48 : index
        %swap3A_1389 = tpu.vector_load %arg10[%swap3A_1387, %swap3A_1388] {strides = array<i32>} : memref<128x128xf32, #tpu.memory_space<vmem>>, vector<1x16xf32>,
        %swap3A_1390 = vector.shape_cast %swap3A_1389 : vector<1x16xf32> to vector<16xf32>
        %swap3A_1391 = vector.shape_cast %mul3A_1386 : vector<16xf32> to vector<1x16xf32>
        tpu.vector_store %arg10[%swap3A_1387, %swap3A_1388], %swap3A_1391 {strides = array<i32>} : memref<128x128xf32, #tpu.memory_space<vmem>>, vector<1x16xf32>,
        %get3A_1392 = arith.index_cast %add3A_1347 : i32 to index
        %get3A_1393 = arith.constant 64 : index
        %get3A_1394 = tpu.vector_load %arg10[%get3A_1392, %get3A_1393] {strides = array<i32>} : memref<128x128xf32, #tpu.memory_space<vmem>>, vector<1x16xf32>,
        %get3A_1395 = vector.shape_cast %get3A_1394 : vector<1x16xf32> to vector<16xf32>
        %mul3A_1396 = vector.broadcast %squeeze3A_1343 : f32 to vector<16xf32>
        %mul3A_1397 = arith.mulf %get3A_1395, %mul3A_1396 : vector<16xf32>
        %swap3A_1398 = arith.index_cast %add3A_1347 : i32 to index
        %swap3A_1399 = arith.constant 64 : index
        %swap3A_1400 = tpu.vector_load %arg10[%swap3A_1398, %swap3A_1399] {strides = array<i32>} : memref<128x128xf32, #tpu.memory_space<vmem>>, vector<1x16xf32>,
        %swap3A_1401 = vector.shape_cast %swap3A_1400 : vector<1x16xf32> to vector<16xf32>
        %swap3A_1402 = vector.shape_cast %mul3A_1397 : vector<16xf32> to vector<1x16xf32>
        tpu.vector_store %arg10[%swap3A_1398, %swap3A_1399], %swap3A_1402 {strides = array<i32>} : memref<128x128xf32, #tpu.memory_space<vmem>>, vector<1x16xf32>,
        %get3A_1403 = arith.index_cast %add3A_1347 : i32 to index
        %get3A_1404 = arith.constant 80 : index
        %get3A_1405 = tpu.vector_load %arg10[%get3A_1403, %get3A_1404] {strides = array<i32>} : memref<128x128xf32, #tpu.memory_space<vmem>>, vector<1x16xf32>,
        %get3A_1406 = vector.shape_cast %get3A_1405 : vector<1x16xf32> to vector<16xf32>
        %mul3A_1407 = vector.broadcast %squeeze3A_1343 : f32 to vector<16xf32>
        %mul3A_1408 = arith.mulf %get3A_1406, %mul3A_1407 : vector<16xf32>
        %swap3A_1409 = arith.index_cast %add3A_1347 : i32 to index
        %swap3A_1410 = arith.constant 80 : index
        %swap3A_1411 = tpu.vector_load %arg10[%swap3A_1409, %swap3A_1410] {strides = array<i32>} : memref<128x128xf32, #tpu.memory_space<vmem>>, vector<1x16xf32>,
        %swap3A_1412 = vector.shape_cast %swap3A_1411 : vector<1x16xf32> to vector<16xf32>
        %swap3A_1413 = vector.shape_cast %mul3A_1408 : vector<16xf32> to vector<1x16xf32>
        tpu.vector_store %arg10[%swap3A_1409, %swap3A_1410], %swap3A_1413 {strides = array<i32>} : memref<128x128xf32, #tpu.memory_space<vmem>>, vector<1x16xf32>,
        %get3A_1414 = arith.index_cast %add3A_1347 : i32 to index
        %get3A_1415 = arith.constant 96 : index
        %get3A_1416 = tpu.vector_load %arg10[%get3A_1414, %get3A_1415] {strides = array<i32>} : memref<128x128xf32, #tpu.memory_space<vmem>>, vector<1x16xf32>,
        %get3A_1417 = vector.shape_cast %get3A_1416 : vector<1x16xf32> to vector<16xf32>
        %mul3A_1418 = vector.broadcast %squeeze3A_1343 : f32 to vector<16xf32>
        %mul3A_1419 = arith.mulf %get3A_1417, %mul3A_1418 : vector<16xf32>
        %swap3A_1420 = arith.index_cast %add3A_1347 : i32 to index
        %swap3A_1421 = arith.constant 96 : index
        %swap3A_1422 = tpu.vector_load %arg10[%swap3A_1420, %swap3A_1421] {strides = array<i32>} : memref<128x128xf32, #tpu.memory_space<vmem>>, vector<1x16xf32>,
        %swap3A_1423 = vector.shape_cast %swap3A_1422 : vector<1x16xf32> to vector<16xf32>
        %swap3A_1424 = vector.shape_cast %mul3A_1419 : vector<16xf32> to vector<1x16xf32>
        tpu.vector_store %arg10[%swap3A_1420, %swap3A_1421], %swap3A_1424 {strides = array<i32>} : memref<128x128xf32, #tpu.memory_space<vmem>>, vector<1x16xf32>,
        %get3A_1425 = arith.index_cast %add3A_1347 : i32 to index
        %get3A_1426 = arith.constant 112 : index
        %get3A_1427 = tpu.vector_load %arg10[%get3A_1425, %get3A_1426] {strides = array<i32>} : memref<128x128xf32, #tpu.memory_space<vmem>>, vector<1x16xf32>,
        %get3A_1428 = vector.shape_cast %get3A_1427 : vector<1x16xf32> to vector<16xf32>
        %mul3A_1429 = vector.broadcast %squeeze3A_1343 : f32 to vector<16xf32>
        %mul3A_1430 = arith.mulf %get3A_1428, %mul3A_1429 : vector<16xf32>
        %swap3A_1431 = arith.index_cast %add3A_1347 : i32 to index
        %swap3A_1432 = arith.constant 112 : index
        %swap3A_1433 = tpu.vector_load %arg10[%swap3A_1431, %swap3A_1432] {strides = array<i32>} : memref<128x128xf32, #tpu.memory_space<vmem>>, vector<1x16xf32>,
        %swap3A_1434 = vector.shape_cast %swap3A_1433 : vector<1x16xf32> to vector<16xf32>
        %swap3A_1435 = vector.shape_cast %mul3A_1430 : vector<16xf32> to vector<1x16xf32>
        tpu.vector_store %arg10[%swap3A_1431, %swap3A_1432], %swap3A_1435 {strides = array<i32>} : memref<128x128xf32, #tpu.memory_space<vmem>>, vector<1x16xf32>,
        %slice3A_1436 = vector.extract_strided_slice %min3A_122 {offsets = [14], sizes = [1], strides = [1]} : vector<16xf32> to vector<1xf32>
        %squeeze3A_1437 = vector.extract %slice3A_1436[0] : f32 from vector<1xf32>
        %mul3A_1438 = arith.constant 16 : i32
        %mul3A_1439 = arith.muli %scan3A_111, %mul3A_1438 : i32
        %add3A_1440 = arith.constant 14 : i32
        %add3A_1441 = arith.addi %mul3A_1439, %add3A_1440 : i32
        %get3A_1442 = arith.index_cast %add3A_1441 : i32 to index
        %get3A_1443 = arith.constant 0 : index
        %get3A_1444 = tpu.vector_load %arg10[%get3A_1442, %get3A_1443] {strides = array<i32>} : memref<128x128xf32, #tpu.memory_space<vmem>>, vector<1x16xf32>,
        %get3A_1445 = vector.shape_cast %get3A_1444 : vector<1x16xf32> to vector<16xf32>
        %mul3A_1446 = vector.broadcast %squeeze3A_1437 : f32 to vector<16xf32>
        %mul3A_1447 = arith.mulf %get3A_1445, %mul3A_1446 : vector<16xf32>
        %swap3A_1448 = arith.index_cast %add3A_1441 : i32 to index
        %swap3A_1449 = arith.constant 0 : index
        %swap3A_1450 = tpu.vector_load %arg10[%swap3A_1448, %swap3A_1449] {strides = array<i32>} : memref<128x128xf32, #tpu.memory_space<vmem>>, vector<1x16xf32>,
        %swap3A_1451 = vector.shape_cast %swap3A_1450 : vector<1x16xf32> to vector<16xf32>
        %swap3A_1452 = vector.shape_cast %mul3A_1447 : vector<16xf32> to vector<1x16xf32>
        tpu.vector_store %arg10[%swap3A_1448, %swap3A_1449], %swap3A_1452 {strides = array<i32>} : memref<128x128xf32, #tpu.memory_space<vmem>>, vector<1x16xf32>,
        %get3A_1453 = arith.index_cast %add3A_1441 : i32 to index
        %get3A_1454 = arith.constant 16 : index
        %get3A_1455 = tpu.vector_load %arg10[%get3A_1453, %get3A_1454] {strides = array<i32>} : memref<128x128xf32, #tpu.memory_space<vmem>>, vector<1x16xf32>,
        %get3A_1456 = vector.shape_cast %get3A_1455 : vector<1x16xf32> to vector<16xf32>
        %mul3A_1457 = vector.broadcast %squeeze3A_1437 : f32 to vector<16xf32>
        %mul3A_1458 = arith.mulf %get3A_1456, %mul3A_1457 : vector<16xf32>
        %swap3A_1459 = arith.index_cast %add3A_1441 : i32 to index
        %swap3A_1460 = arith.constant 16 : index
        %swap3A_1461 = tpu.vector_load %arg10[%swap3A_1459, %swap3A_1460] {strides = array<i32>} : memref<128x128xf32, #tpu.memory_space<vmem>>, vector<1x16xf32>,
        %swap3A_1462 = vector.shape_cast %swap3A_1461 : vector<1x16xf32> to vector<16xf32>
        %swap3A_1463 = vector.shape_cast %mul3A_1458 : vector<16xf32> to vector<1x16xf32>
        tpu.vector_store %arg10[%swap3A_1459, %swap3A_1460], %swap3A_1463 {strides = array<i32>} : memref<128x128xf32, #tpu.memory_space<vmem>>, vector<1x16xf32>,
        %get3A_1464 = arith.index_cast %add3A_1441 : i32 to index
        %get3A_1465 = arith.constant 32 : index
        %get3A_1466 = tpu.vector_load %arg10[%get3A_1464, %get3A_1465] {strides = array<i32>} : memref<128x128xf32, #tpu.memory_space<vmem>>, vector<1x16xf32>,
        %get3A_1467 = vector.shape_cast %get3A_1466 : vector<1x16xf32> to vector<16xf32>
        %mul3A_1468 = vector.broadcast %squeeze3A_1437 : f32 to vector<16xf32>
        %mul3A_1469 = arith.mulf %get3A_1467, %mul3A_1468 : vector<16xf32>
        %swap3A_1470 = arith.index_cast %add3A_1441 : i32 to index
        %swap3A_1471 = arith.constant 32 : index
        %swap3A_1472 = tpu.vector_load %arg10[%swap3A_1470, %swap3A_1471] {strides = array<i32>} : memref<128x128xf32, #tpu.memory_space<vmem>>, vector<1x16xf32>,
        %swap3A_1473 = vector.shape_cast %swap3A_1472 : vector<1x16xf32> to vector<16xf32>
        %swap3A_1474 = vector.shape_cast %mul3A_1469 : vector<16xf32> to vector<1x16xf32>
        tpu.vector_store %arg10[%swap3A_1470, %swap3A_1471], %swap3A_1474 {strides = array<i32>} : memref<128x128xf32, #tpu.memory_space<vmem>>, vector<1x16xf32>,
        %get3A_1475 = arith.index_cast %add3A_1441 : i32 to index
        %get3A_1476 = arith.constant 48 : index
        %get3A_1477 = tpu.vector_load %arg10[%get3A_1475, %get3A_1476] {strides = array<i32>} : memref<128x128xf32, #tpu.memory_space<vmem>>, vector<1x16xf32>,
        %get3A_1478 = vector.shape_cast %get3A_1477 : vector<1x16xf32> to vector<16xf32>
        %mul3A_1479 = vector.broadcast %squeeze3A_1437 : f32 to vector<16xf32>
        %mul3A_1480 = arith.mulf %get3A_1478, %mul3A_1479 : vector<16xf32>
        %swap3A_1481 = arith.index_cast %add3A_1441 : i32 to index
        %swap3A_1482 = arith.constant 48 : index
        %swap3A_1483 = tpu.vector_load %arg10[%swap3A_1481, %swap3A_1482] {strides = array<i32>} : memref<128x128xf32, #tpu.memory_space<vmem>>, vector<1x16xf32>,
        %swap3A_1484 = vector.shape_cast %swap3A_1483 : vector<1x16xf32> to vector<16xf32>
        %swap3A_1485 = vector.shape_cast %mul3A_1480 : vector<16xf32> to vector<1x16xf32>
        tpu.vector_store %arg10[%swap3A_1481, %swap3A_1482], %swap3A_1485 {strides = array<i32>} : memref<128x128xf32, #tpu.memory_space<vmem>>, vector<1x16xf32>,
        %get3A_1486 = arith.index_cast %add3A_1441 : i32 to index
        %get3A_1487 = arith.constant 64 : index
        %get3A_1488 = tpu.vector_load %arg10[%get3A_1486, %get3A_1487] {strides = array<i32>} : memref<128x128xf32, #tpu.memory_space<vmem>>, vector<1x16xf32>,
        %get3A_1489 = vector.shape_cast %get3A_1488 : vector<1x16xf32> to vector<16xf32>
        %mul3A_1490 = vector.broadcast %squeeze3A_1437 : f32 to vector<16xf32>
        %mul3A_1491 = arith.mulf %get3A_1489, %mul3A_1490 : vector<16xf32>
        %swap3A_1492 = arith.index_cast %add3A_1441 : i32 to index
        %swap3A_1493 = arith.constant 64 : index
        %swap3A_1494 = tpu.vector_load %arg10[%swap3A_1492, %swap3A_1493] {strides = array<i32>} : memref<128x128xf32, #tpu.memory_space<vmem>>, vector<1x16xf32>,
        %swap3A_1495 = vector.shape_cast %swap3A_1494 : vector<1x16xf32> to vector<16xf32>
        %swap3A_1496 = vector.shape_cast %mul3A_1491 : vector<16xf32> to vector<1x16xf32>
        tpu.vector_store %arg10[%swap3A_1492, %swap3A_1493], %swap3A_1496 {strides = array<i32>} : memref<128x128xf32, #tpu.memory_space<vmem>>, vector<1x16xf32>,
        %get3A_1497 = arith.index_cast %add3A_1441 : i32 to index
        %get3A_1498 = arith.constant 80 : index
        %get3A_1499 = tpu.vector_load %arg10[%get3A_1497, %get3A_1498] {strides = array<i32>} : memref<128x128xf32, #tpu.memory_space<vmem>>, vector<1x16xf32>,
        %get3A_1500 = vector.shape_cast %get3A_1499 : vector<1x16xf32> to vector<16xf32>
        %mul3A_1501 = vector.broadcast %squeeze3A_1437 : f32 to vector<16xf32>
        %mul3A_1502 = arith.mulf %get3A_1500, %mul3A_1501 : vector<16xf32>
        %swap3A_1503 = arith.index_cast %add3A_1441 : i32 to index
        %swap3A_1504 = arith.constant 80 : index
        %swap3A_1505 = tpu.vector_load %arg10[%swap3A_1503, %swap3A_1504] {strides = array<i32>} : memref<128x128xf32, #tpu.memory_space<vmem>>, vector<1x16xf32>,
        %swap3A_1506 = vector.shape_cast %swap3A_1505 : vector<1x16xf32> to vector<16xf32>
        %swap3A_1507 = vector.shape_cast %mul3A_1502 : vector<16xf32> to vector<1x16xf32>
        tpu.vector_store %arg10[%swap3A_1503, %swap3A_1504], %swap3A_1507 {strides = array<i32>} : memref<128x128xf32, #tpu.memory_space<vmem>>, vector<1x16xf32>,
        %get3A_1508 = arith.index_cast %add3A_1441 : i32 to index
        %get3A_1509 = arith.constant 96 : index
        %get3A_1510 = tpu.vector_load %arg10[%get3A_1508, %get3A_1509] {strides = array<i32>} : memref<128x128xf32, #tpu.memory_space<vmem>>, vector<1x16xf32>,
        %get3A_1511 = vector.shape_cast %get3A_1510 : vector<1x16xf32> to vector<16xf32>
        %mul3A_1512 = vector.broadcast %squeeze3A_1437 : f32 to vector<16xf32>
        %mul3A_1513 = arith.mulf %get3A_1511, %mul3A_1512 : vector<16xf32>
        %swap3A_1514 = arith.index_cast %add3A_1441 : i32 to index
        %swap3A_1515 = arith.constant 96 : index
        %swap3A_1516 = tpu.vector_load %arg10[%swap3A_1514, %swap3A_1515] {strides = array<i32>} : memref<128x128xf32, #tpu.memory_space<vmem>>, vector<1x16xf32>,
        %swap3A_1517 = vector.shape_cast %swap3A_1516 : vector<1x16xf32> to vector<16xf32>
        %swap3A_1518 = vector.shape_cast %mul3A_1513 : vector<16xf32> to vector<1x16xf32>
        tpu.vector_store %arg10[%swap3A_1514, %swap3A_1515], %swap3A_1518 {strides = array<i32>} : memref<128x128xf32, #tpu.memory_space<vmem>>, vector<1x16xf32>,
        %get3A_1519 = arith.index_cast %add3A_1441 : i32 to index
        %get3A_1520 = arith.constant 112 : index
        %get3A_1521 = tpu.vector_load %arg10[%get3A_1519, %get3A_1520] {strides = array<i32>} : memref<128x128xf32, #tpu.memory_space<vmem>>, vector<1x16xf32>,
        %get3A_1522 = vector.shape_cast %get3A_1521 : vector<1x16xf32> to vector<16xf32>
        %mul3A_1523 = vector.broadcast %squeeze3A_1437 : f32 to vector<16xf32>
        %mul3A_1524 = arith.mulf %get3A_1522, %mul3A_1523 : vector<16xf32>
        %swap3A_1525 = arith.index_cast %add3A_1441 : i32 to index
        %swap3A_1526 = arith.constant 112 : index
        %swap3A_1527 = tpu.vector_load %arg10[%swap3A_1525, %swap3A_1526] {strides = array<i32>} : memref<128x128xf32, #tpu.memory_space<vmem>>, vector<1x16xf32>,
        %swap3A_1528 = vector.shape_cast %swap3A_1527 : vector<1x16xf32> to vector<16xf32>
        %swap3A_1529 = vector.shape_cast %mul3A_1524 : vector<16xf32> to vector<1x16xf32>
        tpu.vector_store %arg10[%swap3A_1525, %swap3A_1526], %swap3A_1529 {strides = array<i32>} : memref<128x128xf32, #tpu.memory_space<vmem>>, vector<1x16xf32>,
        %slice3A_1530 = vector.extract_strided_slice %min3A_122 {offsets = [15], sizes = [1], strides = [1]} : vector<16xf32> to vector<1xf32>
        %squeeze3A_1531 = vector.extract %slice3A_1530[0] : f32 from vector<1xf32>
        %mul3A_1532 = arith.constant 16 : i32
        %mul3A_1533 = arith.muli %scan3A_111, %mul3A_1532 : i32
        %add3A_1534 = arith.constant 15 : i32
        %add3A_1535 = arith.addi %mul3A_1533, %add3A_1534 : i32
        %get3A_1536 = arith.index_cast %add3A_1535 : i32 to index
        %get3A_1537 = arith.constant 0 : index
        %get3A_1538 = tpu.vector_load %arg10[%get3A_1536, %get3A_1537] {strides = array<i32>} : memref<128x128xf32, #tpu.memory_space<vmem>>, vector<1x16xf32>,
        %get3A_1539 = vector.shape_cast %get3A_1538 : vector<1x16xf32> to vector<16xf32>
        %mul3A_1540 = vector.broadcast %squeeze3A_1531 : f32 to vector<16xf32>
        %mul3A_1541 = arith.mulf %get3A_1539, %mul3A_1540 : vector<16xf32>
        %swap3A_1542 = arith.index_cast %add3A_1535 : i32 to index
        %swap3A_1543 = arith.constant 0 : index
        %swap3A_1544 = tpu.vector_load %arg10[%swap3A_1542, %swap3A_1543] {strides = array<i32>} : memref<128x128xf32, #tpu.memory_space<vmem>>, vector<1x16xf32>,
        %swap3A_1545 = vector.shape_cast %swap3A_1544 : vector<1x16xf32> to vector<16xf32>
        %swap3A_1546 = vector.shape_cast %mul3A_1541 : vector<16xf32> to vector<1x16xf32>
        tpu.vector_store %arg10[%swap3A_1542, %swap3A_1543], %swap3A_1546 {strides = array<i32>} : memref<128x128xf32, #tpu.memory_space<vmem>>, vector<1x16xf32>,
        %get3A_1547 = arith.index_cast %add3A_1535 : i32 to index
        %get3A_1548 = arith.constant 16 : index
        %get3A_1549 = tpu.vector_load %arg10[%get3A_1547, %get3A_1548] {strides = array<i32>} : memref<128x128xf32, #tpu.memory_space<vmem>>, vector<1x16xf32>,
        %get3A_1550 = vector.shape_cast %get3A_1549 : vector<1x16xf32> to vector<16xf32>
        %mul3A_1551 = vector.broadcast %squeeze3A_1531 : f32 to vector<16xf32>
        %mul3A_1552 = arith.mulf %get3A_1550, %mul3A_1551 : vector<16xf32>
        %swap3A_1553 = arith.index_cast %add3A_1535 : i32 to index
        %swap3A_1554 = arith.constant 16 : index
        %swap3A_1555 = tpu.vector_load %arg10[%swap3A_1553, %swap3A_1554] {strides = array<i32>} : memref<128x128xf32, #tpu.memory_space<vmem>>, vector<1x16xf32>,
        %swap3A_1556 = vector.shape_cast %swap3A_1555 : vector<1x16xf32> to vector<16xf32>
        %swap3A_1557 = vector.shape_cast %mul3A_1552 : vector<16xf32> to vector<1x16xf32>
        tpu.vector_store %arg10[%swap3A_1553, %swap3A_1554], %swap3A_1557 {strides = array<i32>} : memref<128x128xf32, #tpu.memory_space<vmem>>, vector<1x16xf32>,
        %get3A_1558 = arith.index_cast %add3A_1535 : i32 to index
        %get3A_1559 = arith.constant 32 : index
        %get3A_1560 = tpu.vector_load %arg10[%get3A_1558, %get3A_1559] {strides = array<i32>} : memref<128x128xf32, #tpu.memory_space<vmem>>, vector<1x16xf32>,
        %get3A_1561 = vector.shape_cast %get3A_1560 : vector<1x16xf32> to vector<16xf32>
        %mul3A_1562 = vector.broadcast %squeeze3A_1531 : f32 to vector<16xf32>
        %mul3A_1563 = arith.mulf %get3A_1561, %mul3A_1562 : vector<16xf32>
        %swap3A_1564 = arith.index_cast %add3A_1535 : i32 to index
        %swap3A_1565 = arith.constant 32 : index
        %swap3A_1566 = tpu.vector_load %arg10[%swap3A_1564, %swap3A_1565] {strides = array<i32>} : memref<128x128xf32, #tpu.memory_space<vmem>>, vector<1x16xf32>,
        %swap3A_1567 = vector.shape_cast %swap3A_1566 : vector<1x16xf32> to vector<16xf32>
        %swap3A_1568 = vector.shape_cast %mul3A_1563 : vector<16xf32> to vector<1x16xf32>
        tpu.vector_store %arg10[%swap3A_1564, %swap3A_1565], %swap3A_1568 {strides = array<i32>} : memref<128x128xf32, #tpu.memory_space<vmem>>, vector<1x16xf32>,
        %get3A_1569 = arith.index_cast %add3A_1535 : i32 to index
        %get3A_1570 = arith.constant 48 : index
        %get3A_1571 = tpu.vector_load %arg10[%get3A_1569, %get3A_1570] {strides = array<i32>} : memref<128x128xf32, #tpu.memory_space<vmem>>, vector<1x16xf32>,
        %get3A_1572 = vector.shape_cast %get3A_1571 : vector<1x16xf32> to vector<16xf32>
        %mul3A_1573 = vector.broadcast %squeeze3A_1531 : f32 to vector<16xf32>
        %mul3A_1574 = arith.mulf %get3A_1572, %mul3A_1573 : vector<16xf32>
        %swap3A_1575 = arith.index_cast %add3A_1535 : i32 to index
        %swap3A_1576 = arith.constant 48 : index
        %swap3A_1577 = tpu.vector_load %arg10[%swap3A_1575, %swap3A_1576] {strides = array<i32>} : memref<128x128xf32, #tpu.memory_space<vmem>>, vector<1x16xf32>,
        %swap3A_1578 = vector.shape_cast %swap3A_1577 : vector<1x16xf32> to vector<16xf32>
        %swap3A_1579 = vector.shape_cast %mul3A_1574 : vector<16xf32> to vector<1x16xf32>
        tpu.vector_store %arg10[%swap3A_1575, %swap3A_1576], %swap3A_1579 {strides = array<i32>} : memref<128x128xf32, #tpu.memory_space<vmem>>, vector<1x16xf32>,
        %get3A_1580 = arith.index_cast %add3A_1535 : i32 to index
        %get3A_1581 = arith.constant 64 : index
        %get3A_1582 = tpu.vector_load %arg10[%get3A_1580, %get3A_1581] {strides = array<i32>} : memref<128x128xf32, #tpu.memory_space<vmem>>, vector<1x16xf32>,
        %get3A_1583 = vector.shape_cast %get3A_1582 : vector<1x16xf32> to vector<16xf32>
        %mul3A_1584 = vector.broadcast %squeeze3A_1531 : f32 to vector<16xf32>
        %mul3A_1585 = arith.mulf %get3A_1583, %mul3A_1584 : vector<16xf32>
        %swap3A_1586 = arith.index_cast %add3A_1535 : i32 to index
        %swap3A_1587 = arith.constant 64 : index
        %swap3A_1588 = tpu.vector_load %arg10[%swap3A_1586, %swap3A_1587] {strides = array<i32>} : memref<128x128xf32, #tpu.memory_space<vmem>>, vector<1x16xf32>,
        %swap3A_1589 = vector.shape_cast %swap3A_1588 : vector<1x16xf32> to vector<16xf32>
        %swap3A_1590 = vector.shape_cast %mul3A_1585 : vector<16xf32> to vector<1x16xf32>
        tpu.vector_store %arg10[%swap3A_1586, %swap3A_1587], %swap3A_1590 {strides = array<i32>} : memref<128x128xf32, #tpu.memory_space<vmem>>, vector<1x16xf32>,
        %get3A_1591 = arith.index_cast %add3A_1535 : i32 to index
        %get3A_1592 = arith.constant 80 : index
        %get3A_1593 = tpu.vector_load %arg10[%get3A_1591, %get3A_1592] {strides = array<i32>} : memref<128x128xf32, #tpu.memory_space<vmem>>, vector<1x16xf32>,
        %get3A_1594 = vector.shape_cast %get3A_1593 : vector<1x16xf32> to vector<16xf32>
        %mul3A_1595 = vector.broadcast %squeeze3A_1531 : f32 to vector<16xf32>
        %mul3A_1596 = arith.mulf %get3A_1594, %mul3A_1595 : vector<16xf32>
        %swap3A_1597 = arith.index_cast %add3A_1535 : i32 to index
        %swap3A_1598 = arith.constant 80 : index
        %swap3A_1599 = tpu.vector_load %arg10[%swap3A_1597, %swap3A_1598] {strides = array<i32>} : memref<128x128xf32, #tpu.memory_space<vmem>>, vector<1x16xf32>,
        %swap3A_1600 = vector.shape_cast %swap3A_1599 : vector<1x16xf32> to vector<16xf32>
        %swap3A_1601 = vector.shape_cast %mul3A_1596 : vector<16xf32> to vector<1x16xf32>
        tpu.vector_store %arg10[%swap3A_1597, %swap3A_1598], %swap3A_1601 {strides = array<i32>} : memref<128x128xf32, #tpu.memory_space<vmem>>, vector<1x16xf32>,
        %get3A_1602 = arith.index_cast %add3A_1535 : i32 to index
        %get3A_1603 = arith.constant 96 : index
        %get3A_1604 = tpu.vector_load %arg10[%get3A_1602, %get3A_1603] {strides = array<i32>} : memref<128x128xf32, #tpu.memory_space<vmem>>, vector<1x16xf32>,
        %get3A_1605 = vector.shape_cast %get3A_1604 : vector<1x16xf32> to vector<16xf32>
        %mul3A_1606 = vector.broadcast %squeeze3A_1531 : f32 to vector<16xf32>
        %mul3A_1607 = arith.mulf %get3A_1605, %mul3A_1606 : vector<16xf32>
        %swap3A_1608 = arith.index_cast %add3A_1535 : i32 to index
        %swap3A_1609 = arith.constant 96 : index
        %swap3A_1610 = tpu.vector_load %arg10[%swap3A_1608, %swap3A_1609] {strides = array<i32>} : memref<128x128xf32, #tpu.memory_space<vmem>>, vector<1x16xf32>,
        %swap3A_1611 = vector.shape_cast %swap3A_1610 : vector<1x16xf32> to vector<16xf32>
        %swap3A_1612 = vector.shape_cast %mul3A_1607 : vector<16xf32> to vector<1x16xf32>
        tpu.vector_store %arg10[%swap3A_1608, %swap3A_1609], %swap3A_1612 {strides = array<i32>} : memref<128x128xf32, #tpu.memory_space<vmem>>, vector<1x16xf32>,
        %get3A_1613 = arith.index_cast %add3A_1535 : i32 to index
        %get3A_1614 = arith.constant 112 : index
        %get3A_1615 = tpu.vector_load %arg10[%get3A_1613, %get3A_1614] {strides = array<i32>} : memref<128x128xf32, #tpu.memory_space<vmem>>, vector<1x16xf32>,
        %get3A_1616 = vector.shape_cast %get3A_1615 : vector<1x16xf32> to vector<16xf32>
        %mul3A_1617 = vector.broadcast %squeeze3A_1531 : f32 to vector<16xf32>
        %mul3A_1618 = arith.mulf %get3A_1616, %mul3A_1617 : vector<16xf32>
        %swap3A_1619 = arith.index_cast %add3A_1535 : i32 to index
        %swap3A_1620 = arith.constant 112 : index
        %swap3A_1621 = tpu.vector_load %arg10[%swap3A_1619, %swap3A_1620] {strides = array<i32>} : memref<128x128xf32, #tpu.memory_space<vmem>>, vector<1x16xf32>,
        %swap3A_1622 = vector.shape_cast %swap3A_1621 : vector<1x16xf32> to vector<16xf32>
        %swap3A_1623 = vector.shape_cast %mul3A_1618 : vector<16xf32> to vector<1x16xf32>
        tpu.vector_store %arg10[%swap3A_1619, %swap3A_1620], %swap3A_1623 {strides = array<i32>} : memref<128x128xf32, #tpu.memory_space<vmem>>, vector<1x16xf32>,
      }
      %scan3A_110 = arith.constant 8 : i32
      "tpu.region"() ({
        %run_scoped3A = tpu.sem_alloc : memref<!tpu.dma_semaphore, #tpu.memory_space<semaphore_mem>>
        %dma_start3A_111 = arith.constant 0 : i32
        %dma_start3A_112 = tpu.memref_slice %arg8[%while3A_94, %dma_start3A_111] : memref<80x128xi32, #tpu.memory_space<vmem>> -> memref<1x128xi32, #tpu.memory_space<vmem>>
        %dma_start3A_113 = tpu.memref_squeeze %dma_start3A_112 : memref<1x128xi32, #tpu.memory_space<vmem>> -> memref<128xi32, #tpu.memory_space<vmem>>
        %dma_start3A_114 = arith.constant 0 : i32
        %dma_start3A_115 = arith.constant 0 : i32
        %dma_start3A_116 = tpu.memref_slice %arg11[%dma_start3A_114, %dma_start3A_115] : memref<10000x128xf32, #tpu.memory_space<vmem_shared>> -> memref<10000x128xf32, #tpu.memory_space<vmem_shared>>
        tpu.enqueue_indirect_dma source(%arg10 : memref<128x128xf32, #tpu.memory_space<vmem>>) target(%dma_start3A_116 : memref<10000x128xf32, #tpu.memory_space<vmem_shared>>) offsets(%dma_start3A_113 : memref<128xi32, #tpu.memory_space<vmem>>) semaphore(%run_scoped3A : memref<!tpu.dma_semaphore, #tpu.memory_space<semaphore_mem>>) {add = true}
        %dma_wait3A_117 = arith.constant 0 : i32
        %dma_wait3A_118 = tpu.memref_slice %arg8[%while3A_94, %dma_wait3A_117] : memref<80x128xi32, #tpu.memory_space<vmem>> -> memref<1x128xi32, #tpu.memory_space<vmem>>
        %dma_wait3A_119 = tpu.memref_squeeze %dma_wait3A_118 : memref<1x128xi32, #tpu.memory_space<vmem>> -> memref<128xi32, #tpu.memory_space<vmem>>
        %dma_wait3A_120 = arith.constant 0 : i32
        %dma_wait3A_121 = arith.constant 0 : i32
        %dma_wait3A_122 = tpu.memref_slice %arg11[%dma_wait3A_120, %dma_wait3A_121] : memref<10000x128xf32, #tpu.memory_space<vmem_shared>> -> memref<10000x128xf32, #tpu.memory_space<vmem_shared>>
        tpu.wait_indirect_dma semaphore(%run_scoped3A : memref<!tpu.dma_semaphore, #tpu.memory_space<semaphore_mem>>) src(%arg10 : memref<128x128xf32, #tpu.memory_space<vmem>>) dst(%dma_wait3A_122 : memref<10000x128xf32, #tpu.memory_space<vmem_shared>>)
        tpu.yield
      }) : () -> ()
    }
    %barrier3A_63 = arith.constant 0 : index
    tpu.barrier barrier_id(%barrier3A_63)
    %add3A_64 = arith.constant 0 : i32
    %add3A_65 = arith.addi %arg1, %add3A_64 : i32
    %mul3A_66 = arith.constant 128 : i32
    %mul3A_67 = arith.muli %add3A_65, %mul3A_66 : i32
    %multiple_of3A_68 = tpu.assume_multiple %mul3A_67, 8 : i32
    "tpu.region"() ({
      %run_scoped3A = tpu.sem_alloc : memref<!tpu.dma_semaphore, #tpu.memory_space<semaphore_mem>>
      %dma_start3A = arith.constant 0 : i32
      %dma_start3A_94 = tpu.memref_slice %arg6[%arg0, %multiple_of3A_68, %dma_start3A] : memref<2x10000x128xf32, #tpu.memory_space<hbm>> -> memref<1x128x128xf32, #tpu.memory_space<hbm>>
      %dma_start3A_95 = tpu.memref_squeeze %dma_start3A_94 : memref<1x128x128xf32, #tpu.memory_space<hbm>> -> memref<128x128xf32, #tpu.memory_space<hbm>>
      %dma_start3A_96 = arith.constant 0 : i32
      %dma_start3A_97 = tpu.memref_slice %arg11[%multiple_of3A_68, %dma_start3A_96] : memref<10000x128xf32, #tpu.memory_space<vmem_shared>> -> memref<128x128xf32, #tpu.memory_space<vmem_shared>>
      tpu.enqueue_dma source(%dma_start3A_97 : memref<128x128xf32, #tpu.memory_space<vmem_shared>>) target(%dma_start3A_95 : memref<128x128xf32, #tpu.memory_space<hbm>>) target_semaphore(%run_scoped3A : memref<!tpu.dma_semaphore, #tpu.memory_space<semaphore_mem>>)
      %dma_wait3A = arith.constant 0 : i32
      %dma_wait3A_98 = tpu.memref_slice %arg6[%arg0, %multiple_of3A_68, %dma_wait3A] : memref<2x10000x128xf32, #tpu.memory_space<hbm>> -> memref<1x128x128xf32, #tpu.memory_space<hbm>>
      %dma_wait3A_99 = tpu.memref_squeeze %dma_wait3A_98 : memref<1x128x128xf32, #tpu.memory_space<hbm>> -> memref<128x128xf32, #tpu.memory_space<hbm>>
      %dma_wait3A_100 = arith.constant 0 : i32
      %dma_wait3A_101 = tpu.memref_slice %arg11[%multiple_of3A_68, %dma_wait3A_100] : memref<10000x128xf32, #tpu.memory_space<vmem_shared>> -> memref<128x128xf32, #tpu.memory_space<vmem_shared>>
      tpu.wait_dma2 semaphore(%run_scoped3A : memref<!tpu.dma_semaphore, #tpu.memory_space<semaphore_mem>>) src(%dma_wait3A_101 : memref<128x128xf32, #tpu.memory_space<vmem_shared>>) dst(%dma_wait3A_99 : memref<128x128xf32, #tpu.memory_space<hbm>>)
      tpu.yield
    }) : () -> ()
    %add3A_69 = arith.constant 16 : i32
    %add3A_70 = arith.addi %arg1, %add3A_69 : i32
    %mul3A_71 = arith.constant 128 : i32
    %mul3A_72 = arith.muli %add3A_70, %mul3A_71 : i32
    %multiple_of3A_73 = tpu.assume_multiple %mul3A_72, 8 : i32
    "tpu.region"() ({
      %run_scoped3A = tpu.sem_alloc : memref<!tpu.dma_semaphore, #tpu.memory_space<semaphore_mem>>
      %dma_start3A = arith.constant 0 : i32
      %dma_start3A_94 = tpu.memref_slice %arg6[%arg0, %multiple_of3A_73, %dma_start3A] : memref<2x10000x128xf32, #tpu.memory_space<hbm>> -> memref<1x128x128xf32, #tpu.memory_space<hbm>>
      %dma_start3A_95 = tpu.memref_squeeze %dma_start3A_94 : memref<1x128x128xf32, #tpu.memory_space<hbm>> -> memref<128x128xf32, #tpu.memory_space<hbm>>
      %dma_start3A_96 = arith.constant 0 : i32
      %dma_start3A_97 = tpu.memref_slice %arg11[%multiple_of3A_73, %dma_start3A_96] : memref<10000x128xf32, #tpu.memory_space<vmem_shared>> -> memref<128x128xf32, #tpu.memory_space<vmem_shared>>
      tpu.enqueue_dma source(%dma_start3A_97 : memref<128x128xf32, #tpu.memory_space<vmem_shared>>) target(%dma_start3A_95 : memref<128x128xf32, #tpu.memory_space<hbm>>) target_semaphore(%run_scoped3A : memref<!tpu.dma_semaphore, #tpu.memory_space<semaphore_mem>>)
      %dma_wait3A = arith.constant 0 : i32
      %dma_wait3A_98 = tpu.memref_slice %arg6[%arg0, %multiple_of3A_73, %dma_wait3A] : memref<2x10000x128xf32, #tpu.memory_space<hbm>> -> memref<1x128x128xf32, #tpu.memory_space<hbm>>
      %dma_wait3A_99 = tpu.memref_squeeze %dma_wait3A_98 : memref<1x128x128xf32, #tpu.memory_space<hbm>> -> memref<128x128xf32, #tpu.memory_space<hbm>>
      %dma_wait3A_100 = arith.constant 0 : i32
      %dma_wait3A_101 = tpu.memref_slice %arg11[%multiple_of3A_73, %dma_wait3A_100] : memref<10000x128xf32, #tpu.memory_space<vmem_shared>> -> memref<128x128xf32, #tpu.memory_space<vmem_shared>>
      tpu.wait_dma2 semaphore(%run_scoped3A : memref<!tpu.dma_semaphore, #tpu.memory_space<semaphore_mem>>) src(%dma_wait3A_101 : memref<128x128xf32, #tpu.memory_space<vmem_shared>>) dst(%dma_wait3A_99 : memref<128x128xf32, #tpu.memory_space<hbm>>)
      tpu.yield
    }) : () -> ()
    %add3A_74 = arith.constant 32 : i32
    %add3A_75 = arith.addi %arg1, %add3A_74 : i32
    %mul3A_76 = arith.constant 128 : i32
    %mul3A_77 = arith.muli %add3A_75, %mul3A_76 : i32
    %multiple_of3A_78 = tpu.assume_multiple %mul3A_77, 8 : i32
    "tpu.region"() ({
      %run_scoped3A = tpu.sem_alloc : memref<!tpu.dma_semaphore, #tpu.memory_space<semaphore_mem>>
      %dma_start3A = arith.constant 0 : i32
      %dma_start3A_94 = tpu.memref_slice %arg6[%arg0, %multiple_of3A_78, %dma_start3A] : memref<2x10000x128xf32, #tpu.memory_space<hbm>> -> memref<1x128x128xf32, #tpu.memory_space<hbm>>
      %dma_start3A_95 = tpu.memref_squeeze %dma_start3A_94 : memref<1x128x128xf32, #tpu.memory_space<hbm>> -> memref<128x128xf32, #tpu.memory_space<hbm>>
      %dma_start3A_96 = arith.constant 0 : i32
      %dma_start3A_97 = tpu.memref_slice %arg11[%multiple_of3A_78, %dma_start3A_96] : memref<10000x128xf32, #tpu.memory_space<vmem_shared>> -> memref<128x128xf32, #tpu.memory_space<vmem_shared>>
      tpu.enqueue_dma source(%dma_start3A_97 : memref<128x128xf32, #tpu.memory_space<vmem_shared>>) target(%dma_start3A_95 : memref<128x128xf32, #tpu.memory_space<hbm>>) target_semaphore(%run_scoped3A : memref<!tpu.dma_semaphore, #tpu.memory_space<semaphore_mem>>)
      %dma_wait3A = arith.constant 0 : i32
      %dma_wait3A_98 = tpu.memref_slice %arg6[%arg0, %multiple_of3A_78, %dma_wait3A] : memref<2x10000x128xf32, #tpu.memory_space<hbm>> -> memref<1x128x128xf32, #tpu.memory_space<hbm>>
      %dma_wait3A_99 = tpu.memref_squeeze %dma_wait3A_98 : memref<1x128x128xf32, #tpu.memory_space<hbm>> -> memref<128x128xf32, #tpu.memory_space<hbm>>
      %dma_wait3A_100 = arith.constant 0 : i32
      %dma_wait3A_101 = tpu.memref_slice %arg11[%multiple_of3A_78, %dma_wait3A_100] : memref<10000x128xf32, #tpu.memory_space<vmem_shared>> -> memref<128x128xf32, #tpu.memory_space<vmem_shared>>
      tpu.wait_dma2 semaphore(%run_scoped3A : memref<!tpu.dma_semaphore, #tpu.memory_space<semaphore_mem>>) src(%dma_wait3A_101 : memref<128x128xf32, #tpu.memory_space<vmem_shared>>) dst(%dma_wait3A_99 : memref<128x128xf32, #tpu.memory_space<hbm>>)
      tpu.yield
    }) : () -> ()
    %add3A_79 = arith.constant 48 : i32
    %add3A_80 = arith.addi %arg1, %add3A_79 : i32
    %mul3A_81 = arith.constant 128 : i32
    %mul3A_82 = arith.muli %add3A_80, %mul3A_81 : i32
    %multiple_of3A_83 = tpu.assume_multiple %mul3A_82, 8 : i32
    "tpu.region"() ({
      %run_scoped3A = tpu.sem_alloc : memref<!tpu.dma_semaphore, #tpu.memory_space<semaphore_mem>>
      %dma_start3A = arith.constant 0 : i32
      %dma_start3A_94 = tpu.memref_slice %arg6[%arg0, %multiple_of3A_83, %dma_start3A] : memref<2x10000x128xf32, #tpu.memory_space<hbm>> -> memref<1x128x128xf32, #tpu.memory_space<hbm>>
      %dma_start3A_95 = tpu.memref_squeeze %dma_start3A_94 : memref<1x128x128xf32, #tpu.memory_space<hbm>> -> memref<128x128xf32, #tpu.memory_space<hbm>>
      %dma_start3A_96 = arith.constant 0 : i32
      %dma_start3A_97 = tpu.memref_slice %arg11[%multiple_of3A_83, %dma_start3A_96] : memref<10000x128xf32, #tpu.memory_space<vmem_shared>> -> memref<128x128xf32, #tpu.memory_space<vmem_shared>>
      tpu.enqueue_dma source(%dma_start3A_97 : memref<128x128xf32, #tpu.memory_space<vmem_shared>>) target(%dma_start3A_95 : memref<128x128xf32, #tpu.memory_space<hbm>>) target_semaphore(%run_scoped3A : memref<!tpu.dma_semaphore, #tpu.memory_space<semaphore_mem>>)
      %dma_wait3A = arith.constant 0 : i32
      %dma_wait3A_98 = tpu.memref_slice %arg6[%arg0, %multiple_of3A_83, %dma_wait3A] : memref<2x10000x128xf32, #tpu.memory_space<hbm>> -> memref<1x128x128xf32, #tpu.memory_space<hbm>>
      %dma_wait3A_99 = tpu.memref_squeeze %dma_wait3A_98 : memref<1x128x128xf32, #tpu.memory_space<hbm>> -> memref<128x128xf32, #tpu.memory_space<hbm>>
      %dma_wait3A_100 = arith.constant 0 : i32
      %dma_wait3A_101 = tpu.memref_slice %arg11[%multiple_of3A_83, %dma_wait3A_100] : memref<10000x128xf32, #tpu.memory_space<vmem_shared>> -> memref<128x128xf32, #tpu.memory_space<vmem_shared>>
      tpu.wait_dma2 semaphore(%run_scoped3A : memref<!tpu.dma_semaphore, #tpu.memory_space<semaphore_mem>>) src(%dma_wait3A_101 : memref<128x128xf32, #tpu.memory_space<vmem_shared>>) dst(%dma_wait3A_99 : memref<128x128xf32, #tpu.memory_space<hbm>>)
      tpu.yield
    }) : () -> ()
    %lt3A_84 = arith.constant 14 : i32
    %lt3A_85 = arith.cmpi slt, %arg1, %lt3A_84 : i32
    %convert_element_type3A_86 = arith.extui %lt3A_85 : i1 to i32
    %cond3A_87 = arith.constant 0 : i32
    %cond3A_88 = arith.cmpi ne, %convert_element_type3A_86, %cond3A_87 : i32
    scf.if %cond3A_88 {
      %add3A_94 = arith.constant 64 : i32
      %add3A_95 = arith.addi %arg1, %add3A_94 : i32
      %mul3A_96 = arith.constant 128 : i32
      %mul3A_97 = arith.muli %add3A_95, %mul3A_96 : i32
      %multiple_of3A_98 = tpu.assume_multiple %mul3A_97, 8 : i32
      "tpu.region"() ({
        %run_scoped3A = tpu.sem_alloc : memref<!tpu.dma_semaphore, #tpu.memory_space<semaphore_mem>>
        %dma_start3A = arith.constant 0 : i32
        %dma_start3A_99 = tpu.memref_slice %arg6[%arg0, %multiple_of3A_98, %dma_start3A] : memref<2x10000x128xf32, #tpu.memory_space<hbm>> -> memref<1x128x128xf32, #tpu.memory_space<hbm>>
        %dma_start3A_100 = tpu.memref_squeeze %dma_start3A_99 : memref<1x128x128xf32, #tpu.memory_space<hbm>> -> memref<128x128xf32, #tpu.memory_space<hbm>>
        %dma_start3A_101 = arith.constant 0 : i32
        %dma_start3A_102 = tpu.memref_slice %arg11[%multiple_of3A_98, %dma_start3A_101] : memref<10000x128xf32, #tpu.memory_space<vmem_shared>> -> memref<128x128xf32, #tpu.memory_space<vmem_shared>>
        tpu.enqueue_dma source(%dma_start3A_102 : memref<128x128xf32, #tpu.memory_space<vmem_shared>>) target(%dma_start3A_100 : memref<128x128xf32, #tpu.memory_space<hbm>>) target_semaphore(%run_scoped3A : memref<!tpu.dma_semaphore, #tpu.memory_space<semaphore_mem>>)
        %dma_wait3A = arith.constant 0 : i32
        %dma_wait3A_103 = tpu.memref_slice %arg6[%arg0, %multiple_of3A_98, %dma_wait3A] : memref<2x10000x128xf32, #tpu.memory_space<hbm>> -> memref<1x128x128xf32, #tpu.memory_space<hbm>>
        %dma_wait3A_104 = tpu.memref_squeeze %dma_wait3A_103 : memref<1x128x128xf32, #tpu.memory_space<hbm>> -> memref<128x128xf32, #tpu.memory_space<hbm>>
        %dma_wait3A_105 = arith.constant 0 : i32
        %dma_wait3A_106 = tpu.memref_slice %arg11[%multiple_of3A_98, %dma_wait3A_105] : memref<10000x128xf32, #tpu.memory_space<vmem_shared>> -> memref<128x128xf32, #tpu.memory_space<vmem_shared>>
        tpu.wait_dma2 semaphore(%run_scoped3A : memref<!tpu.dma_semaphore, #tpu.memory_space<semaphore_mem>>) src(%dma_wait3A_106 : memref<128x128xf32, #tpu.memory_space<vmem_shared>>) dst(%dma_wait3A_104 : memref<128x128xf32, #tpu.memory_space<hbm>>)
        tpu.yield
      }) : () -> ()
    } else {
    }
    %eq3A_89 = arith.constant 14 : i32
    %eq3A_90 = arith.cmpi eq, %arg1, %eq3A_89 : i32
    %convert_element_type3A_91 = arith.extui %eq3A_90 : i1 to i32
    %cond3A_92 = arith.constant 0 : i32
    %cond3A_93 = arith.cmpi ne, %convert_element_type3A_91, %cond3A_92 : i32
    scf.if %cond3A_93 {
      "tpu.region"() ({
        %run_scoped3A = tpu.sem_alloc : memref<!tpu.dma_semaphore, #tpu.memory_space<semaphore_mem>>
        %dma_start3A = arith.constant 9984 : i32
        %dma_start3A_94 = arith.constant 0 : i32
        %dma_start3A_95 = tpu.memref_slice %arg6[%arg0, %dma_start3A, %dma_start3A_94] : memref<2x10000x128xf32, #tpu.memory_space<hbm>> -> memref<1x16x128xf32, #tpu.memory_space<hbm>>
        %dma_start3A_96 = tpu.memref_squeeze %dma_start3A_95 : memref<1x16x128xf32, #tpu.memory_space<hbm>> -> memref<16x128xf32, #tpu.memory_space<hbm>>
        %dma_start3A_97 = arith.constant 9984 : i32
        %dma_start3A_98 = arith.constant 0 : i32
        %dma_start3A_99 = tpu.memref_slice %arg11[%dma_start3A_97, %dma_start3A_98] : memref<10000x128xf32, #tpu.memory_space<vmem_shared>> -> memref<16x128xf32, #tpu.memory_space<vmem_shared>>
        tpu.enqueue_dma source(%dma_start3A_99 : memref<16x128xf32, #tpu.memory_space<vmem_shared>>) target(%dma_start3A_96 : memref<16x128xf32, #tpu.memory_space<hbm>>) target_semaphore(%run_scoped3A : memref<!tpu.dma_semaphore, #tpu.memory_space<semaphore_mem>>)
        %dma_wait3A = arith.constant 9984 : i32
        %dma_wait3A_100 = arith.constant 0 : i32
        %dma_wait3A_101 = tpu.memref_slice %arg6[%arg0, %dma_wait3A, %dma_wait3A_100] : memref<2x10000x128xf32, #tpu.memory_space<hbm>> -> memref<1x16x128xf32, #tpu.memory_space<hbm>>
        %dma_wait3A_102 = tpu.memref_squeeze %dma_wait3A_101 : memref<1x16x128xf32, #tpu.memory_space<hbm>> -> memref<16x128xf32, #tpu.memory_space<hbm>>
        %dma_wait3A_103 = arith.constant 9984 : i32
        %dma_wait3A_104 = arith.constant 0 : i32
        %dma_wait3A_105 = tpu.memref_slice %arg11[%dma_wait3A_103, %dma_wait3A_104] : memref<10000x128xf32, #tpu.memory_space<vmem_shared>> -> memref<16x128xf32, #tpu.memory_space<vmem_shared>>
        tpu.wait_dma2 semaphore(%run_scoped3A : memref<!tpu.dma_semaphore, #tpu.memory_space<semaphore_mem>>) src(%dma_wait3A_105 : memref<16x128xf32, #tpu.memory_space<vmem_shared>>) dst(%dma_wait3A_102 : memref<16x128xf32, #tpu.memory_space<hbm>>)
        tpu.yield
      }) : () -> ()
    } else {
    }
    return
  }
}

#map = affine_map<(d0, d1) -> (0, 0)>
#map1 = affine_map<(d0, d1) -> (0)>
module attributes {stable_mosaic.version = 14 : i64} {
  func.func @_deg_body(%arg0: i32, %arg1: i32, %arg2: memref<2500x128xi32, #tpu.memory_space<hbm>>, %arg3: memref<320000xf32, #tpu.memory_space<hbm>>, %arg4: memref<20480xf32, #tpu.memory_space<hbm>>, %arg5: memref<80x128xi32, #tpu.memory_space<vmem>>, %arg6: memref<10240xf32, #tpu.memory_space<vmem>>, %arg7: memref<2048xf32, #tpu.memory_space<vmem>>, %arg8: memref<10240xf32, #tpu.memory_space<vmem_shared>>) attributes {dimension_semantics = [#tpu.dimension_semantics<core_parallel>, #tpu.dimension_semantics<subcore_parallel>], iteration_bounds = array<i64: 2, 16>, scalar_prefetch = 0 : i64, scratch_operands = 4 : i64, tpu.core_type = #tpu.core_type<sc_vector_subcore>, window_params = [{transform_indices = #map}, {transform_indices = #map1}, {transform_indices = #map1}]} {
    %mul3A = arith.constant 2 : i32
    %mul3A_0 = arith.muli %arg1, %mul3A : i32
    %add3A = arith.addi %mul3A_0, %arg0 : i32
    %eq3A = arith.constant 0 : i32
    %eq3A_1 = arith.cmpi eq, %arg1, %eq3A : i32
    %convert_element_type3A = arith.extui %eq3A_1 : i1 to i32
    %cond3A = arith.constant 0 : i32
    %cond3A_2 = arith.cmpi ne, %convert_element_type3A, %cond3A : i32
    scf.if %cond3A_2 {
      %scan3A_45 = arith.constant 0 : i32
      %scan3A_46 = arith.constant 0 : i32
      %scan3A_47 = arith.constant 128 : i32
      %scan3A_48 = arith.addi %scan3A_46, %scan3A_47 : i32
      %scan3A_49 = arith.constant 1 : i32
      scf.for %scan3A_51 = %scan3A_46 to %scan3A_48 step %scan3A_49  : i32 {
        %broadcast_in_dim3A = arith.constant 0.000000e+00 : f32
        %broadcast_in_dim3A_52 = vector.broadcast %broadcast_in_dim3A : f32 to vector<16xf32>
        %mul3A_53 = arith.constant 16 : i32
        %mul3A_54 = arith.muli %scan3A_51, %mul3A_53 : i32
        %swap3A = arith.index_cast %mul3A_54 : i32 to index
        %swap3A_55 = tpu.vector_load %arg7[%swap3A] {strides = array<i32>} : memref<2048xf32, #tpu.memory_space<vmem>>, vector<16xf32>,
        %swap3A_56 = vector.shape_cast %swap3A_55 : vector<16xf32> to vector<16xf32>
        %swap3A_57 = vector.shape_cast %broadcast_in_dim3A_52 : vector<16xf32> to vector<16xf32>
        tpu.vector_store %arg7[%swap3A], %swap3A_57 {strides = array<i32>} : memref<2048xf32, #tpu.memory_space<vmem>>, vector<16xf32>,
      }
      %scan3A_50 = arith.constant 128 : i32
      "tpu.region"() ({
        %run_scoped3A = tpu.sem_alloc : memref<!tpu.dma_semaphore, #tpu.memory_space<semaphore_mem>>
        %dma_start3A = arith.constant 0 : i32
        %dma_start3A_51 = tpu.memref_slice %arg8[%dma_start3A] : memref<10240xf32, #tpu.memory_space<vmem_shared>> -> memref<2048xf32, #tpu.memory_space<vmem_shared>>
        %dma_start3A_52 = arith.constant 0 : i32
        %dma_start3A_53 = tpu.memref_slice %arg8[%dma_start3A_52] : memref<10240xf32, #tpu.memory_space<vmem_shared>> -> memref<2048xf32, #tpu.memory_space<vmem_shared>>
        tpu.enqueue_dma source(%arg7 : memref<2048xf32, #tpu.memory_space<vmem>>) target(%dma_start3A_53 : memref<2048xf32, #tpu.memory_space<vmem_shared>>) target_semaphore(%run_scoped3A : memref<!tpu.dma_semaphore, #tpu.memory_space<semaphore_mem>>)
        %dma_wait3A = arith.constant 0 : i32
        %dma_wait3A_54 = tpu.memref_slice %arg8[%dma_wait3A] : memref<10240xf32, #tpu.memory_space<vmem_shared>> -> memref<2048xf32, #tpu.memory_space<vmem_shared>>
        %dma_wait3A_55 = arith.constant 0 : i32
        %dma_wait3A_56 = tpu.memref_slice %arg8[%dma_wait3A_55] : memref<10240xf32, #tpu.memory_space<vmem_shared>> -> memref<2048xf32, #tpu.memory_space<vmem_shared>>
        tpu.wait_dma2 semaphore(%run_scoped3A : memref<!tpu.dma_semaphore, #tpu.memory_space<semaphore_mem>>) src(%arg7 : memref<2048xf32, #tpu.memory_space<vmem>>) dst(%dma_wait3A_56 : memref<2048xf32, #tpu.memory_space<vmem_shared>>)
        tpu.yield
      }) : () -> ()
      "tpu.region"() ({
        %run_scoped3A = tpu.sem_alloc : memref<!tpu.dma_semaphore, #tpu.memory_space<semaphore_mem>>
        %dma_start3A = arith.constant 2048 : i32
        %dma_start3A_51 = tpu.memref_slice %arg8[%dma_start3A] : memref<10240xf32, #tpu.memory_space<vmem_shared>> -> memref<2048xf32, #tpu.memory_space<vmem_shared>>
        %dma_start3A_52 = arith.constant 2048 : i32
        %dma_start3A_53 = tpu.memref_slice %arg8[%dma_start3A_52] : memref<10240xf32, #tpu.memory_space<vmem_shared>> -> memref<2048xf32, #tpu.memory_space<vmem_shared>>
        tpu.enqueue_dma source(%arg7 : memref<2048xf32, #tpu.memory_space<vmem>>) target(%dma_start3A_53 : memref<2048xf32, #tpu.memory_space<vmem_shared>>) target_semaphore(%run_scoped3A : memref<!tpu.dma_semaphore, #tpu.memory_space<semaphore_mem>>)
        %dma_wait3A = arith.constant 2048 : i32
        %dma_wait3A_54 = tpu.memref_slice %arg8[%dma_wait3A] : memref<10240xf32, #tpu.memory_space<vmem_shared>> -> memref<2048xf32, #tpu.memory_space<vmem_shared>>
        %dma_wait3A_55 = arith.constant 2048 : i32
        %dma_wait3A_56 = tpu.memref_slice %arg8[%dma_wait3A_55] : memref<10240xf32, #tpu.memory_space<vmem_shared>> -> memref<2048xf32, #tpu.memory_space<vmem_shared>>
        tpu.wait_dma2 semaphore(%run_scoped3A : memref<!tpu.dma_semaphore, #tpu.memory_space<semaphore_mem>>) src(%arg7 : memref<2048xf32, #tpu.memory_space<vmem>>) dst(%dma_wait3A_56 : memref<2048xf32, #tpu.memory_space<vmem_shared>>)
        tpu.yield
      }) : () -> ()
      "tpu.region"() ({
        %run_scoped3A = tpu.sem_alloc : memref<!tpu.dma_semaphore, #tpu.memory_space<semaphore_mem>>
        %dma_start3A = arith.constant 4096 : i32
        %dma_start3A_51 = tpu.memref_slice %arg8[%dma_start3A] : memref<10240xf32, #tpu.memory_space<vmem_shared>> -> memref<2048xf32, #tpu.memory_space<vmem_shared>>
        %dma_start3A_52 = arith.constant 4096 : i32
        %dma_start3A_53 = tpu.memref_slice %arg8[%dma_start3A_52] : memref<10240xf32, #tpu.memory_space<vmem_shared>> -> memref<2048xf32, #tpu.memory_space<vmem_shared>>
        tpu.enqueue_dma source(%arg7 : memref<2048xf32, #tpu.memory_space<vmem>>) target(%dma_start3A_53 : memref<2048xf32, #tpu.memory_space<vmem_shared>>) target_semaphore(%run_scoped3A : memref<!tpu.dma_semaphore, #tpu.memory_space<semaphore_mem>>)
        %dma_wait3A = arith.constant 4096 : i32
        %dma_wait3A_54 = tpu.memref_slice %arg8[%dma_wait3A] : memref<10240xf32, #tpu.memory_space<vmem_shared>> -> memref<2048xf32, #tpu.memory_space<vmem_shared>>
        %dma_wait3A_55 = arith.constant 4096 : i32
        %dma_wait3A_56 = tpu.memref_slice %arg8[%dma_wait3A_55] : memref<10240xf32, #tpu.memory_space<vmem_shared>> -> memref<2048xf32, #tpu.memory_space<vmem_shared>>
        tpu.wait_dma2 semaphore(%run_scoped3A : memref<!tpu.dma_semaphore, #tpu.memory_space<semaphore_mem>>) src(%arg7 : memref<2048xf32, #tpu.memory_space<vmem>>) dst(%dma_wait3A_56 : memref<2048xf32, #tpu.memory_space<vmem_shared>>)
        tpu.yield
      }) : () -> ()
      "tpu.region"() ({
        %run_scoped3A = tpu.sem_alloc : memref<!tpu.dma_semaphore, #tpu.memory_space<semaphore_mem>>
        %dma_start3A = arith.constant 6144 : i32
        %dma_start3A_51 = tpu.memref_slice %arg8[%dma_start3A] : memref<10240xf32, #tpu.memory_space<vmem_shared>> -> memref<2048xf32, #tpu.memory_space<vmem_shared>>
        %dma_start3A_52 = arith.constant 6144 : i32
        %dma_start3A_53 = tpu.memref_slice %arg8[%dma_start3A_52] : memref<10240xf32, #tpu.memory_space<vmem_shared>> -> memref<2048xf32, #tpu.memory_space<vmem_shared>>
        tpu.enqueue_dma source(%arg7 : memref<2048xf32, #tpu.memory_space<vmem>>) target(%dma_start3A_53 : memref<2048xf32, #tpu.memory_space<vmem_shared>>) target_semaphore(%run_scoped3A : memref<!tpu.dma_semaphore, #tpu.memory_space<semaphore_mem>>)
        %dma_wait3A = arith.constant 6144 : i32
        %dma_wait3A_54 = tpu.memref_slice %arg8[%dma_wait3A] : memref<10240xf32, #tpu.memory_space<vmem_shared>> -> memref<2048xf32, #tpu.memory_space<vmem_shared>>
        %dma_wait3A_55 = arith.constant 6144 : i32
        %dma_wait3A_56 = tpu.memref_slice %arg8[%dma_wait3A_55] : memref<10240xf32, #tpu.memory_space<vmem_shared>> -> memref<2048xf32, #tpu.memory_space<vmem_shared>>
        tpu.wait_dma2 semaphore(%run_scoped3A : memref<!tpu.dma_semaphore, #tpu.memory_space<semaphore_mem>>) src(%arg7 : memref<2048xf32, #tpu.memory_space<vmem>>) dst(%dma_wait3A_56 : memref<2048xf32, #tpu.memory_space<vmem_shared>>)
        tpu.yield
      }) : () -> ()
      "tpu.region"() ({
        %run_scoped3A = tpu.sem_alloc : memref<!tpu.dma_semaphore, #tpu.memory_space<semaphore_mem>>
        %dma_start3A = arith.constant 8192 : i32
        %dma_start3A_51 = tpu.memref_slice %arg8[%dma_start3A] : memref<10240xf32, #tpu.memory_space<vmem_shared>> -> memref<2048xf32, #tpu.memory_space<vmem_shared>>
        %dma_start3A_52 = arith.constant 8192 : i32
        %dma_start3A_53 = tpu.memref_slice %arg8[%dma_start3A_52] : memref<10240xf32, #tpu.memory_space<vmem_shared>> -> memref<2048xf32, #tpu.memory_space<vmem_shared>>
        tpu.enqueue_dma source(%arg7 : memref<2048xf32, #tpu.memory_space<vmem>>) target(%dma_start3A_53 : memref<2048xf32, #tpu.memory_space<vmem_shared>>) target_semaphore(%run_scoped3A : memref<!tpu.dma_semaphore, #tpu.memory_space<semaphore_mem>>)
        %dma_wait3A = arith.constant 8192 : i32
        %dma_wait3A_54 = tpu.memref_slice %arg8[%dma_wait3A] : memref<10240xf32, #tpu.memory_space<vmem_shared>> -> memref<2048xf32, #tpu.memory_space<vmem_shared>>
        %dma_wait3A_55 = arith.constant 8192 : i32
        %dma_wait3A_56 = tpu.memref_slice %arg8[%dma_wait3A_55] : memref<10240xf32, #tpu.memory_space<vmem_shared>> -> memref<2048xf32, #tpu.memory_space<vmem_shared>>
        tpu.wait_dma2 semaphore(%run_scoped3A : memref<!tpu.dma_semaphore, #tpu.memory_space<semaphore_mem>>) src(%arg7 : memref<2048xf32, #tpu.memory_space<vmem>>) dst(%dma_wait3A_56 : memref<2048xf32, #tpu.memory_space<vmem_shared>>)
        tpu.yield
      }) : () -> ()
    } else {
    }
    %lt3A = arith.constant 24 : i32
    %lt3A_3 = arith.cmpi slt, %add3A, %lt3A : i32
    %convert_element_type3A_4 = arith.extui %lt3A_3 : i1 to i32
    %cond3A_5 = arith.constant 0 : i32
    %cond3A_6 = arith.cmpi ne, %convert_element_type3A_4, %cond3A_5 : i32
    scf.if %cond3A_6 {
      %mul3A_45 = arith.constant 80 : i32
      %mul3A_46 = arith.muli %mul3A_45, %add3A : i32
      %multiple_of3A = tpu.assume_multiple %mul3A_46, 8 : i32
      "tpu.region"() ({
        %run_scoped3A = tpu.sem_alloc : memref<!tpu.dma_semaphore, #tpu.memory_space<semaphore_mem>>
        %dma_start3A = arith.constant 0 : i32
        %dma_start3A_50 = arith.constant 0 : i32
        %dma_start3A_51 = tpu.memref_slice %arg5[%dma_start3A, %dma_start3A_50] : memref<80x128xi32, #tpu.memory_space<vmem>> -> memref<80x128xi32, #tpu.memory_space<vmem>>
        %dma_start3A_52 = arith.constant 0 : i32
        %dma_start3A_53 = tpu.memref_slice %arg2[%multiple_of3A, %dma_start3A_52] : memref<2500x128xi32, #tpu.memory_space<hbm>> -> memref<80x128xi32, #tpu.memory_space<hbm>>
        %dma_start3A_54 = arith.constant 0 : i32
        %dma_start3A_55 = arith.constant 0 : i32
        %dma_start3A_56 = tpu.memref_slice %arg5[%dma_start3A_54, %dma_start3A_55] : memref<80x128xi32, #tpu.memory_space<vmem>> -> memref<80x128xi32, #tpu.memory_space<vmem>>
        %dma_start3A_57 = arith.constant 0 : i32
        %dma_start3A_58 = tpu.memref_slice %arg2[%multiple_of3A, %dma_start3A_57] : memref<2500x128xi32, #tpu.memory_space<hbm>> -> memref<80x128xi32, #tpu.memory_space<hbm>>
        tpu.enqueue_dma source(%dma_start3A_58 : memref<80x128xi32, #tpu.memory_space<hbm>>) target(%dma_start3A_56 : memref<80x128xi32, #tpu.memory_space<vmem>>) target_semaphore(%run_scoped3A : memref<!tpu.dma_semaphore, #tpu.memory_space<semaphore_mem>>)
        %dma_wait3A = arith.constant 0 : i32
        %dma_wait3A_59 = arith.constant 0 : i32
        %dma_wait3A_60 = tpu.memref_slice %arg5[%dma_wait3A, %dma_wait3A_59] : memref<80x128xi32, #tpu.memory_space<vmem>> -> memref<80x128xi32, #tpu.memory_space<vmem>>
        %dma_wait3A_61 = arith.constant 0 : i32
        %dma_wait3A_62 = tpu.memref_slice %arg2[%multiple_of3A, %dma_wait3A_61] : memref<2500x128xi32, #tpu.memory_space<hbm>> -> memref<80x128xi32, #tpu.memory_space<hbm>>
        %dma_wait3A_63 = arith.constant 0 : i32
        %dma_wait3A_64 = arith.constant 0 : i32
        %dma_wait3A_65 = tpu.memref_slice %arg5[%dma_wait3A_63, %dma_wait3A_64] : memref<80x128xi32, #tpu.memory_space<vmem>> -> memref<80x128xi32, #tpu.memory_space<vmem>>
        %dma_wait3A_66 = arith.constant 0 : i32
        %dma_wait3A_67 = tpu.memref_slice %arg2[%multiple_of3A, %dma_wait3A_66] : memref<2500x128xi32, #tpu.memory_space<hbm>> -> memref<80x128xi32, #tpu.memory_space<hbm>>
        tpu.wait_dma2 semaphore(%run_scoped3A : memref<!tpu.dma_semaphore, #tpu.memory_space<semaphore_mem>>) src(%dma_wait3A_67 : memref<80x128xi32, #tpu.memory_space<hbm>>) dst(%dma_wait3A_65 : memref<80x128xi32, #tpu.memory_space<vmem>>)
        tpu.yield
      }) : () -> ()
      %mul3A_47 = arith.constant 128 : i32
      %mul3A_48 = arith.muli %multiple_of3A, %mul3A_47 : i32
      %multiple_of3A_49 = tpu.assume_multiple %mul3A_48, 8 : i32
      "tpu.region"() ({
        %run_scoped3A = tpu.sem_alloc : memref<!tpu.dma_semaphore, #tpu.memory_space<semaphore_mem>>
        %dma_start3A = arith.constant 0 : i32
        %dma_start3A_50 = tpu.memref_slice %arg6[%dma_start3A] : memref<10240xf32, #tpu.memory_space<vmem>> -> memref<10240xf32, #tpu.memory_space<vmem>>
        %dma_start3A_51 = tpu.memref_slice %arg3[%multiple_of3A_49] : memref<320000xf32, #tpu.memory_space<hbm>> -> memref<10240xf32, #tpu.memory_space<hbm>>
        %dma_start3A_52 = arith.constant 0 : i32
        %dma_start3A_53 = tpu.memref_slice %arg6[%dma_start3A_52] : memref<10240xf32, #tpu.memory_space<vmem>> -> memref<10240xf32, #tpu.memory_space<vmem>>
        %dma_start3A_54 = tpu.memref_slice %arg3[%multiple_of3A_49] : memref<320000xf32, #tpu.memory_space<hbm>> -> memref<10240xf32, #tpu.memory_space<hbm>>
        tpu.enqueue_dma source(%dma_start3A_54 : memref<10240xf32, #tpu.memory_space<hbm>>) target(%dma_start3A_53 : memref<10240xf32, #tpu.memory_space<vmem>>) target_semaphore(%run_scoped3A : memref<!tpu.dma_semaphore, #tpu.memory_space<semaphore_mem>>)
        %dma_wait3A = arith.constant 0 : i32
        %dma_wait3A_55 = tpu.memref_slice %arg6[%dma_wait3A] : memref<10240xf32, #tpu.memory_space<vmem>> -> memref<10240xf32, #tpu.memory_space<vmem>>
        %dma_wait3A_56 = tpu.memref_slice %arg3[%multiple_of3A_49] : memref<320000xf32, #tpu.memory_space<hbm>> -> memref<10240xf32, #tpu.memory_space<hbm>>
        %dma_wait3A_57 = arith.constant 0 : i32
        %dma_wait3A_58 = tpu.memref_slice %arg6[%dma_wait3A_57] : memref<10240xf32, #tpu.memory_space<vmem>> -> memref<10240xf32, #tpu.memory_space<vmem>>
        %dma_wait3A_59 = tpu.memref_slice %arg3[%multiple_of3A_49] : memref<320000xf32, #tpu.memory_space<hbm>> -> memref<10240xf32, #tpu.memory_space<hbm>>
        tpu.wait_dma2 semaphore(%run_scoped3A : memref<!tpu.dma_semaphore, #tpu.memory_space<semaphore_mem>>) src(%dma_wait3A_59 : memref<10240xf32, #tpu.memory_space<hbm>>) dst(%dma_wait3A_58 : memref<10240xf32, #tpu.memory_space<vmem>>)
        tpu.yield
      }) : () -> ()
    } else {
    }
    %ge3A = arith.constant 24 : i32
    %ge3A_7 = arith.cmpi sge, %add3A, %ge3A : i32
    %convert_element_type3A_8 = arith.extui %ge3A_7 : i1 to i32
    %cond3A_9 = arith.constant 0 : i32
    %cond3A_10 = arith.cmpi ne, %convert_element_type3A_8, %cond3A_9 : i32
    scf.if %cond3A_10 {
      %mul3A_45 = arith.constant 72 : i32
      %mul3A_46 = arith.muli %mul3A_45, %add3A : i32
      %add3A_47 = arith.constant 192 : i32
      %add3A_48 = arith.addi %mul3A_46, %add3A_47 : i32
      %multiple_of3A = tpu.assume_multiple %add3A_48, 8 : i32
      "tpu.region"() ({
        %run_scoped3A = tpu.sem_alloc : memref<!tpu.dma_semaphore, #tpu.memory_space<semaphore_mem>>
        %dma_start3A = arith.constant 0 : i32
        %dma_start3A_52 = arith.constant 0 : i32
        %dma_start3A_53 = tpu.memref_slice %arg5[%dma_start3A, %dma_start3A_52] : memref<80x128xi32, #tpu.memory_space<vmem>> -> memref<72x128xi32, #tpu.memory_space<vmem>>
        %dma_start3A_54 = arith.constant 0 : i32
        %dma_start3A_55 = tpu.memref_slice %arg2[%multiple_of3A, %dma_start3A_54] : memref<2500x128xi32, #tpu.memory_space<hbm>> -> memref<72x128xi32, #tpu.memory_space<hbm>>
        %dma_start3A_56 = arith.constant 0 : i32
        %dma_start3A_57 = arith.constant 0 : i32
        %dma_start3A_58 = tpu.memref_slice %arg5[%dma_start3A_56, %dma_start3A_57] : memref<80x128xi32, #tpu.memory_space<vmem>> -> memref<72x128xi32, #tpu.memory_space<vmem>>
        %dma_start3A_59 = arith.constant 0 : i32
        %dma_start3A_60 = tpu.memref_slice %arg2[%multiple_of3A, %dma_start3A_59] : memref<2500x128xi32, #tpu.memory_space<hbm>> -> memref<72x128xi32, #tpu.memory_space<hbm>>
        tpu.enqueue_dma source(%dma_start3A_60 : memref<72x128xi32, #tpu.memory_space<hbm>>) target(%dma_start3A_58 : memref<72x128xi32, #tpu.memory_space<vmem>>) target_semaphore(%run_scoped3A : memref<!tpu.dma_semaphore, #tpu.memory_space<semaphore_mem>>)
        %dma_wait3A = arith.constant 0 : i32
        %dma_wait3A_61 = arith.constant 0 : i32
        %dma_wait3A_62 = tpu.memref_slice %arg5[%dma_wait3A, %dma_wait3A_61] : memref<80x128xi32, #tpu.memory_space<vmem>> -> memref<72x128xi32, #tpu.memory_space<vmem>>
        %dma_wait3A_63 = arith.constant 0 : i32
        %dma_wait3A_64 = tpu.memref_slice %arg2[%multiple_of3A, %dma_wait3A_63] : memref<2500x128xi32, #tpu.memory_space<hbm>> -> memref<72x128xi32, #tpu.memory_space<hbm>>
        %dma_wait3A_65 = arith.constant 0 : i32
        %dma_wait3A_66 = arith.constant 0 : i32
        %dma_wait3A_67 = tpu.memref_slice %arg5[%dma_wait3A_65, %dma_wait3A_66] : memref<80x128xi32, #tpu.memory_space<vmem>> -> memref<72x128xi32, #tpu.memory_space<vmem>>
        %dma_wait3A_68 = arith.constant 0 : i32
        %dma_wait3A_69 = tpu.memref_slice %arg2[%multiple_of3A, %dma_wait3A_68] : memref<2500x128xi32, #tpu.memory_space<hbm>> -> memref<72x128xi32, #tpu.memory_space<hbm>>
        tpu.wait_dma2 semaphore(%run_scoped3A : memref<!tpu.dma_semaphore, #tpu.memory_space<semaphore_mem>>) src(%dma_wait3A_69 : memref<72x128xi32, #tpu.memory_space<hbm>>) dst(%dma_wait3A_67 : memref<72x128xi32, #tpu.memory_space<vmem>>)
        tpu.yield
      }) : () -> ()
      %mul3A_49 = arith.constant 128 : i32
      %mul3A_50 = arith.muli %multiple_of3A, %mul3A_49 : i32
      %multiple_of3A_51 = tpu.assume_multiple %mul3A_50, 8 : i32
      "tpu.region"() ({
        %run_scoped3A = tpu.sem_alloc : memref<!tpu.dma_semaphore, #tpu.memory_space<semaphore_mem>>
        %dma_start3A = arith.constant 0 : i32
        %dma_start3A_52 = tpu.memref_slice %arg6[%dma_start3A] : memref<10240xf32, #tpu.memory_space<vmem>> -> memref<9216xf32, #tpu.memory_space<vmem>>
        %dma_start3A_53 = tpu.memref_slice %arg3[%multiple_of3A_51] : memref<320000xf32, #tpu.memory_space<hbm>> -> memref<9216xf32, #tpu.memory_space<hbm>>
        %dma_start3A_54 = arith.constant 0 : i32
        %dma_start3A_55 = tpu.memref_slice %arg6[%dma_start3A_54] : memref<10240xf32, #tpu.memory_space<vmem>> -> memref<9216xf32, #tpu.memory_space<vmem>>
        %dma_start3A_56 = tpu.memref_slice %arg3[%multiple_of3A_51] : memref<320000xf32, #tpu.memory_space<hbm>> -> memref<9216xf32, #tpu.memory_space<hbm>>
        tpu.enqueue_dma source(%dma_start3A_56 : memref<9216xf32, #tpu.memory_space<hbm>>) target(%dma_start3A_55 : memref<9216xf32, #tpu.memory_space<vmem>>) target_semaphore(%run_scoped3A : memref<!tpu.dma_semaphore, #tpu.memory_space<semaphore_mem>>)
        %dma_wait3A = arith.constant 0 : i32
        %dma_wait3A_57 = tpu.memref_slice %arg6[%dma_wait3A] : memref<10240xf32, #tpu.memory_space<vmem>> -> memref<9216xf32, #tpu.memory_space<vmem>>
        %dma_wait3A_58 = tpu.memref_slice %arg3[%multiple_of3A_51] : memref<320000xf32, #tpu.memory_space<hbm>> -> memref<9216xf32, #tpu.memory_space<hbm>>
        %dma_wait3A_59 = arith.constant 0 : i32
        %dma_wait3A_60 = tpu.memref_slice %arg6[%dma_wait3A_59] : memref<10240xf32, #tpu.memory_space<vmem>> -> memref<9216xf32, #tpu.memory_space<vmem>>
        %dma_wait3A_61 = tpu.memref_slice %arg3[%multiple_of3A_51] : memref<320000xf32, #tpu.memory_space<hbm>> -> memref<9216xf32, #tpu.memory_space<hbm>>
        tpu.wait_dma2 semaphore(%run_scoped3A : memref<!tpu.dma_semaphore, #tpu.memory_space<semaphore_mem>>) src(%dma_wait3A_61 : memref<9216xf32, #tpu.memory_space<hbm>>) dst(%dma_wait3A_60 : memref<9216xf32, #tpu.memory_space<vmem>>)
        tpu.yield
      }) : () -> ()
    } else {
    }
    %eq3A_11 = arith.constant 31 : i32
    %eq3A_12 = arith.cmpi eq, %add3A, %eq3A_11 : i32
    %convert_element_type3A_13 = arith.extui %eq3A_12 : i1 to i32
    %cond3A_14 = arith.constant 0 : i32
    %cond3A_15 = arith.cmpi ne, %convert_element_type3A_13, %cond3A_14 : i32
    scf.if %cond3A_15 {
      "tpu.region"() ({
        %run_scoped3A = tpu.sem_alloc : memref<!tpu.dma_semaphore, #tpu.memory_space<semaphore_mem>>
        %dma_start3A = arith.constant 72 : i32
        %dma_start3A_45 = arith.constant 0 : i32
        %dma_start3A_46 = tpu.memref_slice %arg5[%dma_start3A, %dma_start3A_45] : memref<80x128xi32, #tpu.memory_space<vmem>> -> memref<4x128xi32, #tpu.memory_space<vmem>>
        %dma_start3A_47 = arith.constant 2496 : i32
        %dma_start3A_48 = arith.constant 0 : i32
        %dma_start3A_49 = tpu.memref_slice %arg2[%dma_start3A_47, %dma_start3A_48] : memref<2500x128xi32, #tpu.memory_space<hbm>> -> memref<4x128xi32, #tpu.memory_space<hbm>>
        %dma_start3A_50 = arith.constant 72 : i32
        %dma_start3A_51 = arith.constant 0 : i32
        %dma_start3A_52 = tpu.memref_slice %arg5[%dma_start3A_50, %dma_start3A_51] : memref<80x128xi32, #tpu.memory_space<vmem>> -> memref<4x128xi32, #tpu.memory_space<vmem>>
        %dma_start3A_53 = arith.constant 2496 : i32
        %dma_start3A_54 = arith.constant 0 : i32
        %dma_start3A_55 = tpu.memref_slice %arg2[%dma_start3A_53, %dma_start3A_54] : memref<2500x128xi32, #tpu.memory_space<hbm>> -> memref<4x128xi32, #tpu.memory_space<hbm>>
        tpu.enqueue_dma source(%dma_start3A_55 : memref<4x128xi32, #tpu.memory_space<hbm>>) target(%dma_start3A_52 : memref<4x128xi32, #tpu.memory_space<vmem>>) target_semaphore(%run_scoped3A : memref<!tpu.dma_semaphore, #tpu.memory_space<semaphore_mem>>)
        %dma_wait3A = arith.constant 72 : i32
        %dma_wait3A_56 = arith.constant 0 : i32
        %dma_wait3A_57 = tpu.memref_slice %arg5[%dma_wait3A, %dma_wait3A_56] : memref<80x128xi32, #tpu.memory_space<vmem>> -> memref<4x128xi32, #tpu.memory_space<vmem>>
        %dma_wait3A_58 = arith.constant 2496 : i32
        %dma_wait3A_59 = arith.constant 0 : i32
        %dma_wait3A_60 = tpu.memref_slice %arg2[%dma_wait3A_58, %dma_wait3A_59] : memref<2500x128xi32, #tpu.memory_space<hbm>> -> memref<4x128xi32, #tpu.memory_space<hbm>>
        %dma_wait3A_61 = arith.constant 72 : i32
        %dma_wait3A_62 = arith.constant 0 : i32
        %dma_wait3A_63 = tpu.memref_slice %arg5[%dma_wait3A_61, %dma_wait3A_62] : memref<80x128xi32, #tpu.memory_space<vmem>> -> memref<4x128xi32, #tpu.memory_space<vmem>>
        %dma_wait3A_64 = arith.constant 2496 : i32
        %dma_wait3A_65 = arith.constant 0 : i32
        %dma_wait3A_66 = tpu.memref_slice %arg2[%dma_wait3A_64, %dma_wait3A_65] : memref<2500x128xi32, #tpu.memory_space<hbm>> -> memref<4x128xi32, #tpu.memory_space<hbm>>
        tpu.wait_dma2 semaphore(%run_scoped3A : memref<!tpu.dma_semaphore, #tpu.memory_space<semaphore_mem>>) src(%dma_wait3A_66 : memref<4x128xi32, #tpu.memory_space<hbm>>) dst(%dma_wait3A_63 : memref<4x128xi32, #tpu.memory_space<vmem>>)
        tpu.yield
      }) : () -> ()
      "tpu.region"() ({
        %run_scoped3A = tpu.sem_alloc : memref<!tpu.dma_semaphore, #tpu.memory_space<semaphore_mem>>
        %dma_start3A = arith.constant 9216 : i32
        %dma_start3A_45 = tpu.memref_slice %arg6[%dma_start3A] : memref<10240xf32, #tpu.memory_space<vmem>> -> memref<512xf32, #tpu.memory_space<vmem>>
        %dma_start3A_46 = arith.constant 319488 : i32
        %dma_start3A_47 = tpu.memref_slice %arg3[%dma_start3A_46] : memref<320000xf32, #tpu.memory_space<hbm>> -> memref<512xf32, #tpu.memory_space<hbm>>
        %dma_start3A_48 = arith.constant 9216 : i32
        %dma_start3A_49 = tpu.memref_slice %arg6[%dma_start3A_48] : memref<10240xf32, #tpu.memory_space<vmem>> -> memref<512xf32, #tpu.memory_space<vmem>>
        %dma_start3A_50 = arith.constant 319488 : i32
        %dma_start3A_51 = tpu.memref_slice %arg3[%dma_start3A_50] : memref<320000xf32, #tpu.memory_space<hbm>> -> memref<512xf32, #tpu.memory_space<hbm>>
        tpu.enqueue_dma source(%dma_start3A_51 : memref<512xf32, #tpu.memory_space<hbm>>) target(%dma_start3A_49 : memref<512xf32, #tpu.memory_space<vmem>>) target_semaphore(%run_scoped3A : memref<!tpu.dma_semaphore, #tpu.memory_space<semaphore_mem>>)
        %dma_wait3A = arith.constant 9216 : i32
        %dma_wait3A_52 = tpu.memref_slice %arg6[%dma_wait3A] : memref<10240xf32, #tpu.memory_space<vmem>> -> memref<512xf32, #tpu.memory_space<vmem>>
        %dma_wait3A_53 = arith.constant 319488 : i32
        %dma_wait3A_54 = tpu.memref_slice %arg3[%dma_wait3A_53] : memref<320000xf32, #tpu.memory_space<hbm>> -> memref<512xf32, #tpu.memory_space<hbm>>
        %dma_wait3A_55 = arith.constant 9216 : i32
        %dma_wait3A_56 = tpu.memref_slice %arg6[%dma_wait3A_55] : memref<10240xf32, #tpu.memory_space<vmem>> -> memref<512xf32, #tpu.memory_space<vmem>>
        %dma_wait3A_57 = arith.constant 319488 : i32
        %dma_wait3A_58 = tpu.memref_slice %arg3[%dma_wait3A_57] : memref<320000xf32, #tpu.memory_space<hbm>> -> memref<512xf32, #tpu.memory_space<hbm>>
        tpu.wait_dma2 semaphore(%run_scoped3A : memref<!tpu.dma_semaphore, #tpu.memory_space<semaphore_mem>>) src(%dma_wait3A_58 : memref<512xf32, #tpu.memory_space<hbm>>) dst(%dma_wait3A_56 : memref<512xf32, #tpu.memory_space<vmem>>)
        tpu.yield
      }) : () -> ()
    } else {
    }
    %lt3A_16 = arith.constant 24 : i32
    %lt3A_17 = arith.cmpi slt, %add3A, %lt3A_16 : i32
    %jit3A = arith.constant 80 : i32
    %jit3A_18 = arith.constant 72 : i32
    %select_n3A = arith.select %lt3A_17, %jit3A, %jit3A_18 : i32
    %eq3A_19 = arith.constant 31 : i32
    %eq3A_20 = arith.cmpi eq, %add3A, %eq3A_19 : i32
    %jit3A_21 = arith.constant 4 : i32
    %jit3A_22 = arith.constant 0 : i32
    %select_n3A_23 = arith.select %eq3A_20, %jit3A_21, %jit3A_22 : i32
    %add3A_24 = arith.addi %select_n3A, %select_n3A_23 : i32
    %scan3A = arith.constant 0 : i32
    %scan3A_25 = arith.constant 0 : i32
    %scan3A_26 = arith.constant 640 : i32
    %scan3A_27 = arith.addi %scan3A_25, %scan3A_26 : i32
    %scan3A_28 = arith.constant 1 : i32
    scf.for %scan3A_45 = %scan3A_25 to %scan3A_27 step %scan3A_28  : i32 {
      %mul3A_46 = arith.constant 16 : i32
      %mul3A_47 = arith.muli %scan3A_45, %mul3A_46 : i32
      %get3A = arith.index_cast %mul3A_47 : i32 to index
      %get3A_48 = tpu.vector_load %arg6[%get3A] {strides = array<i32>} : memref<10240xf32, #tpu.memory_space<vmem>>, vector<16xf32>,
      %get3A_49 = vector.shape_cast %get3A_48 : vector<16xf32> to vector<16xf32>
      %jit3A_50 = arith.constant -2.000000e+00 : f32
      %jit3A_51 = arith.constant 5.000000e+00 : f32
      %max3A = vector.broadcast %jit3A_50 : f32 to vector<16xf32>
      %max3A_52 = arith.maximumf %max3A, %get3A_49 : vector<16xf32>
      %min3A = vector.broadcast %jit3A_51 : f32 to vector<16xf32>
      %min3A_53 = arith.minimumf %min3A, %max3A_52 : vector<16xf32>
      %mul3A_54 = arith.constant 16 : i32
      %mul3A_55 = arith.muli %scan3A_45, %mul3A_54 : i32
      %swap3A = arith.index_cast %mul3A_55 : i32 to index
      %swap3A_56 = tpu.vector_load %arg6[%swap3A] {strides = array<i32>} : memref<10240xf32, #tpu.memory_space<vmem>>, vector<16xf32>,
      %swap3A_57 = vector.shape_cast %swap3A_56 : vector<16xf32> to vector<16xf32>
      %swap3A_58 = vector.shape_cast %min3A_53 : vector<16xf32> to vector<16xf32>
      tpu.vector_store %arg6[%swap3A], %swap3A_58 {strides = array<i32>} : memref<10240xf32, #tpu.memory_space<vmem>>, vector<16xf32>,
    }
    %scan3A_29 = arith.constant 640 : i32
    %barrier3A = arith.constant 0 : index
    tpu.barrier barrier_id(%barrier3A)
    %while3A = arith.constant 0 : i32
    %while3A_30 = arith.constant 0 : i32
    %while3A_31 = arith.subi %add3A_24, %while3A_30 : i32
    %while3A_32 = arith.addi %while3A_30, %while3A_31 : i32
    %while3A_33 = arith.constant 1 : i32
    %while3A_34 = arith.divsi %while3A_31, %while3A_33 : i32
    %while3A_35 = arith.muli %while3A_34, %while3A_33 : i32
    %while3A_36 = arith.addi %while3A_30, %while3A_35 : i32
    %while3A_37 = arith.constant 1 : i32
    scf.for %while3A_45 = %while3A_30 to %while3A_36 step %while3A_37  : i32 {
      %mul3A_46 = arith.constant 128 : i32
      %mul3A_47 = arith.muli %while3A_45, %mul3A_46 : i32
      "tpu.region"() ({
        %run_scoped3A = tpu.sem_alloc : memref<!tpu.dma_semaphore, #tpu.memory_space<semaphore_mem>>
        %dma_start3A = tpu.memref_slice %arg6[%mul3A_47] : memref<10240xf32, #tpu.memory_space<vmem>> -> memref<128xf32, #tpu.memory_space<vmem>>
        %dma_start3A_48 = arith.constant 0 : i32
        %dma_start3A_49 = tpu.memref_slice %arg5[%while3A_45, %dma_start3A_48] : memref<80x128xi32, #tpu.memory_space<vmem>> -> memref<1x128xi32, #tpu.memory_space<vmem>>
        %dma_start3A_50 = tpu.memref_squeeze %dma_start3A_49 : memref<1x128xi32, #tpu.memory_space<vmem>> -> memref<128xi32, #tpu.memory_space<vmem>>
        %dma_start3A_51 = arith.constant 0 : i32
        %dma_start3A_52 = tpu.memref_slice %arg8[%dma_start3A_51] : memref<10240xf32, #tpu.memory_space<vmem_shared>> -> memref<10240xf32, #tpu.memory_space<vmem_shared>>
        tpu.enqueue_indirect_dma source(%dma_start3A : memref<128xf32, #tpu.memory_space<vmem>>) target(%dma_start3A_52 : memref<10240xf32, #tpu.memory_space<vmem_shared>>) offsets(%dma_start3A_50 : memref<128xi32, #tpu.memory_space<vmem>>) semaphore(%run_scoped3A : memref<!tpu.dma_semaphore, #tpu.memory_space<semaphore_mem>>) {add = true}
        %dma_wait3A = tpu.memref_slice %arg6[%mul3A_47] : memref<10240xf32, #tpu.memory_space<vmem>> -> memref<128xf32, #tpu.memory_space<vmem>>
        %dma_wait3A_53 = arith.constant 0 : i32
        %dma_wait3A_54 = tpu.memref_slice %arg5[%while3A_45, %dma_wait3A_53] : memref<80x128xi32, #tpu.memory_space<vmem>> -> memref<1x128xi32, #tpu.memory_space<vmem>>
        %dma_wait3A_55 = tpu.memref_squeeze %dma_wait3A_54 : memref<1x128xi32, #tpu.memory_space<vmem>> -> memref<128xi32, #tpu.memory_space<vmem>>
        %dma_wait3A_56 = arith.constant 0 : i32
        %dma_wait3A_57 = tpu.memref_slice %arg8[%dma_wait3A_56] : memref<10240xf32, #tpu.memory_space<vmem_shared>> -> memref<10240xf32, #tpu.memory_space<vmem_shared>>
        tpu.wait_indirect_dma semaphore(%run_scoped3A : memref<!tpu.dma_semaphore, #tpu.memory_space<semaphore_mem>>) src(%dma_wait3A : memref<128xf32, #tpu.memory_space<vmem>>) dst(%dma_wait3A_57 : memref<10240xf32, #tpu.memory_space<vmem_shared>>)
        tpu.yield
      }) : () -> ()
    }
    %while3A_38 = arith.constant 1 : i32
    scf.for %while3A_45 = %while3A_36 to %while3A_32 step %while3A_38  : i32 {
      %mul3A_46 = arith.constant 128 : i32
      %mul3A_47 = arith.muli %while3A_45, %mul3A_46 : i32
      "tpu.region"() ({
        %run_scoped3A = tpu.sem_alloc : memref<!tpu.dma_semaphore, #tpu.memory_space<semaphore_mem>>
        %dma_start3A = tpu.memref_slice %arg6[%mul3A_47] : memref<10240xf32, #tpu.memory_space<vmem>> -> memref<128xf32, #tpu.memory_space<vmem>>
        %dma_start3A_48 = arith.constant 0 : i32
        %dma_start3A_49 = tpu.memref_slice %arg5[%while3A_45, %dma_start3A_48] : memref<80x128xi32, #tpu.memory_space<vmem>> -> memref<1x128xi32, #tpu.memory_space<vmem>>
        %dma_start3A_50 = tpu.memref_squeeze %dma_start3A_49 : memref<1x128xi32, #tpu.memory_space<vmem>> -> memref<128xi32, #tpu.memory_space<vmem>>
        %dma_start3A_51 = arith.constant 0 : i32
        %dma_start3A_52 = tpu.memref_slice %arg8[%dma_start3A_51] : memref<10240xf32, #tpu.memory_space<vmem_shared>> -> memref<10240xf32, #tpu.memory_space<vmem_shared>>
        tpu.enqueue_indirect_dma source(%dma_start3A : memref<128xf32, #tpu.memory_space<vmem>>) target(%dma_start3A_52 : memref<10240xf32, #tpu.memory_space<vmem_shared>>) offsets(%dma_start3A_50 : memref<128xi32, #tpu.memory_space<vmem>>) semaphore(%run_scoped3A : memref<!tpu.dma_semaphore, #tpu.memory_space<semaphore_mem>>) {add = true}
        %dma_wait3A = tpu.memref_slice %arg6[%mul3A_47] : memref<10240xf32, #tpu.memory_space<vmem>> -> memref<128xf32, #tpu.memory_space<vmem>>
        %dma_wait3A_53 = arith.constant 0 : i32
        %dma_wait3A_54 = tpu.memref_slice %arg5[%while3A_45, %dma_wait3A_53] : memref<80x128xi32, #tpu.memory_space<vmem>> -> memref<1x128xi32, #tpu.memory_space<vmem>>
        %dma_wait3A_55 = tpu.memref_squeeze %dma_wait3A_54 : memref<1x128xi32, #tpu.memory_space<vmem>> -> memref<128xi32, #tpu.memory_space<vmem>>
        %dma_wait3A_56 = arith.constant 0 : i32
        %dma_wait3A_57 = tpu.memref_slice %arg8[%dma_wait3A_56] : memref<10240xf32, #tpu.memory_space<vmem_shared>> -> memref<10240xf32, #tpu.memory_space<vmem_shared>>
        tpu.wait_indirect_dma semaphore(%run_scoped3A : memref<!tpu.dma_semaphore, #tpu.memory_space<semaphore_mem>>) src(%dma_wait3A : memref<128xf32, #tpu.memory_space<vmem>>) dst(%dma_wait3A_57 : memref<10240xf32, #tpu.memory_space<vmem_shared>>)
        tpu.yield
      }) : () -> ()
    }
    %barrier3A_39 = arith.constant 0 : index
    tpu.barrier barrier_id(%barrier3A_39)
    %eq3A_40 = arith.constant 0 : i32
    %eq3A_41 = arith.cmpi eq, %arg1, %eq3A_40 : i32
    %convert_element_type3A_42 = arith.extui %eq3A_41 : i1 to i32
    %cond3A_43 = arith.constant 0 : i32
    %cond3A_44 = arith.cmpi ne, %convert_element_type3A_42, %cond3A_43 : i32
    scf.if %cond3A_44 {
      "tpu.region"() ({
        %run_scoped3A = tpu.sem_alloc : memref<!tpu.dma_semaphore, #tpu.memory_space<semaphore_mem>>
        %dma_start3A = arith.constant 0 : i32
        %dma_start3A_69 = tpu.memref_slice %arg8[%dma_start3A] : memref<10240xf32, #tpu.memory_space<vmem_shared>> -> memref<2048xf32, #tpu.memory_space<vmem_shared>>
        %dma_start3A_70 = arith.constant 0 : i32
        %dma_start3A_71 = tpu.memref_slice %arg8[%dma_start3A_70] : memref<10240xf32, #tpu.memory_space<vmem_shared>> -> memref<2048xf32, #tpu.memory_space<vmem_shared>>
        tpu.enqueue_dma source(%dma_start3A_71 : memref<2048xf32, #tpu.memory_space<vmem_shared>>) target(%arg7 : memref<2048xf32, #tpu.memory_space<vmem>>) target_semaphore(%run_scoped3A : memref<!tpu.dma_semaphore, #tpu.memory_space<semaphore_mem>>)
        %dma_wait3A = arith.constant 0 : i32
        %dma_wait3A_72 = tpu.memref_slice %arg8[%dma_wait3A] : memref<10240xf32, #tpu.memory_space<vmem_shared>> -> memref<2048xf32, #tpu.memory_space<vmem_shared>>
        %dma_wait3A_73 = arith.constant 0 : i32
        %dma_wait3A_74 = tpu.memref_slice %arg8[%dma_wait3A_73] : memref<10240xf32, #tpu.memory_space<vmem_shared>> -> memref<2048xf32, #tpu.memory_space<vmem_shared>>
        tpu.wait_dma2 semaphore(%run_scoped3A : memref<!tpu.dma_semaphore, #tpu.memory_space<semaphore_mem>>) src(%dma_wait3A_74 : memref<2048xf32, #tpu.memory_space<vmem_shared>>) dst(%arg7 : memref<2048xf32, #tpu.memory_space<vmem>>)
        tpu.yield
      }) : () -> ()
      %mul3A_45 = arith.constant 10240 : i32
      %mul3A_46 = arith.muli %arg0, %mul3A_45 : i32
      %add3A_47 = arith.constant 0 : i32
      %add3A_48 = arith.addi %mul3A_46, %add3A_47 : i32
      %multiple_of3A = tpu.assume_multiple %add3A_48, 8 : i32
      "tpu.region"() ({
        %run_scoped3A = tpu.sem_alloc : memref<!tpu.dma_semaphore, #tpu.memory_space<semaphore_mem>>
        %dma_start3A = tpu.memref_slice %arg4[%multiple_of3A] : memref<20480xf32, #tpu.memory_space<hbm>> -> memref<2048xf32, #tpu.memory_space<hbm>>
        %dma_start3A_69 = tpu.memref_slice %arg4[%multiple_of3A] : memref<20480xf32, #tpu.memory_space<hbm>> -> memref<2048xf32, #tpu.memory_space<hbm>>
        tpu.enqueue_dma source(%arg7 : memref<2048xf32, #tpu.memory_space<vmem>>) target(%dma_start3A_69 : memref<2048xf32, #tpu.memory_space<hbm>>) target_semaphore(%run_scoped3A : memref<!tpu.dma_semaphore, #tpu.memory_space<semaphore_mem>>)
        %dma_wait3A = tpu.memref_slice %arg4[%multiple_of3A] : memref<20480xf32, #tpu.memory_space<hbm>> -> memref<2048xf32, #tpu.memory_space<hbm>>
        %dma_wait3A_70 = tpu.memref_slice %arg4[%multiple_of3A] : memref<20480xf32, #tpu.memory_space<hbm>> -> memref<2048xf32, #tpu.memory_space<hbm>>
        tpu.wait_dma2 semaphore(%run_scoped3A : memref<!tpu.dma_semaphore, #tpu.memory_space<semaphore_mem>>) src(%arg7 : memref<2048xf32, #tpu.memory_space<vmem>>) dst(%dma_wait3A_70 : memref<2048xf32, #tpu.memory_space<hbm>>)
        tpu.yield
      }) : () -> ()
      "tpu.region"() ({
        %run_scoped3A = tpu.sem_alloc : memref<!tpu.dma_semaphore, #tpu.memory_space<semaphore_mem>>
        %dma_start3A = arith.constant 2048 : i32
        %dma_start3A_69 = tpu.memref_slice %arg8[%dma_start3A] : memref<10240xf32, #tpu.memory_space<vmem_shared>> -> memref<2048xf32, #tpu.memory_space<vmem_shared>>
        %dma_start3A_70 = arith.constant 2048 : i32
        %dma_start3A_71 = tpu.memref_slice %arg8[%dma_start3A_70] : memref<10240xf32, #tpu.memory_space<vmem_shared>> -> memref<2048xf32, #tpu.memory_space<vmem_shared>>
        tpu.enqueue_dma source(%dma_start3A_71 : memref<2048xf32, #tpu.memory_space<vmem_shared>>) target(%arg7 : memref<2048xf32, #tpu.memory_space<vmem>>) target_semaphore(%run_scoped3A : memref<!tpu.dma_semaphore, #tpu.memory_space<semaphore_mem>>)
        %dma_wait3A = arith.constant 2048 : i32
        %dma_wait3A_72 = tpu.memref_slice %arg8[%dma_wait3A] : memref<10240xf32, #tpu.memory_space<vmem_shared>> -> memref<2048xf32, #tpu.memory_space<vmem_shared>>
        %dma_wait3A_73 = arith.constant 2048 : i32
        %dma_wait3A_74 = tpu.memref_slice %arg8[%dma_wait3A_73] : memref<10240xf32, #tpu.memory_space<vmem_shared>> -> memref<2048xf32, #tpu.memory_space<vmem_shared>>
        tpu.wait_dma2 semaphore(%run_scoped3A : memref<!tpu.dma_semaphore, #tpu.memory_space<semaphore_mem>>) src(%dma_wait3A_74 : memref<2048xf32, #tpu.memory_space<vmem_shared>>) dst(%arg7 : memref<2048xf32, #tpu.memory_space<vmem>>)
        tpu.yield
      }) : () -> ()
      %mul3A_49 = arith.constant 10240 : i32
      %mul3A_50 = arith.muli %arg0, %mul3A_49 : i32
      %add3A_51 = arith.constant 2048 : i32
      %add3A_52 = arith.addi %mul3A_50, %add3A_51 : i32
      %multiple_of3A_53 = tpu.assume_multiple %add3A_52, 8 : i32
      "tpu.region"() ({
        %run_scoped3A = tpu.sem_alloc : memref<!tpu.dma_semaphore, #tpu.memory_space<semaphore_mem>>
        %dma_start3A = tpu.memref_slice %arg4[%multiple_of3A_53] : memref<20480xf32, #tpu.memory_space<hbm>> -> memref<2048xf32, #tpu.memory_space<hbm>>
        %dma_start3A_69 = tpu.memref_slice %arg4[%multiple_of3A_53] : memref<20480xf32, #tpu.memory_space<hbm>> -> memref<2048xf32, #tpu.memory_space<hbm>>
        tpu.enqueue_dma source(%arg7 : memref<2048xf32, #tpu.memory_space<vmem>>) target(%dma_start3A_69 : memref<2048xf32, #tpu.memory_space<hbm>>) target_semaphore(%run_scoped3A : memref<!tpu.dma_semaphore, #tpu.memory_space<semaphore_mem>>)
        %dma_wait3A = tpu.memref_slice %arg4[%multiple_of3A_53] : memref<20480xf32, #tpu.memory_space<hbm>> -> memref<2048xf32, #tpu.memory_space<hbm>>
        %dma_wait3A_70 = tpu.memref_slice %arg4[%multiple_of3A_53] : memref<20480xf32, #tpu.memory_space<hbm>> -> memref<2048xf32, #tpu.memory_space<hbm>>
        tpu.wait_dma2 semaphore(%run_scoped3A : memref<!tpu.dma_semaphore, #tpu.memory_space<semaphore_mem>>) src(%arg7 : memref<2048xf32, #tpu.memory_space<vmem>>) dst(%dma_wait3A_70 : memref<2048xf32, #tpu.memory_space<hbm>>)
        tpu.yield
      }) : () -> ()
      "tpu.region"() ({
        %run_scoped3A = tpu.sem_alloc : memref<!tpu.dma_semaphore, #tpu.memory_space<semaphore_mem>>
        %dma_start3A = arith.constant 4096 : i32
        %dma_start3A_69 = tpu.memref_slice %arg8[%dma_start3A] : memref<10240xf32, #tpu.memory_space<vmem_shared>> -> memref<2048xf32, #tpu.memory_space<vmem_shared>>
        %dma_start3A_70 = arith.constant 4096 : i32
        %dma_start3A_71 = tpu.memref_slice %arg8[%dma_start3A_70] : memref<10240xf32, #tpu.memory_space<vmem_shared>> -> memref<2048xf32, #tpu.memory_space<vmem_shared>>
        tpu.enqueue_dma source(%dma_start3A_71 : memref<2048xf32, #tpu.memory_space<vmem_shared>>) target(%arg7 : memref<2048xf32, #tpu.memory_space<vmem>>) target_semaphore(%run_scoped3A : memref<!tpu.dma_semaphore, #tpu.memory_space<semaphore_mem>>)
        %dma_wait3A = arith.constant 4096 : i32
        %dma_wait3A_72 = tpu.memref_slice %arg8[%dma_wait3A] : memref<10240xf32, #tpu.memory_space<vmem_shared>> -> memref<2048xf32, #tpu.memory_space<vmem_shared>>
        %dma_wait3A_73 = arith.constant 4096 : i32
        %dma_wait3A_74 = tpu.memref_slice %arg8[%dma_wait3A_73] : memref<10240xf32, #tpu.memory_space<vmem_shared>> -> memref<2048xf32, #tpu.memory_space<vmem_shared>>
        tpu.wait_dma2 semaphore(%run_scoped3A : memref<!tpu.dma_semaphore, #tpu.memory_space<semaphore_mem>>) src(%dma_wait3A_74 : memref<2048xf32, #tpu.memory_space<vmem_shared>>) dst(%arg7 : memref<2048xf32, #tpu.memory_space<vmem>>)
        tpu.yield
      }) : () -> ()
      %mul3A_54 = arith.constant 10240 : i32
      %mul3A_55 = arith.muli %arg0, %mul3A_54 : i32
      %add3A_56 = arith.constant 4096 : i32
      %add3A_57 = arith.addi %mul3A_55, %add3A_56 : i32
      %multiple_of3A_58 = tpu.assume_multiple %add3A_57, 8 : i32
      "tpu.region"() ({
        %run_scoped3A = tpu.sem_alloc : memref<!tpu.dma_semaphore, #tpu.memory_space<semaphore_mem>>
        %dma_start3A = tpu.memref_slice %arg4[%multiple_of3A_58] : memref<20480xf32, #tpu.memory_space<hbm>> -> memref<2048xf32, #tpu.memory_space<hbm>>
        %dma_start3A_69 = tpu.memref_slice %arg4[%multiple_of3A_58] : memref<20480xf32, #tpu.memory_space<hbm>> -> memref<2048xf32, #tpu.memory_space<hbm>>
        tpu.enqueue_dma source(%arg7 : memref<2048xf32, #tpu.memory_space<vmem>>) target(%dma_start3A_69 : memref<2048xf32, #tpu.memory_space<hbm>>) target_semaphore(%run_scoped3A : memref<!tpu.dma_semaphore, #tpu.memory_space<semaphore_mem>>)
        %dma_wait3A = tpu.memref_slice %arg4[%multiple_of3A_58] : memref<20480xf32, #tpu.memory_space<hbm>> -> memref<2048xf32, #tpu.memory_space<hbm>>
        %dma_wait3A_70 = tpu.memref_slice %arg4[%multiple_of3A_58] : memref<20480xf32, #tpu.memory_space<hbm>> -> memref<2048xf32, #tpu.memory_space<hbm>>
        tpu.wait_dma2 semaphore(%run_scoped3A : memref<!tpu.dma_semaphore, #tpu.memory_space<semaphore_mem>>) src(%arg7 : memref<2048xf32, #tpu.memory_space<vmem>>) dst(%dma_wait3A_70 : memref<2048xf32, #tpu.memory_space<hbm>>)
        tpu.yield
      }) : () -> ()
      "tpu.region"() ({
        %run_scoped3A = tpu.sem_alloc : memref<!tpu.dma_semaphore, #tpu.memory_space<semaphore_mem>>
        %dma_start3A = arith.constant 6144 : i32
        %dma_start3A_69 = tpu.memref_slice %arg8[%dma_start3A] : memref<10240xf32, #tpu.memory_space<vmem_shared>> -> memref<2048xf32, #tpu.memory_space<vmem_shared>>
        %dma_start3A_70 = arith.constant 6144 : i32
        %dma_start3A_71 = tpu.memref_slice %arg8[%dma_start3A_70] : memref<10240xf32, #tpu.memory_space<vmem_shared>> -> memref<2048xf32, #tpu.memory_space<vmem_shared>>
        tpu.enqueue_dma source(%dma_start3A_71 : memref<2048xf32, #tpu.memory_space<vmem_shared>>) target(%arg7 : memref<2048xf32, #tpu.memory_space<vmem>>) target_semaphore(%run_scoped3A : memref<!tpu.dma_semaphore, #tpu.memory_space<semaphore_mem>>)
        %dma_wait3A = arith.constant 6144 : i32
        %dma_wait3A_72 = tpu.memref_slice %arg8[%dma_wait3A] : memref<10240xf32, #tpu.memory_space<vmem_shared>> -> memref<2048xf32, #tpu.memory_space<vmem_shared>>
        %dma_wait3A_73 = arith.constant 6144 : i32
        %dma_wait3A_74 = tpu.memref_slice %arg8[%dma_wait3A_73] : memref<10240xf32, #tpu.memory_space<vmem_shared>> -> memref<2048xf32, #tpu.memory_space<vmem_shared>>
        tpu.wait_dma2 semaphore(%run_scoped3A : memref<!tpu.dma_semaphore, #tpu.memory_space<semaphore_mem>>) src(%dma_wait3A_74 : memref<2048xf32, #tpu.memory_space<vmem_shared>>) dst(%arg7 : memref<2048xf32, #tpu.memory_space<vmem>>)
        tpu.yield
      }) : () -> ()
      %mul3A_59 = arith.constant 10240 : i32
      %mul3A_60 = arith.muli %arg0, %mul3A_59 : i32
      %add3A_61 = arith.constant 6144 : i32
      %add3A_62 = arith.addi %mul3A_60, %add3A_61 : i32
      %multiple_of3A_63 = tpu.assume_multiple %add3A_62, 8 : i32
      "tpu.region"() ({
        %run_scoped3A = tpu.sem_alloc : memref<!tpu.dma_semaphore, #tpu.memory_space<semaphore_mem>>
        %dma_start3A = tpu.memref_slice %arg4[%multiple_of3A_63] : memref<20480xf32, #tpu.memory_space<hbm>> -> memref<2048xf32, #tpu.memory_space<hbm>>
        %dma_start3A_69 = tpu.memref_slice %arg4[%multiple_of3A_63] : memref<20480xf32, #tpu.memory_space<hbm>> -> memref<2048xf32, #tpu.memory_space<hbm>>
        tpu.enqueue_dma source(%arg7 : memref<2048xf32, #tpu.memory_space<vmem>>) target(%dma_start3A_69 : memref<2048xf32, #tpu.memory_space<hbm>>) target_semaphore(%run_scoped3A : memref<!tpu.dma_semaphore, #tpu.memory_space<semaphore_mem>>)
        %dma_wait3A = tpu.memref_slice %arg4[%multiple_of3A_63] : memref<20480xf32, #tpu.memory_space<hbm>> -> memref<2048xf32, #tpu.memory_space<hbm>>
        %dma_wait3A_70 = tpu.memref_slice %arg4[%multiple_of3A_63] : memref<20480xf32, #tpu.memory_space<hbm>> -> memref<2048xf32, #tpu.memory_space<hbm>>
        tpu.wait_dma2 semaphore(%run_scoped3A : memref<!tpu.dma_semaphore, #tpu.memory_space<semaphore_mem>>) src(%arg7 : memref<2048xf32, #tpu.memory_space<vmem>>) dst(%dma_wait3A_70 : memref<2048xf32, #tpu.memory_space<hbm>>)
        tpu.yield
      }) : () -> ()
      "tpu.region"() ({
        %run_scoped3A = tpu.sem_alloc : memref<!tpu.dma_semaphore, #tpu.memory_space<semaphore_mem>>
        %dma_start3A = arith.constant 8192 : i32
        %dma_start3A_69 = tpu.memref_slice %arg8[%dma_start3A] : memref<10240xf32, #tpu.memory_space<vmem_shared>> -> memref<2048xf32, #tpu.memory_space<vmem_shared>>
        %dma_start3A_70 = arith.constant 8192 : i32
        %dma_start3A_71 = tpu.memref_slice %arg8[%dma_start3A_70] : memref<10240xf32, #tpu.memory_space<vmem_shared>> -> memref<2048xf32, #tpu.memory_space<vmem_shared>>
        tpu.enqueue_dma source(%dma_start3A_71 : memref<2048xf32, #tpu.memory_space<vmem_shared>>) target(%arg7 : memref<2048xf32, #tpu.memory_space<vmem>>) target_semaphore(%run_scoped3A : memref<!tpu.dma_semaphore, #tpu.memory_space<semaphore_mem>>)
        %dma_wait3A = arith.constant 8192 : i32
        %dma_wait3A_72 = tpu.memref_slice %arg8[%dma_wait3A] : memref<10240xf32, #tpu.memory_space<vmem_shared>> -> memref<2048xf32, #tpu.memory_space<vmem_shared>>
        %dma_wait3A_73 = arith.constant 8192 : i32
        %dma_wait3A_74 = tpu.memref_slice %arg8[%dma_wait3A_73] : memref<10240xf32, #tpu.memory_space<vmem_shared>> -> memref<2048xf32, #tpu.memory_space<vmem_shared>>
        tpu.wait_dma2 semaphore(%run_scoped3A : memref<!tpu.dma_semaphore, #tpu.memory_space<semaphore_mem>>) src(%dma_wait3A_74 : memref<2048xf32, #tpu.memory_space<vmem_shared>>) dst(%arg7 : memref<2048xf32, #tpu.memory_space<vmem>>)
        tpu.yield
      }) : () -> ()
      %mul3A_64 = arith.constant 10240 : i32
      %mul3A_65 = arith.muli %arg0, %mul3A_64 : i32
      %add3A_66 = arith.constant 8192 : i32
      %add3A_67 = arith.addi %mul3A_65, %add3A_66 : i32
      %multiple_of3A_68 = tpu.assume_multiple %add3A_67, 8 : i32
      "tpu.region"() ({
        %run_scoped3A = tpu.sem_alloc : memref<!tpu.dma_semaphore, #tpu.memory_space<semaphore_mem>>
        %dma_start3A = tpu.memref_slice %arg4[%multiple_of3A_68] : memref<20480xf32, #tpu.memory_space<hbm>> -> memref<2048xf32, #tpu.memory_space<hbm>>
        %dma_start3A_69 = tpu.memref_slice %arg4[%multiple_of3A_68] : memref<20480xf32, #tpu.memory_space<hbm>> -> memref<2048xf32, #tpu.memory_space<hbm>>
        tpu.enqueue_dma source(%arg7 : memref<2048xf32, #tpu.memory_space<vmem>>) target(%dma_start3A_69 : memref<2048xf32, #tpu.memory_space<hbm>>) target_semaphore(%run_scoped3A : memref<!tpu.dma_semaphore, #tpu.memory_space<semaphore_mem>>)
        %dma_wait3A = tpu.memref_slice %arg4[%multiple_of3A_68] : memref<20480xf32, #tpu.memory_space<hbm>> -> memref<2048xf32, #tpu.memory_space<hbm>>
        %dma_wait3A_70 = tpu.memref_slice %arg4[%multiple_of3A_68] : memref<20480xf32, #tpu.memory_space<hbm>> -> memref<2048xf32, #tpu.memory_space<hbm>>
        tpu.wait_dma2 semaphore(%run_scoped3A : memref<!tpu.dma_semaphore, #tpu.memory_space<semaphore_mem>>) src(%arg7 : memref<2048xf32, #tpu.memory_space<vmem>>) dst(%dma_wait3A_70 : memref<2048xf32, #tpu.memory_space<hbm>>)
        tpu.yield
      }) : () -> ()
    } else {
    }
    return
  }
}

module attributes {stable_mosaic.version = 14 : i64} {
  func.func @body(%arg0: i32, %arg1: memref<512x128xf32, #tpu.memory_space<vmem>>, %arg2: memref<128x128xf32, #tpu.memory_space<vmem>>, %arg3: memref<512x128xf32, #tpu.memory_space<vmem>>) attributes {dimension_semantics = [#tpu.dimension_semantics<arbitrary>], iteration_bounds = array<i64: 20>, scalar_prefetch = 0 : i64, scratch_operands = 0 : i64, tpu.core_type = #tpu.core_type<tc>, window_params = [{transform_indices = @transform_0, window_bounds = array<i64: 512, 128>}, {pipeline_mode = #tpu.pipeline_mode<synchronous>, transform_indices = @transform_1, window_bounds = array<i64: 128, 128>}, {transform_indices = @transform_2, window_bounds = array<i64: 512, 128>}]} {
    %get3A = arith.constant 0 : index
    %get3A_0 = arith.constant 0 : index
    %get3A_1 = vector.load %arg1[%get3A, %get3A_0] : memref<512x128xf32, #tpu.memory_space<vmem>>, vector<512x128xf32>
    %get3A_2 = arith.constant 0 : index
    %get3A_3 = arith.constant 0 : index
    %get3A_4 = vector.load %arg2[%get3A_2, %get3A_3] : memref<128x128xf32, #tpu.memory_space<vmem>>, vector<128x128xf32>
    %dot_general3A = arith.constant dense<0.000000e+00> : vector<512x128xf32>
    %dot_general3A_5 = tpu.matmul %get3A_1, %get3A_4, %dot_general3A {dimension_numbers = #tpu.dot_dimension_numbers<[1], [1], [0], [0], [0, 0, 1, 0], [], []>, precision = #tpu.contract_precision<fp32>, transpose_lhs_hint = false} : vector<512x128xf32>, vector<128x128xf32>, vector<512x128xf32> -> vector<512x128xf32>
    %swap3A = arith.constant 0 : index
    %swap3A_6 = arith.constant 0 : index
    %swap3A_7 = vector.load %arg3[%swap3A, %swap3A_6] : memref<512x128xf32, #tpu.memory_space<vmem>>, vector<512x128xf32>
    tpu.vector_store %arg3[%swap3A, %swap3A_6], %dot_general3A_5 {strides = array<i32>} : memref<512x128xf32, #tpu.memory_space<vmem>>, vector<512x128xf32>,
    return
  }
  func.func @transform_0(%arg0: i32) -> (i32, i32) {
    %c0_i32 = arith.constant 0 : i32
    %c0_i32_0 = arith.constant 0 : i32
    return %arg0, %c0_i32 : i32, i32
  }
  func.func @transform_1(%arg0: i32) -> (i32, i32) {
    %c0_i32 = arith.constant 0 : i32
    %c0_i32_0 = arith.constant 0 : i32
    %c0_i32_1 = arith.constant 0 : i32
    return %c0_i32, %c0_i32_0 : i32, i32
  }
  func.func @transform_2(%arg0: i32) -> (i32, i32) {
    %c0_i32 = arith.constant 0 : i32
    %c0_i32_0 = arith.constant 0 : i32
    return %arg0, %c0_i32 : i32, i32
  }
}

module attributes {stable_mosaic.version = 14 : i64} {
  func.func @body(%arg0: i32, %arg1: memref<2x512xf32, #tpu.memory_space<vmem>>, %arg2: memref<512x128xf32, #tpu.memory_space<vmem>>, %arg3: memref<512x128xf32, #tpu.memory_space<vmem>>) attributes {dimension_semantics = [#tpu.dimension_semantics<arbitrary>], iteration_bounds = array<i64: 20>, scalar_prefetch = 0 : i64, scratch_operands = 0 : i64, tpu.core_type = #tpu.core_type<tc>, window_params = [{transform_indices = @transform_0, window_bounds = array<i64: 2, 512>}, {transform_indices = @transform_1, window_bounds = array<i64: 512, 128>}, {transform_indices = @transform_2, window_bounds = array<i64: 512, 128>}]} {
    %get3A = arith.constant 0 : index
    %get3A_0 = arith.constant 0 : index
    %get3A_1 = vector.load %arg1[%get3A, %get3A_0] : memref<2x512xf32, #tpu.memory_space<vmem>>, vector<2x512xf32>
    %reduce_sum3A = arith.constant dense<0.000000e+00> : vector<512xf32>
    %reduce_sum3A_2 = vector.multi_reduction <add>, %get3A_1, %reduce_sum3A [0] : vector<2x512xf32> to vector<512xf32>
    %add3A = arith.constant 1.000000e+00 : f32
    %add3A_3 = vector.broadcast %add3A : f32 to vector<512xf32>
    %add3A_4 = arith.addf %reduce_sum3A_2, %add3A_3 : vector<512xf32>
    %gt3A = arith.constant 0.000000e+00 : f32
    %gt3A_5 = vector.broadcast %gt3A : f32 to vector<512xf32>
    %gt3A_6 = arith.cmpf ogt, %add3A_4, %gt3A_5 : vector<512xf32>
    %rsqrt3A = math.rsqrt %add3A_4 : vector<512xf32>
    %jit3A = arith.constant 0.000000e+00 : f32
    %broadcast_in_dim3A = vector.broadcast %jit3A : f32 to vector<512xf32>
    %select_n3A = arith.select %gt3A_6, %rsqrt3A, %broadcast_in_dim3A : vector<512xi1>, vector<512xf32>
    %get3A_7 = arith.constant 0 : index
    %get3A_8 = arith.constant 0 : index
    %get3A_9 = vector.load %arg2[%get3A_7, %get3A_8] : memref<512x128xf32, #tpu.memory_space<vmem>>, vector<512x128xf32>
    %broadcast_in_dim3A_10 = vector.shape_cast %select_n3A : vector<512xf32> to vector<512x1xf32>
    %mul3A = vector.broadcast %broadcast_in_dim3A_10 : vector<512x1xf32> to vector<512x128xf32>
    %mul3A_11 = arith.mulf %get3A_9, %mul3A : vector<512x128xf32>
    %swap3A = arith.constant 0 : index
    %swap3A_12 = arith.constant 0 : index
    %swap3A_13 = vector.load %arg3[%swap3A, %swap3A_12] : memref<512x128xf32, #tpu.memory_space<vmem>>, vector<512x128xf32>
    tpu.vector_store %arg3[%swap3A, %swap3A_12], %mul3A_11 {strides = array<i32>} : memref<512x128xf32, #tpu.memory_space<vmem>>, vector<512x128xf32>,
    return
  }
  func.func @transform_0(%arg0: i32) -> (i32, i32) {
    %c0_i32 = arith.constant 0 : i32
    %c0_i32_0 = arith.constant 0 : i32
    return %c0_i32, %arg0 : i32, i32
  }
  func.func @transform_1(%arg0: i32) -> (i32, i32) {
    %c0_i32 = arith.constant 0 : i32
    %c0_i32_0 = arith.constant 0 : i32
    return %arg0, %c0_i32 : i32, i32
  }
  func.func @transform_2(%arg0: i32) -> (i32, i32) {
    %c0_i32 = arith.constant 0 : i32
    %c0_i32_0 = arith.constant 0 : i32
    return %arg0, %c0_i32 : i32, i32
  }
}

module attributes {stable_mosaic.version = 14 : i64} {
  func.func @body(%arg0: i32, %arg1: memref<2x512xf32, #tpu.memory_space<vmem>>, %arg2: memref<512x128xf32, #tpu.memory_space<vmem>>, %arg3: memref<2x512x128xf32, #tpu.memory_space<vmem>>, %arg4: memref<1x128xf32, #tpu.memory_space<vmem>>, %arg5: memref<512x128xf32, #tpu.memory_space<vmem>>) attributes {dimension_semantics = [#tpu.dimension_semantics<arbitrary>], iteration_bounds = array<i64: 20>, scalar_prefetch = 0 : i64, scratch_operands = 0 : i64, tpu.core_type = #tpu.core_type<tc>, window_params = [{transform_indices = @transform_0, window_bounds = array<i64: 2, 512>}, {transform_indices = @transform_1, window_bounds = array<i64: 512, 128>}, {transform_indices = @transform_2, window_bounds = array<i64: 2, 512, 128>}, {pipeline_mode = #tpu.pipeline_mode<synchronous>, transform_indices = @transform_3, window_bounds = array<i64: 1, 128>}, {transform_indices = @transform_4, window_bounds = array<i64: 512, 128>}]} {
    %get3A = arith.constant 0 : index
    %get3A_0 = arith.constant 0 : index
    %get3A_1 = vector.load %arg1[%get3A, %get3A_0] : memref<2x512xf32, #tpu.memory_space<vmem>>, vector<2x512xf32>
    %reduce_sum3A = arith.constant dense<0.000000e+00> : vector<512xf32>
    %reduce_sum3A_2 = vector.multi_reduction <add>, %get3A_1, %reduce_sum3A [0] : vector<2x512xf32> to vector<512xf32>
    %add3A = arith.constant 1.000000e+00 : f32
    %add3A_3 = vector.broadcast %add3A : f32 to vector<512xf32>
    %add3A_4 = arith.addf %reduce_sum3A_2, %add3A_3 : vector<512xf32>
    %gt3A = arith.constant 0.000000e+00 : f32
    %gt3A_5 = vector.broadcast %gt3A : f32 to vector<512xf32>
    %gt3A_6 = arith.cmpf ogt, %add3A_4, %gt3A_5 : vector<512xf32>
    %rsqrt3A = math.rsqrt %add3A_4 : vector<512xf32>
    %jit3A = arith.constant 0.000000e+00 : f32
    %broadcast_in_dim3A = vector.broadcast %jit3A : f32 to vector<512xf32>
    %select_n3A = arith.select %gt3A_6, %rsqrt3A, %broadcast_in_dim3A : vector<512xi1>, vector<512xf32>
    %get3A_7 = arith.constant 0 : index
    %get3A_8 = arith.constant 0 : index
    %get3A_9 = arith.constant 0 : index
    %get3A_10 = vector.load %arg3[%get3A_7, %get3A_8, %get3A_9] : memref<2x512x128xf32, #tpu.memory_space<vmem>>, vector<1x512x128xf32>
    %get3A_11 = vector.shape_cast %get3A_10 : vector<1x512x128xf32> to vector<512x128xf32>
    %get3A_12 = arith.constant 1 : index
    %get3A_13 = arith.constant 0 : index
    %get3A_14 = arith.constant 0 : index
    %get3A_15 = vector.load %arg3[%get3A_12, %get3A_13, %get3A_14] : memref<2x512x128xf32, #tpu.memory_space<vmem>>, vector<1x512x128xf32>
    %get3A_16 = vector.shape_cast %get3A_15 : vector<1x512x128xf32> to vector<512x128xf32>
    %add3A_17 = arith.addf %get3A_11, %get3A_16 : vector<512x128xf32>
    %get3A_18 = arith.constant 0 : index
    %get3A_19 = arith.constant 0 : index
    %get3A_20 = vector.load %arg2[%get3A_18, %get3A_19] : memref<512x128xf32, #tpu.memory_space<vmem>>, vector<512x128xf32>
    %add3A_21 = arith.addf %add3A_17, %get3A_20 : vector<512x128xf32>
    %broadcast_in_dim3A_22 = vector.shape_cast %select_n3A : vector<512xf32> to vector<512x1xf32>
    %mul3A = vector.broadcast %broadcast_in_dim3A_22 : vector<512x1xf32> to vector<512x128xf32>
    %mul3A_23 = arith.mulf %add3A_21, %mul3A : vector<512x128xf32>
    %get3A_24 = arith.constant 0 : index
    %get3A_25 = arith.constant 0 : index
    %get3A_26 = vector.load %arg4[%get3A_24, %get3A_25] : memref<1x128xf32, #tpu.memory_space<vmem>>, vector<1x128xf32>
    %add3A_27 = vector.broadcast %get3A_26 : vector<1x128xf32> to vector<512x128xf32>
    %add3A_28 = arith.addf %mul3A_23, %add3A_27 : vector<512x128xf32>
    %swap3A = arith.constant 0 : index
    %swap3A_29 = arith.constant 0 : index
    %swap3A_30 = vector.load %arg5[%swap3A, %swap3A_29] : memref<512x128xf32, #tpu.memory_space<vmem>>, vector<512x128xf32>
    tpu.vector_store %arg5[%swap3A, %swap3A_29], %add3A_28 {strides = array<i32>} : memref<512x128xf32, #tpu.memory_space<vmem>>, vector<512x128xf32>,
    return
  }
  func.func @transform_0(%arg0: i32) -> (i32, i32) {
    %c0_i32 = arith.constant 0 : i32
    %c0_i32_0 = arith.constant 0 : i32
    return %c0_i32, %arg0 : i32, i32
  }
  func.func @transform_1(%arg0: i32) -> (i32, i32) {
    %c0_i32 = arith.constant 0 : i32
    %c0_i32_0 = arith.constant 0 : i32
    return %arg0, %c0_i32 : i32, i32
  }
  func.func @transform_2(%arg0: i32) -> (i32, i32, i32) {
    %c0_i32 = arith.constant 0 : i32
    %c0_i32_0 = arith.constant 0 : i32
    %c0_i32_1 = arith.constant 0 : i32
    return %c0_i32, %arg0, %c0_i32_0 : i32, i32, i32
  }
  func.func @transform_3(%arg0: i32) -> (i32, i32) {
    %c0_i32 = arith.constant 0 : i32
    %c0_i32_0 = arith.constant 0 : i32
    %c0_i32_1 = arith.constant 0 : i32
    return %c0_i32, %c0_i32_0 : i32, i32
  }
  func.func @transform_4(%arg0: i32) -> (i32, i32) {
    %c0_i32 = arith.constant 0 : i32
    %c0_i32_0 = arith.constant 0 : i32
    return %arg0, %c0_i32 : i32, i32
  }
}

</mosaic_0001>

<sc_bundles>
// kernel: kernel.10.cloned.1.call-start
scs
__scs_entry_jumppad:
0x0: {  	(pc) =	sbr.rel $0x88, $3  }
0x1: {  	(tag) =	ssettag $0x0;
	lr =	simm.s32 $0x1  }
0x2: {  	[smem:$0x3F9C] =	sst lr;
	_ =	strace $0xD0000000  }
0x3: {  	_ = 	snop  }
0x4: {  	_ = 	snop  }
0x5: {  	_ = 	snop  }
0x6: {  	_ = 	snop  }
0x7: {  	_ = 	snop  }
__scs_overlays_trampoline_lowered:
0x8: {  	[smem:$0x3FAB] =	sst s0  }
0x9: {  	[smem:$0x3FAC] =	sst s1  }
0xa: {  	[smem:$0x3FAD] =	sst s2  }
0xb: {  	[smem:$0x3FAE] =	sst s3  }
0xc: {  	[smem:$0x3FAF] =	sst s4  }
0xd: {  	[smem:$0x3FB0] =	sst s5  }
0xe: {  	[smem:$0x3FB1] =	sst s6  }
0xf: {  	[smem:$0x3FB2] =	sst s7  }
0x10: {  	[smem:$0x3FB3] =	sst s8  }
0x11: {  	[smem:$0x3FB4] =	sst s9;
	s0 =	simm.s32 @!p0 $0x0  }
0x12: {  	s1 =	sld [smem:$0x3F9A];
	s0 =	simm.s32 @p0 $0x1  }
0x13: {  	[smem:$0x3FB5] =	sst s0;
	s0 =	simm.s32 @!p1 $0x0  }
0x14: {  	s2 =	sld [smem:$0x3F99];
	s0 =	simm.s32 @p1 $0x1  }
0x15: {  	[smem:$0x3FB6] =	sst s0;
	s0 =	simm.s32 @!p2 $0x0  }
0x16: {  	s3 =	sld [smem:$0x3FDB];
	s0 =	simm.s32 @p2 $0x1  }
0x17: {  	s4 =	simm.s32 $0x1BF5;
	[smem:$0x3FB8] =	sst s0  }
0x18: {  	s0 =	sld [smem:$0x3F9B];
	_ =	swait.ge [sflag:s4], $0x0  }
0x19: {  	s7 =	sld [smem:$0x3F9C]  }
0x1a: {  	s8 =	sadd.s32 $0xFFFFE003, lr  }
0x1b: {  	s9 =	sadd.s32 $0xFFFFFEF7, lr;
	s5 =	simm.s32 $0xFFFFFFFF;
	p2 =	slt.u32 s8, $0xFFFFF086  }
0x1c: {  	p1 =	slt.u32 s9, $0xF7A;
	s5 =	simm.s32 @!p2 $0x0  }
0x1d: {  	s5 =	simm.s32 @p1 $0x1;
	p0 =	seq.s32 s7, s2  }
0x1e: {  	s7 =	smul.u32 @!p0 $0xF7A, s2;
	p2 =	seq.s32 @!p0 s5, $0x0  }
0x1f: {  	s9 =	smul.u32 $0xF7A, s1;
	s8 =	simm.s32 @!p0 $0x1BF5;
	p2 =	por !p2, p0  }
0x20: {  	[sflag:s8] =	ssyncset.s32 @!p0 $0xFFFFF086;
	s6 =	sadd.s32 @!p0 s3, s7;
	s7 =	simm.s32 @!p0 $0x108  }
0x21: {  	s3 =	sadd.s32 s3, s9;
	s6 =	sadd.s32 @!p0 $0x88, s6;
	s7 =	simm.s32 @p2 $0x1082  }
0x22: {  	[simem:s7], [sflag:s8] =	dma.local @!p0 [hbm:s6], $0xF7A  }
0x23: {  	s9 =	sor.u32 $0xD0000000, s2;
	s6 =	simm.s32 $0x108;
	_ =	swait.ge @!p0 [sflag:s8], $0x0  }
0x24: {  	s3 =	sadd.s32 $0x88, s3;
	s6 =	simm.s32 @!p1 $0x1082;
	[sflag:s4] =	ssyncset.s32 $0xFFFFF086  }
0x25: {  	[simem:s6], [sflag:s4] =	dma.local [hbm:s3], $0xF7A  }
0x26: {  	[smem:$0x3F9C] =	sst s1;
	(tag) =	ssettag s2;
	_ =	strace s9  }
0x27: {  	s1 =	sld [smem:$0x3FAC]  }
0x28: {  	s2 =	sld [smem:$0x3FAD]  }
0x29: {  	s4 =	sld [smem:$0x3FAF]  }
0x2a: {  	p0 =	seq.s32 s5, $0x0;
	s5 =	sld [smem:$0x3FB0]  }
0x2b: {  	s6 =	sld [smem:$0x3FB1]  }
0x2c: {  	s7 =	sld [smem:$0x3FB2]  }
0x2d: {  	s3 =	simm.s32 $0x108;
	s8 =	sld [smem:$0x3FB3]  }
0x2e: {  	s3 =	simm.s32 @!p0 $0x1082;
	s9 =	sld [smem:$0x3FB4]  }
0x2f: {  	lr =	sadd.s32 s0, s3;
	s0 =	sld [smem:$0x3FAB]  }
0x30: {  	s3 =	sld [smem:$0x3FAE]  }
0x31: {  	[smem:$0x3FB7] =	sst s10  }
0x32: {  	s10 =	sld [smem:$0x3FB5];
	_ =	sdelay $0x3  }
0x33: {  	p0 =	seq.s32 s10, $0x1;
	s10 =	sld [smem:$0x3FB7];
	_ =	sdelay $0x3  }
0x34: {  	[smem:$0x3FB7] =	sst s10  }
0x35: {  	s10 =	sld [smem:$0x3FB6];
	_ =	sdelay $0x3  }
0x36: {  	p1 =	seq.s32 s10, $0x1;
	s10 =	sld [smem:$0x3FB7];
	_ =	sdelay $0x3  }
0x37: {  	[smem:$0x3FB7] =	sst s10  }
0x38: {  	s10 =	sld [smem:$0x3FB8]  }
0x39: {  	_ = 	snop;
	(pc) =	sbr.ind lr, $3  }
0x3a: {  	_ = 	snop  }
0x3b: {  	_ = 	snop  }
0x3c: {  	p2 =	seq.s32 s10, $0x1;
	s10 =	sld [smem:$0x3FB7]  }
0x3d: {  	_ =	shalt  }
0x3e: {  	_ =	shalt  }
0x3f: {  	_ =	shalt  }
0x40: {  	_ =	shalt  }
0x41: {  	_ =	shalt  }
0x42: {  	_ =	shalt  }
0x43: {  	_ =	shalt  }
0x44: {  	_ =	shalt  }
0x45: {  	_ =	shalt  }
0x46: {  	_ =	shalt  }
0x47: {  	_ =	shalt  }
0x48: {  	_ =	shalt  }
0x49: {  	_ =	shalt  }
0x4a: {  	_ =	shalt  }
0x4b: {  	_ =	shalt  }
0x4c: {  	_ =	shalt  }
0x4d: {  	_ =	shalt  }
0x4e: {  	_ =	shalt  }
0x4f: {  	_ =	shalt  }
0x50: {  	_ =	shalt  }
0x51: {  	_ =	shalt  }
0x52: {  	_ =	shalt  }
0x53: {  	_ =	shalt  }
0x54: {  	_ =	shalt  }
0x55: {  	_ =	shalt  }
0x56: {  	_ =	shalt  }
0x57: {  	_ =	shalt  }
0x58: {  	_ =	shalt  }
0x59: {  	_ =	shalt  }
0x5a: {  	_ =	shalt  }
0x5b: {  	_ =	shalt  }
0x5c: {  	_ =	shalt  }
0x5d: {  	_ =	shalt  }
0x5e: {  	_ =	shalt  }
0x5f: {  	_ =	shalt  }
0x60: {  	_ =	shalt  }
0x61: {  	_ =	shalt  }
0x62: {  	_ =	shalt  }
0x63: {  	_ =	shalt  }
0x64: {  	_ =	shalt  }
0x65: {  	_ =	shalt  }
0x66: {  	_ =	shalt  }
0x67: {  	_ =	shalt  }
0x68: {  	_ =	shalt  }
0x69: {  	_ =	shalt  }
0x6a: {  	_ =	shalt  }
0x6b: {  	_ =	shalt  }
0x6c: {  	_ =	shalt  }
0x6d: {  	_ =	shalt  }
0x6e: {  	_ =	shalt  }
0x6f: {  	_ =	shalt  }
0x70: {  	_ =	shalt  }
0x71: {  	_ =	shalt  }
0x72: {  	_ =	shalt  }
0x73: {  	_ =	shalt  }
0x74: {  	_ =	shalt  }
0x75: {  	_ =	shalt  }
0x76: {  	_ =	shalt  }
0x77: {  	_ =	shalt  }
0x78: {  	_ =	shalt  }
0x79: {  	_ =	shalt  }
0x7a: {  	_ =	shalt  }
0x7b: {  	_ =	shalt  }
0x7c: {  	_ =	shalt  }
0x7d: {  	_ =	shalt  }
0x7e: {  	_ =	shalt  }
0x7f: {  	_ =	shalt  }
0x80: {  	_ =	shalt  }
0x81: {  	_ =	shalt  }
0x82: {  	_ =	shalt  }
0x83: {  	_ =	shalt  }
0x84: {  	_ =	shalt  }
0x85: {  	_ =	shalt  }
0x86: {  	_ =	shalt  }
0x87: {  	_ =	shalt  }
.Lfunc_end0:
.L_simem_size_0:
called_computation.1_lowered:
.L_overlay_start_0:
0x88: {  	s2 =	sld [smem:$0x3FD9]  }
0x89: {  	s3 =	sld [smem:$0x3FFE];
	_ =	sdelay $0x1  }
0x8a: {  	s1 =	srdreg.scid  }
0x8b: {  	s0 =	sand.u32 $0x1, s1  }
0x8c: {  	s17 =	sshll.u32 s0, $0xA;
	s2 =	sadd.s32 s3, s2  }
0x8d: {  	s2 =	sadd.s32 s2, s17  }
0x8e: {  	[smem:$0x3FC3] =	sst s2  }
0x8f: {  	_ = 	snop  }
0x90: {  	s2 =	sld [smem:$0x3FC7]  }
0x91: {  	s18 =	sld [smem:$0x3FD0];
	(tm) =	ssettm $0x1  }
0x92: {  	s4 =	sld [smem:$0x3FFB];
	_ =	sdelay $0x3  }
0x93: {  	_ =	strace s4  }
0x94: {  	s4 =	sld [smem:$0x3FFC];
	_ =	sdelay $0x3  }
0x95: {  	_ =	strace s4  }
0x96: {  	s4 =	sld [smem:$0x3FFD];
	_ =	sdelay $0x3  }
0x97: {  	_ =	strace s4  }
0x98: {  	_ =	strace $0x8FFFFFFF  }
0x99: {  	s19 =	sld [smem:$0x3FDB];
	_ =	sdelay $0x1  }
0x9a: {  	s5 =	simm.s32 $_scs_section_size  }
0x9b: {  	s6 =	simm.s32 $_size__tile_overlayer_lowered;
	s7 =	simm.s32 $_tile_overlayer_lowered  }
0x9c: {  	s22 =	simm.s32 $0x1BFF;
	s21 =	sshll.u32 s7, $0x1;
	s4 =	sadd.s32 s5, s19  }
0x9d: {  	s8 =	simm.s32 $0x0;
	s20 =	sshll.u32 s6, $0x1;
	s6 =	sadd.s32 s21, s4  }
0x9e: {  	[timem:s8], [sflag:s22] =	dma.local [hbm:s6], s20  }
0x9f: {  	_ =	swait.ge [sflag:s22], s20  }
0xa0: {  	s5 =	ssub.s32 $0x0, s20;
	[sflag:s22] =	ssyncset.done $0x0  }
0xa1: {  	[sflag:s22] =	ssyncadd.s32 s5;
	_ =	sdelay $0x1  }
0xa2: {  	s23 =	simm.s32 $0x1B8B  }
0xa3: {  	_ =	swait.ge [sflag:s23], $0x1  }
0xa4: {  	[sflag:s23] =	ssyncset.done $0x0  }
0xa5: {  	s25 =	simm.s32 $0x1B8E;
	s24 =	sld [smem:$0x3FFE];
	[sflag:s23] =	ssyncadd.s32 $0xFFFFFFFF  }
0xa6: {  	s26 =	simm.s32 $execute0_lowered;
	[smem:$0x3FD2] =	sst s25  }
0xa7: {  	s6 =	sshll.u32 s26, $0x1;
	_ =	strace $0x80000049;
	[dreg:$0x1] =	wrdreg $0xFFFFFFFF  }
0xa8: {  	s28 =	simm.s32 $_size_execute0_lowered;
	s4 =	sadd.s32 s4, s6;
	[dreg:$0x0] =	wrdreg $0x0  }
0xa9: {  	s6 =	sshll.u32 s28, $0x1;
	[dreg:$0x2] =	wrdreg s4  }
0xaa: {  	[dreg:$0x3] =	wrdreg s6  }
0xab: {  	[dreg:$0x4] =	wrdreg $0xC0  }
0xac: {  	_ =	task [dreg:s8], $0x5FFFF  }
0xad: {  	[dreg:$0x1] =	wrdreg $0xFFFFFFFF  }
0xae: {  	[dreg:$0x0] =	wrdreg $0x60  }
0xaf: {  	[dreg:$0x2] =	wrdreg s24  }
0xb0: {  	[dreg:$0x3] =	wrdreg s2  }
0xb1: {  	[dreg:$0x4] =	wrdreg s18  }
0xb2: {  	[dreg:$0x5] =	wrdreg $0xB8000  }
0xb3: {  	[dreg:$0x6] =	wrdreg $0x9  }
0xb4: {  	_ =	task.clear_ibuf [dreg:s8], $0x7FFFF;
	_ =	strace $0x90000049  }
0xb5: {  	s29 =	simm.s32 $0x9;
	_ =	strace $0x8000004B  }
0xb6: {  	_ =	swait.ge [sflag:s29], $0x1  }
0xb7: {  	[sflag:s29] =	ssyncadd.s32 $0xFFFFFFFF  }
0xb8: {  	_ =	strace $0x9000004B  }
0xb9: {  	_ =	sfence  }
0xba: {  	s30 =	sld [smem:$0x0];
	_ =	sdelay $0x2  }
0xbb: {  	s31 =	sshll.u32 s1, $0xD;
	s1 =	sshrl.u32 s1, $0x2  }
0xbc: {  	s3 =	sand.u32 $0x4000, s31;
	s1 =	sadd.s32 s1, s30  }
0xbd: {  	s0 =	sor.u32 s3, s0;
	s1 =	sshll.u32 s1, $0x11  }
0xbe: {  	s0 =	sor.u32 s1, s0  }
0xbf: {  	s0 =	sadd.s32 $0x8F2B, s0  }
0xc0: {  	[sflag:s0] =	ssyncadd.remote.s32 $0x1  }
0xc1: {  	_ =	sfence.sel $0xFFFF  }
0xc2: {  	[dreg:$0x0] =	wrdreg $0xFFFFFFFF;
	(pc) =	sbr.abs _section_cstart, $3  }
0xc3: {  	[dreg:$0x1] =	wrdreg $0xFFFFFFFF  }
0xc4: {  	_ =	task.clear_ibuf [dreg:s8], $0x2FFFF;
	_ =	strace $0x9FFFFFFF  }
0xc5: {  	(tm) =	ssettm $0x7FFFFFFF  }
tec
execute0_lowered:
.L_overlay_start_1:
0x0: {  	(tag) =	ssettag $0x1  }
0x1: {  	s0 =	rddreg [dreg:$0x0]  }
0x2: {  	s2 =	rddreg [dreg:$0x1]  }
0x3: {  	s1 =	rddreg [dreg:$0x2]  }
0x4: {  	s3 =	rddreg [dreg:$0x3]  }
0x5: {  	s4 =	simm.s32 $0x0;
	s5 =	srdreg.scid;
	s26 =	stileid.u32  }
0x6: {  	s12 =	simm.s32 $0x50;
	s30 =	simm.s32 $0x7800;
	s31 =	simm.s32 $0x2  }
0x7: {  	[smem:$0x7FF] =	sst s4;
	s5 =	sand.u32 $0x1, s5;
	s6 =	sshll.u32 s26, $0x1  }
0x8: {  	s7 =	sadd.s32 $0x1800, s0;
	s15 =	sadd.s32 $0xB600, s0;
	s11 =	sadd.s32 $0x15400, s0  }
0x9: {  	p0 =	slt.u32 s26, $0xC;
	s20 =	sshll.u32 s26, $0xE;
	p1 =	sgt.u32 s26, $0xD  }
0xa: {  	p2 =	sgt.u32 s26, $0xB;
	s28 =	sadd.s32 $0x138000, s3;
	_ =	strace $0x8000004A  }
0xb: {  	s6 =	sor.u32 s5, s6;
	s8 =	ssub.s32 $0x2, s5;
	s5 =	smul.u32 $0x138800, s5  }
0xc: {  	s12 =	simm.s32 @!p0 $0x48;
	s21 =	sor.u32 $0x40000, s20;
	s22 =	sor.u32 $0x80000, s20  }
0xd: {  	s23 =	sor.u32 $0xC0000, s20;
	s24 =	sor.u32 $0x100000, s20;
	s9 =	smul.u32 $0x480, s6  }
0xe: {  	p4 =	sne.s32 @p1 s26, $0xE;
	s10 =	sshrl.u32 s8, $0x1;
	s16 =	smul.u32 $0x500, s6  }
0xf: {  	p0 =	sne.s32 s6, $0x1F;
	p3 =	por p4, !p1;
	p4 =	por !p4, !p1  }
0x10: {  	s8 =	ssub.s32 s8, s10;
	s10 =	sadd.s32 s20, s5;
	s14 =	sadd.s32 s5, s21  }
0x11: {  	s18 =	sadd.s32 s5, s22;
	s19 =	sadd.s32 s5, s23;
	s20 =	sadd.s32 s20, s3  }
0x12: {  	s21 =	sadd.s32 s21, s3;
	s22 =	sadd.s32 s22, s3;
	s23 =	sadd.s32 s23, s3  }
0x13: {  	s13 =	sadd.s32 $0xC00, s9;
	s9 =	sshrl.u32 s10, $0x3;
	s10 =	sshrl.u32 s14, $0x3  }
0x14: {  	s14 =	sadd.s32 s5, s24;
	s5 =	sshrl.u32 s5, $0x3;
	s29 =	sadd.s32 $0x100000, s20  }
0x15: {  	s9 =	sadd.s32 s11, s9;
	s17 =	sadd.s32 s11, s10;
	s10 =	sshrl.u32 s19, $0x3  }
0x16: {  	s14 =	sshrl.u32 s14, $0x3;
	s5 =	sadd.s32 s11, s5;
	[dreg:$0x5] =	wrdreg s9  }
0x17: {  	s19 =	sadd.s32 $0x9C00, s2;
	[dreg:$0x6] =	wrdreg s17;
	s9 =	sshrl.u32 s18, $0x3  }
0x18: {  	s25 =	sadd.s32 s11, s10;
	s10 =	sor.u32 $0x4, s12;
	s17 =	sadd.s32 $0xB400, s0  }
0x19: {  	s18 =	sadd.s32 $0x15200, s0;
	s0 =	sadd.s32 s24, s3;
	s24 =	sadd.s32 $0x27000, s5  }
0x1a: {  	s9 =	sadd.s32 s11, s9;
	[dreg:$0x8] =	wrdreg s25;
	s10 =	smov.u32 @p0 s12  }
0x1b: {  	s12 =	sadd.s32 s15, s13;
	s15 =	sadd.s32 s15, s16;
	s25 =	smax.u32 s8, $0x1  }
0x1c: {  	s26 =	sshrl.u32 @!p1 s0, $0x3;
	s0 =	simm.s32 $0x80;
	[dreg:$0x7] =	wrdreg s9  }
0x1d: {  	s9 =	sadd.s32 s11, s14;
	s11 =	sadd.s32 s7, s13;
	s13 =	sadd.s32 s2, s13  }
0x1e: {  	v0 =	vimm.f32 $0.0e+00;
	s14 =	sadd.s32 s7, s16;
	s16 =	sadd.s32 s2, s16;
	s2 =	simm.s32 $0x1  }
.LBB2_1:
0x1f: {  	s5 =	simm.s32 @p2 $0x0;
	s6 =	simm.s32 @p2 $0x2  }
0x20: {  	[tilespmem:s5], [sflag:$0x2] =	stream.linear.gather @p2 [hbm4b:s11+s5], $0x2400, $0x38;
	[tilespmem:$0x1F080] =	vst v63  }
0x21: {  	_ =	swait.ge @p2 [sflag:s6], $0x2400  }
0x22: {  	[sflag:s6] =	ssyncset.done @p2 $0x0  }
0x23: {  	s7 =	simm.s32 @p2 $0x2800;
	[sflag:s6] =	ssyncadd.s32 @p2 $0xFFFFDC00  }
0x24: {  	[tilespmem:s7], [sflag:$0x2] =	stream.linear.gather @p2 [hbm4b:s12+s5], $0x2400, $0x38;
	[tilespmem:$0x1F080] =	vst v63  }
0x25: {  	_ =	swait.ge @p2 [sflag:s6], $0x2400  }
0x26: {  	[sflag:s6] =	ssyncset.done @p2 $0x0  }
0x27: {  	s7 =	simm.s32 @p2 $0x5000;
	[sflag:s6] =	ssyncadd.s32 @p2 $0xFFFFDC00  }
0x28: {  	[tilespmem:s7], [sflag:$0x2] =	stream.linear.gather @p2 [hbm4b:s13+s5], $0x2400, $0x38;
	[tilespmem:$0x1F080] =	vst v63  }
0x29: {  	_ =	swait.ge @p2 [sflag:s6], $0x2400  }
0x2a: {  	[sflag:s6] =	ssyncset.done @p2 $0x0  }
0x2b: {  	s5 =	simm.s32 @!p2 $0x0;
	[sflag:s6] =	ssyncadd.s32 @p2 $0xFFFFDC00;
	s6 =	simm.s32 @!p2 $0x2  }
0x2c: {  	[tilespmem:s5], [sflag:$0x2] =	stream.linear.gather @!p2 [hbm4b:s14+s5], $0x2800, $0x38;
	[tilespmem:$0x1F080] =	vst v63  }
0x2d: {  	_ =	swait.ge @!p2 [sflag:s6], $0x2800  }
0x2e: {  	[sflag:s6] =	ssyncset.done @!p2 $0x0  }
0x2f: {  	s7 =	simm.s32 @!p2 $0x2800;
	[sflag:s6] =	ssyncadd.s32 @!p2 $0xFFFFD800  }
0x30: {  	[tilespmem:s7], [sflag:$0x2] =	stream.linear.gather @!p2 [hbm4b:s15+s5], $0x2800, $0x38;
	[tilespmem:$0x1F080] =	vst v63  }
0x31: {  	_ =	swait.ge @!p2 [sflag:s6], $0x2800  }
0x32: {  	[sflag:s6] =	ssyncset.done @!p2 $0x0  }
0x33: {  	s7 =	simm.s32 @!p2 $0x5000;
	[sflag:s6] =	ssyncadd.s32 @!p2 $0xFFFFD800  }
0x34: {  	[tilespmem:s7], [sflag:$0x2] =	stream.linear.gather @!p2 [hbm4b:s16+s5], $0x2800, $0x38;
	[tilespmem:$0x1F080] =	vst v63  }
0x35: {  	_ =	swait.ge @!p2 [sflag:s6], $0x2800  }
0x36: {  	[sflag:s6] =	ssyncset.done @!p2 $0x0  }
0x37: {  	s5 =	simm.s32 @!p0 $0x0;
	[sflag:s6] =	ssyncadd.s32 @!p2 $0xFFFFD800;
	s6 =	simm.s32 @!p0 $0x2400  }
0x38: {  	[tilespmem:s6], [sflag:$0x2] =	stream.linear.gather @!p0 [hbm4b:s17+s5], $0x200, $0x38;
	[tilespmem:$0x1F080] =	vst v63  }
0x39: {  	s6 =	simm.s32 @!p0 $0x2  }
0x3a: {  	_ =	swait.ge @!p0 [sflag:s6], $0x200  }
0x3b: {  	[sflag:s6] =	ssyncset.done @!p0 $0x0  }
0x3c: {  	s7 =	simm.s32 @!p0 $0x4C00;
	[sflag:s6] =	ssyncadd.s32 @!p0 $0xFFFFFE00  }
0x3d: {  	[tilespmem:s7], [sflag:$0x2] =	stream.linear.gather @!p0 [hbm4b:s18+s5], $0x200, $0x38;
	[tilespmem:$0x1F080] =	vst v63  }
0x3e: {  	_ =	swait.ge @!p0 [sflag:s6], $0x200  }
0x3f: {  	[sflag:s6] =	ssyncset.done @!p0 $0x0  }
0x40: {  	s7 =	simm.s32 @!p0 $0x7400;
	[sflag:s6] =	ssyncadd.s32 @!p0 $0xFFFFFE00  }
0x41: {  	[tilespmem:s7], [sflag:$0x2] =	stream.linear.gather @!p0 [hbm4b:s19+s5], $0x200, $0x38;
	[tilespmem:$0x1F080] =	vst v63  }
0x42: {  	_ =	swait.ge @!p0 [sflag:s6], $0x200  }
0x43: {  	[sflag:s6] =	ssyncset.done @!p0 $0x0  }
0x44: {  	s5 =	simm.s32 $0x0;
	[sflag:s6] =	ssyncadd.s32 @!p0 $0xFFFFFE00;
	s6 =	simm.s32 $0x200  }
.LBB2_2:
0x45: {  	p5 =	sne.s32 s6, $0xFE00;
	[tilespmem:s5+$0x7870] =	vst v0  }
0x46: {  	[tilespmem:s5+$0x7800] =	vst v0  }
0x47: {  	[tilespmem:s5+$0x7810] =	vst v0  }
.Ltmp0:
0x48: {  	[tilespmem:s5+$0x7820] =	vst v0;
	(pc) =	sbr.rel @p5 .LBB2_2-.Ltmp0, $4  }
0x49: {  	[tilespmem:s5+$0x7830] =	vst v0  }
0x4a: {  	[tilespmem:s5+$0x7840] =	vst v0  }
0x4b: {  	[tilespmem:s5+$0x7850] =	vst v0  }
0x4c: {  	[tilespmem:s5+$0x7860] =	vst v0;
	s5 =	sshra.s32 s6, $0x2;
	s6 =	sadd.s32 $0x200, s6  }
0x4d: {  	[tilespmem:s5+$0x7870] =	vst v0  }
0x4e: {  	[tilespmem:s5+$0x7800] =	vst v0  }
0x4f: {  	[tilespmem:s5+$0x7810] =	vst v0  }
0x50: {  	[tilespmem:s5+$0x7820] =	vst v0  }
0x51: {  	[tilespmem:s5+$0x7830] =	vst v0  }
0x52: {  	[tilespmem:s5+$0x7840] =	vst v0  }
0x53: {  	[tilespmem:s5+$0x7850] =	vst v0  }
0x54: {  	[tilespmem:s5+$0x7860] =	vst v0  }
0x55: {  	[spmem:s20] =	stream.linear.scatter [tilespmem:s30], [sflag:$0x2], $0x4000, $0x38;
	[tilespmem:$0x1F080] =	vst v63  }
0x56: {  	_ =	swait.ge [sflag:s31], $0x4000  }
0x57: {  	[sflag:s31] =	ssyncset.done $0x0  }
0x58: {  	[sflag:s31] =	ssyncadd.s32 $0xFFFFC000  }
0x59: {  	[spmem:s21] =	stream.linear.scatter [tilespmem:s30], [sflag:$0x2], $0x4000, $0x38;
	[tilespmem:$0x1F080] =	vst v63  }
0x5a: {  	_ =	swait.ge [sflag:s31], $0x4000  }
0x5b: {  	[sflag:s31] =	ssyncset.done $0x0  }
0x5c: {  	[sflag:s31] =	ssyncadd.s32 $0xFFFFC000  }
0x5d: {  	[spmem:s22] =	stream.linear.scatter [tilespmem:s30], [sflag:$0x2], $0x4000, $0x38;
	[tilespmem:$0x1F080] =	vst v63  }
0x5e: {  	_ =	swait.ge [sflag:s31], $0x4000  }
0x5f: {  	[sflag:s31] =	ssyncset.done $0x0  }
0x60: {  	[sflag:s31] =	ssyncadd.s32 $0xFFFFC000  }
0x61: {  	[spmem:s23] =	stream.linear.scatter [tilespmem:s30], [sflag:$0x2], $0x4000, $0x38;
	[tilespmem:$0x1F080] =	vst v63  }
0x62: {  	_ =	swait.ge [sflag:s31], $0x4000  }
0x63: {  	[sflag:s31] =	ssyncset.done $0x0  }
0x64: {  	s5 =	simm.s32 @!p3 $0x7800;
	[sflag:s31] =	ssyncadd.s32 $0xFFFFC000  }
0x65: {  	[spmem:s28] =	stream.linear.scatter @!p3 [tilespmem:s5], [sflag:$0x2], $0x800, $0x38;
	[tilespmem:$0x1F080] =	vst v63  }
0x66: {  	s5 =	simm.s32 @!p3 $0x2  }
0x67: {  	_ =	swait.ge @!p3 [sflag:s5], $0x800  }
0x68: {  	[sflag:s5] =	ssyncset.done @!p3 $0x0  }
0x69: {  	[sflag:s5] =	ssyncadd.s32 @!p3 $0xFFFFF800;
	s5 =	simm.s32 @!p1 $0x7800  }
0x6a: {  	[spmem:s29] =	stream.linear.scatter @!p1 [tilespmem:s5], [sflag:$0x2], $0x4000, $0x38;
	[tilespmem:$0x1F080] =	vst v63  }
0x6b: {  	s5 =	simm.s32 @!p1 $0x2  }
0x6c: {  	_ =	swait.ge @!p1 [sflag:s5], $0x4000  }
0x6d: {  	p6 =	por @p1 $0x0, $0x0;
	p5 =	por @!p3 $0x1, $0x1;
	[sflag:s5] =	ssyncset.done @!p1 $0x0  }
0x6e: {  	p5 =	por @!p4 p6, p6;
	p6 =	por @!p1 $0x0, $0x0;
	[sflag:s5] =	ssyncadd.s32 @!p1 $0xFFFFC000  }
0x6f: {  	p5 =	por @!p1 p6, p6;
	s5 =	simm.s32 $0x0;
	[bflag:$0x0] =	sbarrier.arrive $0xFFFF  }
.LBB2_4:
0x70: {  	s6 =	sshll.u32 s5, $0x7  }
0x71: {  	[tilespmem:s30], [sflag:$0x1] =	stream.indirect.gather [hbm4b:s1+s0], $0x80, s6, s0, $0xb8;
	[tilespmem:$0x1F080] =	vst v63  }
0x72: {  	s7 =	sadd.s32 $0x5000, s6  }
0x73: {  	_ =	swait.ge [sflag:s2], $0x4000;
	v1 =	vmov s7  }
0x74: {  	[sflag:s2] =	ssyncset.done $0x0  }
0x75: {  	s7 =	simm.s32 $0x0;
	[sflag:s2] =	ssyncadd.s32 $0xFFFFC000  }
.LBB2_5:
0x76: {  	s8 =	sshll.u32 s7, $0x4  }
0x77: {  	s8 =	sand.u32 $0x3FFFFFF0, s8  }
0x78: {  	v2 =	vld.idx.msk [tilespmem:v1+s8+$0x0 ss:$0x1], $0xffff;
	_ =	sdelay $0x1  }
0x79: {  	s8 =	sshll.u32 s7, $0xB  }
0x7a: {  	s8 =	sand.u32 $0x3FFFF800, s8  }
0x7b: {  	v3 =	vld [tilespmem:s8+$0x7800]  }
0x7c: {  	v4 =	vld [tilespmem:s8+$0x7810];
	v2 =	vmax.f32 v2, $-2.000000000e+00  }
0x7d: {  	v5 =	vld [tilespmem:s8+$0x7820];
	v2 =	vmin.f32 v2, $5.000000000e+00  }
0x7e: {  	v7 =	vld [tilespmem:s8+$0x7830];
	v6 =	vbroadcast v2, $0x0  }
0x7f: {  	v8 =	vld [tilespmem:s8+$0x7840]  }
0x80: {  	v9 =	vld [tilespmem:s8+$0x7850];
	v3 =	vmul.f32 v6, v3  }
0x81: {  	v10 =	vld [tilespmem:s8+$0x7860];
	v4 =	vmul.f32 v6, v4  }
0x82: {  	v24 =	vld [tilespmem:s8+$0x7870];
	[tilespmem:s8+$0x7800] =	vst v3;
	v3 =	vmul.f32 v5, v6  }
0x83: {  	v26 =	vld [tilespmem:s8+$0x7880];
	v25 =	vmul.f32 v7, v6;
	[tilespmem:s8+$0x7810] =	vst v4  }
0x84: {  	v27 =	vld [tilespmem:s8+$0x7890];
	[tilespmem:s8+$0x7820] =	vst v3;
	v3 =	vmul.f32 v8, v6  }
0x85: {  	v29 =	vld [tilespmem:s8+$0x78A0];
	v28 =	vmul.f32 v9, v6;
	[tilespmem:s8+$0x7830] =	vst v25  }
0x86: {  	v11 =	vld [tilespmem:s8+$0x78B0];
	v30 =	vbroadcast v2, $0x1;
	[tilespmem:s8+$0x7840] =	vst v3;
	v3 =	vmul.f32 v10, v6  }
0x87: {  	v32 =	vld [tilespmem:s8+$0x78C0];
	v31 =	vmul.f32 v24, v6;
	[tilespmem:s8+$0x7850] =	vst v28  }
0x88: {  	v33 =	vld [tilespmem:s8+$0x78D0];
	[tilespmem:s8+$0x7860] =	vst v3;
	v3 =	vmul.f32 v26, v30  }
0x89: {  	v35 =	vld [tilespmem:s8+$0x78E0];
	v34 =	vmul.f32 v27, v30;
	[tilespmem:s8+$0x7870] =	vst v31  }
0x8a: {  	v36 =	vld [tilespmem:s8+$0x78F0];
	[tilespmem:s8+$0x7880] =	vst v3;
	v3 =	vmul.f32 v29, v30  }
0x8b: {  	v38 =	vld [tilespmem:s8+$0x7900];
	v37 =	vmul.f32 v11, v30;
	[tilespmem:s8+$0x7890] =	vst v34  }
0x8c: {  	v39 =	vld [tilespmem:s8+$0x7910];
	[tilespmem:s8+$0x78A0] =	vst v3;
	v3 =	vmul.f32 v32, v30  }
0x8d: {  	v41 =	vld [tilespmem:s8+$0x7920];
	v40 =	vmul.f32 v33, v30;
	[tilespmem:s8+$0x78B0] =	vst v37  }
0x8e: {  	v43 =	vld [tilespmem:s8+$0x7930];
	v42 =	vbroadcast v2, $0x2;
	[tilespmem:s8+$0x78C0] =	vst v3;
	v3 =	vmul.f32 v35, v30  }
0x8f: {  	v45 =	vld [tilespmem:s8+$0x7940];
	v44 =	vmul.f32 v36, v30;
	[tilespmem:s8+$0x78D0] =	vst v40  }
0x90: {  	v46 =	vld [tilespmem:s8+$0x7950];
	[tilespmem:s8+$0x78E0] =	vst v3;
	v3 =	vmul.f32 v38, v42  }
0x91: {  	v48 =	vld [tilespmem:s8+$0x7960];
	v47 =	vmul.f32 v39, v42;
	[tilespmem:s8+$0x78F0] =	vst v44  }
0x92: {  	v49 =	vld [tilespmem:s8+$0x7970];
	[tilespmem:s8+$0x7900] =	vst v3;
	v3 =	vmul.f32 v41, v42  }
0x93: {  	v51 =	vld [tilespmem:s8+$0x7980];
	v50 =	vmul.f32 v43, v42;
	[tilespmem:s8+$0x7910] =	vst v47  }
0x94: {  	v52 =	vld [tilespmem:s8+$0x7990];
	[tilespmem:s8+$0x7920] =	vst v3;
	v3 =	vmul.f32 v45, v42  }
0x95: {  	v54 =	vld [tilespmem:s8+$0x79A0];
	v53 =	vmul.f32 v46, v42;
	[tilespmem:s8+$0x7930] =	vst v50  }
0x96: {  	v56 =	vld [tilespmem:s8+$0x79B0];
	v55 =	vbroadcast v2, $0x3;
	[tilespmem:s8+$0x7940] =	vst v3;
	v3 =	vmul.f32 v48, v42  }
0x97: {  	v58 =	vld [tilespmem:s8+$0x79C0];
	v57 =	vmul.f32 v49, v42;
	[tilespmem:s8+$0x7950] =	vst v53  }
0x98: {  	v59 =	vld [tilespmem:s8+$0x79D0];
	[tilespmem:s8+$0x7960] =	vst v3;
	v3 =	vmul.f32 v51, v55  }
0x99: {  	v61 =	vld [tilespmem:s8+$0x79E0];
	v60 =	vmul.f32 v52, v55;
	[tilespmem:s8+$0x7970] =	vst v57  }
0x9a: {  	v62 =	vld [tilespmem:s8+$0x79F0];
	[tilespmem:s8+$0x7980] =	vst v3;
	v3 =	vmul.f32 v54, v55  }
0x9b: {  	v12 =	vld [tilespmem:s8+$0x7A00];
	v63 =	vmul.f32 v56, v55;
	[tilespmem:s8+$0x7990] =	vst v60  }
0x9c: {  	v13 =	vld [tilespmem:s8+$0x7A10];
	[tilespmem:s8+$0x79A0] =	vst v3;
	v3 =	vmul.f32 v58, v55  }
0x9d: {  	v15 =	vld [tilespmem:s8+$0x7A20];
	v14 =	vmul.f32 v59, v55;
	[tilespmem:s8+$0x79B0] =	vst v63  }
0x9e: {  	v17 =	vld [tilespmem:s8+$0x7A30];
	v16 =	vbroadcast v2, $0x4;
	[tilespmem:s8+$0x79C0] =	vst v3;
	v3 =	vmul.f32 v61, v55  }
0x9f: {  	v19 =	vld [tilespmem:s8+$0x7A40];
	v18 =	vmul.f32 v62, v55;
	[tilespmem:s8+$0x79D0] =	vst v14  }
0xa0: {  	v20 =	vld [tilespmem:s8+$0x7A50];
	[tilespmem:s8+$0x79E0] =	vst v3;
	v3 =	vmul.f32 v12, v16  }
0xa1: {  	v22 =	vld [tilespmem:s8+$0x7A60];
	v21 =	vmul.f32 v13, v16;
	[tilespmem:s8+$0x79F0] =	vst v18  }
0xa2: {  	v23 =	vld [tilespmem:s8+$0x7A70];
	[tilespmem:s8+$0x7A00] =	vst v3;
	v3 =	vmul.f32 v15, v16  }
0xa3: {  	v24 =	vmul.f32 v17, v16;
	[tilespmem:s8+$0x7A10] =	vst v21;
	v25 =	vld [tilespmem:s8+$0x7A80]  }
0xa4: {  	v33 =	vld [tilespmem:s8+$0x7AD0];
	[tilespmem:s8+$0x7A20] =	vst v3;
	v3 =	vmul.f32 v19, v16  }
0xa5: {  	v27 =	vmul.f32 v20, v16;
	[tilespmem:s8+$0x7A30] =	vst v24;
	v28 =	vld [tilespmem:s8+$0x7AA0]  }
0xa6: {  	v36 =	vld [tilespmem:s8+$0x7AF0];
	v29 =	vbroadcast v2, $0x5;
	[tilespmem:s8+$0x7A40] =	vst v3;
	v3 =	vmul.f32 v22, v16  }
0xa7: {  	[tilespmem:s8+$0x7A50] =	vst v27;
	v31 =	vmul.f32 v23, v16;
	v32 =	vld [tilespmem:s8+$0x7AC0]  }
0xa8: {  	v26 =	vld [tilespmem:s8+$0x7A90];
	[tilespmem:s8+$0x7A60] =	vst v3;
	v3 =	vmul.f32 v25, v29  }
0xa9: {  	[tilespmem:s8+$0x7A70] =	vst v31;
	v40 =	vmul.f32 v33, v29;
	v35 =	vld [tilespmem:s8+$0x7AE0]  }
0xaa: {  	v30 =	vld [tilespmem:s8+$0x7AB0];
	[tilespmem:s8+$0x7A80] =	vst v3;
	v3 =	vmul.f32 v28, v29  }
0xab: {  	v44 =	vmul.f32 v36, v29;
	[tilespmem:s8+$0x7AD0] =	vst v40;
	v38 =	vld [tilespmem:s8+$0x7B00]  }
0xac: {  	v39 =	vld [tilespmem:s8+$0x7B10];
	[tilespmem:s8+$0x7AA0] =	vst v3;
	v3 =	vmul.f32 v32, v29  }
0xad: {  	v34 =	vmul.f32 v26, v29;
	[tilespmem:s8+$0x7AF0] =	vst v44;
	v41 =	vld [tilespmem:s8+$0x7B20]  }
0xae: {  	v43 =	vld [tilespmem:s8+$0x7B30];
	v42 =	vbroadcast v2, $0x6;
	[tilespmem:s8+$0x7AC0] =	vst v3;
	v3 =	vmul.f32 v35, v29  }
0xaf: {  	[tilespmem:s8+$0x7A90] =	vst v34;
	v37 =	vmul.f32 v30, v29;
	v45 =	vld [tilespmem:s8+$0x7B40]  }
0xb0: {  	v46 =	vld [tilespmem:s8+$0x7B50];
	[tilespmem:s8+$0x7AE0] =	vst v3;
	v3 =	vmul.f32 v38, v42  }
0xb1: {  	[tilespmem:s8+$0x7AB0] =	vst v37;
	v48 =	vld [tilespmem:s8+$0x7B60];
	v47 =	vmul.f32 v39, v42  }
0xb2: {  	v49 =	vld [tilespmem:s8+$0x7B70];
	[tilespmem:s8+$0x7B00] =	vst v3;
	v3 =	vmul.f32 v41, v42  }
0xb3: {  	v50 =	vmul.f32 v43, v42;
	v51 =	vld [tilespmem:s8+$0x7B80];
	[tilespmem:s8+$0x7B10] =	vst v47  }
0xb4: {  	v52 =	vld [tilespmem:s8+$0x7B90];
	[tilespmem:s8+$0x7B20] =	vst v3;
	v3 =	vmul.f32 v45, v42  }
0xb5: {  	v53 =	vmul.f32 v46, v42;
	[tilespmem:s8+$0x7B30] =	vst v50;
	v54 =	vld [tilespmem:s8+$0x7BA0]  }
0xb6: {  	v56 =	vld [tilespmem:s8+$0x7BB0];
	v55 =	vbroadcast v2, $0x7;
	[tilespmem:s8+$0x7B40] =	vst v3;
	v3 =	vmul.f32 v48, v42  }
0xb7: {  	v57 =	vmul.f32 v49, v42;
	[tilespmem:s8+$0x7B50] =	vst v53;
	v58 =	vld [tilespmem:s8+$0x7BC0]  }
0xb8: {  	v59 =	vld [tilespmem:s8+$0x7BD0];
	[tilespmem:s8+$0x7B60] =	vst v3;
	v3 =	vmul.f32 v51, v55  }
0xb9: {  	[tilespmem:s8+$0x7B70] =	vst v57;
	v61 =	vld [tilespmem:s8+$0x7BE0];
	v60 =	vmul.f32 v52, v55  }
0xba: {  	v62 =	vld [tilespmem:s8+$0x7BF0];
	[tilespmem:s8+$0x7B80] =	vst v3;
	v3 =	vmul.f32 v54, v55  }
0xbb: {  	v63 =	vmul.f32 v56, v55;
	v12 =	vld [tilespmem:s8+$0x7C00];
	[tilespmem:s8+$0x7B90] =	vst v60  }
0xbc: {  	v13 =	vld [tilespmem:s8+$0x7C10];
	[tilespmem:s8+$0x7BA0] =	vst v3;
	v3 =	vmul.f32 v58, v55  }
0xbd: {  	v14 =	vmul.f32 v59, v55;
	[tilespmem:s8+$0x7BB0] =	vst v63;
	v15 =	vld [tilespmem:s8+$0x7C20]  }
0xbe: {  	v17 =	vld [tilespmem:s8+$0x7C30];
	v16 =	vbroadcast v2, $0x8;
	[tilespmem:s8+$0x7BC0] =	vst v3;
	v3 =	vmul.f32 v61, v55  }
0xbf: {  	v18 =	vmul.f32 v62, v55;
	[tilespmem:s8+$0x7BD0] =	vst v14;
	v19 =	vld [tilespmem:s8+$0x7C40]  }
0xc0: {  	v20 =	vld [tilespmem:s8+$0x7C50];
	[tilespmem:s8+$0x7BE0] =	vst v3;
	v3 =	vmul.f32 v12, v16  }
0xc1: {  	[tilespmem:s8+$0x7BF0] =	vst v18;
	v22 =	vld [tilespmem:s8+$0x7C60];
	v21 =	vmul.f32 v13, v16  }
0xc2: {  	v23 =	vld [tilespmem:s8+$0x7C70];
	[tilespmem:s8+$0x7C00] =	vst v3;
	v3 =	vmul.f32 v15, v16  }
0xc3: {  	v24 =	vmul.f32 v17, v16;
	v25 =	vld [tilespmem:s8+$0x7C80];
	[tilespmem:s8+$0x7C10] =	vst v21  }
0xc4: {  	v26 =	vld [tilespmem:s8+$0x7C90];
	[tilespmem:s8+$0x7C20] =	vst v3;
	v3 =	vmul.f32 v19, v16  }
0xc5: {  	v27 =	vmul.f32 v20, v16;
	[tilespmem:s8+$0x7C30] =	vst v24;
	v28 =	vld [tilespmem:s8+$0x7CA0]  }
0xc6: {  	v30 =	vld [tilespmem:s8+$0x7CB0];
	v29 =	vbroadcast v2, $0x9;
	[tilespmem:s8+$0x7C40] =	vst v3;
	v3 =	vmul.f32 v22, v16  }
0xc7: {  	v31 =	vmul.f32 v23, v16;
	[tilespmem:s8+$0x7C50] =	vst v27;
	v32 =	vld [tilespmem:s8+$0x7CC0]  }
0xc8: {  	v33 =	vld [tilespmem:s8+$0x7CD0];
	[tilespmem:s8+$0x7C60] =	vst v3;
	v3 =	vmul.f32 v25, v29  }
0xc9: {  	[tilespmem:s8+$0x7C70] =	vst v31;
	v35 =	vld [tilespmem:s8+$0x7CE0];
	v34 =	vmul.f32 v26, v29  }
0xca: {  	v36 =	vld [tilespmem:s8+$0x7CF0];
	[tilespmem:s8+$0x7C80] =	vst v3;
	v3 =	vmul.f32 v28, v29  }
0xcb: {  	v37 =	vmul.f32 v30, v29;
	v38 =	vld [tilespmem:s8+$0x7D00];
	[tilespmem:s8+$0x7C90] =	vst v34  }
0xcc: {  	v39 =	vld [tilespmem:s8+$0x7D10];
	[tilespmem:s8+$0x7CA0] =	vst v3;
	v3 =	vmul.f32 v32, v29  }
0xcd: {  	v40 =	vmul.f32 v33, v29;
	[tilespmem:s8+$0x7CB0] =	vst v37;
	v41 =	vld [tilespmem:s8+$0x7D20]  }
0xce: {  	v43 =	vld [tilespmem:s8+$0x7D30];
	v42 =	vbroadcast v2, $0xA;
	[tilespmem:s8+$0x7CC0] =	vst v3;
	v3 =	vmul.f32 v35, v29  }
0xcf: {  	v44 =	vmul.f32 v36, v29;
	[tilespmem:s8+$0x7CD0] =	vst v40;
	v45 =	vld [tilespmem:s8+$0x7D40]  }
0xd0: {  	v46 =	vld [tilespmem:s8+$0x7D50];
	[tilespmem:s8+$0x7CE0] =	vst v3;
	v3 =	vmul.f32 v38, v42  }
0xd1: {  	[tilespmem:s8+$0x7CF0] =	vst v44;
	v48 =	vld [tilespmem:s8+$0x7D60];
	v47 =	vmul.f32 v39, v42  }
0xd2: {  	v49 =	vld [tilespmem:s8+$0x7D70];
	[tilespmem:s8+$0x7D00] =	vst v3;
	v3 =	vmul.f32 v41, v42  }
0xd3: {  	v50 =	vmul.f32 v43, v42;
	v51 =	vld [tilespmem:s8+$0x7D80];
	[tilespmem:s8+$0x7D10] =	vst v47  }
0xd4: {  	v52 =	vld [tilespmem:s8+$0x7D90];
	[tilespmem:s8+$0x7D20] =	vst v3;
	v3 =	vmul.f32 v45, v42  }
0xd5: {  	v53 =	vmul.f32 v46, v42;
	[tilespmem:s8+$0x7D30] =	vst v50;
	v54 =	vld [tilespmem:s8+$0x7DA0]  }
0xd6: {  	v56 =	vld [tilespmem:s8+$0x7DB0];
	v55 =	vbroadcast v2, $0xB;
	[tilespmem:s8+$0x7D40] =	vst v3;
	v3 =	vmul.f32 v48, v42  }
0xd7: {  	v57 =	vmul.f32 v49, v42;
	[tilespmem:s8+$0x7D50] =	vst v53;
	v58 =	vld [tilespmem:s8+$0x7DC0]  }
0xd8: {  	v59 =	vld [tilespmem:s8+$0x7DD0];
	[tilespmem:s8+$0x7D60] =	vst v3;
	v3 =	vmul.f32 v51, v55  }
0xd9: {  	[tilespmem:s8+$0x7D70] =	vst v57;
	v61 =	vld [tilespmem:s8+$0x7DE0];
	v60 =	vmul.f32 v52, v55  }
0xda: {  	v62 =	vld [tilespmem:s8+$0x7DF0];
	[tilespmem:s8+$0x7D80] =	vst v3;
	v3 =	vmul.f32 v54, v55  }
0xdb: {  	v63 =	vmul.f32 v56, v55;
	v12 =	vld [tilespmem:s8+$0x7E00];
	[tilespmem:s8+$0x7D90] =	vst v60  }
0xdc: {  	v13 =	vld [tilespmem:s8+$0x7E10];
	[tilespmem:s8+$0x7DA0] =	vst v3;
	v3 =	vmul.f32 v58, v55  }
0xdd: {  	v14 =	vmul.f32 v59, v55;
	[tilespmem:s8+$0x7DB0] =	vst v63;
	v15 =	vld [tilespmem:s8+$0x7E20]  }
0xde: {  	v17 =	vld [tilespmem:s8+$0x7E30];
	v16 =	vbroadcast v2, $0xC;
	[tilespmem:s8+$0x7DC0] =	vst v3;
	v3 =	vmul.f32 v61, v55  }
0xdf: {  	v18 =	vmul.f32 v62, v55;
	[tilespmem:s8+$0x7DD0] =	vst v14;
	v19 =	vld [tilespmem:s8+$0x7E40]  }
0xe0: {  	v20 =	vld [tilespmem:s8+$0x7E50];
	[tilespmem:s8+$0x7DE0] =	vst v3;
	v3 =	vmul.f32 v12, v16  }
0xe1: {  	[tilespmem:s8+$0x7DF0] =	vst v18;
	v22 =	vld [tilespmem:s8+$0x7E60];
	v21 =	vmul.f32 v13, v16  }
0xe2: {  	v23 =	vld [tilespmem:s8+$0x7E70];
	[tilespmem:s8+$0x7E00] =	vst v3;
	v3 =	vmul.f32 v15, v16  }
0xe3: {  	v24 =	vmul.f32 v17, v16;
	v25 =	vld [tilespmem:s8+$0x7E80];
	[tilespmem:s8+$0x7E10] =	vst v21  }
0xe4: {  	v26 =	vld [tilespmem:s8+$0x7E90];
	[tilespmem:s8+$0x7E20] =	vst v3;
	v3 =	vmul.f32 v19, v16  }
0xe5: {  	v27 =	vmul.f32 v20, v16;
	[tilespmem:s8+$0x7E30] =	vst v24;
	v28 =	vld [tilespmem:s8+$0x7EA0]  }
0xe6: {  	v30 =	vld [tilespmem:s8+$0x7EB0];
	v29 =	vbroadcast v2, $0xD;
	[tilespmem:s8+$0x7E40] =	vst v3;
	v3 =	vmul.f32 v22, v16  }
0xe7: {  	v31 =	vmul.f32 v23, v16;
	[tilespmem:s8+$0x7E50] =	vst v27;
	v32 =	vld [tilespmem:s8+$0x7EC0]  }
0xe8: {  	v33 =	vld [tilespmem:s8+$0x7ED0];
	[tilespmem:s8+$0x7E60] =	vst v3;
	v3 =	vmul.f32 v25, v29  }
0xe9: {  	[tilespmem:s8+$0x7E70] =	vst v31;
	v35 =	vld [tilespmem:s8+$0x7EE0];
	v34 =	vmul.f32 v26, v29  }
0xea: {  	v36 =	vld [tilespmem:s8+$0x7EF0];
	[tilespmem:s8+$0x7E80] =	vst v3;
	v3 =	vmul.f32 v28, v29  }
0xeb: {  	v37 =	vmul.f32 v30, v29;
	v38 =	vld [tilespmem:s8+$0x7F00];
	[tilespmem:s8+$0x7E90] =	vst v34  }
0xec: {  	v39 =	vld [tilespmem:s8+$0x7F10];
	[tilespmem:s8+$0x7EA0] =	vst v3;
	v3 =	vmul.f32 v32, v29  }
0xed: {  	v40 =	vmul.f32 v33, v29;
	[tilespmem:s8+$0x7EB0] =	vst v37;
	v41 =	vld [tilespmem:s8+$0x7F20]  }
0xee: {  	v43 =	vld [tilespmem:s8+$0x7F30];
	v42 =	vbroadcast v2, $0xE;
	[tilespmem:s8+$0x7EC0] =	vst v3;
	v3 =	vmul.f32 v35, v29  }
0xef: {  	v44 =	vmul.f32 v36, v29;
	[tilespmem:s8+$0x7ED0] =	vst v40;
	v45 =	vld [tilespmem:s8+$0x7F40]  }
0xf0: {  	v46 =	vld [tilespmem:s8+$0x7F50];
	[tilespmem:s8+$0x7EE0] =	vst v3;
	v3 =	vmul.f32 v38, v42  }
0xf1: {  	[tilespmem:s8+$0x7EF0] =	vst v44;
	v48 =	vld [tilespmem:s8+$0x7F60];
	v47 =	vmul.f32 v39, v42  }
0xf2: {  	v49 =	vld [tilespmem:s8+$0x7F70];
	[tilespmem:s8+$0x7F00] =	vst v3;
	v3 =	vmul.f32 v41, v42  }
0xf3: {  	v50 =	vmul.f32 v43, v42;
	v51 =	vld [tilespmem:s8+$0x7F80];
	[tilespmem:s8+$0x7F10] =	vst v47  }
0xf4: {  	v52 =	vld [tilespmem:s8+$0x7F90];
	[tilespmem:s8+$0x7F20] =	vst v3;
	v3 =	vmul.f32 v45, v42  }
0xf5: {  	v53 =	vmul.f32 v46, v42;
	[tilespmem:s8+$0x7F30] =	vst v50;
	v54 =	vld [tilespmem:s8+$0x7FA0]  }
0xf6: {  	v2 =	vbroadcast v2, $0xF;
	v58 =	vld [tilespmem:s8+$0x7FD0];
	[tilespmem:s8+$0x7F40] =	vst v3;
	v3 =	vmul.f32 v48, v42  }
0xf7: {  	v57 =	vld [tilespmem:s8+$0x7FC0];
	v56 =	vmul.f32 v49, v42;
	[tilespmem:s8+$0x7F50] =	vst v53  }
0xf8: {  	v55 =	vld [tilespmem:s8+$0x7FB0];
	[tilespmem:s8+$0x7F60] =	vst v3;
	v3 =	vmul.f32 v51, v2  }
0xf9: {  	v60 =	vld [tilespmem:s8+$0x7FE0];
	v59 =	vmul.f32 v52, v2;
	[tilespmem:s8+$0x7F70] =	vst v56  }
0xfa: {  	v61 =	vld [tilespmem:s8+$0x7FF0];
	[tilespmem:s8+$0x7F80] =	vst v3;
	v3 =	vmul.f32 v54, v2  }
0xfb: {  	[tilespmem:s8+$0x7F90] =	vst v59;
	v63 =	vmul.f32 v58, v2  }
0xfc: {  	p6 =	sne.s32 s7, $0x7;
	[tilespmem:s8+$0x7FA0] =	vst v3;
	v3 =	vmul.f32 v57, v2  }
.Ltmp1:
0xfd: {  	v62 =	vmul.f32 v55, v2;
	[tilespmem:s8+$0x7FD0] =	vst v63;
	(pc) =	sbr.rel @p6 .LBB2_5-.Ltmp1, $4  }
0xfe: {  	[tilespmem:s8+$0x7FC0] =	vst v3;
	v3 =	vmul.f32 v60, v2  }
0xff: {  	[tilespmem:s8+$0x7FB0] =	vst v62;
	v2 =	vmul.f32 v61, v2  }
0x100: {  	[tilespmem:s8+$0x7FE0] =	vst v3  }
0x101: {  	s7 =	sadd.s32 $0x1, s7;
	[tilespmem:s8+$0x7FF0] =	vst v2  }
0x102: {  	s5 =	sadd.s32 $0x1, s5  }
0x103: {  	p6 =	sne.s32 s5, s10  }
.Ltmp2:
0x104: {  	s6 =	sadd.s32 $0x2800, s6;
	(pc) =	sbr.rel @p6 .LBB2_4-.Ltmp2, $4  }
0x105: {  	[spmem:s3] =	stream.indirect.scatter.add.f32 [tilespmem:s30], [sflag:$0x2], $0x80, s6, s0, $0xb8;
	[tilespmem:$0x1F080] =	vst v63  }
0x106: {  	_ =	swait.ge [sflag:s31], $0x4000  }
0x107: {  	[sflag:s31] =	ssyncset.done $0x0  }
0x108: {  	[sflag:s31] =	ssyncadd.s32 $0xFFFFC000  }
0x109: {  	s5 =	stileid.u32  }
0x10a: {  	[bflag:$0x0] =	sbarrier.arrive $0xFFFF;
	s5 =	sshll.u32 s5, $0x6  }
0x10b: {  	s6 =	sshrl.u32 s20, $0x3;
	s7 =	rddreg [dreg:$0x5];
	s5 =	sor.u32 $0x1C02, s5  }
0x10c: {  	[hbm:s7], [sflag:s5] =	dma.local [spmem:s6], $0x800  }
0x10d: {  	_ =	swait.ge [sflag:s31], $0x800  }
0x10e: {  	[sflag:s31] =	ssyncset.done $0x0  }
0x10f: {  	s7 =	sshrl.u32 s21, $0x3;
	s8 =	rddreg [dreg:$0x6];
	[sflag:s31] =	ssyncadd.s32 $0xFFFFF800  }
0x110: {  	[hbm:s8], [sflag:s5] =	dma.local [spmem:s7], $0x800  }
0x111: {  	_ =	swait.ge [sflag:s31], $0x800  }
0x112: {  	[sflag:s31] =	ssyncset.done $0x0  }
0x113: {  	s7 =	sshrl.u32 s22, $0x3;
	s8 =	rddreg [dreg:$0x7];
	[sflag:s31] =	ssyncadd.s32 $0xFFFFF800  }
0x114: {  	[hbm:s8], [sflag:s5] =	dma.local [spmem:s7], $0x800  }
0x115: {  	_ =	swait.ge [sflag:s31], $0x800  }
0x116: {  	[sflag:s31] =	ssyncset.done $0x0  }
0x117: {  	s7 =	sshrl.u32 s23, $0x3;
	s8 =	rddreg [dreg:$0x8];
	[sflag:s31] =	ssyncadd.s32 $0xFFFFF800  }
0x118: {  	[hbm:s8], [sflag:s5] =	dma.local [spmem:s7], $0x800  }
0x119: {  	_ =	swait.ge [sflag:s31], $0x800  }
0x11a: {  	[sflag:s31] =	ssyncset.done $0x0  }
0x11b: {  	s6 =	simm.s32 @!p1 $0x2;
	[sflag:s31] =	ssyncadd.s32 $0xFFFFF800  }
0x11c: {  	[hbm:s9], [sflag:s5] =	dma.local @!p1 [spmem:s26], $0x800  }
0x11d: {  	_ =	swait.ge @!p1 [sflag:s6], $0x800  }
0x11e: {  	s4 =	sadd.s32 $0x1, s4;
	[sflag:s6] =	ssyncset.done @!p1 $0x0  }
0x11f: {  	p6 =	sne.s32 s4, s25;
	[sflag:s6] =	ssyncadd.s32 @!p1 $0xFFFFF800;
	s6 =	sshrl.u32 @p5 s28, $0x3  }
0x120: {  	[hbm:s24], [sflag:s5] =	dma.local @p5 [spmem:s6], $0x100  }
.Ltmp3:
0x121: {  	_ = 	snop;
	(pc) =	sbr.rel @p6 .LBB2_1-.Ltmp3, $4  }
0x122: {  	s5 =	simm.s32 @p5 $0x2  }
0x123: {  	_ =	swait.ge @p5 [sflag:s5], $0x100  }
0x124: {  	[sflag:s5] =	ssyncset.done @p5 $0x0  }
0x125: {  	[sflag:s5] =	ssyncadd.s32 @p5 $0xFFFFFF00  }
0x126: {  	_ =	sfence.sel $0x180000  }
0x127: {  	[bflag:$0x0] =	sbarrier.arrive $0xFFFF  }
0x128: {  	_ =	strace $0x9000004A  }
0x129: {  	s0 =	stileid.u32;
	[bflag:$0x2] =	sbarrier.arrive $0xFFFF  }
0x12a: {  	p0 =	sne.s32 s0, $0x0;
	s0 =	rddreg [dreg:$0x4]  }
0x12b: {  	s0 =	sadd.s32 @!p0 $0x100000, s0  }
0x12c: {  	[sflag:s0] =	ssyncadd.tile.s32 @!p0 $0x1;
	_ =	shalt  }
.Lfunc_end2:
_tile_overlayer_lowered:
.L_overlay_start_2:
0x12d: {  	(tag) =	ssettag $0x2  }
0x12e: {  	s0 =	rddreg [dreg:$0x0];
	s2 =	stileid.u32  }
0x12f: {  	s1 =	rddreg [dreg:$0x1];
	p0 =	sne.s32 s2, $0x0  }
0x130: {  	s3 =	rddreg [dreg:$0x2];
	[bflag:$0x3] =	sbarrier.arrive $0xFFFF;
	s2 =	simm.s32 @!p0 $0x1C02  }
0x131: {  	[timem:s3], [sflag:s2] =	dma.local @!p0 [hbm:s0], s1  }
0x132: {  	s0 =	simm.s32 @!p0 $0x2  }
0x133: {  	_ =	swait.ge @!p0 [sflag:s0], s1  }
0x134: {  	s1 =	ssub.s32 @!p0 $0x0, s1;
	[sflag:s0] =	ssyncset.done @!p0 $0x0  }
0x135: {  	[sflag:s0] =	ssyncadd.s32 @!p0 s1  }
0x136: {  	[bflag:$0x3] =	sbarrier.arrive $0xFFFF  }
0x137: {  	_ =	shalt  }

// kernel: kernel.7.cloned.1.call-start
scs
__scs_entry_jumppad:
0x0: {  	(pc) =	sbr.rel $0x88, $3  }
0x1: {  	(tag) =	ssettag $0x0;
	lr =	simm.s32 $0x1  }
0x2: {  	[smem:$0x3F9C] =	sst lr;
	_ =	strace $0xD0000000  }
0x3: {  	_ = 	snop  }
0x4: {  	_ = 	snop  }
0x5: {  	_ = 	snop  }
0x6: {  	_ = 	snop  }
0x7: {  	_ = 	snop  }
__scs_overlays_trampoline_lowered:
0x8: {  	[smem:$0x3FAB] =	sst s0  }
0x9: {  	[smem:$0x3FAC] =	sst s1  }
0xa: {  	[smem:$0x3FAD] =	sst s2  }
0xb: {  	[smem:$0x3FAE] =	sst s3  }
0xc: {  	[smem:$0x3FAF] =	sst s4  }
0xd: {  	[smem:$0x3FB0] =	sst s5  }
0xe: {  	[smem:$0x3FB1] =	sst s6  }
0xf: {  	[smem:$0x3FB2] =	sst s7  }
0x10: {  	[smem:$0x3FB3] =	sst s8  }
0x11: {  	[smem:$0x3FB4] =	sst s9;
	s0 =	simm.s32 @!p0 $0x0  }
0x12: {  	s1 =	sld [smem:$0x3F9A];
	s0 =	simm.s32 @p0 $0x1  }
0x13: {  	[smem:$0x3FB5] =	sst s0;
	s0 =	simm.s32 @!p1 $0x0  }
0x14: {  	s2 =	sld [smem:$0x3F99];
	s0 =	simm.s32 @p1 $0x1  }
0x15: {  	[smem:$0x3FB6] =	sst s0;
	s0 =	simm.s32 @!p2 $0x0  }
0x16: {  	s3 =	sld [smem:$0x3FDB];
	s0 =	simm.s32 @p2 $0x1  }
0x17: {  	s4 =	simm.s32 $0x1BF5;
	[smem:$0x3FB8] =	sst s0  }
0x18: {  	s0 =	sld [smem:$0x3F9B];
	_ =	swait.ge [sflag:s4], $0x0  }
0x19: {  	s7 =	sld [smem:$0x3F9C]  }
0x1a: {  	s8 =	sadd.s32 $0xFFFFE003, lr  }
0x1b: {  	s9 =	sadd.s32 $0xFFFFFEF7, lr;
	s5 =	simm.s32 $0xFFFFFFFF;
	p2 =	slt.u32 s8, $0xFFFFF086  }
0x1c: {  	p1 =	slt.u32 s9, $0xF7A;
	s5 =	simm.s32 @!p2 $0x0  }
0x1d: {  	s5 =	simm.s32 @p1 $0x1;
	p0 =	seq.s32 s7, s2  }
0x1e: {  	s7 =	smul.u32 @!p0 $0xF7A, s2;
	p2 =	seq.s32 @!p0 s5, $0x0  }
0x1f: {  	s9 =	smul.u32 $0xF7A, s1;
	s8 =	simm.s32 @!p0 $0x1BF5;
	p2 =	por !p2, p0  }
0x20: {  	[sflag:s8] =	ssyncset.s32 @!p0 $0xFFFFF086;
	s6 =	sadd.s32 @!p0 s3, s7;
	s7 =	simm.s32 @!p0 $0x108  }
0x21: {  	s3 =	sadd.s32 s3, s9;
	s6 =	sadd.s32 @!p0 $0x88, s6;
	s7 =	simm.s32 @p2 $0x1082  }
0x22: {  	[simem:s7], [sflag:s8] =	dma.local @!p0 [hbm:s6], $0xF7A  }
0x23: {  	s9 =	sor.u32 $0xD0000000, s2;
	s6 =	simm.s32 $0x108;
	_ =	swait.ge @!p0 [sflag:s8], $0x0  }
0x24: {  	s3 =	sadd.s32 $0x88, s3;
	s6 =	simm.s32 @!p1 $0x1082;
	[sflag:s4] =	ssyncset.s32 $0xFFFFF086  }
0x25: {  	[simem:s6], [sflag:s4] =	dma.local [hbm:s3], $0xF7A  }
0x26: {  	[smem:$0x3F9C] =	sst s1;
	(tag) =	ssettag s2;
	_ =	strace s9  }
0x27: {  	s1 =	sld [smem:$0x3FAC]  }
0x28: {  	s2 =	sld [smem:$0x3FAD]  }
0x29: {  	s4 =	sld [smem:$0x3FAF]  }
0x2a: {  	p0 =	seq.s32 s5, $0x0;
	s5 =	sld [smem:$0x3FB0]  }
0x2b: {  	s6 =	sld [smem:$0x3FB1]  }
0x2c: {  	s7 =	sld [smem:$0x3FB2]  }
0x2d: {  	s3 =	simm.s32 $0x108;
	s8 =	sld [smem:$0x3FB3]  }
0x2e: {  	s3 =	simm.s32 @!p0 $0x1082;
	s9 =	sld [smem:$0x3FB4]  }
0x2f: {  	lr =	sadd.s32 s0, s3;
	s0 =	sld [smem:$0x3FAB]  }
0x30: {  	s3 =	sld [smem:$0x3FAE]  }
0x31: {  	[smem:$0x3FB7] =	sst s10  }
0x32: {  	s10 =	sld [smem:$0x3FB5];
	_ =	sdelay $0x3  }
0x33: {  	p0 =	seq.s32 s10, $0x1;
	s10 =	sld [smem:$0x3FB7];
	_ =	sdelay $0x3  }
0x34: {  	[smem:$0x3FB7] =	sst s10  }
0x35: {  	s10 =	sld [smem:$0x3FB6];
	_ =	sdelay $0x3  }
0x36: {  	p1 =	seq.s32 s10, $0x1;
	s10 =	sld [smem:$0x3FB7];
	_ =	sdelay $0x3  }
0x37: {  	[smem:$0x3FB7] =	sst s10  }
0x38: {  	s10 =	sld [smem:$0x3FB8]  }
0x39: {  	_ = 	snop;
	(pc) =	sbr.ind lr, $3  }
0x3a: {  	_ = 	snop  }
0x3b: {  	_ = 	snop  }
0x3c: {  	p2 =	seq.s32 s10, $0x1;
	s10 =	sld [smem:$0x3FB7]  }
0x3d: {  	_ =	shalt  }
0x3e: {  	_ =	shalt  }
0x3f: {  	_ =	shalt  }
0x40: {  	_ =	shalt  }
0x41: {  	_ =	shalt  }
0x42: {  	_ =	shalt  }
0x43: {  	_ =	shalt  }
0x44: {  	_ =	shalt  }
0x45: {  	_ =	shalt  }
0x46: {  	_ =	shalt  }
0x47: {  	_ =	shalt  }
0x48: {  	_ =	shalt  }
0x49: {  	_ =	shalt  }
0x4a: {  	_ =	shalt  }
0x4b: {  	_ =	shalt  }
0x4c: {  	_ =	shalt  }
0x4d: {  	_ =	shalt  }
0x4e: {  	_ =	shalt  }
0x4f: {  	_ =	shalt  }
0x50: {  	_ =	shalt  }
0x51: {  	_ =	shalt  }
0x52: {  	_ =	shalt  }
0x53: {  	_ =	shalt  }
0x54: {  	_ =	shalt  }
0x55: {  	_ =	shalt  }
0x56: {  	_ =	shalt  }
0x57: {  	_ =	shalt  }
0x58: {  	_ =	shalt  }
0x59: {  	_ =	shalt  }
0x5a: {  	_ =	shalt  }
0x5b: {  	_ =	shalt  }
0x5c: {  	_ =	shalt  }
0x5d: {  	_ =	shalt  }
0x5e: {  	_ =	shalt  }
0x5f: {  	_ =	shalt  }
0x60: {  	_ =	shalt  }
0x61: {  	_ =	shalt  }
0x62: {  	_ =	shalt  }
0x63: {  	_ =	shalt  }
0x64: {  	_ =	shalt  }
0x65: {  	_ =	shalt  }
0x66: {  	_ =	shalt  }
0x67: {  	_ =	shalt  }
0x68: {  	_ =	shalt  }
0x69: {  	_ =	shalt  }
0x6a: {  	_ =	shalt  }
0x6b: {  	_ =	shalt  }
0x6c: {  	_ =	shalt  }
0x6d: {  	_ =	shalt  }
0x6e: {  	_ =	shalt  }
0x6f: {  	_ =	shalt  }
0x70: {  	_ =	shalt  }
0x71: {  	_ =	shalt  }
0x72: {  	_ =	shalt  }
0x73: {  	_ =	shalt  }
0x74: {  	_ =	shalt  }
0x75: {  	_ =	shalt  }
0x76: {  	_ =	shalt  }
0x77: {  	_ =	shalt  }
0x78: {  	_ =	shalt  }
0x79: {  	_ =	shalt  }
0x7a: {  	_ =	shalt  }
0x7b: {  	_ =	shalt  }
0x7c: {  	_ =	shalt  }
0x7d: {  	_ =	shalt  }
0x7e: {  	_ =	shalt  }
0x7f: {  	_ =	shalt  }
0x80: {  	_ =	shalt  }
0x81: {  	_ =	shalt  }
0x82: {  	_ =	shalt  }
0x83: {  	_ =	shalt  }
0x84: {  	_ =	shalt  }
0x85: {  	_ =	shalt  }
0x86: {  	_ =	shalt  }
0x87: {  	_ =	shalt  }
.Lfunc_end0:
.L_simem_size_0:
called_computation_lowered:
.L_overlay_start_0:
0x88: {  	s2 =	sld [smem:$0x3FD9]  }
0x89: {  	s3 =	sld [smem:$0x3FFE];
	_ =	sdelay $0x1  }
0x8a: {  	s1 =	srdreg.scid  }
0x8b: {  	s0 =	sand.u32 $0x1, s1  }
0x8c: {  	s17 =	sshll.u32 s0, $0xA;
	s2 =	sadd.s32 s3, s2  }
0x8d: {  	s2 =	sadd.s32 s2, s17  }
0x8e: {  	[smem:$0x3FC3] =	sst s2  }
0x8f: {  	_ = 	snop  }
0x90: {  	s2 =	sld [smem:$0x3FC7]  }
0x91: {  	s18 =	sld [smem:$0x3FD0];
	(tm) =	ssettm $0x1  }
0x92: {  	s4 =	sld [smem:$0x3FFB];
	_ =	sdelay $0x3  }
0x93: {  	_ =	strace s4  }
0x94: {  	s4 =	sld [smem:$0x3FFC];
	_ =	sdelay $0x3  }
0x95: {  	_ =	strace s4  }
0x96: {  	s4 =	sld [smem:$0x3FFD];
	_ =	sdelay $0x3  }
0x97: {  	_ =	strace s4  }
0x98: {  	_ =	strace $0x8FFFFFFF  }
0x99: {  	s19 =	sld [smem:$0x3FDB];
	_ =	sdelay $0x1  }
0x9a: {  	s5 =	simm.s32 $_scs_section_size  }
0x9b: {  	s6 =	simm.s32 $_size__tile_overlayer_lowered;
	s7 =	simm.s32 $_tile_overlayer_lowered  }
0x9c: {  	s22 =	simm.s32 $0x1BFF;
	s21 =	sshll.u32 s7, $0x1;
	s4 =	sadd.s32 s5, s19  }
0x9d: {  	s8 =	simm.s32 $0x0;
	s20 =	sshll.u32 s6, $0x1;
	s6 =	sadd.s32 s21, s4  }
0x9e: {  	[timem:s8], [sflag:s22] =	dma.local [hbm:s6], s20  }
0x9f: {  	_ =	swait.ge [sflag:s22], s20  }
0xa0: {  	s5 =	ssub.s32 $0x0, s20;
	[sflag:s22] =	ssyncset.done $0x0  }
0xa1: {  	[sflag:s22] =	ssyncadd.s32 s5;
	_ =	sdelay $0x1  }
0xa2: {  	s23 =	simm.s32 $0x1B8B  }
0xa3: {  	_ =	swait.ge [sflag:s23], $0x1  }
0xa4: {  	[sflag:s23] =	ssyncset.done $0x0  }
0xa5: {  	s25 =	simm.s32 $0x1B8E;
	s24 =	sld [smem:$0x3FFE];
	[sflag:s23] =	ssyncadd.s32 $0xFFFFFFFF  }
0xa6: {  	s26 =	simm.s32 $execute0_lowered;
	[smem:$0x3FD2] =	sst s25  }
0xa7: {  	s6 =	sshll.u32 s26, $0x1;
	_ =	strace $0x80000046;
	[dreg:$0x1] =	wrdreg $0xFFFFFFFF  }
0xa8: {  	s28 =	simm.s32 $_size_execute0_lowered;
	s4 =	sadd.s32 s4, s6;
	[dreg:$0x0] =	wrdreg $0x0  }
0xa9: {  	s6 =	sshll.u32 s28, $0x1;
	[dreg:$0x2] =	wrdreg s4  }
0xaa: {  	[dreg:$0x3] =	wrdreg s6  }
0xab: {  	[dreg:$0x4] =	wrdreg $0xC0  }
0xac: {  	_ =	task [dreg:s8], $0x5FFFF  }
0xad: {  	[dreg:$0x1] =	wrdreg $0xFFFFFFFF  }
0xae: {  	[dreg:$0x0] =	wrdreg $0x60  }
0xaf: {  	[dreg:$0x2] =	wrdreg s24  }
0xb0: {  	[dreg:$0x3] =	wrdreg s2  }
0xb1: {  	[dreg:$0x4] =	wrdreg s18  }
0xb2: {  	[dreg:$0x5] =	wrdreg $0x58000  }
0xb3: {  	[dreg:$0x6] =	wrdreg $0x9  }
0xb4: {  	_ =	task.clear_ibuf [dreg:s8], $0x7FFFF;
	_ =	strace $0x90000046  }
0xb5: {  	s29 =	simm.s32 $0x9;
	_ =	strace $0x80000048  }
0xb6: {  	_ =	swait.ge [sflag:s29], $0x1  }
0xb7: {  	[sflag:s29] =	ssyncadd.s32 $0xFFFFFFFF  }
0xb8: {  	_ =	strace $0x90000048  }
0xb9: {  	_ =	sfence  }
0xba: {  	s30 =	sld [smem:$0x0];
	_ =	sdelay $0x2  }
0xbb: {  	s31 =	sshll.u32 s1, $0xD;
	s1 =	sshrl.u32 s1, $0x2  }
0xbc: {  	s3 =	sand.u32 $0x4000, s31;
	s1 =	sadd.s32 s1, s30  }
0xbd: {  	s0 =	sor.u32 s3, s0;
	s1 =	sshll.u32 s1, $0x11  }
0xbe: {  	s0 =	sor.u32 s1, s0  }
0xbf: {  	s0 =	sadd.s32 $0x8F2B, s0  }
0xc0: {  	[sflag:s0] =	ssyncadd.remote.s32 $0x1  }
0xc1: {  	_ =	sfence.sel $0xFFFF  }
0xc2: {  	[dreg:$0x0] =	wrdreg $0xFFFFFFFF;
	(pc) =	sbr.abs _section_cstart, $3  }
0xc3: {  	[dreg:$0x1] =	wrdreg $0xFFFFFFFF  }
0xc4: {  	_ =	task.clear_ibuf [dreg:s8], $0x2FFFF;
	_ =	strace $0x9FFFFFFF  }
0xc5: {  	(tm) =	ssettm $0x7FFFFFFF  }
tec
execute0_lowered:
.L_overlay_start_1:
0x0: {  	(tag) =	ssettag $0x1  }
0x1: {  	s11 =	rddreg [dreg:$0x0]  }
0x2: {  	s12 =	rddreg [dreg:$0x1]  }
0x3: {  	s13 =	rddreg [dreg:$0x2]  }
0x4: {  	s1 =	rddreg [dreg:$0x3]  }
0x5: {  	s0 =	rddreg [dreg:$0x4];
	s3 =	srdreg.scid  }
0x6: {  	s2 =	simm.s32 $0x0;
	s24 =	stileid.u32;
	s23 =	simm.s32 $0x50  }
0x7: {  	s20 =	simm.s32 $0x5000;
	s22 =	simm.s32 $0x2800;
	s8 =	sand.u32 $0x1, s3  }
0x8: {  	[smem:$0x7FF] =	sst s2;
	s4 =	sshll.u32 s24, $0x1;
	s9 =	sadd.s32 $0xB600, s11  }
0x9: {  	s6 =	sadd.s32 $0x2000, s1;
	p0 =	slt.u32 s24, $0xC;
	s11 =	sadd.s32 $0x15200, s11  }
0xa: {  	p2 =	sgt.u32 s24, $0xB;
	s3 =	ssub.s32 $0x2, s8;
	_ =	strace $0x80000047  }
0xb: {  	s21 =	sor.u32 s8, s4;
	s4 =	sadd.s32 $0x1000, s1;
	s15 =	smul.u32 $0x2800, s8  }
0xc: {  	s23 =	simm.s32 @!p0 $0x48;
	p0 =	sne.s32 s24, $0x0;
	s7 =	smul.u32 $0x480, s21  }
0xd: {  	s24 =	simm.s32 $0x0;
	s5 =	sshrl.u32 s3, $0x1;
	s14 =	smul.u32 $0x500, s21  }
0xe: {  	s19 =	sor.u32 $0x4, s23;
	p1 =	sne.s32 s21, $0x1F;
	s21 =	simm.s32 $0x1  }
0xf: {  	s18 =	ssub.s32 s3, s5;
	s3 =	sadd.s32 $0x800, s1;
	s5 =	sadd.s32 $0x1800, s1  }
0x10: {  	s31 =	sshrl.u32 s15, $0x3;
	s19 =	smov.u32 @p1 s23;
	s23 =	simm.s32 $0x80  }
0x11: {  	s10 =	sadd.s32 $0xC00, s7;
	s13 =	sadd.s32 s13, s31;
	s18 =	smax.u32 s18, $0x1  }
0x12: {  	s7 =	sadd.s32 s9, s10;
	s8 =	sadd.s32 s12, s10;
	s9 =	sadd.s32 s9, s14  }
0x13: {  	s10 =	sadd.s32 s12, s14;
	s12 =	sadd.s32 $0x9C00, s12;
	s14 =	sadd.s32 $0x100, s13  }
0x14: {  	v0 =	vimm.f32 $0.0e+00;
	s15 =	sadd.s32 $0x200, s13;
	s16 =	sadd.s32 $0x300, s13;
	s17 =	sadd.s32 $0x400, s13  }
.LBB2_1:
.Ltmp0:
0x15: {  	(pc) =	sbr.rel @!p0 .LBB2_2-.Ltmp0, $1  }
0x16: {  	_ =	sdelay $0x3  }
.Ltmp1:
0x17: {  	(pc) =	sbr.rel @!p2 .LBB2_6-.Ltmp1, $1  }
0x18: {  	_ =	sdelay $0x3  }
0x19: {  	[tilespmem:s2], [sflag:$0x1] =	stream.linear.gather [hbm4b:s7+s2], $0x2400, $0x38;
	[tilespmem:$0x5A80] =	vst v63  }
0x1a: {  	_ =	swait.ge [sflag:s21], $0x2400  }
0x1b: {  	[sflag:s21] =	ssyncset.done $0x0  }
.Ltmp2:
0x1c: {  	[sflag:s21] =	ssyncadd.s32 $0xFFFFDC00;
	(pc) =	sbr.rel .LBB2_8-.Ltmp2, $4  }
0x1d: {  	[tilespmem:s22], [sflag:$0x1] =	stream.linear.gather [hbm4b:s8+s2], $0x2400, $0x38;
	[tilespmem:$0x5A80] =	vst v63  }
0x1e: {  	_ =	swait.ge [sflag:s21], $0x2400  }
0x1f: {  	[sflag:s21] =	ssyncset.done $0x0  }
0x20: {  	[sflag:s21] =	ssyncadd.s32 $0xFFFFDC00  }
.LBB2_2:
0x21: {  	s25 =	simm.s32 $0x40;
	s26 =	simm.s32 $0x0  }
.LBB2_3:
0x22: {  	p3 =	sne.s32 s25, $0x1FC0;
	[tilespmem:s26+$0x5000] =	vst v0;
	s26 =	smov.u32 s25;
	s25 =	sadd.s32 $0x40, s25  }
.Ltmp3:
0x23: {  	(pc) =	sbr.rel @p3 .LBB2_3-.Ltmp3, $2  }
0x24: {  	_ =	sdelay $0x2  }
0x25: {  	s26 =	sshra.s32 s26, $0x2  }
0x26: {  	[tilespmem:s26+$0x5000] =	vst v0  }
0x27: {  	[spmem:s1] =	stream.linear.scatter [tilespmem:s20], [sflag:$0x1], $0x800, $0x38;
	[tilespmem:$0x5A80] =	vst v63  }
0x28: {  	_ =	swait.ge [sflag:s21], $0x800  }
0x29: {  	[sflag:s21] =	ssyncset.done $0x0  }
0x2a: {  	[sflag:s21] =	ssyncadd.s32 $0xFFFFF800  }
0x2b: {  	[spmem:s3] =	stream.linear.scatter [tilespmem:s20], [sflag:$0x1], $0x800, $0x38;
	[tilespmem:$0x5A80] =	vst v63  }
0x2c: {  	_ =	swait.ge [sflag:s21], $0x800  }
0x2d: {  	[sflag:s21] =	ssyncset.done $0x0  }
0x2e: {  	[sflag:s21] =	ssyncadd.s32 $0xFFFFF800  }
0x2f: {  	[spmem:s4] =	stream.linear.scatter [tilespmem:s20], [sflag:$0x1], $0x800, $0x38;
	[tilespmem:$0x5A80] =	vst v63  }
0x30: {  	_ =	swait.ge [sflag:s21], $0x800  }
0x31: {  	[sflag:s21] =	ssyncset.done $0x0  }
0x32: {  	[sflag:s21] =	ssyncadd.s32 $0xFFFFF800  }
0x33: {  	[spmem:s5] =	stream.linear.scatter [tilespmem:s20], [sflag:$0x1], $0x800, $0x38;
	[tilespmem:$0x5A80] =	vst v63  }
0x34: {  	_ =	swait.ge [sflag:s21], $0x800  }
0x35: {  	[sflag:s21] =	ssyncset.done $0x0  }
0x36: {  	[sflag:s21] =	ssyncadd.s32 $0xFFFFF800  }
0x37: {  	[spmem:s6] =	stream.linear.scatter [tilespmem:s20], [sflag:$0x1], $0x800, $0x38;
	[tilespmem:$0x5A80] =	vst v63  }
0x38: {  	_ =	swait.ge [sflag:s21], $0x800  }
0x39: {  	[sflag:s21] =	ssyncset.done $0x0  }
0x3a: {  	[sflag:s21] =	ssyncadd.s32 $0xFFFFF800  }
.LBB2_6:
0x3b: {  	[tilespmem:s2], [sflag:$0x1] =	stream.linear.gather [hbm4b:s9+s2], $0x2800, $0x38;
	[tilespmem:$0x5A80] =	vst v63  }
0x3c: {  	_ =	swait.ge [sflag:s21], $0x2800  }
0x3d: {  	[sflag:s21] =	ssyncset.done $0x0  }
0x3e: {  	[sflag:s21] =	ssyncadd.s32 $0xFFFFD800  }
0x3f: {  	[tilespmem:s22], [sflag:$0x1] =	stream.linear.gather [hbm4b:s10+s2], $0x2800, $0x38;
	[tilespmem:$0x5A80] =	vst v63  }
0x40: {  	_ =	swait.ge [sflag:s21], $0x2800  }
0x41: {  	[sflag:s21] =	ssyncset.done $0x0  }
0x42: {  	[sflag:s21] =	ssyncadd.s32 $0xFFFFD800  }
.LBB2_8:
0x43: {  	s25 =	simm.s32 @!p1 $0x0;
	s26 =	simm.s32 @!p1 $0x2400  }
0x44: {  	[tilespmem:s26], [sflag:$0x1] =	stream.linear.gather @!p1 [hbm4b:s11+s25], $0x200, $0x38;
	[tilespmem:$0x5A80] =	vst v63  }
0x45: {  	s26 =	simm.s32 @!p1 $0x1  }
0x46: {  	_ =	swait.ge @!p1 [sflag:s26], $0x200  }
0x47: {  	[sflag:s26] =	ssyncset.done @!p1 $0x0  }
0x48: {  	s28 =	simm.s32 @!p1 $0x4C00;
	[sflag:s26] =	ssyncadd.s32 @!p1 $0xFFFFFE00  }
0x49: {  	[tilespmem:s28], [sflag:$0x1] =	stream.linear.gather @!p1 [hbm4b:s12+s25], $0x200, $0x38;
	[tilespmem:$0x5A80] =	vst v63  }
0x4a: {  	_ =	swait.ge @!p1 [sflag:s26], $0x200  }
0x4b: {  	[sflag:s26] =	ssyncset.done @!p1 $0x0  }
0x4c: {  	s25 =	simm.s32 $0x0;
	[sflag:s26] =	ssyncadd.s32 @!p1 $0xFFFFFE00;
	s26 =	simm.s32 $0x40  }
.LBB2_9:
0x4d: {  	p3 =	sne.s32 s26, $0x9FC0;
	v1 =	vld [tilespmem:s25+$0x2800];
	_ =	sdelay $0x2  }
.Ltmp4:
0x4e: {  	(pc) =	sbr.rel @p3 .LBB2_9-.Ltmp4, $4  }
0x4f: {  	_ = 	snop  }
0x50: {  	v1 =	vmax.f32 v1, $-2.000000000e+00  }
0x51: {  	v1 =	vmin.f32 v1, $5.000000000e+00  }
0x52: {  	[tilespmem:s25+$0x2800] =	vst v1;
	s25 =	sshra.s32 s26, $0x2;
	s26 =	sadd.s32 $0x40, s26  }
0x53: {  	v1 =	vld [tilespmem:s25+$0x2800];
	_ =	sdelay $0x4  }
0x54: {  	v1 =	vmax.f32 v1, $-2.000000000e+00  }
0x55: {  	p3 =	sne.s32 s19, $0x1;
	v1 =	vmin.f32 v1, $5.000000000e+00  }
.Ltmp5:
0x56: {  	[tilespmem:s25+$0x2800] =	vst v1;
	(pc) =	sbr.rel @!p3 .LBB2_12-.Ltmp5, $4  }
0x57: {  	s26 =	simm.s32 $0x2800;
	s25 =	simm.s32 $0x0;
	[bflag:$0x0] =	sbarrier.arrive $0xFFFF  }
0x58: {  	[spmem:s1] =	stream.indirect.scatter.add.f32 [tilespmem:s26], [sflag:$0x1], $0x1, s25, s23, $0xb8;
	[tilespmem:$0x5A80] =	vst v63  }
0x59: {  	_ =	swait.ge [sflag:s21], $0x80  }
0x5a: {  	s28 =	sadd.s32 $0xFFFFFFFF, s19;
	[sflag:s21] =	ssyncset.done $0x0  }
.LBB2_11:
0x5b: {  	[sflag:s21] =	ssyncadd.s32 $0xFFFFFF80  }
0x5c: {  	s25 =	sadd.s32 $0x80, s25;
	s26 =	sadd.s32 $0x80, s26;
	p3 =	sne.s32 s28, $0x1  }
.Ltmp6:
0x5d: {  	s28 =	sadd.s32 $0xFFFFFFFF, s28;
	(pc) =	sbr.rel @p3 .LBB2_11-.Ltmp6, $4  }
0x5e: {  	_ = 	snop  }
0x5f: {  	[spmem:s1] =	stream.indirect.scatter.add.f32 [tilespmem:s26], [sflag:$0x1], $0x1, s25, s23, $0xb8;
	[tilespmem:$0x5A80] =	vst v63  }
0x60: {  	_ =	swait.ge [sflag:s21], $0x80  }
0x61: {  	[sflag:s21] =	ssyncset.done $0x0  }
.LBB2_12:
0x62: {  	[sflag:s21] =	ssyncadd.s32 $0xFFFFFF80  }
0x63: {  	s25 =	simm.s32 @!p0 $0x5000;
	s26 =	simm.s32 @!p0 $0x1;
	[bflag:$0x0] =	sbarrier.arrive $0xFFFF  }
0x64: {  	[tilespmem:s25], [sflag:$0x1] =	stream.linear.gather @!p0 [spmem:s1], $0x800, $0x38;
	[tilespmem:$0x5A80] =	vst v63  }
0x65: {  	_ =	swait.ge @!p0 [sflag:s26], $0x800  }
0x66: {  	[sflag:s26] =	ssyncset.done @!p0 $0x0  }
0x67: {  	s28 =	simm.s32 @!p0 $0x0;
	[sflag:s26] =	ssyncadd.s32 @!p0 $0xFFFFF800  }
0x68: {  	[hbm4b:s13+s28] =	stream.linear.scatter @!p0 [tilespmem:s25], [sflag:$0x1], $0x800, $0x38;
	[tilespmem:$0x5A80] =	vst v63  }
0x69: {  	_ =	swait.ge @!p0 [sflag:s26], $0x800  }
0x6a: {  	[sflag:s26] =	ssyncset.done @!p0 $0x0  }
0x6b: {  	[sflag:s26] =	ssyncadd.s32 @!p0 $0xFFFFF800  }
0x6c: {  	[tilespmem:s25], [sflag:$0x1] =	stream.linear.gather @!p0 [spmem:s3], $0x800, $0x38;
	[tilespmem:$0x5A80] =	vst v63  }
0x6d: {  	_ =	swait.ge @!p0 [sflag:s26], $0x800  }
0x6e: {  	[sflag:s26] =	ssyncset.done @!p0 $0x0  }
0x6f: {  	[sflag:s26] =	ssyncadd.s32 @!p0 $0xFFFFF800  }
0x70: {  	[hbm4b:s14+s28] =	stream.linear.scatter @!p0 [tilespmem:s25], [sflag:$0x1], $0x800, $0x38;
	[tilespmem:$0x5A80] =	vst v63  }
0x71: {  	_ =	swait.ge @!p0 [sflag:s26], $0x800  }
0x72: {  	[sflag:s26] =	ssyncset.done @!p0 $0x0  }
0x73: {  	[sflag:s26] =	ssyncadd.s32 @!p0 $0xFFFFF800  }
0x74: {  	[tilespmem:s25], [sflag:$0x1] =	stream.linear.gather @!p0 [spmem:s4], $0x800, $0x38;
	[tilespmem:$0x5A80] =	vst v63  }
0x75: {  	_ =	swait.ge @!p0 [sflag:s26], $0x800  }
0x76: {  	[sflag:s26] =	ssyncset.done @!p0 $0x0  }
0x77: {  	[sflag:s26] =	ssyncadd.s32 @!p0 $0xFFFFF800  }
0x78: {  	[hbm4b:s15+s28] =	stream.linear.scatter @!p0 [tilespmem:s25], [sflag:$0x1], $0x800, $0x38;
	[tilespmem:$0x5A80] =	vst v63  }
0x79: {  	_ =	swait.ge @!p0 [sflag:s26], $0x800  }
0x7a: {  	[sflag:s26] =	ssyncset.done @!p0 $0x0  }
0x7b: {  	[sflag:s26] =	ssyncadd.s32 @!p0 $0xFFFFF800  }
0x7c: {  	[tilespmem:s25], [sflag:$0x1] =	stream.linear.gather @!p0 [spmem:s5], $0x800, $0x38;
	[tilespmem:$0x5A80] =	vst v63  }
0x7d: {  	_ =	swait.ge @!p0 [sflag:s26], $0x800  }
0x7e: {  	[sflag:s26] =	ssyncset.done @!p0 $0x0  }
0x7f: {  	[sflag:s26] =	ssyncadd.s32 @!p0 $0xFFFFF800  }
0x80: {  	[hbm4b:s16+s28] =	stream.linear.scatter @!p0 [tilespmem:s25], [sflag:$0x1], $0x800, $0x38;
	[tilespmem:$0x5A80] =	vst v63  }
0x81: {  	_ =	swait.ge @!p0 [sflag:s26], $0x800  }
0x82: {  	[sflag:s26] =	ssyncset.done @!p0 $0x0  }
0x83: {  	[sflag:s26] =	ssyncadd.s32 @!p0 $0xFFFFF800  }
0x84: {  	[tilespmem:s25], [sflag:$0x1] =	stream.linear.gather @!p0 [spmem:s6], $0x800, $0x38;
	[tilespmem:$0x5A80] =	vst v63  }
0x85: {  	s24 =	sadd.s32 $0x1, s24;
	_ =	swait.ge @!p0 [sflag:s26], $0x800  }
0x86: {  	p3 =	sne.s32 s24, s18;
	[sflag:s26] =	ssyncset.done @!p0 $0x0  }
.Ltmp7:
0x87: {  	[sflag:s26] =	ssyncadd.s32 @!p0 $0xFFFFF800;
	(pc) =	sbr.rel @p3 .LBB2_1-.Ltmp7, $4  }
0x88: {  	[hbm4b:s17+s28] =	stream.linear.scatter @!p0 [tilespmem:s25], [sflag:$0x1], $0x800, $0x38;
	[tilespmem:$0x5A80] =	vst v63  }
0x89: {  	_ =	swait.ge @!p0 [sflag:s26], $0x800  }
0x8a: {  	[sflag:s26] =	ssyncset.done @!p0 $0x0  }
0x8b: {  	[sflag:s26] =	ssyncadd.s32 @!p0 $0xFFFFF800  }
0x8c: {  	_ =	sfence.sel $0x180000  }
0x8d: {  	[bflag:$0x0] =	sbarrier.arrive $0xFFFF  }
0x8e: {  	_ =	strace $0x90000047  }
0x8f: {  	s0 =	sadd.s32 @!p0 $0x100000, s0;
	[bflag:$0x2] =	sbarrier.arrive $0xFFFF  }
0x90: {  	[sflag:s0] =	ssyncadd.tile.s32 @!p0 $0x1;
	_ =	shalt  }
.Lfunc_end2:
_tile_overlayer_lowered:
.L_overlay_start_2:
0x91: {  	(tag) =	ssettag $0x2  }
0x92: {  	s0 =	rddreg [dreg:$0x0];
	s2 =	stileid.u32  }
0x93: {  	s1 =	rddreg [dreg:$0x1];
	p0 =	sne.s32 s2, $0x0  }
0x94: {  	s3 =	rddreg [dreg:$0x2];
	[bflag:$0x3] =	sbarrier.arrive $0xFFFF;
	s2 =	simm.s32 @!p0 $0x1C01  }
0x95: {  	[timem:s3], [sflag:s2] =	dma.local @!p0 [hbm:s0], s1  }
0x96: {  	s0 =	simm.s32 @!p0 $0x1  }
0x97: {  	_ =	swait.ge @!p0 [sflag:s0], s1  }
0x98: {  	s1 =	ssub.s32 @!p0 $0x0, s1;
	[sflag:s0] =	ssyncset.done @!p0 $0x0  }
0x99: {  	[sflag:s0] =	ssyncadd.s32 @!p0 s1  }
0x9a: {  	[bflag:$0x3] =	sbarrier.arrive $0xFFFF  }
0x9b: {  	_ =	shalt  }

</sc_bundles>
